<compile_context>
chip_gen: v7x
topology: tpu7x:2x2x1
jax: 0.10.2.dev20260603
libtpu: 0.0.44.dev20260713+nightly
codegen_flags: <defaults>
</compile_context>

<pallas_src>
import dataclasses
import functools

import jax
import jax.numpy as jnp
from jax import lax
from jax.experimental import pallas as pl
from jax.experimental.pallas import tpu as pltpu
from jax.experimental.pallas import tpu_sc as plsc

_NC = 2
_NS = 16
_LANES = 16
_NBUF = 8


def _sc_pool(comment_pad, emb_table):
    B, LP = comment_pad.shape
    L = 200
    V, D = emb_table.shape
    NW = _NC * _NS
    ROWS = B // NW
    C0 = 128
    C1 = L - C0

    mesh = plsc.VectorSubcoreMesh(core_axis_name="c", subcore_axis_name="s")
    cp = pltpu.CompilerParams(needs_layout_passes=False,
                              use_tc_tiling_on_sc=False)

    @functools.partial(
        pl.kernel,
        out_type=jax.ShapeDtypeStruct((B, D), jnp.float32),
        mesh=mesh,
        compiler_params=cp,
        scratch_types=[
            pltpu.VMEM((ROWS, LP), jnp.int32),
            pltpu.VMEM((ROWS, LP), jnp.int32),
            pltpu.VMEM((_NBUF, L, D), jnp.float32),
            pltpu.VMEM((ROWS, D), jnp.float32),
            pltpu.SMEM((ROWS,), jnp.int32),
        ] + [pltpu.SemaphoreType.DMA] * _NBUF,
    )
    def k(comment_hbm, table_hbm, out_hbm, idx_v, idxm_v, buf_v, pool_v,
          len_sm, *sems):
        cid = lax.axis_index("c")
        sid = lax.axis_index("s")
        wid = sid * _NC + cid
        base = wid * ROWS

        pltpu.sync_copy(comment_hbm.at[pl.ds(base, ROWS)], idx_v)

        ones = jnp.ones((_LANES,), jnp.int32)
        zeros = jnp.zeros((_LANES,), jnp.int32)

        @pl.loop(0, ROWS)
        def _(rr):
            cnt = zeros
            for kk in range(LP // _LANES):
                v = idx_v[rr, pl.ds(kk * _LANES, _LANES)]
                cnt = cnt + jnp.where(v != 0, ones, zeros)
                g = ((v & (_KPACK - 1)) << 2) | (v >> 18)
                idxm_v[rr, pl.ds(kk * _LANES, _LANES)] = g
            len_sm[rr] = jnp.sum(cnt)

        def fire(b, r):
            pltpu.async_copy(
                table_hbm.at[idxm_v.at[r, pl.ds(0, C0)]],
                buf_v.at[b, pl.ds(0, C0)], sems[b])
            pltpu.async_copy(
                table_hbm.at[idxm_v.at[r, pl.ds(C0, C1)]],
                buf_v.at[b, pl.ds(C0, C1)], sems[b])

        for b in range(_NBUF):
            fire(b, b)

        @pl.loop(0, ROWS, step=_NBUF)
        def _(r0):
            for b in range(_NBUF):
                r = r0 + b
                pltpu.make_async_copy(
                    table_hbm.at[pl.ds(0, L)], buf_v.at[b], sems[b]).wait()

                length = len_sm[r]
                neg = jnp.full((_LANES,), -1e9, jnp.float32)
                n8 = length // 8

                def blk_body(i, carry):
                    a0, a1 = carry
                    for j in range(8):
                        p = i * 8 + j
                        a0 = jnp.maximum(a0, buf_v[b, p, pl.ds(0, _LANES)])
                        a1 = jnp.maximum(a1, buf_v[b, p, pl.ds(_LANES, _LANES)])
                    return a0, a1

                a0, a1 = lax.fori_loop(0, n8, blk_body, (neg, neg))

                def rem_body(p, carry):
                    a0, a1 = carry
                    a0 = jnp.maximum(a0, buf_v[b, p, pl.ds(0, _LANES)])
                    a1 = jnp.maximum(a1, buf_v[b, p, pl.ds(_LANES, _LANES)])
                    return a0, a1

                a0, a1 = lax.fori_loop(n8 * 8, length, rem_body, (a0, a1))

                pool_v[r, pl.ds(0, _LANES)] = a0
                pool_v[r, pl.ds(_LANES, _LANES)] = a1

                @pl.when(r + _NBUF < ROWS)
                def _():
                    fire(b, r + _NBUF)

        pltpu.sync_copy(pool_v, out_hbm.at[pl.ds(base, ROWS)])

    return k(comment_pad, emb_table)


_KPACK = 1 << 18


def _to_linear(tT):
    D, V = tT.shape
    R = 16384
    NQ = 4

    last_blk = (V - 1) // R

    def tr(x0, x1, x2, x3, o_ref):
        o_ref[...] = jnp.concatenate(
            [x0[...], x1[...], x2[...], x3[...]], axis=0).T

    return pl.pallas_call(
        tr,
        grid=(_KPACK // R,),
        in_specs=[
            pl.BlockSpec(
                (D, R),
                lambda i, q=q: (0, jnp.minimum(q * (_KPACK // R) + i,
                                               last_blk)))
            for q in range(NQ)
        ],
        out_specs=pl.BlockSpec((R, 4 * D), lambda i: (i, 0)),
        out_shape=jax.ShapeDtypeStruct((_KPACK, 4 * D), jnp.float32),
    )(tT, tT, tT, tT)


def _logits_mm(pooled, W, b):
    B, D = pooled.shape
    C = W.shape[1]

    def mm(x_ref, w_ref, b_ref, o_ref):
        o_ref[...] = (
            jnp.dot(x_ref[...], w_ref[...], preferred_element_type=jnp.float32)
            + b_ref[...]
        )

    return pl.pallas_call(
        mm,
        out_shape=jax.ShapeDtypeStruct((B, C), jnp.float32),
    )(pooled, W, b.reshape(1, C))


def kernel(comment, emb_table, W, b):
    comment = comment.astype(jnp.int32)
    lp = (comment.shape[1] + 15) // 16 * 16
    comment_pad = jnp.pad(comment, ((0, 0), (0, lp - comment.shape[1])))
    lin = _to_linear(emb_table.T)
    table_lin = lin.reshape(-1).reshape(4 * _KPACK, emb_table.shape[1])
    pooled = _sc_pool(comment_pad, table_lin)
    return _logits_mm(pooled, W, b)

# --- scband reference (transcript-rebuilt; emitter-appended) ---
"""Pipeline reference for scband-model-46265387712785 (READ-ONLY COPY).

The authoritative reference and input builder live on the scoring server;
editing this copy changes nothing except your own understanding.
"""

import jax, jax.numpy as jnp
import numpy as np

VOCAB = 1000000
EMB_DIM = 32
NUM_CLASSES = 6
BATCH = 4096
SEQ_LEN = 200

def setup_inputs(seed: int = 0) -> dict:
    key = jax.random.key(seed)
    k1, k2, k3, k4 = jax.random.split(key, 4)
    comment = jax.random.randint(k1, (BATCH, SEQ_LEN), 0, VOCAB, dtype=jnp.int64)
    emb_table = jax.random.normal(k2, (VOCAB, EMB_DIM), dtype=jnp.float32) * 0.05
    W = jax.random.normal(k3, (EMB_DIM, NUM_CLASSES), dtype=jnp.float32) * 0.05
    b = jnp.zeros((NUM_CLASSES,), dtype=jnp.float32)
    return {"comment": comment, "emb_table": emb_table, "W": W, "b": b}

def reference(comment, emb_table, W, b):
    # melt.length: count of non-zero (non-padding) tokens per row
    length = jnp.sum((comment != 0).astype(jnp.int32), axis=1)  # [B]
    # embedding lookup (gather)
    x = jnp.take(emb_table, comment, axis=0)  # [B, L, D]
    # melt.max_pooling: masked max over valid sequence positions
    pos = jnp.arange(SEQ_LEN)  # [L]
    mask = pos[None, :] < length[:, None]  # [B, L]
    x = jnp.where(mask[:, :, None], x, jnp.float32(-1e9))
    pooled = jnp.max(x, axis=1)  # [B, D]
    logits = pooled @ W + b  # [B, NUM_CLASSES]
    return logits

if __name__ == "__main__":
    import jax
    _d = setup_inputs()
    print(jax.jit(kernel)(*tuple(_d.values())))

</pallas_src>

<mosaic_0001>
#map = affine_map<(d0, d1) -> (0, 0)>
module attributes {stable_mosaic.version = 14 : i64} {
  func.func @k(%arg0: i32, %arg1: i32, %arg2: memref<4096x208xi32, #tpu.memory_space<hbm>>, %arg3: memref<1048576x32xf32, #tpu.memory_space<hbm>>, %arg4: memref<4096x32xf32, #tpu.memory_space<hbm>>, %arg5: memref<128x208xi32, #tpu.memory_space<vmem>>, %arg6: memref<128x208xi32, #tpu.memory_space<vmem>>, %arg7: memref<8x200x32xf32, #tpu.memory_space<vmem>>, %arg8: memref<128x32xf32, #tpu.memory_space<vmem>>, %arg9: memref<128xi32, #tpu.memory_space<smem>>, %arg10: memref<!tpu.dma_semaphore, #tpu.memory_space<semaphore_mem>>, %arg11: memref<!tpu.dma_semaphore, #tpu.memory_space<semaphore_mem>>, %arg12: memref<!tpu.dma_semaphore, #tpu.memory_space<semaphore_mem>>, %arg13: memref<!tpu.dma_semaphore, #tpu.memory_space<semaphore_mem>>, %arg14: memref<!tpu.dma_semaphore, #tpu.memory_space<semaphore_mem>>, %arg15: memref<!tpu.dma_semaphore, #tpu.memory_space<semaphore_mem>>, %arg16: memref<!tpu.dma_semaphore, #tpu.memory_space<semaphore_mem>>, %arg17: memref<!tpu.dma_semaphore, #tpu.memory_space<semaphore_mem>>) attributes {dimension_semantics = [#tpu.dimension_semantics<core_parallel>, #tpu.dimension_semantics<subcore_parallel>], iteration_bounds = array<i64: 2, 16>, scalar_prefetch = 0 : i64, scratch_operands = 13 : i64, tpu.core_type = #tpu.core_type<sc_vector_subcore>, window_params = [{transform_indices = #map}, {transform_indices = #map}, {transform_indices = #map}]} {
    %mul3A = arith.constant 2 : i32
    %mul3A_0 = arith.muli %arg1, %mul3A : i32
    %add3A = arith.addi %mul3A_0, %arg0 : i32
    %mul3A_1 = arith.constant 128 : i32
    %mul3A_2 = arith.muli %add3A, %mul3A_1 : i32
    "tpu.region"() ({
      %run_scoped3A = tpu.sem_alloc : memref<!tpu.dma_semaphore, #tpu.memory_space<semaphore_mem>>
      %dma_start3A_206 = arith.constant 0 : i32
      %dma_start3A_207 = tpu.memref_slice %arg2[%mul3A_2, %dma_start3A_206] : memref<4096x208xi32, #tpu.memory_space<hbm>> -> memref<128x208xi32, #tpu.memory_space<hbm>>
      %dma_start3A_208 = arith.constant 0 : i32
      %dma_start3A_209 = tpu.memref_slice %arg2[%mul3A_2, %dma_start3A_208] : memref<4096x208xi32, #tpu.memory_space<hbm>> -> memref<128x208xi32, #tpu.memory_space<hbm>>
      tpu.enqueue_dma source(%dma_start3A_209 : memref<128x208xi32, #tpu.memory_space<hbm>>) target(%arg5 : memref<128x208xi32, #tpu.memory_space<vmem>>) target_semaphore(%run_scoped3A : memref<!tpu.dma_semaphore, #tpu.memory_space<semaphore_mem>>)
      %dma_wait3A = arith.constant 0 : i32
      %dma_wait3A_210 = tpu.memref_slice %arg2[%mul3A_2, %dma_wait3A] : memref<4096x208xi32, #tpu.memory_space<hbm>> -> memref<128x208xi32, #tpu.memory_space<hbm>>
      %dma_wait3A_211 = arith.constant 0 : i32
      %dma_wait3A_212 = tpu.memref_slice %arg2[%mul3A_2, %dma_wait3A_211] : memref<4096x208xi32, #tpu.memory_space<hbm>> -> memref<128x208xi32, #tpu.memory_space<hbm>>
      tpu.wait_dma2 semaphore(%run_scoped3A : memref<!tpu.dma_semaphore, #tpu.memory_space<semaphore_mem>>) src(%dma_wait3A_212 : memref<128x208xi32, #tpu.memory_space<hbm>>) dst(%arg5 : memref<128x208xi32, #tpu.memory_space<vmem>>)
      tpu.yield
    }) : () -> ()
    %broadcast_in_dim3A = arith.constant 1 : i32
    %broadcast_in_dim3A_3 = vector.broadcast %broadcast_in_dim3A : i32 to vector<16xi32>
    %broadcast_in_dim3A_4 = arith.constant 0 : i32
    %broadcast_in_dim3A_5 = vector.broadcast %broadcast_in_dim3A_4 : i32 to vector<16xi32>
    %scan3A = arith.constant 0 : i32
    %scan3A_6 = arith.constant 128 : i32
    %scan3A_7 = arith.addi %scan3A, %scan3A_6 : i32
    %scan3A_8 = arith.constant 1 : i32
    scf.for %scan3A_206 = %scan3A to %scan3A_7 step %scan3A_8  : i32 {
      %mul3A_207 = arith.constant 1 : i32
      %mul3A_208 = arith.muli %scan3A_206, %mul3A_207 : i32
      %add3A_209 = arith.constant 0 : i32
      %add3A_210 = arith.addi %add3A_209, %mul3A_208 : i32
      %get3A = arith.index_cast %add3A_210 : i32 to index
      %get3A_211 = arith.constant 0 : index
      %get3A_212 = tpu.vector_load %arg5[%get3A, %get3A_211] {strides = array<i32>} : memref<128x208xi32, #tpu.memory_space<vmem>>, vector<16xi32>,
      %ne3A = arith.constant 0 : i32
      %ne3A_213 = vector.broadcast %ne3A : i32 to vector<16xi32>
      %ne3A_214 = arith.cmpi ne, %get3A_212, %ne3A_213 : vector<16xi32>
      %select_n3A = arith.select %ne3A_214, %broadcast_in_dim3A_3, %broadcast_in_dim3A_5 : vector<16xi1>, vector<16xi32>
      %add3A_215 = arith.addi %broadcast_in_dim3A_5, %select_n3A : vector<16xi32>
      %and3A = arith.constant 262143 : i32
      %and3A_216 = vector.broadcast %and3A : i32 to vector<16xi32>
      %and3A_217 = arith.andi %get3A_212, %and3A_216 : vector<16xi32>
      %shift_left3A = arith.constant 2 : i32
      %shift_left3A_218 = vector.broadcast %shift_left3A : i32 to vector<16xi32>
      %shift_left3A_219 = arith.shli %and3A_217, %shift_left3A_218 : vector<16xi32>
      %shift_right_arithmetic3A = arith.constant 18 : i32
      %shift_right_arithmetic3A_220 = vector.broadcast %shift_right_arithmetic3A : i32 to vector<16xi32>
      %shift_right_arithmetic3A_221 = arith.shrsi %get3A_212, %shift_right_arithmetic3A_220 : vector<16xi32>
      %or3A = arith.ori %shift_left3A_219, %shift_right_arithmetic3A_221 : vector<16xi32>
      %swap3A = arith.index_cast %add3A_210 : i32 to index
      %swap3A_222 = arith.constant 0 : index
      %swap3A_223 = tpu.vector_load %arg6[%swap3A, %swap3A_222] {strides = array<i32>} : memref<128x208xi32, #tpu.memory_space<vmem>>, vector<16xi32>,
      tpu.vector_store %arg6[%swap3A, %swap3A_222], %or3A {strides = array<i32>} : memref<128x208xi32, #tpu.memory_space<vmem>>, vector<16xi32>,
      %get3A_224 = arith.index_cast %add3A_210 : i32 to index
      %get3A_225 = arith.constant 16 : index
      %get3A_226 = tpu.vector_load %arg5[%get3A_224, %get3A_225] {strides = array<i32>} : memref<128x208xi32, #tpu.memory_space<vmem>>, vector<16xi32>,
      %ne3A_227 = arith.constant 0 : i32
      %ne3A_228 = vector.broadcast %ne3A_227 : i32 to vector<16xi32>
      %ne3A_229 = arith.cmpi ne, %get3A_226, %ne3A_228 : vector<16xi32>
      %select_n3A_230 = arith.select %ne3A_229, %broadcast_in_dim3A_3, %broadcast_in_dim3A_5 : vector<16xi1>, vector<16xi32>
      %add3A_231 = arith.addi %add3A_215, %select_n3A_230 : vector<16xi32>
      %and3A_232 = arith.constant 262143 : i32
      %and3A_233 = vector.broadcast %and3A_232 : i32 to vector<16xi32>
      %and3A_234 = arith.andi %get3A_226, %and3A_233 : vector<16xi32>
      %shift_left3A_235 = arith.constant 2 : i32
      %shift_left3A_236 = vector.broadcast %shift_left3A_235 : i32 to vector<16xi32>
      %shift_left3A_237 = arith.shli %and3A_234, %shift_left3A_236 : vector<16xi32>
      %shift_right_arithmetic3A_238 = arith.constant 18 : i32
      %shift_right_arithmetic3A_239 = vector.broadcast %shift_right_arithmetic3A_238 : i32 to vector<16xi32>
      %shift_right_arithmetic3A_240 = arith.shrsi %get3A_226, %shift_right_arithmetic3A_239 : vector<16xi32>
      %or3A_241 = arith.ori %shift_left3A_237, %shift_right_arithmetic3A_240 : vector<16xi32>
      %swap3A_242 = arith.index_cast %add3A_210 : i32 to index
      %swap3A_243 = arith.constant 16 : index
      %swap3A_244 = tpu.vector_load %arg6[%swap3A_242, %swap3A_243] {strides = array<i32>} : memref<128x208xi32, #tpu.memory_space<vmem>>, vector<16xi32>,
      tpu.vector_store %arg6[%swap3A_242, %swap3A_243], %or3A_241 {strides = array<i32>} : memref<128x208xi32, #tpu.memory_space<vmem>>, vector<16xi32>,
      %get3A_245 = arith.index_cast %add3A_210 : i32 to index
      %get3A_246 = arith.constant 32 : index
      %get3A_247 = tpu.vector_load %arg5[%get3A_245, %get3A_246] {strides = array<i32>} : memref<128x208xi32, #tpu.memory_space<vmem>>, vector<16xi32>,
      %ne3A_248 = arith.constant 0 : i32
      %ne3A_249 = vector.broadcast %ne3A_248 : i32 to vector<16xi32>
      %ne3A_250 = arith.cmpi ne, %get3A_247, %ne3A_249 : vector<16xi32>
      %select_n3A_251 = arith.select %ne3A_250, %broadcast_in_dim3A_3, %broadcast_in_dim3A_5 : vector<16xi1>, vector<16xi32>
      %add3A_252 = arith.addi %add3A_231, %select_n3A_251 : vector<16xi32>
      %and3A_253 = arith.constant 262143 : i32
      %and3A_254 = vector.broadcast %and3A_253 : i32 to vector<16xi32>
      %and3A_255 = arith.andi %get3A_247, %and3A_254 : vector<16xi32>
      %shift_left3A_256 = arith.constant 2 : i32
      %shift_left3A_257 = vector.broadcast %shift_left3A_256 : i32 to vector<16xi32>
      %shift_left3A_258 = arith.shli %and3A_255, %shift_left3A_257 : vector<16xi32>
      %shift_right_arithmetic3A_259 = arith.constant 18 : i32
      %shift_right_arithmetic3A_260 = vector.broadcast %shift_right_arithmetic3A_259 : i32 to vector<16xi32>
      %shift_right_arithmetic3A_261 = arith.shrsi %get3A_247, %shift_right_arithmetic3A_260 : vector<16xi32>
      %or3A_262 = arith.ori %shift_left3A_258, %shift_right_arithmetic3A_261 : vector<16xi32>
      %swap3A_263 = arith.index_cast %add3A_210 : i32 to index
      %swap3A_264 = arith.constant 32 : index
      %swap3A_265 = tpu.vector_load %arg6[%swap3A_263, %swap3A_264] {strides = array<i32>} : memref<128x208xi32, #tpu.memory_space<vmem>>, vector<16xi32>,
      tpu.vector_store %arg6[%swap3A_263, %swap3A_264], %or3A_262 {strides = array<i32>} : memref<128x208xi32, #tpu.memory_space<vmem>>, vector<16xi32>,
      %get3A_266 = arith.index_cast %add3A_210 : i32 to index
      %get3A_267 = arith.constant 48 : index
      %get3A_268 = tpu.vector_load %arg5[%get3A_266, %get3A_267] {strides = array<i32>} : memref<128x208xi32, #tpu.memory_space<vmem>>, vector<16xi32>,
      %ne3A_269 = arith.constant 0 : i32
      %ne3A_270 = vector.broadcast %ne3A_269 : i32 to vector<16xi32>
      %ne3A_271 = arith.cmpi ne, %get3A_268, %ne3A_270 : vector<16xi32>
      %select_n3A_272 = arith.select %ne3A_271, %broadcast_in_dim3A_3, %broadcast_in_dim3A_5 : vector<16xi1>, vector<16xi32>
      %add3A_273 = arith.addi %add3A_252, %select_n3A_272 : vector<16xi32>
      %and3A_274 = arith.constant 262143 : i32
      %and3A_275 = vector.broadcast %and3A_274 : i32 to vector<16xi32>
      %and3A_276 = arith.andi %get3A_268, %and3A_275 : vector<16xi32>
      %shift_left3A_277 = arith.constant 2 : i32
      %shift_left3A_278 = vector.broadcast %shift_left3A_277 : i32 to vector<16xi32>
      %shift_left3A_279 = arith.shli %and3A_276, %shift_left3A_278 : vector<16xi32>
      %shift_right_arithmetic3A_280 = arith.constant 18 : i32
      %shift_right_arithmetic3A_281 = vector.broadcast %shift_right_arithmetic3A_280 : i32 to vector<16xi32>
      %shift_right_arithmetic3A_282 = arith.shrsi %get3A_268, %shift_right_arithmetic3A_281 : vector<16xi32>
      %or3A_283 = arith.ori %shift_left3A_279, %shift_right_arithmetic3A_282 : vector<16xi32>
      %swap3A_284 = arith.index_cast %add3A_210 : i32 to index
      %swap3A_285 = arith.constant 48 : index
      %swap3A_286 = tpu.vector_load %arg6[%swap3A_284, %swap3A_285] {strides = array<i32>} : memref<128x208xi32, #tpu.memory_space<vmem>>, vector<16xi32>,
      tpu.vector_store %arg6[%swap3A_284, %swap3A_285], %or3A_283 {strides = array<i32>} : memref<128x208xi32, #tpu.memory_space<vmem>>, vector<16xi32>,
      %get3A_287 = arith.index_cast %add3A_210 : i32 to index
      %get3A_288 = arith.constant 64 : index
      %get3A_289 = tpu.vector_load %arg5[%get3A_287, %get3A_288] {strides = array<i32>} : memref<128x208xi32, #tpu.memory_space<vmem>>, vector<16xi32>,
      %ne3A_290 = arith.constant 0 : i32
      %ne3A_291 = vector.broadcast %ne3A_290 : i32 to vector<16xi32>
      %ne3A_292 = arith.cmpi ne, %get3A_289, %ne3A_291 : vector<16xi32>
      %select_n3A_293 = arith.select %ne3A_292, %broadcast_in_dim3A_3, %broadcast_in_dim3A_5 : vector<16xi1>, vector<16xi32>
      %add3A_294 = arith.addi %add3A_273, %select_n3A_293 : vector<16xi32>
      %and3A_295 = arith.constant 262143 : i32
      %and3A_296 = vector.broadcast %and3A_295 : i32 to vector<16xi32>
      %and3A_297 = arith.andi %get3A_289, %and3A_296 : vector<16xi32>
      %shift_left3A_298 = arith.constant 2 : i32
      %shift_left3A_299 = vector.broadcast %shift_left3A_298 : i32 to vector<16xi32>
      %shift_left3A_300 = arith.shli %and3A_297, %shift_left3A_299 : vector<16xi32>
      %shift_right_arithmetic3A_301 = arith.constant 18 : i32
      %shift_right_arithmetic3A_302 = vector.broadcast %shift_right_arithmetic3A_301 : i32 to vector<16xi32>
      %shift_right_arithmetic3A_303 = arith.shrsi %get3A_289, %shift_right_arithmetic3A_302 : vector<16xi32>
      %or3A_304 = arith.ori %shift_left3A_300, %shift_right_arithmetic3A_303 : vector<16xi32>
      %swap3A_305 = arith.index_cast %add3A_210 : i32 to index
      %swap3A_306 = arith.constant 64 : index
      %swap3A_307 = tpu.vector_load %arg6[%swap3A_305, %swap3A_306] {strides = array<i32>} : memref<128x208xi32, #tpu.memory_space<vmem>>, vector<16xi32>,
      tpu.vector_store %arg6[%swap3A_305, %swap3A_306], %or3A_304 {strides = array<i32>} : memref<128x208xi32, #tpu.memory_space<vmem>>, vector<16xi32>,
      %get3A_308 = arith.index_cast %add3A_210 : i32 to index
      %get3A_309 = arith.constant 80 : index
      %get3A_310 = tpu.vector_load %arg5[%get3A_308, %get3A_309] {strides = array<i32>} : memref<128x208xi32, #tpu.memory_space<vmem>>, vector<16xi32>,
      %ne3A_311 = arith.constant 0 : i32
      %ne3A_312 = vector.broadcast %ne3A_311 : i32 to vector<16xi32>
      %ne3A_313 = arith.cmpi ne, %get3A_310, %ne3A_312 : vector<16xi32>
      %select_n3A_314 = arith.select %ne3A_313, %broadcast_in_dim3A_3, %broadcast_in_dim3A_5 : vector<16xi1>, vector<16xi32>
      %add3A_315 = arith.addi %add3A_294, %select_n3A_314 : vector<16xi32>
      %and3A_316 = arith.constant 262143 : i32
      %and3A_317 = vector.broadcast %and3A_316 : i32 to vector<16xi32>
      %and3A_318 = arith.andi %get3A_310, %and3A_317 : vector<16xi32>
      %shift_left3A_319 = arith.constant 2 : i32
      %shift_left3A_320 = vector.broadcast %shift_left3A_319 : i32 to vector<16xi32>
      %shift_left3A_321 = arith.shli %and3A_318, %shift_left3A_320 : vector<16xi32>
      %shift_right_arithmetic3A_322 = arith.constant 18 : i32
      %shift_right_arithmetic3A_323 = vector.broadcast %shift_right_arithmetic3A_322 : i32 to vector<16xi32>
      %shift_right_arithmetic3A_324 = arith.shrsi %get3A_310, %shift_right_arithmetic3A_323 : vector<16xi32>
      %or3A_325 = arith.ori %shift_left3A_321, %shift_right_arithmetic3A_324 : vector<16xi32>
      %swap3A_326 = arith.index_cast %add3A_210 : i32 to index
      %swap3A_327 = arith.constant 80 : index
      %swap3A_328 = tpu.vector_load %arg6[%swap3A_326, %swap3A_327] {strides = array<i32>} : memref<128x208xi32, #tpu.memory_space<vmem>>, vector<16xi32>,
      tpu.vector_store %arg6[%swap3A_326, %swap3A_327], %or3A_325 {strides = array<i32>} : memref<128x208xi32, #tpu.memory_space<vmem>>, vector<16xi32>,
      %get3A_329 = arith.index_cast %add3A_210 : i32 to index
      %get3A_330 = arith.constant 96 : index
      %get3A_331 = tpu.vector_load %arg5[%get3A_329, %get3A_330] {strides = array<i32>} : memref<128x208xi32, #tpu.memory_space<vmem>>, vector<16xi32>,
      %ne3A_332 = arith.constant 0 : i32
      %ne3A_333 = vector.broadcast %ne3A_332 : i32 to vector<16xi32>
      %ne3A_334 = arith.cmpi ne, %get3A_331, %ne3A_333 : vector<16xi32>
      %select_n3A_335 = arith.select %ne3A_334, %broadcast_in_dim3A_3, %broadcast_in_dim3A_5 : vector<16xi1>, vector<16xi32>
      %add3A_336 = arith.addi %add3A_315, %select_n3A_335 : vector<16xi32>
      %and3A_337 = arith.constant 262143 : i32
      %and3A_338 = vector.broadcast %and3A_337 : i32 to vector<16xi32>
      %and3A_339 = arith.andi %get3A_331, %and3A_338 : vector<16xi32>
      %shift_left3A_340 = arith.constant 2 : i32
      %shift_left3A_341 = vector.broadcast %shift_left3A_340 : i32 to vector<16xi32>
      %shift_left3A_342 = arith.shli %and3A_339, %shift_left3A_341 : vector<16xi32>
      %shift_right_arithmetic3A_343 = arith.constant 18 : i32
      %shift_right_arithmetic3A_344 = vector.broadcast %shift_right_arithmetic3A_343 : i32 to vector<16xi32>
      %shift_right_arithmetic3A_345 = arith.shrsi %get3A_331, %shift_right_arithmetic3A_344 : vector<16xi32>
      %or3A_346 = arith.ori %shift_left3A_342, %shift_right_arithmetic3A_345 : vector<16xi32>
      %swap3A_347 = arith.index_cast %add3A_210 : i32 to index
      %swap3A_348 = arith.constant 96 : index
      %swap3A_349 = tpu.vector_load %arg6[%swap3A_347, %swap3A_348] {strides = array<i32>} : memref<128x208xi32, #tpu.memory_space<vmem>>, vector<16xi32>,
      tpu.vector_store %arg6[%swap3A_347, %swap3A_348], %or3A_346 {strides = array<i32>} : memref<128x208xi32, #tpu.memory_space<vmem>>, vector<16xi32>,
      %get3A_350 = arith.index_cast %add3A_210 : i32 to index
      %get3A_351 = arith.constant 112 : index
      %get3A_352 = tpu.vector_load %arg5[%get3A_350, %get3A_351] {strides = array<i32>} : memref<128x208xi32, #tpu.memory_space<vmem>>, vector<16xi32>,
      %ne3A_353 = arith.constant 0 : i32
      %ne3A_354 = vector.broadcast %ne3A_353 : i32 to vector<16xi32>
      %ne3A_355 = arith.cmpi ne, %get3A_352, %ne3A_354 : vector<16xi32>
      %select_n3A_356 = arith.select %ne3A_355, %broadcast_in_dim3A_3, %broadcast_in_dim3A_5 : vector<16xi1>, vector<16xi32>
      %add3A_357 = arith.addi %add3A_336, %select_n3A_356 : vector<16xi32>
      %and3A_358 = arith.constant 262143 : i32
      %and3A_359 = vector.broadcast %and3A_358 : i32 to vector<16xi32>
      %and3A_360 = arith.andi %get3A_352, %and3A_359 : vector<16xi32>
      %shift_left3A_361 = arith.constant 2 : i32
      %shift_left3A_362 = vector.broadcast %shift_left3A_361 : i32 to vector<16xi32>
      %shift_left3A_363 = arith.shli %and3A_360, %shift_left3A_362 : vector<16xi32>
      %shift_right_arithmetic3A_364 = arith.constant 18 : i32
      %shift_right_arithmetic3A_365 = vector.broadcast %shift_right_arithmetic3A_364 : i32 to vector<16xi32>
      %shift_right_arithmetic3A_366 = arith.shrsi %get3A_352, %shift_right_arithmetic3A_365 : vector<16xi32>
      %or3A_367 = arith.ori %shift_left3A_363, %shift_right_arithmetic3A_366 : vector<16xi32>
      %swap3A_368 = arith.index_cast %add3A_210 : i32 to index
      %swap3A_369 = arith.constant 112 : index
      %swap3A_370 = tpu.vector_load %arg6[%swap3A_368, %swap3A_369] {strides = array<i32>} : memref<128x208xi32, #tpu.memory_space<vmem>>, vector<16xi32>,
      tpu.vector_store %arg6[%swap3A_368, %swap3A_369], %or3A_367 {strides = array<i32>} : memref<128x208xi32, #tpu.memory_space<vmem>>, vector<16xi32>,
      %get3A_371 = arith.index_cast %add3A_210 : i32 to index
      %get3A_372 = arith.constant 128 : index
      %get3A_373 = tpu.vector_load %arg5[%get3A_371, %get3A_372] {strides = array<i32>} : memref<128x208xi32, #tpu.memory_space<vmem>>, vector<16xi32>,
      %ne3A_374 = arith.constant 0 : i32
      %ne3A_375 = vector.broadcast %ne3A_374 : i32 to vector<16xi32>
      %ne3A_376 = arith.cmpi ne, %get3A_373, %ne3A_375 : vector<16xi32>
      %select_n3A_377 = arith.select %ne3A_376, %broadcast_in_dim3A_3, %broadcast_in_dim3A_5 : vector<16xi1>, vector<16xi32>
      %add3A_378 = arith.addi %add3A_357, %select_n3A_377 : vector<16xi32>
      %and3A_379 = arith.constant 262143 : i32
      %and3A_380 = vector.broadcast %and3A_379 : i32 to vector<16xi32>
      %and3A_381 = arith.andi %get3A_373, %and3A_380 : vector<16xi32>
      %shift_left3A_382 = arith.constant 2 : i32
      %shift_left3A_383 = vector.broadcast %shift_left3A_382 : i32 to vector<16xi32>
      %shift_left3A_384 = arith.shli %and3A_381, %shift_left3A_383 : vector<16xi32>
      %shift_right_arithmetic3A_385 = arith.constant 18 : i32
      %shift_right_arithmetic3A_386 = vector.broadcast %shift_right_arithmetic3A_385 : i32 to vector<16xi32>
      %shift_right_arithmetic3A_387 = arith.shrsi %get3A_373, %shift_right_arithmetic3A_386 : vector<16xi32>
      %or3A_388 = arith.ori %shift_left3A_384, %shift_right_arithmetic3A_387 : vector<16xi32>
      %swap3A_389 = arith.index_cast %add3A_210 : i32 to index
      %swap3A_390 = arith.constant 128 : index
      %swap3A_391 = tpu.vector_load %arg6[%swap3A_389, %swap3A_390] {strides = array<i32>} : memref<128x208xi32, #tpu.memory_space<vmem>>, vector<16xi32>,
      tpu.vector_store %arg6[%swap3A_389, %swap3A_390], %or3A_388 {strides = array<i32>} : memref<128x208xi32, #tpu.memory_space<vmem>>, vector<16xi32>,
      %get3A_392 = arith.index_cast %add3A_210 : i32 to index
      %get3A_393 = arith.constant 144 : index
      %get3A_394 = tpu.vector_load %arg5[%get3A_392, %get3A_393] {strides = array<i32>} : memref<128x208xi32, #tpu.memory_space<vmem>>, vector<16xi32>,
      %ne3A_395 = arith.constant 0 : i32
      %ne3A_396 = vector.broadcast %ne3A_395 : i32 to vector<16xi32>
      %ne3A_397 = arith.cmpi ne, %get3A_394, %ne3A_396 : vector<16xi32>
      %select_n3A_398 = arith.select %ne3A_397, %broadcast_in_dim3A_3, %broadcast_in_dim3A_5 : vector<16xi1>, vector<16xi32>
      %add3A_399 = arith.addi %add3A_378, %select_n3A_398 : vector<16xi32>
      %and3A_400 = arith.constant 262143 : i32
      %and3A_401 = vector.broadcast %and3A_400 : i32 to vector<16xi32>
      %and3A_402 = arith.andi %get3A_394, %and3A_401 : vector<16xi32>
      %shift_left3A_403 = arith.constant 2 : i32
      %shift_left3A_404 = vector.broadcast %shift_left3A_403 : i32 to vector<16xi32>
      %shift_left3A_405 = arith.shli %and3A_402, %shift_left3A_404 : vector<16xi32>
      %shift_right_arithmetic3A_406 = arith.constant 18 : i32
      %shift_right_arithmetic3A_407 = vector.broadcast %shift_right_arithmetic3A_406 : i32 to vector<16xi32>
      %shift_right_arithmetic3A_408 = arith.shrsi %get3A_394, %shift_right_arithmetic3A_407 : vector<16xi32>
      %or3A_409 = arith.ori %shift_left3A_405, %shift_right_arithmetic3A_408 : vector<16xi32>
      %swap3A_410 = arith.index_cast %add3A_210 : i32 to index
      %swap3A_411 = arith.constant 144 : index
      %swap3A_412 = tpu.vector_load %arg6[%swap3A_410, %swap3A_411] {strides = array<i32>} : memref<128x208xi32, #tpu.memory_space<vmem>>, vector<16xi32>,
      tpu.vector_store %arg6[%swap3A_410, %swap3A_411], %or3A_409 {strides = array<i32>} : memref<128x208xi32, #tpu.memory_space<vmem>>, vector<16xi32>,
      %get3A_413 = arith.index_cast %add3A_210 : i32 to index
      %get3A_414 = arith.constant 160 : index
      %get3A_415 = tpu.vector_load %arg5[%get3A_413, %get3A_414] {strides = array<i32>} : memref<128x208xi32, #tpu.memory_space<vmem>>, vector<16xi32>,
      %ne3A_416 = arith.constant 0 : i32
      %ne3A_417 = vector.broadcast %ne3A_416 : i32 to vector<16xi32>
      %ne3A_418 = arith.cmpi ne, %get3A_415, %ne3A_417 : vector<16xi32>
      %select_n3A_419 = arith.select %ne3A_418, %broadcast_in_dim3A_3, %broadcast_in_dim3A_5 : vector<16xi1>, vector<16xi32>
      %add3A_420 = arith.addi %add3A_399, %select_n3A_419 : vector<16xi32>
      %and3A_421 = arith.constant 262143 : i32
      %and3A_422 = vector.broadcast %and3A_421 : i32 to vector<16xi32>
      %and3A_423 = arith.andi %get3A_415, %and3A_422 : vector<16xi32>
      %shift_left3A_424 = arith.constant 2 : i32
      %shift_left3A_425 = vector.broadcast %shift_left3A_424 : i32 to vector<16xi32>
      %shift_left3A_426 = arith.shli %and3A_423, %shift_left3A_425 : vector<16xi32>
      %shift_right_arithmetic3A_427 = arith.constant 18 : i32
      %shift_right_arithmetic3A_428 = vector.broadcast %shift_right_arithmetic3A_427 : i32 to vector<16xi32>
      %shift_right_arithmetic3A_429 = arith.shrsi %get3A_415, %shift_right_arithmetic3A_428 : vector<16xi32>
      %or3A_430 = arith.ori %shift_left3A_426, %shift_right_arithmetic3A_429 : vector<16xi32>
      %swap3A_431 = arith.index_cast %add3A_210 : i32 to index
      %swap3A_432 = arith.constant 160 : index
      %swap3A_433 = tpu.vector_load %arg6[%swap3A_431, %swap3A_432] {strides = array<i32>} : memref<128x208xi32, #tpu.memory_space<vmem>>, vector<16xi32>,
      tpu.vector_store %arg6[%swap3A_431, %swap3A_432], %or3A_430 {strides = array<i32>} : memref<128x208xi32, #tpu.memory_space<vmem>>, vector<16xi32>,
      %get3A_434 = arith.index_cast %add3A_210 : i32 to index
      %get3A_435 = arith.constant 176 : index
      %get3A_436 = tpu.vector_load %arg5[%get3A_434, %get3A_435] {strides = array<i32>} : memref<128x208xi32, #tpu.memory_space<vmem>>, vector<16xi32>,
      %ne3A_437 = arith.constant 0 : i32
      %ne3A_438 = vector.broadcast %ne3A_437 : i32 to vector<16xi32>
      %ne3A_439 = arith.cmpi ne, %get3A_436, %ne3A_438 : vector<16xi32>
      %select_n3A_440 = arith.select %ne3A_439, %broadcast_in_dim3A_3, %broadcast_in_dim3A_5 : vector<16xi1>, vector<16xi32>
      %add3A_441 = arith.addi %add3A_420, %select_n3A_440 : vector<16xi32>
      %and3A_442 = arith.constant 262143 : i32
      %and3A_443 = vector.broadcast %and3A_442 : i32 to vector<16xi32>
      %and3A_444 = arith.andi %get3A_436, %and3A_443 : vector<16xi32>
      %shift_left3A_445 = arith.constant 2 : i32
      %shift_left3A_446 = vector.broadcast %shift_left3A_445 : i32 to vector<16xi32>
      %shift_left3A_447 = arith.shli %and3A_444, %shift_left3A_446 : vector<16xi32>
      %shift_right_arithmetic3A_448 = arith.constant 18 : i32
      %shift_right_arithmetic3A_449 = vector.broadcast %shift_right_arithmetic3A_448 : i32 to vector<16xi32>
      %shift_right_arithmetic3A_450 = arith.shrsi %get3A_436, %shift_right_arithmetic3A_449 : vector<16xi32>
      %or3A_451 = arith.ori %shift_left3A_447, %shift_right_arithmetic3A_450 : vector<16xi32>
      %swap3A_452 = arith.index_cast %add3A_210 : i32 to index
      %swap3A_453 = arith.constant 176 : index
      %swap3A_454 = tpu.vector_load %arg6[%swap3A_452, %swap3A_453] {strides = array<i32>} : memref<128x208xi32, #tpu.memory_space<vmem>>, vector<16xi32>,
      tpu.vector_store %arg6[%swap3A_452, %swap3A_453], %or3A_451 {strides = array<i32>} : memref<128x208xi32, #tpu.memory_space<vmem>>, vector<16xi32>,
      %get3A_455 = arith.index_cast %add3A_210 : i32 to index
      %get3A_456 = arith.constant 192 : index
      %get3A_457 = tpu.vector_load %arg5[%get3A_455, %get3A_456] {strides = array<i32>} : memref<128x208xi32, #tpu.memory_space<vmem>>, vector<16xi32>,
      %ne3A_458 = arith.constant 0 : i32
      %ne3A_459 = vector.broadcast %ne3A_458 : i32 to vector<16xi32>
      %ne3A_460 = arith.cmpi ne, %get3A_457, %ne3A_459 : vector<16xi32>
      %select_n3A_461 = arith.select %ne3A_460, %broadcast_in_dim3A_3, %broadcast_in_dim3A_5 : vector<16xi1>, vector<16xi32>
      %add3A_462 = arith.addi %add3A_441, %select_n3A_461 : vector<16xi32>
      %and3A_463 = arith.constant 262143 : i32
      %and3A_464 = vector.broadcast %and3A_463 : i32 to vector<16xi32>
      %and3A_465 = arith.andi %get3A_457, %and3A_464 : vector<16xi32>
      %shift_left3A_466 = arith.constant 2 : i32
      %shift_left3A_467 = vector.broadcast %shift_left3A_466 : i32 to vector<16xi32>
      %shift_left3A_468 = arith.shli %and3A_465, %shift_left3A_467 : vector<16xi32>
      %shift_right_arithmetic3A_469 = arith.constant 18 : i32
      %shift_right_arithmetic3A_470 = vector.broadcast %shift_right_arithmetic3A_469 : i32 to vector<16xi32>
      %shift_right_arithmetic3A_471 = arith.shrsi %get3A_457, %shift_right_arithmetic3A_470 : vector<16xi32>
      %or3A_472 = arith.ori %shift_left3A_468, %shift_right_arithmetic3A_471 : vector<16xi32>
      %swap3A_473 = arith.index_cast %add3A_210 : i32 to index
      %swap3A_474 = arith.constant 192 : index
      %swap3A_475 = tpu.vector_load %arg6[%swap3A_473, %swap3A_474] {strides = array<i32>} : memref<128x208xi32, #tpu.memory_space<vmem>>, vector<16xi32>,
      tpu.vector_store %arg6[%swap3A_473, %swap3A_474], %or3A_472 {strides = array<i32>} : memref<128x208xi32, #tpu.memory_space<vmem>>, vector<16xi32>,
      %reduce_sum3A = arith.constant true
      %reduce_sum3A_476 = vector.broadcast %reduce_sum3A : i1 to vector<16xi1>
      %reduce_sum3A_477 = tpu.scan <sum>, %add3A_462 masked %reduce_sum3A_476 : vector<16xi32>, vector<16xi1> -> vector<16xi32>
      %reduce_sum3A_478 = vector.extract %reduce_sum3A_477[15] : i32 from vector<16xi32>
      %swap3A_479 = arith.index_cast %add3A_210 : i32 to index
      %swap3A_480 = memref.load %arg9[%swap3A_479] : memref<128xi32, #tpu.memory_space<smem>>
      memref.store %reduce_sum3A_478, %arg9[%swap3A_479] : memref<128xi32, #tpu.memory_space<smem>>
    }
    %scan3A_9 = arith.constant 128 : i32
    %dma_start3A = arith.constant 0 : i32
    %dma_start3A_10 = arith.constant 0 : i32
    %dma_start3A_11 = arith.constant 0 : i32
    %dma_start3A_12 = arith.constant 0 : i32
    %dma_start3A_13 = tpu.memref_slice %arg7[%dma_start3A_10, %dma_start3A_11, %dma_start3A_12] : memref<8x200x32xf32, #tpu.memory_space<vmem>> -> memref<1x128x32xf32, #tpu.memory_space<vmem>>
    %dma_start3A_14 = tpu.memref_squeeze %dma_start3A_13 : memref<1x128x32xf32, #tpu.memory_space<vmem>> -> memref<128x32xf32, #tpu.memory_space<vmem>>
    %dma_start3A_15 = arith.constant 0 : i32
    %dma_start3A_16 = tpu.memref_slice %arg6[%dma_start3A, %dma_start3A_15] : memref<128x208xi32, #tpu.memory_space<vmem>> -> memref<1x128xi32, #tpu.memory_space<vmem>>
    %dma_start3A_17 = tpu.memref_squeeze %dma_start3A_16 : memref<1x128xi32, #tpu.memory_space<vmem>> -> memref<128xi32, #tpu.memory_space<vmem>>
    %dma_start3A_18 = arith.constant 0 : i32
    %dma_start3A_19 = arith.constant 0 : i32
    %dma_start3A_20 = tpu.memref_slice %arg3[%dma_start3A_18, %dma_start3A_19] : memref<1048576x32xf32, #tpu.memory_space<hbm>> -> memref<1048576x32xf32, #tpu.memory_space<hbm>>
    tpu.enqueue_indirect_dma source(%dma_start3A_20 : memref<1048576x32xf32, #tpu.memory_space<hbm>>) target(%dma_start3A_14 : memref<128x32xf32, #tpu.memory_space<vmem>>) offsets(%dma_start3A_17 : memref<128xi32, #tpu.memory_space<vmem>>) semaphore(%arg10 : memref<!tpu.dma_semaphore, #tpu.memory_space<semaphore_mem>>)
    %dma_start3A_21 = arith.constant 0 : i32
    %dma_start3A_22 = arith.constant 0 : i32
    %dma_start3A_23 = arith.constant 128 : i32
    %dma_start3A_24 = arith.constant 0 : i32
    %dma_start3A_25 = tpu.memref_slice %arg7[%dma_start3A_22, %dma_start3A_23, %dma_start3A_24] : memref<8x200x32xf32, #tpu.memory_space<vmem>> -> memref<1x72x32xf32, #tpu.memory_space<vmem>>
    %dma_start3A_26 = tpu.memref_squeeze %dma_start3A_25 : memref<1x72x32xf32, #tpu.memory_space<vmem>> -> memref<72x32xf32, #tpu.memory_space<vmem>>
    %dma_start3A_27 = arith.constant 128 : i32
    %dma_start3A_28 = tpu.memref_slice %arg6[%dma_start3A_21, %dma_start3A_27] : memref<128x208xi32, #tpu.memory_space<vmem>> -> memref<1x72xi32, #tpu.memory_space<vmem>>
    %dma_start3A_29 = tpu.memref_squeeze %dma_start3A_28 : memref<1x72xi32, #tpu.memory_space<vmem>> -> memref<72xi32, #tpu.memory_space<vmem>>
    %dma_start3A_30 = arith.constant 0 : i32
    %dma_start3A_31 = arith.constant 0 : i32
    %dma_start3A_32 = tpu.memref_slice %arg3[%dma_start3A_30, %dma_start3A_31] : memref<1048576x32xf32, #tpu.memory_space<hbm>> -> memref<1048576x32xf32, #tpu.memory_space<hbm>>
    tpu.enqueue_indirect_dma source(%dma_start3A_32 : memref<1048576x32xf32, #tpu.memory_space<hbm>>) target(%dma_start3A_26 : memref<72x32xf32, #tpu.memory_space<vmem>>) offsets(%dma_start3A_29 : memref<72xi32, #tpu.memory_space<vmem>>) semaphore(%arg10 : memref<!tpu.dma_semaphore, #tpu.memory_space<semaphore_mem>>)
    %dma_start3A_33 = arith.constant 1 : i32
    %dma_start3A_34 = arith.constant 1 : i32
    %dma_start3A_35 = arith.constant 0 : i32
    %dma_start3A_36 = arith.constant 0 : i32
    %dma_start3A_37 = tpu.memref_slice %arg7[%dma_start3A_34, %dma_start3A_35, %dma_start3A_36] : memref<8x200x32xf32, #tpu.memory_space<vmem>> -> memref<1x128x32xf32, #tpu.memory_space<vmem>>
    %dma_start3A_38 = tpu.memref_squeeze %dma_start3A_37 : memref<1x128x32xf32, #tpu.memory_space<vmem>> -> memref<128x32xf32, #tpu.memory_space<vmem>>
    %dma_start3A_39 = arith.constant 0 : i32
    %dma_start3A_40 = tpu.memref_slice %arg6[%dma_start3A_33, %dma_start3A_39] : memref<128x208xi32, #tpu.memory_space<vmem>> -> memref<1x128xi32, #tpu.memory_space<vmem>>
    %dma_start3A_41 = tpu.memref_squeeze %dma_start3A_40 : memref<1x128xi32, #tpu.memory_space<vmem>> -> memref<128xi32, #tpu.memory_space<vmem>>
    %dma_start3A_42 = arith.constant 0 : i32
    %dma_start3A_43 = arith.constant 0 : i32
    %dma_start3A_44 = tpu.memref_slice %arg3[%dma_start3A_42, %dma_start3A_43] : memref<1048576x32xf32, #tpu.memory_space<hbm>> -> memref<1048576x32xf32, #tpu.memory_space<hbm>>
    tpu.enqueue_indirect_dma source(%dma_start3A_44 : memref<1048576x32xf32, #tpu.memory_space<hbm>>) target(%dma_start3A_38 : memref<128x32xf32, #tpu.memory_space<vmem>>) offsets(%dma_start3A_41 : memref<128xi32, #tpu.memory_space<vmem>>) semaphore(%arg11 : memref<!tpu.dma_semaphore, #tpu.memory_space<semaphore_mem>>)
    %dma_start3A_45 = arith.constant 1 : i32
    %dma_start3A_46 = arith.constant 1 : i32
    %dma_start3A_47 = arith.constant 128 : i32
    %dma_start3A_48 = arith.constant 0 : i32
    %dma_start3A_49 = tpu.memref_slice %arg7[%dma_start3A_46, %dma_start3A_47, %dma_start3A_48] : memref<8x200x32xf32, #tpu.memory_space<vmem>> -> memref<1x72x32xf32, #tpu.memory_space<vmem>>
    %dma_start3A_50 = tpu.memref_squeeze %dma_start3A_49 : memref<1x72x32xf32, #tpu.memory_space<vmem>> -> memref<72x32xf32, #tpu.memory_space<vmem>>
    %dma_start3A_51 = arith.constant 128 : i32
    %dma_start3A_52 = tpu.memref_slice %arg6[%dma_start3A_45, %dma_start3A_51] : memref<128x208xi32, #tpu.memory_space<vmem>> -> memref<1x72xi32, #tpu.memory_space<vmem>>
    %dma_start3A_53 = tpu.memref_squeeze %dma_start3A_52 : memref<1x72xi32, #tpu.memory_space<vmem>> -> memref<72xi32, #tpu.memory_space<vmem>>
    %dma_start3A_54 = arith.constant 0 : i32
    %dma_start3A_55 = arith.constant 0 : i32
    %dma_start3A_56 = tpu.memref_slice %arg3[%dma_start3A_54, %dma_start3A_55] : memref<1048576x32xf32, #tpu.memory_space<hbm>> -> memref<1048576x32xf32, #tpu.memory_space<hbm>>
    tpu.enqueue_indirect_dma source(%dma_start3A_56 : memref<1048576x32xf32, #tpu.memory_space<hbm>>) target(%dma_start3A_50 : memref<72x32xf32, #tpu.memory_space<vmem>>) offsets(%dma_start3A_53 : memref<72xi32, #tpu.memory_space<vmem>>) semaphore(%arg11 : memref<!tpu.dma_semaphore, #tpu.memory_space<semaphore_mem>>)
    %dma_start3A_57 = arith.constant 2 : i32
    %dma_start3A_58 = arith.constant 2 : i32
    %dma_start3A_59 = arith.constant 0 : i32
    %dma_start3A_60 = arith.constant 0 : i32
    %dma_start3A_61 = tpu.memref_slice %arg7[%dma_start3A_58, %dma_start3A_59, %dma_start3A_60] : memref<8x200x32xf32, #tpu.memory_space<vmem>> -> memref<1x128x32xf32, #tpu.memory_space<vmem>>
    %dma_start3A_62 = tpu.memref_squeeze %dma_start3A_61 : memref<1x128x32xf32, #tpu.memory_space<vmem>> -> memref<128x32xf32, #tpu.memory_space<vmem>>
    %dma_start3A_63 = arith.constant 0 : i32
    %dma_start3A_64 = tpu.memref_slice %arg6[%dma_start3A_57, %dma_start3A_63] : memref<128x208xi32, #tpu.memory_space<vmem>> -> memref<1x128xi32, #tpu.memory_space<vmem>>
    %dma_start3A_65 = tpu.memref_squeeze %dma_start3A_64 : memref<1x128xi32, #tpu.memory_space<vmem>> -> memref<128xi32, #tpu.memory_space<vmem>>
    %dma_start3A_66 = arith.constant 0 : i32
    %dma_start3A_67 = arith.constant 0 : i32
    %dma_start3A_68 = tpu.memref_slice %arg3[%dma_start3A_66, %dma_start3A_67] : memref<1048576x32xf32, #tpu.memory_space<hbm>> -> memref<1048576x32xf32, #tpu.memory_space<hbm>>
    tpu.enqueue_indirect_dma source(%dma_start3A_68 : memref<1048576x32xf32, #tpu.memory_space<hbm>>) target(%dma_start3A_62 : memref<128x32xf32, #tpu.memory_space<vmem>>) offsets(%dma_start3A_65 : memref<128xi32, #tpu.memory_space<vmem>>) semaphore(%arg12 : memref<!tpu.dma_semaphore, #tpu.memory_space<semaphore_mem>>)
    %dma_start3A_69 = arith.constant 2 : i32
    %dma_start3A_70 = arith.constant 2 : i32
    %dma_start3A_71 = arith.constant 128 : i32
    %dma_start3A_72 = arith.constant 0 : i32
    %dma_start3A_73 = tpu.memref_slice %arg7[%dma_start3A_70, %dma_start3A_71, %dma_start3A_72] : memref<8x200x32xf32, #tpu.memory_space<vmem>> -> memref<1x72x32xf32, #tpu.memory_space<vmem>>
    %dma_start3A_74 = tpu.memref_squeeze %dma_start3A_73 : memref<1x72x32xf32, #tpu.memory_space<vmem>> -> memref<72x32xf32, #tpu.memory_space<vmem>>
    %dma_start3A_75 = arith.constant 128 : i32
    %dma_start3A_76 = tpu.memref_slice %arg6[%dma_start3A_69, %dma_start3A_75] : memref<128x208xi32, #tpu.memory_space<vmem>> -> memref<1x72xi32, #tpu.memory_space<vmem>>
    %dma_start3A_77 = tpu.memref_squeeze %dma_start3A_76 : memref<1x72xi32, #tpu.memory_space<vmem>> -> memref<72xi32, #tpu.memory_space<vmem>>
    %dma_start3A_78 = arith.constant 0 : i32
    %dma_start3A_79 = arith.constant 0 : i32
    %dma_start3A_80 = tpu.memref_slice %arg3[%dma_start3A_78, %dma_start3A_79] : memref<1048576x32xf32, #tpu.memory_space<hbm>> -> memref<1048576x32xf32, #tpu.memory_space<hbm>>
    tpu.enqueue_indirect_dma source(%dma_start3A_80 : memref<1048576x32xf32, #tpu.memory_space<hbm>>) target(%dma_start3A_74 : memref<72x32xf32, #tpu.memory_space<vmem>>) offsets(%dma_start3A_77 : memref<72xi32, #tpu.memory_space<vmem>>) semaphore(%arg12 : memref<!tpu.dma_semaphore, #tpu.memory_space<semaphore_mem>>)
    %dma_start3A_81 = arith.constant 3 : i32
    %dma_start3A_82 = arith.constant 3 : i32
    %dma_start3A_83 = arith.constant 0 : i32
    %dma_start3A_84 = arith.constant 0 : i32
    %dma_start3A_85 = tpu.memref_slice %arg7[%dma_start3A_82, %dma_start3A_83, %dma_start3A_84] : memref<8x200x32xf32, #tpu.memory_space<vmem>> -> memref<1x128x32xf32, #tpu.memory_space<vmem>>
    %dma_start3A_86 = tpu.memref_squeeze %dma_start3A_85 : memref<1x128x32xf32, #tpu.memory_space<vmem>> -> memref<128x32xf32, #tpu.memory_space<vmem>>
    %dma_start3A_87 = arith.constant 0 : i32
    %dma_start3A_88 = tpu.memref_slice %arg6[%dma_start3A_81, %dma_start3A_87] : memref<128x208xi32, #tpu.memory_space<vmem>> -> memref<1x128xi32, #tpu.memory_space<vmem>>
    %dma_start3A_89 = tpu.memref_squeeze %dma_start3A_88 : memref<1x128xi32, #tpu.memory_space<vmem>> -> memref<128xi32, #tpu.memory_space<vmem>>
    %dma_start3A_90 = arith.constant 0 : i32
    %dma_start3A_91 = arith.constant 0 : i32
    %dma_start3A_92 = tpu.memref_slice %arg3[%dma_start3A_90, %dma_start3A_91] : memref<1048576x32xf32, #tpu.memory_space<hbm>> -> memref<1048576x32xf32, #tpu.memory_space<hbm>>
    tpu.enqueue_indirect_dma source(%dma_start3A_92 : memref<1048576x32xf32, #tpu.memory_space<hbm>>) target(%dma_start3A_86 : memref<128x32xf32, #tpu.memory_space<vmem>>) offsets(%dma_start3A_89 : memref<128xi32, #tpu.memory_space<vmem>>) semaphore(%arg13 : memref<!tpu.dma_semaphore, #tpu.memory_space<semaphore_mem>>)
    %dma_start3A_93 = arith.constant 3 : i32
    %dma_start3A_94 = arith.constant 3 : i32
    %dma_start3A_95 = arith.constant 128 : i32
    %dma_start3A_96 = arith.constant 0 : i32
    %dma_start3A_97 = tpu.memref_slice %arg7[%dma_start3A_94, %dma_start3A_95, %dma_start3A_96] : memref<8x200x32xf32, #tpu.memory_space<vmem>> -> memref<1x72x32xf32, #tpu.memory_space<vmem>>
    %dma_start3A_98 = tpu.memref_squeeze %dma_start3A_97 : memref<1x72x32xf32, #tpu.memory_space<vmem>> -> memref<72x32xf32, #tpu.memory_space<vmem>>
    %dma_start3A_99 = arith.constant 128 : i32
    %dma_start3A_100 = tpu.memref_slice %arg6[%dma_start3A_93, %dma_start3A_99] : memref<128x208xi32, #tpu.memory_space<vmem>> -> memref<1x72xi32, #tpu.memory_space<vmem>>
    %dma_start3A_101 = tpu.memref_squeeze %dma_start3A_100 : memref<1x72xi32, #tpu.memory_space<vmem>> -> memref<72xi32, #tpu.memory_space<vmem>>
    %dma_start3A_102 = arith.constant 0 : i32
    %dma_start3A_103 = arith.constant 0 : i32
    %dma_start3A_104 = tpu.memref_slice %arg3[%dma_start3A_102, %dma_start3A_103] : memref<1048576x32xf32, #tpu.memory_space<hbm>> -> memref<1048576x32xf32, #tpu.memory_space<hbm>>
    tpu.enqueue_indirect_dma source(%dma_start3A_104 : memref<1048576x32xf32, #tpu.memory_space<hbm>>) target(%dma_start3A_98 : memref<72x32xf32, #tpu.memory_space<vmem>>) offsets(%dma_start3A_101 : memref<72xi32, #tpu.memory_space<vmem>>) semaphore(%arg13 : memref<!tpu.dma_semaphore, #tpu.memory_space<semaphore_mem>>)
    %dma_start3A_105 = arith.constant 4 : i32
    %dma_start3A_106 = arith.constant 4 : i32
    %dma_start3A_107 = arith.constant 0 : i32
    %dma_start3A_108 = arith.constant 0 : i32
    %dma_start3A_109 = tpu.memref_slice %arg7[%dma_start3A_106, %dma_start3A_107, %dma_start3A_108] : memref<8x200x32xf32, #tpu.memory_space<vmem>> -> memref<1x128x32xf32, #tpu.memory_space<vmem>>
    %dma_start3A_110 = tpu.memref_squeeze %dma_start3A_109 : memref<1x128x32xf32, #tpu.memory_space<vmem>> -> memref<128x32xf32, #tpu.memory_space<vmem>>
    %dma_start3A_111 = arith.constant 0 : i32
    %dma_start3A_112 = tpu.memref_slice %arg6[%dma_start3A_105, %dma_start3A_111] : memref<128x208xi32, #tpu.memory_space<vmem>> -> memref<1x128xi32, #tpu.memory_space<vmem>>
    %dma_start3A_113 = tpu.memref_squeeze %dma_start3A_112 : memref<1x128xi32, #tpu.memory_space<vmem>> -> memref<128xi32, #tpu.memory_space<vmem>>
    %dma_start3A_114 = arith.constant 0 : i32
    %dma_start3A_115 = arith.constant 0 : i32
    %dma_start3A_116 = tpu.memref_slice %arg3[%dma_start3A_114, %dma_start3A_115] : memref<1048576x32xf32, #tpu.memory_space<hbm>> -> memref<1048576x32xf32, #tpu.memory_space<hbm>>
    tpu.enqueue_indirect_dma source(%dma_start3A_116 : memref<1048576x32xf32, #tpu.memory_space<hbm>>) target(%dma_start3A_110 : memref<128x32xf32, #tpu.memory_space<vmem>>) offsets(%dma_start3A_113 : memref<128xi32, #tpu.memory_space<vmem>>) semaphore(%arg14 : memref<!tpu.dma_semaphore, #tpu.memory_space<semaphore_mem>>)
    %dma_start3A_117 = arith.constant 4 : i32
    %dma_start3A_118 = arith.constant 4 : i32
    %dma_start3A_119 = arith.constant 128 : i32
    %dma_start3A_120 = arith.constant 0 : i32
    %dma_start3A_121 = tpu.memref_slice %arg7[%dma_start3A_118, %dma_start3A_119, %dma_start3A_120] : memref<8x200x32xf32, #tpu.memory_space<vmem>> -> memref<1x72x32xf32, #tpu.memory_space<vmem>>
    %dma_start3A_122 = tpu.memref_squeeze %dma_start3A_121 : memref<1x72x32xf32, #tpu.memory_space<vmem>> -> memref<72x32xf32, #tpu.memory_space<vmem>>
    %dma_start3A_123 = arith.constant 128 : i32
    %dma_start3A_124 = tpu.memref_slice %arg6[%dma_start3A_117, %dma_start3A_123] : memref<128x208xi32, #tpu.memory_space<vmem>> -> memref<1x72xi32, #tpu.memory_space<vmem>>
    %dma_start3A_125 = tpu.memref_squeeze %dma_start3A_124 : memref<1x72xi32, #tpu.memory_space<vmem>> -> memref<72xi32, #tpu.memory_space<vmem>>
    %dma_start3A_126 = arith.constant 0 : i32
    %dma_start3A_127 = arith.constant 0 : i32
    %dma_start3A_128 = tpu.memref_slice %arg3[%dma_start3A_126, %dma_start3A_127] : memref<1048576x32xf32, #tpu.memory_space<hbm>> -> memref<1048576x32xf32, #tpu.memory_space<hbm>>
    tpu.enqueue_indirect_dma source(%dma_start3A_128 : memref<1048576x32xf32, #tpu.memory_space<hbm>>) target(%dma_start3A_122 : memref<72x32xf32, #tpu.memory_space<vmem>>) offsets(%dma_start3A_125 : memref<72xi32, #tpu.memory_space<vmem>>) semaphore(%arg14 : memref<!tpu.dma_semaphore, #tpu.memory_space<semaphore_mem>>)
    %dma_start3A_129 = arith.constant 5 : i32
    %dma_start3A_130 = arith.constant 5 : i32
    %dma_start3A_131 = arith.constant 0 : i32
    %dma_start3A_132 = arith.constant 0 : i32
    %dma_start3A_133 = tpu.memref_slice %arg7[%dma_start3A_130, %dma_start3A_131, %dma_start3A_132] : memref<8x200x32xf32, #tpu.memory_space<vmem>> -> memref<1x128x32xf32, #tpu.memory_space<vmem>>
    %dma_start3A_134 = tpu.memref_squeeze %dma_start3A_133 : memref<1x128x32xf32, #tpu.memory_space<vmem>> -> memref<128x32xf32, #tpu.memory_space<vmem>>
    %dma_start3A_135 = arith.constant 0 : i32
    %dma_start3A_136 = tpu.memref_slice %arg6[%dma_start3A_129, %dma_start3A_135] : memref<128x208xi32, #tpu.memory_space<vmem>> -> memref<1x128xi32, #tpu.memory_space<vmem>>
    %dma_start3A_137 = tpu.memref_squeeze %dma_start3A_136 : memref<1x128xi32, #tpu.memory_space<vmem>> -> memref<128xi32, #tpu.memory_space<vmem>>
    %dma_start3A_138 = arith.constant 0 : i32
    %dma_start3A_139 = arith.constant 0 : i32
    %dma_start3A_140 = tpu.memref_slice %arg3[%dma_start3A_138, %dma_start3A_139] : memref<1048576x32xf32, #tpu.memory_space<hbm>> -> memref<1048576x32xf32, #tpu.memory_space<hbm>>
    tpu.enqueue_indirect_dma source(%dma_start3A_140 : memref<1048576x32xf32, #tpu.memory_space<hbm>>) target(%dma_start3A_134 : memref<128x32xf32, #tpu.memory_space<vmem>>) offsets(%dma_start3A_137 : memref<128xi32, #tpu.memory_space<vmem>>) semaphore(%arg15 : memref<!tpu.dma_semaphore, #tpu.memory_space<semaphore_mem>>)
    %dma_start3A_141 = arith.constant 5 : i32
    %dma_start3A_142 = arith.constant 5 : i32
    %dma_start3A_143 = arith.constant 128 : i32
    %dma_start3A_144 = arith.constant 0 : i32
    %dma_start3A_145 = tpu.memref_slice %arg7[%dma_start3A_142, %dma_start3A_143, %dma_start3A_144] : memref<8x200x32xf32, #tpu.memory_space<vmem>> -> memref<1x72x32xf32, #tpu.memory_space<vmem>>
    %dma_start3A_146 = tpu.memref_squeeze %dma_start3A_145 : memref<1x72x32xf32, #tpu.memory_space<vmem>> -> memref<72x32xf32, #tpu.memory_space<vmem>>
    %dma_start3A_147 = arith.constant 128 : i32
    %dma_start3A_148 = tpu.memref_slice %arg6[%dma_start3A_141, %dma_start3A_147] : memref<128x208xi32, #tpu.memory_space<vmem>> -> memref<1x72xi32, #tpu.memory_space<vmem>>
    %dma_start3A_149 = tpu.memref_squeeze %dma_start3A_148 : memref<1x72xi32, #tpu.memory_space<vmem>> -> memref<72xi32, #tpu.memory_space<vmem>>
    %dma_start3A_150 = arith.constant 0 : i32
    %dma_start3A_151 = arith.constant 0 : i32
    %dma_start3A_152 = tpu.memref_slice %arg3[%dma_start3A_150, %dma_start3A_151] : memref<1048576x32xf32, #tpu.memory_space<hbm>> -> memref<1048576x32xf32, #tpu.memory_space<hbm>>
    tpu.enqueue_indirect_dma source(%dma_start3A_152 : memref<1048576x32xf32, #tpu.memory_space<hbm>>) target(%dma_start3A_146 : memref<72x32xf32, #tpu.memory_space<vmem>>) offsets(%dma_start3A_149 : memref<72xi32, #tpu.memory_space<vmem>>) semaphore(%arg15 : memref<!tpu.dma_semaphore, #tpu.memory_space<semaphore_mem>>)
    %dma_start3A_153 = arith.constant 6 : i32
    %dma_start3A_154 = arith.constant 6 : i32
    %dma_start3A_155 = arith.constant 0 : i32
    %dma_start3A_156 = arith.constant 0 : i32
    %dma_start3A_157 = tpu.memref_slice %arg7[%dma_start3A_154, %dma_start3A_155, %dma_start3A_156] : memref<8x200x32xf32, #tpu.memory_space<vmem>> -> memref<1x128x32xf32, #tpu.memory_space<vmem>>
    %dma_start3A_158 = tpu.memref_squeeze %dma_start3A_157 : memref<1x128x32xf32, #tpu.memory_space<vmem>> -> memref<128x32xf32, #tpu.memory_space<vmem>>
    %dma_start3A_159 = arith.constant 0 : i32
    %dma_start3A_160 = tpu.memref_slice %arg6[%dma_start3A_153, %dma_start3A_159] : memref<128x208xi32, #tpu.memory_space<vmem>> -> memref<1x128xi32, #tpu.memory_space<vmem>>
    %dma_start3A_161 = tpu.memref_squeeze %dma_start3A_160 : memref<1x128xi32, #tpu.memory_space<vmem>> -> memref<128xi32, #tpu.memory_space<vmem>>
    %dma_start3A_162 = arith.constant 0 : i32
    %dma_start3A_163 = arith.constant 0 : i32
    %dma_start3A_164 = tpu.memref_slice %arg3[%dma_start3A_162, %dma_start3A_163] : memref<1048576x32xf32, #tpu.memory_space<hbm>> -> memref<1048576x32xf32, #tpu.memory_space<hbm>>
    tpu.enqueue_indirect_dma source(%dma_start3A_164 : memref<1048576x32xf32, #tpu.memory_space<hbm>>) target(%dma_start3A_158 : memref<128x32xf32, #tpu.memory_space<vmem>>) offsets(%dma_start3A_161 : memref<128xi32, #tpu.memory_space<vmem>>) semaphore(%arg16 : memref<!tpu.dma_semaphore, #tpu.memory_space<semaphore_mem>>)
    %dma_start3A_165 = arith.constant 6 : i32
    %dma_start3A_166 = arith.constant 6 : i32
    %dma_start3A_167 = arith.constant 128 : i32
    %dma_start3A_168 = arith.constant 0 : i32
    %dma_start3A_169 = tpu.memref_slice %arg7[%dma_start3A_166, %dma_start3A_167, %dma_start3A_168] : memref<8x200x32xf32, #tpu.memory_space<vmem>> -> memref<1x72x32xf32, #tpu.memory_space<vmem>>
    %dma_start3A_170 = tpu.memref_squeeze %dma_start3A_169 : memref<1x72x32xf32, #tpu.memory_space<vmem>> -> memref<72x32xf32, #tpu.memory_space<vmem>>
    %dma_start3A_171 = arith.constant 128 : i32
    %dma_start3A_172 = tpu.memref_slice %arg6[%dma_start3A_165, %dma_start3A_171] : memref<128x208xi32, #tpu.memory_space<vmem>> -> memref<1x72xi32, #tpu.memory_space<vmem>>
    %dma_start3A_173 = tpu.memref_squeeze %dma_start3A_172 : memref<1x72xi32, #tpu.memory_space<vmem>> -> memref<72xi32, #tpu.memory_space<vmem>>
    %dma_start3A_174 = arith.constant 0 : i32
    %dma_start3A_175 = arith.constant 0 : i32
    %dma_start3A_176 = tpu.memref_slice %arg3[%dma_start3A_174, %dma_start3A_175] : memref<1048576x32xf32, #tpu.memory_space<hbm>> -> memref<1048576x32xf32, #tpu.memory_space<hbm>>
    tpu.enqueue_indirect_dma source(%dma_start3A_176 : memref<1048576x32xf32, #tpu.memory_space<hbm>>) target(%dma_start3A_170 : memref<72x32xf32, #tpu.memory_space<vmem>>) offsets(%dma_start3A_173 : memref<72xi32, #tpu.memory_space<vmem>>) semaphore(%arg16 : memref<!tpu.dma_semaphore, #tpu.memory_space<semaphore_mem>>)
    %dma_start3A_177 = arith.constant 7 : i32
    %dma_start3A_178 = arith.constant 7 : i32
    %dma_start3A_179 = arith.constant 0 : i32
    %dma_start3A_180 = arith.constant 0 : i32
    %dma_start3A_181 = tpu.memref_slice %arg7[%dma_start3A_178, %dma_start3A_179, %dma_start3A_180] : memref<8x200x32xf32, #tpu.memory_space<vmem>> -> memref<1x128x32xf32, #tpu.memory_space<vmem>>
    %dma_start3A_182 = tpu.memref_squeeze %dma_start3A_181 : memref<1x128x32xf32, #tpu.memory_space<vmem>> -> memref<128x32xf32, #tpu.memory_space<vmem>>
    %dma_start3A_183 = arith.constant 0 : i32
    %dma_start3A_184 = tpu.memref_slice %arg6[%dma_start3A_177, %dma_start3A_183] : memref<128x208xi32, #tpu.memory_space<vmem>> -> memref<1x128xi32, #tpu.memory_space<vmem>>
    %dma_start3A_185 = tpu.memref_squeeze %dma_start3A_184 : memref<1x128xi32, #tpu.memory_space<vmem>> -> memref<128xi32, #tpu.memory_space<vmem>>
    %dma_start3A_186 = arith.constant 0 : i32
    %dma_start3A_187 = arith.constant 0 : i32
    %dma_start3A_188 = tpu.memref_slice %arg3[%dma_start3A_186, %dma_start3A_187] : memref<1048576x32xf32, #tpu.memory_space<hbm>> -> memref<1048576x32xf32, #tpu.memory_space<hbm>>
    tpu.enqueue_indirect_dma source(%dma_start3A_188 : memref<1048576x32xf32, #tpu.memory_space<hbm>>) target(%dma_start3A_182 : memref<128x32xf32, #tpu.memory_space<vmem>>) offsets(%dma_start3A_185 : memref<128xi32, #tpu.memory_space<vmem>>) semaphore(%arg17 : memref<!tpu.dma_semaphore, #tpu.memory_space<semaphore_mem>>)
    %dma_start3A_189 = arith.constant 7 : i32
    %dma_start3A_190 = arith.constant 7 : i32
    %dma_start3A_191 = arith.constant 128 : i32
    %dma_start3A_192 = arith.constant 0 : i32
    %dma_start3A_193 = tpu.memref_slice %arg7[%dma_start3A_190, %dma_start3A_191, %dma_start3A_192] : memref<8x200x32xf32, #tpu.memory_space<vmem>> -> memref<1x72x32xf32, #tpu.memory_space<vmem>>
    %dma_start3A_194 = tpu.memref_squeeze %dma_start3A_193 : memref<1x72x32xf32, #tpu.memory_space<vmem>> -> memref<72x32xf32, #tpu.memory_space<vmem>>
    %dma_start3A_195 = arith.constant 128 : i32
    %dma_start3A_196 = tpu.memref_slice %arg6[%dma_start3A_189, %dma_start3A_195] : memref<128x208xi32, #tpu.memory_space<vmem>> -> memref<1x72xi32, #tpu.memory_space<vmem>>
    %dma_start3A_197 = tpu.memref_squeeze %dma_start3A_196 : memref<1x72xi32, #tpu.memory_space<vmem>> -> memref<72xi32, #tpu.memory_space<vmem>>
    %dma_start3A_198 = arith.constant 0 : i32
    %dma_start3A_199 = arith.constant 0 : i32
    %dma_start3A_200 = tpu.memref_slice %arg3[%dma_start3A_198, %dma_start3A_199] : memref<1048576x32xf32, #tpu.memory_space<hbm>> -> memref<1048576x32xf32, #tpu.memory_space<hbm>>
    tpu.enqueue_indirect_dma source(%dma_start3A_200 : memref<1048576x32xf32, #tpu.memory_space<hbm>>) target(%dma_start3A_194 : memref<72x32xf32, #tpu.memory_space<vmem>>) offsets(%dma_start3A_197 : memref<72xi32, #tpu.memory_space<vmem>>) semaphore(%arg17 : memref<!tpu.dma_semaphore, #tpu.memory_space<semaphore_mem>>)
    %scan3A_201 = arith.constant 0 : i32
    %scan3A_202 = arith.constant 16 : i32
    %scan3A_203 = arith.addi %scan3A_201, %scan3A_202 : i32
    %scan3A_204 = arith.constant 1 : i32
    scf.for %scan3A_206 = %scan3A_201 to %scan3A_203 step %scan3A_204  : i32 {
      %mul3A_207 = arith.constant 8 : i32
      %mul3A_208 = arith.muli %scan3A_206, %mul3A_207 : i32
      %add3A_209 = arith.constant 0 : i32
      %add3A_210 = arith.addi %add3A_209, %mul3A_208 : i32
      %add3A_211 = arith.constant 0 : i32
      %add3A_212 = arith.addi %add3A_210, %add3A_211 : i32
      %dma_wait3A = arith.constant 0 : i32
      %dma_wait3A_213 = arith.constant 0 : i32
      %dma_wait3A_214 = arith.constant 0 : i32
      %dma_wait3A_215 = tpu.memref_slice %arg7[%dma_wait3A, %dma_wait3A_213, %dma_wait3A_214] : memref<8x200x32xf32, #tpu.memory_space<vmem>> -> memref<1x200x32xf32, #tpu.memory_space<vmem>>
      %dma_wait3A_216 = tpu.memref_squeeze %dma_wait3A_215 : memref<1x200x32xf32, #tpu.memory_space<vmem>> -> memref<200x32xf32, #tpu.memory_space<vmem>>
      %dma_wait3A_217 = arith.constant 0 : i32
      %dma_wait3A_218 = arith.constant 0 : i32
      %dma_wait3A_219 = tpu.memref_slice %arg3[%dma_wait3A_217, %dma_wait3A_218] : memref<1048576x32xf32, #tpu.memory_space<hbm>> -> memref<200x32xf32, #tpu.memory_space<hbm>>
      %dma_wait3A_220 = arith.constant 0 : i32
      %dma_wait3A_221 = arith.constant 0 : i32
      %dma_wait3A_222 = tpu.memref_slice %arg7[%dma_wait3A, %dma_wait3A_220, %dma_wait3A_221] : memref<8x200x32xf32, #tpu.memory_space<vmem>> -> memref<1x200x32xf32, #tpu.memory_space<vmem>>
      %dma_wait3A_223 = tpu.memref_squeeze %dma_wait3A_222 : memref<1x200x32xf32, #tpu.memory_space<vmem>> -> memref<200x32xf32, #tpu.memory_space<vmem>>
      %dma_wait3A_224 = arith.constant 0 : i32
      %dma_wait3A_225 = arith.constant 0 : i32
      %dma_wait3A_226 = tpu.memref_slice %arg3[%dma_wait3A_224, %dma_wait3A_225] : memref<1048576x32xf32, #tpu.memory_space<hbm>> -> memref<200x32xf32, #tpu.memory_space<hbm>>
      tpu.wait_dma2 semaphore(%arg10 : memref<!tpu.dma_semaphore, #tpu.memory_space<semaphore_mem>>) src(%dma_wait3A_226 : memref<200x32xf32, #tpu.memory_space<hbm>>) dst(%dma_wait3A_223 : memref<200x32xf32, #tpu.memory_space<vmem>>)
      %get3A = arith.index_cast %add3A_212 : i32 to index
      %get3A_227 = memref.load %arg9[%get3A] : memref<128xi32, #tpu.memory_space<smem>>
      %broadcast_in_dim3A_228 = arith.constant -1.000000e+09 : f32
      %broadcast_in_dim3A_229 = vector.broadcast %broadcast_in_dim3A_228 : f32 to vector<16xf32>
      %jit3A = arith.constant 8 : i32
      %div3A = arith.divsi %get3A_227, %jit3A : i32
      %sign3A = arith.constant 0 : i32
      %sign3A_230 = arith.cmpi sgt, %get3A_227, %sign3A : i32
      %sign3A_231 = arith.extui %sign3A_230 : i1 to i32
      %sign3A_232 = arith.constant 0 : i32
      %sign3A_233 = arith.cmpi slt, %get3A_227, %sign3A_232 : i32
      %sign3A_234 = arith.extui %sign3A_233 : i1 to i32
      %sign3A_235 = arith.subi %sign3A_231, %sign3A_234 : i32
      %sign3A_236 = arith.constant 0 : i32
      %sign3A_237 = arith.cmpi sgt, %jit3A, %sign3A_236 : i32
      %sign3A_238 = arith.extui %sign3A_237 : i1 to i32
      %sign3A_239 = arith.constant 0 : i32
      %sign3A_240 = arith.cmpi slt, %jit3A, %sign3A_239 : i32
      %sign3A_241 = arith.extui %sign3A_240 : i1 to i32
      %sign3A_242 = arith.subi %sign3A_238, %sign3A_241 : i32
      %ne3A = arith.cmpi ne, %sign3A_235, %sign3A_242 : i32
      %rem3A = arith.remsi %get3A_227, %jit3A : i32
      %ne3A_243 = arith.constant 0 : i32
      %ne3A_244 = arith.cmpi ne, %rem3A, %ne3A_243 : i32
      %and3A = arith.andi %ne3A, %ne3A_244 : i1
      %sub3A = arith.constant 1 : i32
      %sub3A_245 = arith.subi %div3A, %sub3A : i32
      %select_n3A = arith.select %and3A, %sub3A_245, %div3A : i32
      %while3A = arith.constant 0 : i32
      %while3A_246 = arith.subi %select_n3A, %while3A : i32
      %while3A_247 = arith.addi %while3A, %while3A_246 : i32
      %while3A_248 = arith.constant 1 : i32
      %while3A_249 = arith.divsi %while3A_246, %while3A_248 : i32
      %while3A_250 = arith.muli %while3A_249, %while3A_248 : i32
      %while3A_251 = arith.addi %while3A, %while3A_250 : i32
      %while3A_252 = arith.constant 1 : i32
      %while3A_253:2 = scf.for %while3A_844 = %while3A to %while3A_251 step %while3A_252 iter_args(%while3A_845 = %broadcast_in_dim3A_229, %while3A_846 = %broadcast_in_dim3A_229) -> (vector<16xf32>, vector<16xf32>)  : i32 {
        %mul3A_847 = arith.constant 8 : i32
        %mul3A_848 = arith.muli %while3A_844, %mul3A_847 : i32
        %add3A_849 = arith.constant 0 : i32
        %add3A_850 = arith.addi %mul3A_848, %add3A_849 : i32
        %get3A_851 = arith.constant 0 : i32
        %get3A_852 = arith.index_cast %get3A_851 : i32 to index
        %get3A_853 = arith.index_cast %add3A_850 : i32 to index
        %get3A_854 = arith.constant 0 : index
        %get3A_855 = tpu.vector_load %arg7[%get3A_852, %get3A_853, %get3A_854] {strides = array<i32>} : memref<8x200x32xf32, #tpu.memory_space<vmem>>, vector<16xf32>,
        %max3A = arith.maximumf %while3A_845, %get3A_855 : vector<16xf32>
        %get3A_856 = arith.constant 0 : i32
        %get3A_857 = arith.index_cast %get3A_856 : i32 to index
        %get3A_858 = arith.index_cast %add3A_850 : i32 to index
        %get3A_859 = arith.constant 16 : index
        %get3A_860 = tpu.vector_load %arg7[%get3A_857, %get3A_858, %get3A_859] {strides = array<i32>} : memref<8x200x32xf32, #tpu.memory_space<vmem>>, vector<16xf32>,
        %max3A_861 = arith.maximumf %while3A_846, %get3A_860 : vector<16xf32>
        %mul3A_862 = arith.constant 8 : i32
        %mul3A_863 = arith.muli %while3A_844, %mul3A_862 : i32
        %add3A_864 = arith.constant 1 : i32
        %add3A_865 = arith.addi %mul3A_863, %add3A_864 : i32
        %get3A_866 = arith.constant 0 : i32
        %get3A_867 = arith.index_cast %get3A_866 : i32 to index
        %get3A_868 = arith.index_cast %add3A_865 : i32 to index
        %get3A_869 = arith.constant 0 : index
        %get3A_870 = tpu.vector_load %arg7[%get3A_867, %get3A_868, %get3A_869] {strides = array<i32>} : memref<8x200x32xf32, #tpu.memory_space<vmem>>, vector<16xf32>,
        %max3A_871 = arith.maximumf %max3A, %get3A_870 : vector<16xf32>
        %get3A_872 = arith.constant 0 : i32
        %get3A_873 = arith.index_cast %get3A_872 : i32 to index
        %get3A_874 = arith.index_cast %add3A_865 : i32 to index
        %get3A_875 = arith.constant 16 : index
        %get3A_876 = tpu.vector_load %arg7[%get3A_873, %get3A_874, %get3A_875] {strides = array<i32>} : memref<8x200x32xf32, #tpu.memory_space<vmem>>, vector<16xf32>,
        %max3A_877 = arith.maximumf %max3A_861, %get3A_876 : vector<16xf32>
        %mul3A_878 = arith.constant 8 : i32
        %mul3A_879 = arith.muli %while3A_844, %mul3A_878 : i32
        %add3A_880 = arith.constant 2 : i32
        %add3A_881 = arith.addi %mul3A_879, %add3A_880 : i32
        %get3A_882 = arith.constant 0 : i32
        %get3A_883 = arith.index_cast %get3A_882 : i32 to index
        %get3A_884 = arith.index_cast %add3A_881 : i32 to index
        %get3A_885 = arith.constant 0 : index
        %get3A_886 = tpu.vector_load %arg7[%get3A_883, %get3A_884, %get3A_885] {strides = array<i32>} : memref<8x200x32xf32, #tpu.memory_space<vmem>>, vector<16xf32>,
        %max3A_887 = arith.maximumf %max3A_871, %get3A_886 : vector<16xf32>
        %get3A_888 = arith.constant 0 : i32
        %get3A_889 = arith.index_cast %get3A_888 : i32 to index
        %get3A_890 = arith.index_cast %add3A_881 : i32 to index
        %get3A_891 = arith.constant 16 : index
        %get3A_892 = tpu.vector_load %arg7[%get3A_889, %get3A_890, %get3A_891] {strides = array<i32>} : memref<8x200x32xf32, #tpu.memory_space<vmem>>, vector<16xf32>,
        %max3A_893 = arith.maximumf %max3A_877, %get3A_892 : vector<16xf32>
        %mul3A_894 = arith.constant 8 : i32
        %mul3A_895 = arith.muli %while3A_844, %mul3A_894 : i32
        %add3A_896 = arith.constant 3 : i32
        %add3A_897 = arith.addi %mul3A_895, %add3A_896 : i32
        %get3A_898 = arith.constant 0 : i32
        %get3A_899 = arith.index_cast %get3A_898 : i32 to index
        %get3A_900 = arith.index_cast %add3A_897 : i32 to index
        %get3A_901 = arith.constant 0 : index
        %get3A_902 = tpu.vector_load %arg7[%get3A_899, %get3A_900, %get3A_901] {strides = array<i32>} : memref<8x200x32xf32, #tpu.memory_space<vmem>>, vector<16xf32>,
        %max3A_903 = arith.maximumf %max3A_887, %get3A_902 : vector<16xf32>
        %get3A_904 = arith.constant 0 : i32
        %get3A_905 = arith.index_cast %get3A_904 : i32 to index
        %get3A_906 = arith.index_cast %add3A_897 : i32 to index
        %get3A_907 = arith.constant 16 : index
        %get3A_908 = tpu.vector_load %arg7[%get3A_905, %get3A_906, %get3A_907] {strides = array<i32>} : memref<8x200x32xf32, #tpu.memory_space<vmem>>, vector<16xf32>,
        %max3A_909 = arith.maximumf %max3A_893, %get3A_908 : vector<16xf32>
        %mul3A_910 = arith.constant 8 : i32
        %mul3A_911 = arith.muli %while3A_844, %mul3A_910 : i32
        %add3A_912 = arith.constant 4 : i32
        %add3A_913 = arith.addi %mul3A_911, %add3A_912 : i32
        %get3A_914 = arith.constant 0 : i32
        %get3A_915 = arith.index_cast %get3A_914 : i32 to index
        %get3A_916 = arith.index_cast %add3A_913 : i32 to index
        %get3A_917 = arith.constant 0 : index
        %get3A_918 = tpu.vector_load %arg7[%get3A_915, %get3A_916, %get3A_917] {strides = array<i32>} : memref<8x200x32xf32, #tpu.memory_space<vmem>>, vector<16xf32>,
        %max3A_919 = arith.maximumf %max3A_903, %get3A_918 : vector<16xf32>
        %get3A_920 = arith.constant 0 : i32
        %get3A_921 = arith.index_cast %get3A_920 : i32 to index
        %get3A_922 = arith.index_cast %add3A_913 : i32 to index
        %get3A_923 = arith.constant 16 : index
        %get3A_924 = tpu.vector_load %arg7[%get3A_921, %get3A_922, %get3A_923] {strides = array<i32>} : memref<8x200x32xf32, #tpu.memory_space<vmem>>, vector<16xf32>,
        %max3A_925 = arith.maximumf %max3A_909, %get3A_924 : vector<16xf32>
        %mul3A_926 = arith.constant 8 : i32
        %mul3A_927 = arith.muli %while3A_844, %mul3A_926 : i32
        %add3A_928 = arith.constant 5 : i32
        %add3A_929 = arith.addi %mul3A_927, %add3A_928 : i32
        %get3A_930 = arith.constant 0 : i32
        %get3A_931 = arith.index_cast %get3A_930 : i32 to index
        %get3A_932 = arith.index_cast %add3A_929 : i32 to index
        %get3A_933 = arith.constant 0 : index
        %get3A_934 = tpu.vector_load %arg7[%get3A_931, %get3A_932, %get3A_933] {strides = array<i32>} : memref<8x200x32xf32, #tpu.memory_space<vmem>>, vector<16xf32>,
        %max3A_935 = arith.maximumf %max3A_919, %get3A_934 : vector<16xf32>
        %get3A_936 = arith.constant 0 : i32
        %get3A_937 = arith.index_cast %get3A_936 : i32 to index
        %get3A_938 = arith.index_cast %add3A_929 : i32 to index
        %get3A_939 = arith.constant 16 : index
        %get3A_940 = tpu.vector_load %arg7[%get3A_937, %get3A_938, %get3A_939] {strides = array<i32>} : memref<8x200x32xf32, #tpu.memory_space<vmem>>, vector<16xf32>,
        %max3A_941 = arith.maximumf %max3A_925, %get3A_940 : vector<16xf32>
        %mul3A_942 = arith.constant 8 : i32
        %mul3A_943 = arith.muli %while3A_844, %mul3A_942 : i32
        %add3A_944 = arith.constant 6 : i32
        %add3A_945 = arith.addi %mul3A_943, %add3A_944 : i32
        %get3A_946 = arith.constant 0 : i32
        %get3A_947 = arith.index_cast %get3A_946 : i32 to index
        %get3A_948 = arith.index_cast %add3A_945 : i32 to index
        %get3A_949 = arith.constant 0 : index
        %get3A_950 = tpu.vector_load %arg7[%get3A_947, %get3A_948, %get3A_949] {strides = array<i32>} : memref<8x200x32xf32, #tpu.memory_space<vmem>>, vector<16xf32>,
        %max3A_951 = arith.maximumf %max3A_935, %get3A_950 : vector<16xf32>
        %get3A_952 = arith.constant 0 : i32
        %get3A_953 = arith.index_cast %get3A_952 : i32 to index
        %get3A_954 = arith.index_cast %add3A_945 : i32 to index
        %get3A_955 = arith.constant 16 : index
        %get3A_956 = tpu.vector_load %arg7[%get3A_953, %get3A_954, %get3A_955] {strides = array<i32>} : memref<8x200x32xf32, #tpu.memory_space<vmem>>, vector<16xf32>,
        %max3A_957 = arith.maximumf %max3A_941, %get3A_956 : vector<16xf32>
        %mul3A_958 = arith.constant 8 : i32
        %mul3A_959 = arith.muli %while3A_844, %mul3A_958 : i32
        %add3A_960 = arith.constant 7 : i32
        %add3A_961 = arith.addi %mul3A_959, %add3A_960 : i32
        %get3A_962 = arith.constant 0 : i32
        %get3A_963 = arith.index_cast %get3A_962 : i32 to index
        %get3A_964 = arith.index_cast %add3A_961 : i32 to index
        %get3A_965 = arith.constant 0 : index
        %get3A_966 = tpu.vector_load %arg7[%get3A_963, %get3A_964, %get3A_965] {strides = array<i32>} : memref<8x200x32xf32, #tpu.memory_space<vmem>>, vector<16xf32>,
        %max3A_967 = arith.maximumf %max3A_951, %get3A_966 : vector<16xf32>
        %get3A_968 = arith.constant 0 : i32
        %get3A_969 = arith.index_cast %get3A_968 : i32 to index
        %get3A_970 = arith.index_cast %add3A_961 : i32 to index
        %get3A_971 = arith.constant 16 : index
        %get3A_972 = tpu.vector_load %arg7[%get3A_969, %get3A_970, %get3A_971] {strides = array<i32>} : memref<8x200x32xf32, #tpu.memory_space<vmem>>, vector<16xf32>,
        %max3A_973 = arith.maximumf %max3A_957, %get3A_972 : vector<16xf32>
        scf.yield %max3A_967, %max3A_973 : vector<16xf32>, vector<16xf32>
      }
      %while3A_254 = arith.constant 1 : i32
      %while3A_255:2 = scf.for %while3A_844 = %while3A_251 to %while3A_247 step %while3A_254 iter_args(%while3A_845 = %while3A_253#0, %while3A_846 = %while3A_253#1) -> (vector<16xf32>, vector<16xf32>)  : i32 {
        %mul3A_847 = arith.constant 8 : i32
        %mul3A_848 = arith.muli %while3A_844, %mul3A_847 : i32
        %add3A_849 = arith.constant 0 : i32
        %add3A_850 = arith.addi %mul3A_848, %add3A_849 : i32
        %get3A_851 = arith.constant 0 : i32
        %get3A_852 = arith.index_cast %get3A_851 : i32 to index
        %get3A_853 = arith.index_cast %add3A_850 : i32 to index
        %get3A_854 = arith.constant 0 : index
        %get3A_855 = tpu.vector_load %arg7[%get3A_852, %get3A_853, %get3A_854] {strides = array<i32>} : memref<8x200x32xf32, #tpu.memory_space<vmem>>, vector<16xf32>,
        %max3A = arith.maximumf %while3A_845, %get3A_855 : vector<16xf32>
        %get3A_856 = arith.constant 0 : i32
        %get3A_857 = arith.index_cast %get3A_856 : i32 to index
        %get3A_858 = arith.index_cast %add3A_850 : i32 to index
        %get3A_859 = arith.constant 16 : index
        %get3A_860 = tpu.vector_load %arg7[%get3A_857, %get3A_858, %get3A_859] {strides = array<i32>} : memref<8x200x32xf32, #tpu.memory_space<vmem>>, vector<16xf32>,
        %max3A_861 = arith.maximumf %while3A_846, %get3A_860 : vector<16xf32>
        %mul3A_862 = arith.constant 8 : i32
        %mul3A_863 = arith.muli %while3A_844, %mul3A_862 : i32
        %add3A_864 = arith.constant 1 : i32
        %add3A_865 = arith.addi %mul3A_863, %add3A_864 : i32
        %get3A_866 = arith.constant 0 : i32
        %get3A_867 = arith.index_cast %get3A_866 : i32 to index
        %get3A_868 = arith.index_cast %add3A_865 : i32 to index
        %get3A_869 = arith.constant 0 : index
        %get3A_870 = tpu.vector_load %arg7[%get3A_867, %get3A_868, %get3A_869] {strides = array<i32>} : memref<8x200x32xf32, #tpu.memory_space<vmem>>, vector<16xf32>,
        %max3A_871 = arith.maximumf %max3A, %get3A_870 : vector<16xf32>
        %get3A_872 = arith.constant 0 : i32
        %get3A_873 = arith.index_cast %get3A_872 : i32 to index
        %get3A_874 = arith.index_cast %add3A_865 : i32 to index
        %get3A_875 = arith.constant 16 : index
        %get3A_876 = tpu.vector_load %arg7[%get3A_873, %get3A_874, %get3A_875] {strides = array<i32>} : memref<8x200x32xf32, #tpu.memory_space<vmem>>, vector<16xf32>,
        %max3A_877 = arith.maximumf %max3A_861, %get3A_876 : vector<16xf32>
        %mul3A_878 = arith.constant 8 : i32
        %mul3A_879 = arith.muli %while3A_844, %mul3A_878 : i32
        %add3A_880 = arith.constant 2 : i32
        %add3A_881 = arith.addi %mul3A_879, %add3A_880 : i32
        %get3A_882 = arith.constant 0 : i32
        %get3A_883 = arith.index_cast %get3A_882 : i32 to index
        %get3A_884 = arith.index_cast %add3A_881 : i32 to index
        %get3A_885 = arith.constant 0 : index
        %get3A_886 = tpu.vector_load %arg7[%get3A_883, %get3A_884, %get3A_885] {strides = array<i32>} : memref<8x200x32xf32, #tpu.memory_space<vmem>>, vector<16xf32>,
        %max3A_887 = arith.maximumf %max3A_871, %get3A_886 : vector<16xf32>
        %get3A_888 = arith.constant 0 : i32
        %get3A_889 = arith.index_cast %get3A_888 : i32 to index
        %get3A_890 = arith.index_cast %add3A_881 : i32 to index
        %get3A_891 = arith.constant 16 : index
        %get3A_892 = tpu.vector_load %arg7[%get3A_889, %get3A_890, %get3A_891] {strides = array<i32>} : memref<8x200x32xf32, #tpu.memory_space<vmem>>, vector<16xf32>,
        %max3A_893 = arith.maximumf %max3A_877, %get3A_892 : vector<16xf32>
        %mul3A_894 = arith.constant 8 : i32
        %mul3A_895 = arith.muli %while3A_844, %mul3A_894 : i32
        %add3A_896 = arith.constant 3 : i32
        %add3A_897 = arith.addi %mul3A_895, %add3A_896 : i32
        %get3A_898 = arith.constant 0 : i32
        %get3A_899 = arith.index_cast %get3A_898 : i32 to index
        %get3A_900 = arith.index_cast %add3A_897 : i32 to index
        %get3A_901 = arith.constant 0 : index
        %get3A_902 = tpu.vector_load %arg7[%get3A_899, %get3A_900, %get3A_901] {strides = array<i32>} : memref<8x200x32xf32, #tpu.memory_space<vmem>>, vector<16xf32>,
        %max3A_903 = arith.maximumf %max3A_887, %get3A_902 : vector<16xf32>
        %get3A_904 = arith.constant 0 : i32
        %get3A_905 = arith.index_cast %get3A_904 : i32 to index
        %get3A_906 = arith.index_cast %add3A_897 : i32 to index
        %get3A_907 = arith.constant 16 : index
        %get3A_908 = tpu.vector_load %arg7[%get3A_905, %get3A_906, %get3A_907] {strides = array<i32>} : memref<8x200x32xf32, #tpu.memory_space<vmem>>, vector<16xf32>,
        %max3A_909 = arith.maximumf %max3A_893, %get3A_908 : vector<16xf32>
        %mul3A_910 = arith.constant 8 : i32
        %mul3A_911 = arith.muli %while3A_844, %mul3A_910 : i32
        %add3A_912 = arith.constant 4 : i32
        %add3A_913 = arith.addi %mul3A_911, %add3A_912 : i32
        %get3A_914 = arith.constant 0 : i32
        %get3A_915 = arith.index_cast %get3A_914 : i32 to index
        %get3A_916 = arith.index_cast %add3A_913 : i32 to index
        %get3A_917 = arith.constant 0 : index
        %get3A_918 = tpu.vector_load %arg7[%get3A_915, %get3A_916, %get3A_917] {strides = array<i32>} : memref<8x200x32xf32, #tpu.memory_space<vmem>>, vector<16xf32>,
        %max3A_919 = arith.maximumf %max3A_903, %get3A_918 : vector<16xf32>
        %get3A_920 = arith.constant 0 : i32
        %get3A_921 = arith.index_cast %get3A_920 : i32 to index
        %get3A_922 = arith.index_cast %add3A_913 : i32 to index
        %get3A_923 = arith.constant 16 : index
        %get3A_924 = tpu.vector_load %arg7[%get3A_921, %get3A_922, %get3A_923] {strides = array<i32>} : memref<8x200x32xf32, #tpu.memory_space<vmem>>, vector<16xf32>,
        %max3A_925 = arith.maximumf %max3A_909, %get3A_924 : vector<16xf32>
        %mul3A_926 = arith.constant 8 : i32
        %mul3A_927 = arith.muli %while3A_844, %mul3A_926 : i32
        %add3A_928 = arith.constant 5 : i32
        %add3A_929 = arith.addi %mul3A_927, %add3A_928 : i32
        %get3A_930 = arith.constant 0 : i32
        %get3A_931 = arith.index_cast %get3A_930 : i32 to index
        %get3A_932 = arith.index_cast %add3A_929 : i32 to index
        %get3A_933 = arith.constant 0 : index
        %get3A_934 = tpu.vector_load %arg7[%get3A_931, %get3A_932, %get3A_933] {strides = array<i32>} : memref<8x200x32xf32, #tpu.memory_space<vmem>>, vector<16xf32>,
        %max3A_935 = arith.maximumf %max3A_919, %get3A_934 : vector<16xf32>
        %get3A_936 = arith.constant 0 : i32
        %get3A_937 = arith.index_cast %get3A_936 : i32 to index
        %get3A_938 = arith.index_cast %add3A_929 : i32 to index
        %get3A_939 = arith.constant 16 : index
        %get3A_940 = tpu.vector_load %arg7[%get3A_937, %get3A_938, %get3A_939] {strides = array<i32>} : memref<8x200x32xf32, #tpu.memory_space<vmem>>, vector<16xf32>,
        %max3A_941 = arith.maximumf %max3A_925, %get3A_940 : vector<16xf32>
        %mul3A_942 = arith.constant 8 : i32
        %mul3A_943 = arith.muli %while3A_844, %mul3A_942 : i32
        %add3A_944 = arith.constant 6 : i32
        %add3A_945 = arith.addi %mul3A_943, %add3A_944 : i32
        %get3A_946 = arith.constant 0 : i32
        %get3A_947 = arith.index_cast %get3A_946 : i32 to index
        %get3A_948 = arith.index_cast %add3A_945 : i32 to index
        %get3A_949 = arith.constant 0 : index
        %get3A_950 = tpu.vector_load %arg7[%get3A_947, %get3A_948, %get3A_949] {strides = array<i32>} : memref<8x200x32xf32, #tpu.memory_space<vmem>>, vector<16xf32>,
        %max3A_951 = arith.maximumf %max3A_935, %get3A_950 : vector<16xf32>
        %get3A_952 = arith.constant 0 : i32
        %get3A_953 = arith.index_cast %get3A_952 : i32 to index
        %get3A_954 = arith.index_cast %add3A_945 : i32 to index
        %get3A_955 = arith.constant 16 : index
        %get3A_956 = tpu.vector_load %arg7[%get3A_953, %get3A_954, %get3A_955] {strides = array<i32>} : memref<8x200x32xf32, #tpu.memory_space<vmem>>, vector<16xf32>,
        %max3A_957 = arith.maximumf %max3A_941, %get3A_956 : vector<16xf32>
        %mul3A_958 = arith.constant 8 : i32
        %mul3A_959 = arith.muli %while3A_844, %mul3A_958 : i32
        %add3A_960 = arith.constant 7 : i32
        %add3A_961 = arith.addi %mul3A_959, %add3A_960 : i32
        %get3A_962 = arith.constant 0 : i32
        %get3A_963 = arith.index_cast %get3A_962 : i32 to index
        %get3A_964 = arith.index_cast %add3A_961 : i32 to index
        %get3A_965 = arith.constant 0 : index
        %get3A_966 = tpu.vector_load %arg7[%get3A_963, %get3A_964, %get3A_965] {strides = array<i32>} : memref<8x200x32xf32, #tpu.memory_space<vmem>>, vector<16xf32>,
        %max3A_967 = arith.maximumf %max3A_951, %get3A_966 : vector<16xf32>
        %get3A_968 = arith.constant 0 : i32
        %get3A_969 = arith.index_cast %get3A_968 : i32 to index
        %get3A_970 = arith.index_cast %add3A_961 : i32 to index
        %get3A_971 = arith.constant 16 : index
        %get3A_972 = tpu.vector_load %arg7[%get3A_969, %get3A_970, %get3A_971] {strides = array<i32>} : memref<8x200x32xf32, #tpu.memory_space<vmem>>, vector<16xf32>,
        %max3A_973 = arith.maximumf %max3A_957, %get3A_972 : vector<16xf32>
        scf.yield %max3A_967, %max3A_973 : vector<16xf32>, vector<16xf32>
      }
      %mul3A_256 = arith.constant 8 : i32
      %mul3A_257 = arith.muli %select_n3A, %mul3A_256 : i32
      %while3A_258 = arith.subi %get3A_227, %mul3A_257 : i32
      %while3A_259 = arith.addi %mul3A_257, %while3A_258 : i32
      %while3A_260 = arith.constant 1 : i32
      %while3A_261 = arith.divsi %while3A_258, %while3A_260 : i32
      %while3A_262 = arith.muli %while3A_261, %while3A_260 : i32
      %while3A_263 = arith.addi %mul3A_257, %while3A_262 : i32
      %while3A_264 = arith.constant 1 : i32
      %while3A_265:2 = scf.for %while3A_844 = %mul3A_257 to %while3A_263 step %while3A_264 iter_args(%while3A_845 = %while3A_255#0, %while3A_846 = %while3A_255#1) -> (vector<16xf32>, vector<16xf32>)  : i32 {
        %get3A_847 = arith.constant 0 : i32
        %get3A_848 = arith.index_cast %get3A_847 : i32 to index
        %get3A_849 = arith.index_cast %while3A_844 : i32 to index
        %get3A_850 = arith.constant 0 : index
        %get3A_851 = tpu.vector_load %arg7[%get3A_848, %get3A_849, %get3A_850] {strides = array<i32>} : memref<8x200x32xf32, #tpu.memory_space<vmem>>, vector<16xf32>,
        %max3A = arith.maximumf %while3A_845, %get3A_851 : vector<16xf32>
        %get3A_852 = arith.constant 0 : i32
        %get3A_853 = arith.index_cast %get3A_852 : i32 to index
        %get3A_854 = arith.index_cast %while3A_844 : i32 to index
        %get3A_855 = arith.constant 16 : index
        %get3A_856 = tpu.vector_load %arg7[%get3A_853, %get3A_854, %get3A_855] {strides = array<i32>} : memref<8x200x32xf32, #tpu.memory_space<vmem>>, vector<16xf32>,
        %max3A_857 = arith.maximumf %while3A_846, %get3A_856 : vector<16xf32>
        scf.yield %max3A, %max3A_857 : vector<16xf32>, vector<16xf32>
      }
      %while3A_266 = arith.constant 1 : i32
      %while3A_267:2 = scf.for %while3A_844 = %while3A_263 to %while3A_259 step %while3A_266 iter_args(%while3A_845 = %while3A_265#0, %while3A_846 = %while3A_265#1) -> (vector<16xf32>, vector<16xf32>)  : i32 {
        %get3A_847 = arith.constant 0 : i32
        %get3A_848 = arith.index_cast %get3A_847 : i32 to index
        %get3A_849 = arith.index_cast %while3A_844 : i32 to index
        %get3A_850 = arith.constant 0 : index
        %get3A_851 = tpu.vector_load %arg7[%get3A_848, %get3A_849, %get3A_850] {strides = array<i32>} : memref<8x200x32xf32, #tpu.memory_space<vmem>>, vector<16xf32>,
        %max3A = arith.maximumf %while3A_845, %get3A_851 : vector<16xf32>
        %get3A_852 = arith.constant 0 : i32
        %get3A_853 = arith.index_cast %get3A_852 : i32 to index
        %get3A_854 = arith.index_cast %while3A_844 : i32 to index
        %get3A_855 = arith.constant 16 : index
        %get3A_856 = tpu.vector_load %arg7[%get3A_853, %get3A_854, %get3A_855] {strides = array<i32>} : memref<8x200x32xf32, #tpu.memory_space<vmem>>, vector<16xf32>,
        %max3A_857 = arith.maximumf %while3A_846, %get3A_856 : vector<16xf32>
        scf.yield %max3A, %max3A_857 : vector<16xf32>, vector<16xf32>
      }
      %swap3A = arith.index_cast %add3A_212 : i32 to index
      %swap3A_268 = arith.constant 0 : index
      %swap3A_269 = tpu.vector_load %arg8[%swap3A, %swap3A_268] {strides = array<i32>} : memref<128x32xf32, #tpu.memory_space<vmem>>, vector<16xf32>,
      tpu.vector_store %arg8[%swap3A, %swap3A_268], %while3A_267#0 {strides = array<i32>} : memref<128x32xf32, #tpu.memory_space<vmem>>, vector<16xf32>,
      %swap3A_270 = arith.index_cast %add3A_212 : i32 to index
      %swap3A_271 = arith.constant 16 : index
      %swap3A_272 = tpu.vector_load %arg8[%swap3A_270, %swap3A_271] {strides = array<i32>} : memref<128x32xf32, #tpu.memory_space<vmem>>, vector<16xf32>,
      tpu.vector_store %arg8[%swap3A_270, %swap3A_271], %while3A_267#1 {strides = array<i32>} : memref<128x32xf32, #tpu.memory_space<vmem>>, vector<16xf32>,
      %add3A_273 = arith.constant 8 : i32
      %add3A_274 = arith.addi %add3A_212, %add3A_273 : i32
      %lt3A = arith.constant 128 : i32
      %lt3A_275 = arith.cmpi slt, %add3A_274, %lt3A : i32
      %convert_element_type3A = arith.extui %lt3A_275 : i1 to i32
      %cond3A = arith.constant 0 : i32
      %cond3A_276 = arith.cmpi ne, %convert_element_type3A, %cond3A : i32
      scf.if %cond3A_276 {
        %add3A_844 = arith.constant 8 : i32
        %add3A_845 = arith.addi %add3A_212, %add3A_844 : i32
        %dma_start3A_846 = arith.constant 0 : i32
        %dma_start3A_847 = arith.constant 0 : i32
        %dma_start3A_848 = arith.constant 0 : i32
        %dma_start3A_849 = tpu.memref_slice %arg7[%dma_start3A_846, %dma_start3A_847, %dma_start3A_848] : memref<8x200x32xf32, #tpu.memory_space<vmem>> -> memref<1x128x32xf32, #tpu.memory_space<vmem>>
        %dma_start3A_850 = tpu.memref_squeeze %dma_start3A_849 : memref<1x128x32xf32, #tpu.memory_space<vmem>> -> memref<128x32xf32, #tpu.memory_space<vmem>>
        %dma_start3A_851 = arith.constant 0 : i32
        %dma_start3A_852 = tpu.memref_slice %arg6[%add3A_845, %dma_start3A_851] : memref<128x208xi32, #tpu.memory_space<vmem>> -> memref<1x128xi32, #tpu.memory_space<vmem>>
        %dma_start3A_853 = tpu.memref_squeeze %dma_start3A_852 : memref<1x128xi32, #tpu.memory_space<vmem>> -> memref<128xi32, #tpu.memory_space<vmem>>
        %dma_start3A_854 = arith.constant 0 : i32
        %dma_start3A_855 = arith.constant 0 : i32
        %dma_start3A_856 = tpu.memref_slice %arg3[%dma_start3A_854, %dma_start3A_855] : memref<1048576x32xf32, #tpu.memory_space<hbm>> -> memref<1048576x32xf32, #tpu.memory_space<hbm>>
        tpu.enqueue_indirect_dma source(%dma_start3A_856 : memref<1048576x32xf32, #tpu.memory_space<hbm>>) target(%dma_start3A_850 : memref<128x32xf32, #tpu.memory_space<vmem>>) offsets(%dma_start3A_853 : memref<128xi32, #tpu.memory_space<vmem>>) semaphore(%arg10 : memref<!tpu.dma_semaphore, #tpu.memory_space<semaphore_mem>>)
        %dma_start3A_857 = arith.constant 0 : i32
        %dma_start3A_858 = arith.constant 128 : i32
        %dma_start3A_859 = arith.constant 0 : i32
        %dma_start3A_860 = tpu.memref_slice %arg7[%dma_start3A_857, %dma_start3A_858, %dma_start3A_859] : memref<8x200x32xf32, #tpu.memory_space<vmem>> -> memref<1x72x32xf32, #tpu.memory_space<vmem>>
        %dma_start3A_861 = tpu.memref_squeeze %dma_start3A_860 : memref<1x72x32xf32, #tpu.memory_space<vmem>> -> memref<72x32xf32, #tpu.memory_space<vmem>>
        %dma_start3A_862 = arith.constant 128 : i32
        %dma_start3A_863 = tpu.memref_slice %arg6[%add3A_845, %dma_start3A_862] : memref<128x208xi32, #tpu.memory_space<vmem>> -> memref<1x72xi32, #tpu.memory_space<vmem>>
        %dma_start3A_864 = tpu.memref_squeeze %dma_start3A_863 : memref<1x72xi32, #tpu.memory_space<vmem>> -> memref<72xi32, #tpu.memory_space<vmem>>
        %dma_start3A_865 = arith.constant 0 : i32
        %dma_start3A_866 = arith.constant 0 : i32
        %dma_start3A_867 = tpu.memref_slice %arg3[%dma_start3A_865, %dma_start3A_866] : memref<1048576x32xf32, #tpu.memory_space<hbm>> -> memref<1048576x32xf32, #tpu.memory_space<hbm>>
        tpu.enqueue_indirect_dma source(%dma_start3A_867 : memref<1048576x32xf32, #tpu.memory_space<hbm>>) target(%dma_start3A_861 : memref<72x32xf32, #tpu.memory_space<vmem>>) offsets(%dma_start3A_864 : memref<72xi32, #tpu.memory_space<vmem>>) semaphore(%arg10 : memref<!tpu.dma_semaphore, #tpu.memory_space<semaphore_mem>>)
      } else {
      }
      %add3A_277 = arith.constant 1 : i32
      %add3A_278 = arith.addi %add3A_210, %add3A_277 : i32
      %dma_wait3A_279 = arith.constant 1 : i32
      %dma_wait3A_280 = arith.constant 0 : i32
      %dma_wait3A_281 = arith.constant 0 : i32
      %dma_wait3A_282 = tpu.memref_slice %arg7[%dma_wait3A_279, %dma_wait3A_280, %dma_wait3A_281] : memref<8x200x32xf32, #tpu.memory_space<vmem>> -> memref<1x200x32xf32, #tpu.memory_space<vmem>>
      %dma_wait3A_283 = tpu.memref_squeeze %dma_wait3A_282 : memref<1x200x32xf32, #tpu.memory_space<vmem>> -> memref<200x32xf32, #tpu.memory_space<vmem>>
      %dma_wait3A_284 = arith.constant 0 : i32
      %dma_wait3A_285 = arith.constant 0 : i32
      %dma_wait3A_286 = tpu.memref_slice %arg3[%dma_wait3A_284, %dma_wait3A_285] : memref<1048576x32xf32, #tpu.memory_space<hbm>> -> memref<200x32xf32, #tpu.memory_space<hbm>>
      %dma_wait3A_287 = arith.constant 0 : i32
      %dma_wait3A_288 = arith.constant 0 : i32
      %dma_wait3A_289 = tpu.memref_slice %arg7[%dma_wait3A_279, %dma_wait3A_287, %dma_wait3A_288] : memref<8x200x32xf32, #tpu.memory_space<vmem>> -> memref<1x200x32xf32, #tpu.memory_space<vmem>>
      %dma_wait3A_290 = tpu.memref_squeeze %dma_wait3A_289 : memref<1x200x32xf32, #tpu.memory_space<vmem>> -> memref<200x32xf32, #tpu.memory_space<vmem>>
      %dma_wait3A_291 = arith.constant 0 : i32
      %dma_wait3A_292 = arith.constant 0 : i32
      %dma_wait3A_293 = tpu.memref_slice %arg3[%dma_wait3A_291, %dma_wait3A_292] : memref<1048576x32xf32, #tpu.memory_space<hbm>> -> memref<200x32xf32, #tpu.memory_space<hbm>>
      tpu.wait_dma2 semaphore(%arg11 : memref<!tpu.dma_semaphore, #tpu.memory_space<semaphore_mem>>) src(%dma_wait3A_293 : memref<200x32xf32, #tpu.memory_space<hbm>>) dst(%dma_wait3A_290 : memref<200x32xf32, #tpu.memory_space<vmem>>)
      %get3A_294 = arith.index_cast %add3A_278 : i32 to index
      %get3A_295 = memref.load %arg9[%get3A_294] : memref<128xi32, #tpu.memory_space<smem>>
      %broadcast_in_dim3A_296 = arith.constant -1.000000e+09 : f32
      %broadcast_in_dim3A_297 = vector.broadcast %broadcast_in_dim3A_296 : f32 to vector<16xf32>
      %jit3A_298 = arith.constant 8 : i32
      %div3A_299 = arith.divsi %get3A_295, %jit3A_298 : i32
      %sign3A_300 = arith.constant 0 : i32
      %sign3A_301 = arith.cmpi sgt, %get3A_295, %sign3A_300 : i32
      %sign3A_302 = arith.extui %sign3A_301 : i1 to i32
      %sign3A_303 = arith.constant 0 : i32
      %sign3A_304 = arith.cmpi slt, %get3A_295, %sign3A_303 : i32
      %sign3A_305 = arith.extui %sign3A_304 : i1 to i32
      %sign3A_306 = arith.subi %sign3A_302, %sign3A_305 : i32
      %sign3A_307 = arith.constant 0 : i32
      %sign3A_308 = arith.cmpi sgt, %jit3A_298, %sign3A_307 : i32
      %sign3A_309 = arith.extui %sign3A_308 : i1 to i32
      %sign3A_310 = arith.constant 0 : i32
      %sign3A_311 = arith.cmpi slt, %jit3A_298, %sign3A_310 : i32
      %sign3A_312 = arith.extui %sign3A_311 : i1 to i32
      %sign3A_313 = arith.subi %sign3A_309, %sign3A_312 : i32
      %ne3A_314 = arith.cmpi ne, %sign3A_306, %sign3A_313 : i32
      %rem3A_315 = arith.remsi %get3A_295, %jit3A_298 : i32
      %ne3A_316 = arith.constant 0 : i32
      %ne3A_317 = arith.cmpi ne, %rem3A_315, %ne3A_316 : i32
      %and3A_318 = arith.andi %ne3A_314, %ne3A_317 : i1
      %sub3A_319 = arith.constant 1 : i32
      %sub3A_320 = arith.subi %div3A_299, %sub3A_319 : i32
      %select_n3A_321 = arith.select %and3A_318, %sub3A_320, %div3A_299 : i32
      %while3A_322 = arith.constant 0 : i32
      %while3A_323 = arith.subi %select_n3A_321, %while3A_322 : i32
      %while3A_324 = arith.addi %while3A_322, %while3A_323 : i32
      %while3A_325 = arith.constant 1 : i32
      %while3A_326 = arith.divsi %while3A_323, %while3A_325 : i32
      %while3A_327 = arith.muli %while3A_326, %while3A_325 : i32
      %while3A_328 = arith.addi %while3A_322, %while3A_327 : i32
      %while3A_329 = arith.constant 1 : i32
      %while3A_330:2 = scf.for %while3A_844 = %while3A_322 to %while3A_328 step %while3A_329 iter_args(%while3A_845 = %broadcast_in_dim3A_297, %while3A_846 = %broadcast_in_dim3A_297) -> (vector<16xf32>, vector<16xf32>)  : i32 {
        %mul3A_847 = arith.constant 8 : i32
        %mul3A_848 = arith.muli %while3A_844, %mul3A_847 : i32
        %add3A_849 = arith.constant 0 : i32
        %add3A_850 = arith.addi %mul3A_848, %add3A_849 : i32
        %get3A_851 = arith.constant 1 : i32
        %get3A_852 = arith.index_cast %get3A_851 : i32 to index
        %get3A_853 = arith.index_cast %add3A_850 : i32 to index
        %get3A_854 = arith.constant 0 : index
        %get3A_855 = tpu.vector_load %arg7[%get3A_852, %get3A_853, %get3A_854] {strides = array<i32>} : memref<8x200x32xf32, #tpu.memory_space<vmem>>, vector<16xf32>,
        %max3A = arith.maximumf %while3A_845, %get3A_855 : vector<16xf32>
        %get3A_856 = arith.constant 1 : i32
        %get3A_857 = arith.index_cast %get3A_856 : i32 to index
        %get3A_858 = arith.index_cast %add3A_850 : i32 to index
        %get3A_859 = arith.constant 16 : index
        %get3A_860 = tpu.vector_load %arg7[%get3A_857, %get3A_858, %get3A_859] {strides = array<i32>} : memref<8x200x32xf32, #tpu.memory_space<vmem>>, vector<16xf32>,
        %max3A_861 = arith.maximumf %while3A_846, %get3A_860 : vector<16xf32>
        %mul3A_862 = arith.constant 8 : i32
        %mul3A_863 = arith.muli %while3A_844, %mul3A_862 : i32
        %add3A_864 = arith.constant 1 : i32
        %add3A_865 = arith.addi %mul3A_863, %add3A_864 : i32
        %get3A_866 = arith.constant 1 : i32
        %get3A_867 = arith.index_cast %get3A_866 : i32 to index
        %get3A_868 = arith.index_cast %add3A_865 : i32 to index
        %get3A_869 = arith.constant 0 : index
        %get3A_870 = tpu.vector_load %arg7[%get3A_867, %get3A_868, %get3A_869] {strides = array<i32>} : memref<8x200x32xf32, #tpu.memory_space<vmem>>, vector<16xf32>,
        %max3A_871 = arith.maximumf %max3A, %get3A_870 : vector<16xf32>
        %get3A_872 = arith.constant 1 : i32
        %get3A_873 = arith.index_cast %get3A_872 : i32 to index
        %get3A_874 = arith.index_cast %add3A_865 : i32 to index
        %get3A_875 = arith.constant 16 : index
        %get3A_876 = tpu.vector_load %arg7[%get3A_873, %get3A_874, %get3A_875] {strides = array<i32>} : memref<8x200x32xf32, #tpu.memory_space<vmem>>, vector<16xf32>,
        %max3A_877 = arith.maximumf %max3A_861, %get3A_876 : vector<16xf32>
        %mul3A_878 = arith.constant 8 : i32
        %mul3A_879 = arith.muli %while3A_844, %mul3A_878 : i32
        %add3A_880 = arith.constant 2 : i32
        %add3A_881 = arith.addi %mul3A_879, %add3A_880 : i32
        %get3A_882 = arith.constant 1 : i32
        %get3A_883 = arith.index_cast %get3A_882 : i32 to index
        %get3A_884 = arith.index_cast %add3A_881 : i32 to index
        %get3A_885 = arith.constant 0 : index
        %get3A_886 = tpu.vector_load %arg7[%get3A_883, %get3A_884, %get3A_885] {strides = array<i32>} : memref<8x200x32xf32, #tpu.memory_space<vmem>>, vector<16xf32>,
        %max3A_887 = arith.maximumf %max3A_871, %get3A_886 : vector<16xf32>
        %get3A_888 = arith.constant 1 : i32
        %get3A_889 = arith.index_cast %get3A_888 : i32 to index
        %get3A_890 = arith.index_cast %add3A_881 : i32 to index
        %get3A_891 = arith.constant 16 : index
        %get3A_892 = tpu.vector_load %arg7[%get3A_889, %get3A_890, %get3A_891] {strides = array<i32>} : memref<8x200x32xf32, #tpu.memory_space<vmem>>, vector<16xf32>,
        %max3A_893 = arith.maximumf %max3A_877, %get3A_892 : vector<16xf32>
        %mul3A_894 = arith.constant 8 : i32
        %mul3A_895 = arith.muli %while3A_844, %mul3A_894 : i32
        %add3A_896 = arith.constant 3 : i32
        %add3A_897 = arith.addi %mul3A_895, %add3A_896 : i32
        %get3A_898 = arith.constant 1 : i32
        %get3A_899 = arith.index_cast %get3A_898 : i32 to index
        %get3A_900 = arith.index_cast %add3A_897 : i32 to index
        %get3A_901 = arith.constant 0 : index
        %get3A_902 = tpu.vector_load %arg7[%get3A_899, %get3A_900, %get3A_901] {strides = array<i32>} : memref<8x200x32xf32, #tpu.memory_space<vmem>>, vector<16xf32>,
        %max3A_903 = arith.maximumf %max3A_887, %get3A_902 : vector<16xf32>
        %get3A_904 = arith.constant 1 : i32
        %get3A_905 = arith.index_cast %get3A_904 : i32 to index
        %get3A_906 = arith.index_cast %add3A_897 : i32 to index
        %get3A_907 = arith.constant 16 : index
        %get3A_908 = tpu.vector_load %arg7[%get3A_905, %get3A_906, %get3A_907] {strides = array<i32>} : memref<8x200x32xf32, #tpu.memory_space<vmem>>, vector<16xf32>,
        %max3A_909 = arith.maximumf %max3A_893, %get3A_908 : vector<16xf32>
        %mul3A_910 = arith.constant 8 : i32
        %mul3A_911 = arith.muli %while3A_844, %mul3A_910 : i32
        %add3A_912 = arith.constant 4 : i32
        %add3A_913 = arith.addi %mul3A_911, %add3A_912 : i32
        %get3A_914 = arith.constant 1 : i32
        %get3A_915 = arith.index_cast %get3A_914 : i32 to index
        %get3A_916 = arith.index_cast %add3A_913 : i32 to index
        %get3A_917 = arith.constant 0 : index
        %get3A_918 = tpu.vector_load %arg7[%get3A_915, %get3A_916, %get3A_917] {strides = array<i32>} : memref<8x200x32xf32, #tpu.memory_space<vmem>>, vector<16xf32>,
        %max3A_919 = arith.maximumf %max3A_903, %get3A_918 : vector<16xf32>
        %get3A_920 = arith.constant 1 : i32
        %get3A_921 = arith.index_cast %get3A_920 : i32 to index
        %get3A_922 = arith.index_cast %add3A_913 : i32 to index
        %get3A_923 = arith.constant 16 : index
        %get3A_924 = tpu.vector_load %arg7[%get3A_921, %get3A_922, %get3A_923] {strides = array<i32>} : memref<8x200x32xf32, #tpu.memory_space<vmem>>, vector<16xf32>,
        %max3A_925 = arith.maximumf %max3A_909, %get3A_924 : vector<16xf32>
        %mul3A_926 = arith.constant 8 : i32
        %mul3A_927 = arith.muli %while3A_844, %mul3A_926 : i32
        %add3A_928 = arith.constant 5 : i32
        %add3A_929 = arith.addi %mul3A_927, %add3A_928 : i32
        %get3A_930 = arith.constant 1 : i32
        %get3A_931 = arith.index_cast %get3A_930 : i32 to index
        %get3A_932 = arith.index_cast %add3A_929 : i32 to index
        %get3A_933 = arith.constant 0 : index
        %get3A_934 = tpu.vector_load %arg7[%get3A_931, %get3A_932, %get3A_933] {strides = array<i32>} : memref<8x200x32xf32, #tpu.memory_space<vmem>>, vector<16xf32>,
        %max3A_935 = arith.maximumf %max3A_919, %get3A_934 : vector<16xf32>
        %get3A_936 = arith.constant 1 : i32
        %get3A_937 = arith.index_cast %get3A_936 : i32 to index
        %get3A_938 = arith.index_cast %add3A_929 : i32 to index
        %get3A_939 = arith.constant 16 : index
        %get3A_940 = tpu.vector_load %arg7[%get3A_937, %get3A_938, %get3A_939] {strides = array<i32>} : memref<8x200x32xf32, #tpu.memory_space<vmem>>, vector<16xf32>,
        %max3A_941 = arith.maximumf %max3A_925, %get3A_940 : vector<16xf32>
        %mul3A_942 = arith.constant 8 : i32
        %mul3A_943 = arith.muli %while3A_844, %mul3A_942 : i32
        %add3A_944 = arith.constant 6 : i32
        %add3A_945 = arith.addi %mul3A_943, %add3A_944 : i32
        %get3A_946 = arith.constant 1 : i32
        %get3A_947 = arith.index_cast %get3A_946 : i32 to index
        %get3A_948 = arith.index_cast %add3A_945 : i32 to index
        %get3A_949 = arith.constant 0 : index
        %get3A_950 = tpu.vector_load %arg7[%get3A_947, %get3A_948, %get3A_949] {strides = array<i32>} : memref<8x200x32xf32, #tpu.memory_space<vmem>>, vector<16xf32>,
        %max3A_951 = arith.maximumf %max3A_935, %get3A_950 : vector<16xf32>
        %get3A_952 = arith.constant 1 : i32
        %get3A_953 = arith.index_cast %get3A_952 : i32 to index
        %get3A_954 = arith.index_cast %add3A_945 : i32 to index
        %get3A_955 = arith.constant 16 : index
        %get3A_956 = tpu.vector_load %arg7[%get3A_953, %get3A_954, %get3A_955] {strides = array<i32>} : memref<8x200x32xf32, #tpu.memory_space<vmem>>, vector<16xf32>,
        %max3A_957 = arith.maximumf %max3A_941, %get3A_956 : vector<16xf32>
        %mul3A_958 = arith.constant 8 : i32
        %mul3A_959 = arith.muli %while3A_844, %mul3A_958 : i32
        %add3A_960 = arith.constant 7 : i32
        %add3A_961 = arith.addi %mul3A_959, %add3A_960 : i32
        %get3A_962 = arith.constant 1 : i32
        %get3A_963 = arith.index_cast %get3A_962 : i32 to index
        %get3A_964 = arith.index_cast %add3A_961 : i32 to index
        %get3A_965 = arith.constant 0 : index
        %get3A_966 = tpu.vector_load %arg7[%get3A_963, %get3A_964, %get3A_965] {strides = array<i32>} : memref<8x200x32xf32, #tpu.memory_space<vmem>>, vector<16xf32>,
        %max3A_967 = arith.maximumf %max3A_951, %get3A_966 : vector<16xf32>
        %get3A_968 = arith.constant 1 : i32
        %get3A_969 = arith.index_cast %get3A_968 : i32 to index
        %get3A_970 = arith.index_cast %add3A_961 : i32 to index
        %get3A_971 = arith.constant 16 : index
        %get3A_972 = tpu.vector_load %arg7[%get3A_969, %get3A_970, %get3A_971] {strides = array<i32>} : memref<8x200x32xf32, #tpu.memory_space<vmem>>, vector<16xf32>,
        %max3A_973 = arith.maximumf %max3A_957, %get3A_972 : vector<16xf32>
        scf.yield %max3A_967, %max3A_973 : vector<16xf32>, vector<16xf32>
      }
      %while3A_331 = arith.constant 1 : i32
      %while3A_332:2 = scf.for %while3A_844 = %while3A_328 to %while3A_324 step %while3A_331 iter_args(%while3A_845 = %while3A_330#0, %while3A_846 = %while3A_330#1) -> (vector<16xf32>, vector<16xf32>)  : i32 {
        %mul3A_847 = arith.constant 8 : i32
        %mul3A_848 = arith.muli %while3A_844, %mul3A_847 : i32
        %add3A_849 = arith.constant 0 : i32
        %add3A_850 = arith.addi %mul3A_848, %add3A_849 : i32
        %get3A_851 = arith.constant 1 : i32
        %get3A_852 = arith.index_cast %get3A_851 : i32 to index
        %get3A_853 = arith.index_cast %add3A_850 : i32 to index
        %get3A_854 = arith.constant 0 : index
        %get3A_855 = tpu.vector_load %arg7[%get3A_852, %get3A_853, %get3A_854] {strides = array<i32>} : memref<8x200x32xf32, #tpu.memory_space<vmem>>, vector<16xf32>,
        %max3A = arith.maximumf %while3A_845, %get3A_855 : vector<16xf32>
        %get3A_856 = arith.constant 1 : i32
        %get3A_857 = arith.index_cast %get3A_856 : i32 to index
        %get3A_858 = arith.index_cast %add3A_850 : i32 to index
        %get3A_859 = arith.constant 16 : index
        %get3A_860 = tpu.vector_load %arg7[%get3A_857, %get3A_858, %get3A_859] {strides = array<i32>} : memref<8x200x32xf32, #tpu.memory_space<vmem>>, vector<16xf32>,
        %max3A_861 = arith.maximumf %while3A_846, %get3A_860 : vector<16xf32>
        %mul3A_862 = arith.constant 8 : i32
        %mul3A_863 = arith.muli %while3A_844, %mul3A_862 : i32
        %add3A_864 = arith.constant 1 : i32
        %add3A_865 = arith.addi %mul3A_863, %add3A_864 : i32
        %get3A_866 = arith.constant 1 : i32
        %get3A_867 = arith.index_cast %get3A_866 : i32 to index
        %get3A_868 = arith.index_cast %add3A_865 : i32 to index
        %get3A_869 = arith.constant 0 : index
        %get3A_870 = tpu.vector_load %arg7[%get3A_867, %get3A_868, %get3A_869] {strides = array<i32>} : memref<8x200x32xf32, #tpu.memory_space<vmem>>, vector<16xf32>,
        %max3A_871 = arith.maximumf %max3A, %get3A_870 : vector<16xf32>
        %get3A_872 = arith.constant 1 : i32
        %get3A_873 = arith.index_cast %get3A_872 : i32 to index
        %get3A_874 = arith.index_cast %add3A_865 : i32 to index
        %get3A_875 = arith.constant 16 : index
        %get3A_876 = tpu.vector_load %arg7[%get3A_873, %get3A_874, %get3A_875] {strides = array<i32>} : memref<8x200x32xf32, #tpu.memory_space<vmem>>, vector<16xf32>,
        %max3A_877 = arith.maximumf %max3A_861, %get3A_876 : vector<16xf32>
        %mul3A_878 = arith.constant 8 : i32
        %mul3A_879 = arith.muli %while3A_844, %mul3A_878 : i32
        %add3A_880 = arith.constant 2 : i32
        %add3A_881 = arith.addi %mul3A_879, %add3A_880 : i32
        %get3A_882 = arith.constant 1 : i32
        %get3A_883 = arith.index_cast %get3A_882 : i32 to index
        %get3A_884 = arith.index_cast %add3A_881 : i32 to index
        %get3A_885 = arith.constant 0 : index
        %get3A_886 = tpu.vector_load %arg7[%get3A_883, %get3A_884, %get3A_885] {strides = array<i32>} : memref<8x200x32xf32, #tpu.memory_space<vmem>>, vector<16xf32>,
        %max3A_887 = arith.maximumf %max3A_871, %get3A_886 : vector<16xf32>
        %get3A_888 = arith.constant 1 : i32
        %get3A_889 = arith.index_cast %get3A_888 : i32 to index
        %get3A_890 = arith.index_cast %add3A_881 : i32 to index
        %get3A_891 = arith.constant 16 : index
        %get3A_892 = tpu.vector_load %arg7[%get3A_889, %get3A_890, %get3A_891] {strides = array<i32>} : memref<8x200x32xf32, #tpu.memory_space<vmem>>, vector<16xf32>,
        %max3A_893 = arith.maximumf %max3A_877, %get3A_892 : vector<16xf32>
        %mul3A_894 = arith.constant 8 : i32
        %mul3A_895 = arith.muli %while3A_844, %mul3A_894 : i32
        %add3A_896 = arith.constant 3 : i32
        %add3A_897 = arith.addi %mul3A_895, %add3A_896 : i32
        %get3A_898 = arith.constant 1 : i32
        %get3A_899 = arith.index_cast %get3A_898 : i32 to index
        %get3A_900 = arith.index_cast %add3A_897 : i32 to index
        %get3A_901 = arith.constant 0 : index
        %get3A_902 = tpu.vector_load %arg7[%get3A_899, %get3A_900, %get3A_901] {strides = array<i32>} : memref<8x200x32xf32, #tpu.memory_space<vmem>>, vector<16xf32>,
        %max3A_903 = arith.maximumf %max3A_887, %get3A_902 : vector<16xf32>
        %get3A_904 = arith.constant 1 : i32
        %get3A_905 = arith.index_cast %get3A_904 : i32 to index
        %get3A_906 = arith.index_cast %add3A_897 : i32 to index
        %get3A_907 = arith.constant 16 : index
        %get3A_908 = tpu.vector_load %arg7[%get3A_905, %get3A_906, %get3A_907] {strides = array<i32>} : memref<8x200x32xf32, #tpu.memory_space<vmem>>, vector<16xf32>,
        %max3A_909 = arith.maximumf %max3A_893, %get3A_908 : vector<16xf32>
        %mul3A_910 = arith.constant 8 : i32
        %mul3A_911 = arith.muli %while3A_844, %mul3A_910 : i32
        %add3A_912 = arith.constant 4 : i32
        %add3A_913 = arith.addi %mul3A_911, %add3A_912 : i32
        %get3A_914 = arith.constant 1 : i32
        %get3A_915 = arith.index_cast %get3A_914 : i32 to index
        %get3A_916 = arith.index_cast %add3A_913 : i32 to index
        %get3A_917 = arith.constant 0 : index
        %get3A_918 = tpu.vector_load %arg7[%get3A_915, %get3A_916, %get3A_917] {strides = array<i32>} : memref<8x200x32xf32, #tpu.memory_space<vmem>>, vector<16xf32>,
        %max3A_919 = arith.maximumf %max3A_903, %get3A_918 : vector<16xf32>
        %get3A_920 = arith.constant 1 : i32
        %get3A_921 = arith.index_cast %get3A_920 : i32 to index
        %get3A_922 = arith.index_cast %add3A_913 : i32 to index
        %get3A_923 = arith.constant 16 : index
        %get3A_924 = tpu.vector_load %arg7[%get3A_921, %get3A_922, %get3A_923] {strides = array<i32>} : memref<8x200x32xf32, #tpu.memory_space<vmem>>, vector<16xf32>,
        %max3A_925 = arith.maximumf %max3A_909, %get3A_924 : vector<16xf32>
        %mul3A_926 = arith.constant 8 : i32
        %mul3A_927 = arith.muli %while3A_844, %mul3A_926 : i32
        %add3A_928 = arith.constant 5 : i32
        %add3A_929 = arith.addi %mul3A_927, %add3A_928 : i32
        %get3A_930 = arith.constant 1 : i32
        %get3A_931 = arith.index_cast %get3A_930 : i32 to index
        %get3A_932 = arith.index_cast %add3A_929 : i32 to index
        %get3A_933 = arith.constant 0 : index
        %get3A_934 = tpu.vector_load %arg7[%get3A_931, %get3A_932, %get3A_933] {strides = array<i32>} : memref<8x200x32xf32, #tpu.memory_space<vmem>>, vector<16xf32>,
        %max3A_935 = arith.maximumf %max3A_919, %get3A_934 : vector<16xf32>
        %get3A_936 = arith.constant 1 : i32
        %get3A_937 = arith.index_cast %get3A_936 : i32 to index
        %get3A_938 = arith.index_cast %add3A_929 : i32 to index
        %get3A_939 = arith.constant 16 : index
        %get3A_940 = tpu.vector_load %arg7[%get3A_937, %get3A_938, %get3A_939] {strides = array<i32>} : memref<8x200x32xf32, #tpu.memory_space<vmem>>, vector<16xf32>,
        %max3A_941 = arith.maximumf %max3A_925, %get3A_940 : vector<16xf32>
        %mul3A_942 = arith.constant 8 : i32
        %mul3A_943 = arith.muli %while3A_844, %mul3A_942 : i32
        %add3A_944 = arith.constant 6 : i32
        %add3A_945 = arith.addi %mul3A_943, %add3A_944 : i32
        %get3A_946 = arith.constant 1 : i32
        %get3A_947 = arith.index_cast %get3A_946 : i32 to index
        %get3A_948 = arith.index_cast %add3A_945 : i32 to index
        %get3A_949 = arith.constant 0 : index
        %get3A_950 = tpu.vector_load %arg7[%get3A_947, %get3A_948, %get3A_949] {strides = array<i32>} : memref<8x200x32xf32, #tpu.memory_space<vmem>>, vector<16xf32>,
        %max3A_951 = arith.maximumf %max3A_935, %get3A_950 : vector<16xf32>
        %get3A_952 = arith.constant 1 : i32
        %get3A_953 = arith.index_cast %get3A_952 : i32 to index
        %get3A_954 = arith.index_cast %add3A_945 : i32 to index
        %get3A_955 = arith.constant 16 : index
        %get3A_956 = tpu.vector_load %arg7[%get3A_953, %get3A_954, %get3A_955] {strides = array<i32>} : memref<8x200x32xf32, #tpu.memory_space<vmem>>, vector<16xf32>,
        %max3A_957 = arith.maximumf %max3A_941, %get3A_956 : vector<16xf32>
        %mul3A_958 = arith.constant 8 : i32
        %mul3A_959 = arith.muli %while3A_844, %mul3A_958 : i32
        %add3A_960 = arith.constant 7 : i32
        %add3A_961 = arith.addi %mul3A_959, %add3A_960 : i32
        %get3A_962 = arith.constant 1 : i32
        %get3A_963 = arith.index_cast %get3A_962 : i32 to index
        %get3A_964 = arith.index_cast %add3A_961 : i32 to index
        %get3A_965 = arith.constant 0 : index
        %get3A_966 = tpu.vector_load %arg7[%get3A_963, %get3A_964, %get3A_965] {strides = array<i32>} : memref<8x200x32xf32, #tpu.memory_space<vmem>>, vector<16xf32>,
        %max3A_967 = arith.maximumf %max3A_951, %get3A_966 : vector<16xf32>
        %get3A_968 = arith.constant 1 : i32
        %get3A_969 = arith.index_cast %get3A_968 : i32 to index
        %get3A_970 = arith.index_cast %add3A_961 : i32 to index
        %get3A_971 = arith.constant 16 : index
        %get3A_972 = tpu.vector_load %arg7[%get3A_969, %get3A_970, %get3A_971] {strides = array<i32>} : memref<8x200x32xf32, #tpu.memory_space<vmem>>, vector<16xf32>,
        %max3A_973 = arith.maximumf %max3A_957, %get3A_972 : vector<16xf32>
        scf.yield %max3A_967, %max3A_973 : vector<16xf32>, vector<16xf32>
      }
      %mul3A_333 = arith.constant 8 : i32
      %mul3A_334 = arith.muli %select_n3A_321, %mul3A_333 : i32
      %while3A_335 = arith.subi %get3A_295, %mul3A_334 : i32
      %while3A_336 = arith.addi %mul3A_334, %while3A_335 : i32
      %while3A_337 = arith.constant 1 : i32
      %while3A_338 = arith.divsi %while3A_335, %while3A_337 : i32
      %while3A_339 = arith.muli %while3A_338, %while3A_337 : i32
      %while3A_340 = arith.addi %mul3A_334, %while3A_339 : i32
      %while3A_341 = arith.constant 1 : i32
      %while3A_342:2 = scf.for %while3A_844 = %mul3A_334 to %while3A_340 step %while3A_341 iter_args(%while3A_845 = %while3A_332#0, %while3A_846 = %while3A_332#1) -> (vector<16xf32>, vector<16xf32>)  : i32 {
        %get3A_847 = arith.constant 1 : i32
        %get3A_848 = arith.index_cast %get3A_847 : i32 to index
        %get3A_849 = arith.index_cast %while3A_844 : i32 to index
        %get3A_850 = arith.constant 0 : index
        %get3A_851 = tpu.vector_load %arg7[%get3A_848, %get3A_849, %get3A_850] {strides = array<i32>} : memref<8x200x32xf32, #tpu.memory_space<vmem>>, vector<16xf32>,
        %max3A = arith.maximumf %while3A_845, %get3A_851 : vector<16xf32>
        %get3A_852 = arith.constant 1 : i32
        %get3A_853 = arith.index_cast %get3A_852 : i32 to index
        %get3A_854 = arith.index_cast %while3A_844 : i32 to index
        %get3A_855 = arith.constant 16 : index
        %get3A_856 = tpu.vector_load %arg7[%get3A_853, %get3A_854, %get3A_855] {strides = array<i32>} : memref<8x200x32xf32, #tpu.memory_space<vmem>>, vector<16xf32>,
        %max3A_857 = arith.maximumf %while3A_846, %get3A_856 : vector<16xf32>
        scf.yield %max3A, %max3A_857 : vector<16xf32>, vector<16xf32>
      }
      %while3A_343 = arith.constant 1 : i32
      %while3A_344:2 = scf.for %while3A_844 = %while3A_340 to %while3A_336 step %while3A_343 iter_args(%while3A_845 = %while3A_342#0, %while3A_846 = %while3A_342#1) -> (vector<16xf32>, vector<16xf32>)  : i32 {
        %get3A_847 = arith.constant 1 : i32
        %get3A_848 = arith.index_cast %get3A_847 : i32 to index
        %get3A_849 = arith.index_cast %while3A_844 : i32 to index
        %get3A_850 = arith.constant 0 : index
        %get3A_851 = tpu.vector_load %arg7[%get3A_848, %get3A_849, %get3A_850] {strides = array<i32>} : memref<8x200x32xf32, #tpu.memory_space<vmem>>, vector<16xf32>,
        %max3A = arith.maximumf %while3A_845, %get3A_851 : vector<16xf32>
        %get3A_852 = arith.constant 1 : i32
        %get3A_853 = arith.index_cast %get3A_852 : i32 to index
        %get3A_854 = arith.index_cast %while3A_844 : i32 to index
        %get3A_855 = arith.constant 16 : index
        %get3A_856 = tpu.vector_load %arg7[%get3A_853, %get3A_854, %get3A_855] {strides = array<i32>} : memref<8x200x32xf32, #tpu.memory_space<vmem>>, vector<16xf32>,
        %max3A_857 = arith.maximumf %while3A_846, %get3A_856 : vector<16xf32>
        scf.yield %max3A, %max3A_857 : vector<16xf32>, vector<16xf32>
      }
      %swap3A_345 = arith.index_cast %add3A_278 : i32 to index
      %swap3A_346 = arith.constant 0 : index
      %swap3A_347 = tpu.vector_load %arg8[%swap3A_345, %swap3A_346] {strides = array<i32>} : memref<128x32xf32, #tpu.memory_space<vmem>>, vector<16xf32>,
      tpu.vector_store %arg8[%swap3A_345, %swap3A_346], %while3A_344#0 {strides = array<i32>} : memref<128x32xf32, #tpu.memory_space<vmem>>, vector<16xf32>,
      %swap3A_348 = arith.index_cast %add3A_278 : i32 to index
      %swap3A_349 = arith.constant 16 : index
      %swap3A_350 = tpu.vector_load %arg8[%swap3A_348, %swap3A_349] {strides = array<i32>} : memref<128x32xf32, #tpu.memory_space<vmem>>, vector<16xf32>,
      tpu.vector_store %arg8[%swap3A_348, %swap3A_349], %while3A_344#1 {strides = array<i32>} : memref<128x32xf32, #tpu.memory_space<vmem>>, vector<16xf32>,
      %add3A_351 = arith.constant 8 : i32
      %add3A_352 = arith.addi %add3A_278, %add3A_351 : i32
      %lt3A_353 = arith.constant 128 : i32
      %lt3A_354 = arith.cmpi slt, %add3A_352, %lt3A_353 : i32
      %convert_element_type3A_355 = arith.extui %lt3A_354 : i1 to i32
      %cond3A_356 = arith.constant 0 : i32
      %cond3A_357 = arith.cmpi ne, %convert_element_type3A_355, %cond3A_356 : i32
      scf.if %cond3A_357 {
        %add3A_844 = arith.constant 8 : i32
        %add3A_845 = arith.addi %add3A_278, %add3A_844 : i32
        %dma_start3A_846 = arith.constant 1 : i32
        %dma_start3A_847 = arith.constant 0 : i32
        %dma_start3A_848 = arith.constant 0 : i32
        %dma_start3A_849 = tpu.memref_slice %arg7[%dma_start3A_846, %dma_start3A_847, %dma_start3A_848] : memref<8x200x32xf32, #tpu.memory_space<vmem>> -> memref<1x128x32xf32, #tpu.memory_space<vmem>>
        %dma_start3A_850 = tpu.memref_squeeze %dma_start3A_849 : memref<1x128x32xf32, #tpu.memory_space<vmem>> -> memref<128x32xf32, #tpu.memory_space<vmem>>
        %dma_start3A_851 = arith.constant 0 : i32
        %dma_start3A_852 = tpu.memref_slice %arg6[%add3A_845, %dma_start3A_851] : memref<128x208xi32, #tpu.memory_space<vmem>> -> memref<1x128xi32, #tpu.memory_space<vmem>>
        %dma_start3A_853 = tpu.memref_squeeze %dma_start3A_852 : memref<1x128xi32, #tpu.memory_space<vmem>> -> memref<128xi32, #tpu.memory_space<vmem>>
        %dma_start3A_854 = arith.constant 0 : i32
        %dma_start3A_855 = arith.constant 0 : i32
        %dma_start3A_856 = tpu.memref_slice %arg3[%dma_start3A_854, %dma_start3A_855] : memref<1048576x32xf32, #tpu.memory_space<hbm>> -> memref<1048576x32xf32, #tpu.memory_space<hbm>>
        tpu.enqueue_indirect_dma source(%dma_start3A_856 : memref<1048576x32xf32, #tpu.memory_space<hbm>>) target(%dma_start3A_850 : memref<128x32xf32, #tpu.memory_space<vmem>>) offsets(%dma_start3A_853 : memref<128xi32, #tpu.memory_space<vmem>>) semaphore(%arg11 : memref<!tpu.dma_semaphore, #tpu.memory_space<semaphore_mem>>)
        %dma_start3A_857 = arith.constant 1 : i32
        %dma_start3A_858 = arith.constant 128 : i32
        %dma_start3A_859 = arith.constant 0 : i32
        %dma_start3A_860 = tpu.memref_slice %arg7[%dma_start3A_857, %dma_start3A_858, %dma_start3A_859] : memref<8x200x32xf32, #tpu.memory_space<vmem>> -> memref<1x72x32xf32, #tpu.memory_space<vmem>>
        %dma_start3A_861 = tpu.memref_squeeze %dma_start3A_860 : memref<1x72x32xf32, #tpu.memory_space<vmem>> -> memref<72x32xf32, #tpu.memory_space<vmem>>
        %dma_start3A_862 = arith.constant 128 : i32
        %dma_start3A_863 = tpu.memref_slice %arg6[%add3A_845, %dma_start3A_862] : memref<128x208xi32, #tpu.memory_space<vmem>> -> memref<1x72xi32, #tpu.memory_space<vmem>>
        %dma_start3A_864 = tpu.memref_squeeze %dma_start3A_863 : memref<1x72xi32, #tpu.memory_space<vmem>> -> memref<72xi32, #tpu.memory_space<vmem>>
        %dma_start3A_865 = arith.constant 0 : i32
        %dma_start3A_866 = arith.constant 0 : i32
        %dma_start3A_867 = tpu.memref_slice %arg3[%dma_start3A_865, %dma_start3A_866] : memref<1048576x32xf32, #tpu.memory_space<hbm>> -> memref<1048576x32xf32, #tpu.memory_space<hbm>>
        tpu.enqueue_indirect_dma source(%dma_start3A_867 : memref<1048576x32xf32, #tpu.memory_space<hbm>>) target(%dma_start3A_861 : memref<72x32xf32, #tpu.memory_space<vmem>>) offsets(%dma_start3A_864 : memref<72xi32, #tpu.memory_space<vmem>>) semaphore(%arg11 : memref<!tpu.dma_semaphore, #tpu.memory_space<semaphore_mem>>)
      } else {
      }
      %add3A_358 = arith.constant 2 : i32
      %add3A_359 = arith.addi %add3A_210, %add3A_358 : i32
      %dma_wait3A_360 = arith.constant 2 : i32
      %dma_wait3A_361 = arith.constant 0 : i32
      %dma_wait3A_362 = arith.constant 0 : i32
      %dma_wait3A_363 = tpu.memref_slice %arg7[%dma_wait3A_360, %dma_wait3A_361, %dma_wait3A_362] : memref<8x200x32xf32, #tpu.memory_space<vmem>> -> memref<1x200x32xf32, #tpu.memory_space<vmem>>
      %dma_wait3A_364 = tpu.memref_squeeze %dma_wait3A_363 : memref<1x200x32xf32, #tpu.memory_space<vmem>> -> memref<200x32xf32, #tpu.memory_space<vmem>>
      %dma_wait3A_365 = arith.constant 0 : i32
      %dma_wait3A_366 = arith.constant 0 : i32
      %dma_wait3A_367 = tpu.memref_slice %arg3[%dma_wait3A_365, %dma_wait3A_366] : memref<1048576x32xf32, #tpu.memory_space<hbm>> -> memref<200x32xf32, #tpu.memory_space<hbm>>
      %dma_wait3A_368 = arith.constant 0 : i32
      %dma_wait3A_369 = arith.constant 0 : i32
      %dma_wait3A_370 = tpu.memref_slice %arg7[%dma_wait3A_360, %dma_wait3A_368, %dma_wait3A_369] : memref<8x200x32xf32, #tpu.memory_space<vmem>> -> memref<1x200x32xf32, #tpu.memory_space<vmem>>
      %dma_wait3A_371 = tpu.memref_squeeze %dma_wait3A_370 : memref<1x200x32xf32, #tpu.memory_space<vmem>> -> memref<200x32xf32, #tpu.memory_space<vmem>>
      %dma_wait3A_372 = arith.constant 0 : i32
      %dma_wait3A_373 = arith.constant 0 : i32
      %dma_wait3A_374 = tpu.memref_slice %arg3[%dma_wait3A_372, %dma_wait3A_373] : memref<1048576x32xf32, #tpu.memory_space<hbm>> -> memref<200x32xf32, #tpu.memory_space<hbm>>
      tpu.wait_dma2 semaphore(%arg12 : memref<!tpu.dma_semaphore, #tpu.memory_space<semaphore_mem>>) src(%dma_wait3A_374 : memref<200x32xf32, #tpu.memory_space<hbm>>) dst(%dma_wait3A_371 : memref<200x32xf32, #tpu.memory_space<vmem>>)
      %get3A_375 = arith.index_cast %add3A_359 : i32 to index
      %get3A_376 = memref.load %arg9[%get3A_375] : memref<128xi32, #tpu.memory_space<smem>>
      %broadcast_in_dim3A_377 = arith.constant -1.000000e+09 : f32
      %broadcast_in_dim3A_378 = vector.broadcast %broadcast_in_dim3A_377 : f32 to vector<16xf32>
      %jit3A_379 = arith.constant 8 : i32
      %div3A_380 = arith.divsi %get3A_376, %jit3A_379 : i32
      %sign3A_381 = arith.constant 0 : i32
      %sign3A_382 = arith.cmpi sgt, %get3A_376, %sign3A_381 : i32
      %sign3A_383 = arith.extui %sign3A_382 : i1 to i32
      %sign3A_384 = arith.constant 0 : i32
      %sign3A_385 = arith.cmpi slt, %get3A_376, %sign3A_384 : i32
      %sign3A_386 = arith.extui %sign3A_385 : i1 to i32
      %sign3A_387 = arith.subi %sign3A_383, %sign3A_386 : i32
      %sign3A_388 = arith.constant 0 : i32
      %sign3A_389 = arith.cmpi sgt, %jit3A_379, %sign3A_388 : i32
      %sign3A_390 = arith.extui %sign3A_389 : i1 to i32
      %sign3A_391 = arith.constant 0 : i32
      %sign3A_392 = arith.cmpi slt, %jit3A_379, %sign3A_391 : i32
      %sign3A_393 = arith.extui %sign3A_392 : i1 to i32
      %sign3A_394 = arith.subi %sign3A_390, %sign3A_393 : i32
      %ne3A_395 = arith.cmpi ne, %sign3A_387, %sign3A_394 : i32
      %rem3A_396 = arith.remsi %get3A_376, %jit3A_379 : i32
      %ne3A_397 = arith.constant 0 : i32
      %ne3A_398 = arith.cmpi ne, %rem3A_396, %ne3A_397 : i32
      %and3A_399 = arith.andi %ne3A_395, %ne3A_398 : i1
      %sub3A_400 = arith.constant 1 : i32
      %sub3A_401 = arith.subi %div3A_380, %sub3A_400 : i32
      %select_n3A_402 = arith.select %and3A_399, %sub3A_401, %div3A_380 : i32
      %while3A_403 = arith.constant 0 : i32
      %while3A_404 = arith.subi %select_n3A_402, %while3A_403 : i32
      %while3A_405 = arith.addi %while3A_403, %while3A_404 : i32
      %while3A_406 = arith.constant 1 : i32
      %while3A_407 = arith.divsi %while3A_404, %while3A_406 : i32
      %while3A_408 = arith.muli %while3A_407, %while3A_406 : i32
      %while3A_409 = arith.addi %while3A_403, %while3A_408 : i32
      %while3A_410 = arith.constant 1 : i32
      %while3A_411:2 = scf.for %while3A_844 = %while3A_403 to %while3A_409 step %while3A_410 iter_args(%while3A_845 = %broadcast_in_dim3A_378, %while3A_846 = %broadcast_in_dim3A_378) -> (vector<16xf32>, vector<16xf32>)  : i32 {
        %mul3A_847 = arith.constant 8 : i32
        %mul3A_848 = arith.muli %while3A_844, %mul3A_847 : i32
        %add3A_849 = arith.constant 0 : i32
        %add3A_850 = arith.addi %mul3A_848, %add3A_849 : i32
        %get3A_851 = arith.constant 2 : i32
        %get3A_852 = arith.index_cast %get3A_851 : i32 to index
        %get3A_853 = arith.index_cast %add3A_850 : i32 to index
        %get3A_854 = arith.constant 0 : index
        %get3A_855 = tpu.vector_load %arg7[%get3A_852, %get3A_853, %get3A_854] {strides = array<i32>} : memref<8x200x32xf32, #tpu.memory_space<vmem>>, vector<16xf32>,
        %max3A = arith.maximumf %while3A_845, %get3A_855 : vector<16xf32>
        %get3A_856 = arith.constant 2 : i32
        %get3A_857 = arith.index_cast %get3A_856 : i32 to index
        %get3A_858 = arith.index_cast %add3A_850 : i32 to index
        %get3A_859 = arith.constant 16 : index
        %get3A_860 = tpu.vector_load %arg7[%get3A_857, %get3A_858, %get3A_859] {strides = array<i32>} : memref<8x200x32xf32, #tpu.memory_space<vmem>>, vector<16xf32>,
        %max3A_861 = arith.maximumf %while3A_846, %get3A_860 : vector<16xf32>
        %mul3A_862 = arith.constant 8 : i32
        %mul3A_863 = arith.muli %while3A_844, %mul3A_862 : i32
        %add3A_864 = arith.constant 1 : i32
        %add3A_865 = arith.addi %mul3A_863, %add3A_864 : i32
        %get3A_866 = arith.constant 2 : i32
        %get3A_867 = arith.index_cast %get3A_866 : i32 to index
        %get3A_868 = arith.index_cast %add3A_865 : i32 to index
        %get3A_869 = arith.constant 0 : index
        %get3A_870 = tpu.vector_load %arg7[%get3A_867, %get3A_868, %get3A_869] {strides = array<i32>} : memref<8x200x32xf32, #tpu.memory_space<vmem>>, vector<16xf32>,
        %max3A_871 = arith.maximumf %max3A, %get3A_870 : vector<16xf32>
        %get3A_872 = arith.constant 2 : i32
        %get3A_873 = arith.index_cast %get3A_872 : i32 to index
        %get3A_874 = arith.index_cast %add3A_865 : i32 to index
        %get3A_875 = arith.constant 16 : index
        %get3A_876 = tpu.vector_load %arg7[%get3A_873, %get3A_874, %get3A_875] {strides = array<i32>} : memref<8x200x32xf32, #tpu.memory_space<vmem>>, vector<16xf32>,
        %max3A_877 = arith.maximumf %max3A_861, %get3A_876 : vector<16xf32>
        %mul3A_878 = arith.constant 8 : i32
        %mul3A_879 = arith.muli %while3A_844, %mul3A_878 : i32
        %add3A_880 = arith.constant 2 : i32
        %add3A_881 = arith.addi %mul3A_879, %add3A_880 : i32
        %get3A_882 = arith.constant 2 : i32
        %get3A_883 = arith.index_cast %get3A_882 : i32 to index
        %get3A_884 = arith.index_cast %add3A_881 : i32 to index
        %get3A_885 = arith.constant 0 : index
        %get3A_886 = tpu.vector_load %arg7[%get3A_883, %get3A_884, %get3A_885] {strides = array<i32>} : memref<8x200x32xf32, #tpu.memory_space<vmem>>, vector<16xf32>,
        %max3A_887 = arith.maximumf %max3A_871, %get3A_886 : vector<16xf32>
        %get3A_888 = arith.constant 2 : i32
        %get3A_889 = arith.index_cast %get3A_888 : i32 to index
        %get3A_890 = arith.index_cast %add3A_881 : i32 to index
        %get3A_891 = arith.constant 16 : index
        %get3A_892 = tpu.vector_load %arg7[%get3A_889, %get3A_890, %get3A_891] {strides = array<i32>} : memref<8x200x32xf32, #tpu.memory_space<vmem>>, vector<16xf32>,
        %max3A_893 = arith.maximumf %max3A_877, %get3A_892 : vector<16xf32>
        %mul3A_894 = arith.constant 8 : i32
        %mul3A_895 = arith.muli %while3A_844, %mul3A_894 : i32
        %add3A_896 = arith.constant 3 : i32
        %add3A_897 = arith.addi %mul3A_895, %add3A_896 : i32
        %get3A_898 = arith.constant 2 : i32
        %get3A_899 = arith.index_cast %get3A_898 : i32 to index
        %get3A_900 = arith.index_cast %add3A_897 : i32 to index
        %get3A_901 = arith.constant 0 : index
        %get3A_902 = tpu.vector_load %arg7[%get3A_899, %get3A_900, %get3A_901] {strides = array<i32>} : memref<8x200x32xf32, #tpu.memory_space<vmem>>, vector<16xf32>,
        %max3A_903 = arith.maximumf %max3A_887, %get3A_902 : vector<16xf32>
        %get3A_904 = arith.constant 2 : i32
        %get3A_905 = arith.index_cast %get3A_904 : i32 to index
        %get3A_906 = arith.index_cast %add3A_897 : i32 to index
        %get3A_907 = arith.constant 16 : index
        %get3A_908 = tpu.vector_load %arg7[%get3A_905, %get3A_906, %get3A_907] {strides = array<i32>} : memref<8x200x32xf32, #tpu.memory_space<vmem>>, vector<16xf32>,
        %max3A_909 = arith.maximumf %max3A_893, %get3A_908 : vector<16xf32>
        %mul3A_910 = arith.constant 8 : i32
        %mul3A_911 = arith.muli %while3A_844, %mul3A_910 : i32
        %add3A_912 = arith.constant 4 : i32
        %add3A_913 = arith.addi %mul3A_911, %add3A_912 : i32
        %get3A_914 = arith.constant 2 : i32
        %get3A_915 = arith.index_cast %get3A_914 : i32 to index
        %get3A_916 = arith.index_cast %add3A_913 : i32 to index
        %get3A_917 = arith.constant 0 : index
        %get3A_918 = tpu.vector_load %arg7[%get3A_915, %get3A_916, %get3A_917] {strides = array<i32>} : memref<8x200x32xf32, #tpu.memory_space<vmem>>, vector<16xf32>,
        %max3A_919 = arith.maximumf %max3A_903, %get3A_918 : vector<16xf32>
        %get3A_920 = arith.constant 2 : i32
        %get3A_921 = arith.index_cast %get3A_920 : i32 to index
        %get3A_922 = arith.index_cast %add3A_913 : i32 to index
        %get3A_923 = arith.constant 16 : index
        %get3A_924 = tpu.vector_load %arg7[%get3A_921, %get3A_922, %get3A_923] {strides = array<i32>} : memref<8x200x32xf32, #tpu.memory_space<vmem>>, vector<16xf32>,
        %max3A_925 = arith.maximumf %max3A_909, %get3A_924 : vector<16xf32>
        %mul3A_926 = arith.constant 8 : i32
        %mul3A_927 = arith.muli %while3A_844, %mul3A_926 : i32
        %add3A_928 = arith.constant 5 : i32
        %add3A_929 = arith.addi %mul3A_927, %add3A_928 : i32
        %get3A_930 = arith.constant 2 : i32
        %get3A_931 = arith.index_cast %get3A_930 : i32 to index
        %get3A_932 = arith.index_cast %add3A_929 : i32 to index
        %get3A_933 = arith.constant 0 : index
        %get3A_934 = tpu.vector_load %arg7[%get3A_931, %get3A_932, %get3A_933] {strides = array<i32>} : memref<8x200x32xf32, #tpu.memory_space<vmem>>, vector<16xf32>,
        %max3A_935 = arith.maximumf %max3A_919, %get3A_934 : vector<16xf32>
        %get3A_936 = arith.constant 2 : i32
        %get3A_937 = arith.index_cast %get3A_936 : i32 to index
        %get3A_938 = arith.index_cast %add3A_929 : i32 to index
        %get3A_939 = arith.constant 16 : index
        %get3A_940 = tpu.vector_load %arg7[%get3A_937, %get3A_938, %get3A_939] {strides = array<i32>} : memref<8x200x32xf32, #tpu.memory_space<vmem>>, vector<16xf32>,
        %max3A_941 = arith.maximumf %max3A_925, %get3A_940 : vector<16xf32>
        %mul3A_942 = arith.constant 8 : i32
        %mul3A_943 = arith.muli %while3A_844, %mul3A_942 : i32
        %add3A_944 = arith.constant 6 : i32
        %add3A_945 = arith.addi %mul3A_943, %add3A_944 : i32
        %get3A_946 = arith.constant 2 : i32
        %get3A_947 = arith.index_cast %get3A_946 : i32 to index
        %get3A_948 = arith.index_cast %add3A_945 : i32 to index
        %get3A_949 = arith.constant 0 : index
        %get3A_950 = tpu.vector_load %arg7[%get3A_947, %get3A_948, %get3A_949] {strides = array<i32>} : memref<8x200x32xf32, #tpu.memory_space<vmem>>, vector<16xf32>,
        %max3A_951 = arith.maximumf %max3A_935, %get3A_950 : vector<16xf32>
        %get3A_952 = arith.constant 2 : i32
        %get3A_953 = arith.index_cast %get3A_952 : i32 to index
        %get3A_954 = arith.index_cast %add3A_945 : i32 to index
        %get3A_955 = arith.constant 16 : index
        %get3A_956 = tpu.vector_load %arg7[%get3A_953, %get3A_954, %get3A_955] {strides = array<i32>} : memref<8x200x32xf32, #tpu.memory_space<vmem>>, vector<16xf32>,
        %max3A_957 = arith.maximumf %max3A_941, %get3A_956 : vector<16xf32>
        %mul3A_958 = arith.constant 8 : i32
        %mul3A_959 = arith.muli %while3A_844, %mul3A_958 : i32
        %add3A_960 = arith.constant 7 : i32
        %add3A_961 = arith.addi %mul3A_959, %add3A_960 : i32
        %get3A_962 = arith.constant 2 : i32
        %get3A_963 = arith.index_cast %get3A_962 : i32 to index
        %get3A_964 = arith.index_cast %add3A_961 : i32 to index
        %get3A_965 = arith.constant 0 : index
        %get3A_966 = tpu.vector_load %arg7[%get3A_963, %get3A_964, %get3A_965] {strides = array<i32>} : memref<8x200x32xf32, #tpu.memory_space<vmem>>, vector<16xf32>,
        %max3A_967 = arith.maximumf %max3A_951, %get3A_966 : vector<16xf32>
        %get3A_968 = arith.constant 2 : i32
        %get3A_969 = arith.index_cast %get3A_968 : i32 to index
        %get3A_970 = arith.index_cast %add3A_961 : i32 to index
        %get3A_971 = arith.constant 16 : index
        %get3A_972 = tpu.vector_load %arg7[%get3A_969, %get3A_970, %get3A_971] {strides = array<i32>} : memref<8x200x32xf32, #tpu.memory_space<vmem>>, vector<16xf32>,
        %max3A_973 = arith.maximumf %max3A_957, %get3A_972 : vector<16xf32>
        scf.yield %max3A_967, %max3A_973 : vector<16xf32>, vector<16xf32>
      }
      %while3A_412 = arith.constant 1 : i32
      %while3A_413:2 = scf.for %while3A_844 = %while3A_409 to %while3A_405 step %while3A_412 iter_args(%while3A_845 = %while3A_411#0, %while3A_846 = %while3A_411#1) -> (vector<16xf32>, vector<16xf32>)  : i32 {
        %mul3A_847 = arith.constant 8 : i32
        %mul3A_848 = arith.muli %while3A_844, %mul3A_847 : i32
        %add3A_849 = arith.constant 0 : i32
        %add3A_850 = arith.addi %mul3A_848, %add3A_849 : i32
        %get3A_851 = arith.constant 2 : i32
        %get3A_852 = arith.index_cast %get3A_851 : i32 to index
        %get3A_853 = arith.index_cast %add3A_850 : i32 to index
        %get3A_854 = arith.constant 0 : index
        %get3A_855 = tpu.vector_load %arg7[%get3A_852, %get3A_853, %get3A_854] {strides = array<i32>} : memref<8x200x32xf32, #tpu.memory_space<vmem>>, vector<16xf32>,
        %max3A = arith.maximumf %while3A_845, %get3A_855 : vector<16xf32>
        %get3A_856 = arith.constant 2 : i32
        %get3A_857 = arith.index_cast %get3A_856 : i32 to index
        %get3A_858 = arith.index_cast %add3A_850 : i32 to index
        %get3A_859 = arith.constant 16 : index
        %get3A_860 = tpu.vector_load %arg7[%get3A_857, %get3A_858, %get3A_859] {strides = array<i32>} : memref<8x200x32xf32, #tpu.memory_space<vmem>>, vector<16xf32>,
        %max3A_861 = arith.maximumf %while3A_846, %get3A_860 : vector<16xf32>
        %mul3A_862 = arith.constant 8 : i32
        %mul3A_863 = arith.muli %while3A_844, %mul3A_862 : i32
        %add3A_864 = arith.constant 1 : i32
        %add3A_865 = arith.addi %mul3A_863, %add3A_864 : i32
        %get3A_866 = arith.constant 2 : i32
        %get3A_867 = arith.index_cast %get3A_866 : i32 to index
        %get3A_868 = arith.index_cast %add3A_865 : i32 to index
        %get3A_869 = arith.constant 0 : index
        %get3A_870 = tpu.vector_load %arg7[%get3A_867, %get3A_868, %get3A_869] {strides = array<i32>} : memref<8x200x32xf32, #tpu.memory_space<vmem>>, vector<16xf32>,
        %max3A_871 = arith.maximumf %max3A, %get3A_870 : vector<16xf32>
        %get3A_872 = arith.constant 2 : i32
        %get3A_873 = arith.index_cast %get3A_872 : i32 to index
        %get3A_874 = arith.index_cast %add3A_865 : i32 to index
        %get3A_875 = arith.constant 16 : index
        %get3A_876 = tpu.vector_load %arg7[%get3A_873, %get3A_874, %get3A_875] {strides = array<i32>} : memref<8x200x32xf32, #tpu.memory_space<vmem>>, vector<16xf32>,
        %max3A_877 = arith.maximumf %max3A_861, %get3A_876 : vector<16xf32>
        %mul3A_878 = arith.constant 8 : i32
        %mul3A_879 = arith.muli %while3A_844, %mul3A_878 : i32
        %add3A_880 = arith.constant 2 : i32
        %add3A_881 = arith.addi %mul3A_879, %add3A_880 : i32
        %get3A_882 = arith.constant 2 : i32
        %get3A_883 = arith.index_cast %get3A_882 : i32 to index
        %get3A_884 = arith.index_cast %add3A_881 : i32 to index
        %get3A_885 = arith.constant 0 : index
        %get3A_886 = tpu.vector_load %arg7[%get3A_883, %get3A_884, %get3A_885] {strides = array<i32>} : memref<8x200x32xf32, #tpu.memory_space<vmem>>, vector<16xf32>,
        %max3A_887 = arith.maximumf %max3A_871, %get3A_886 : vector<16xf32>
        %get3A_888 = arith.constant 2 : i32
        %get3A_889 = arith.index_cast %get3A_888 : i32 to index
        %get3A_890 = arith.index_cast %add3A_881 : i32 to index
        %get3A_891 = arith.constant 16 : index
        %get3A_892 = tpu.vector_load %arg7[%get3A_889, %get3A_890, %get3A_891] {strides = array<i32>} : memref<8x200x32xf32, #tpu.memory_space<vmem>>, vector<16xf32>,
        %max3A_893 = arith.maximumf %max3A_877, %get3A_892 : vector<16xf32>
        %mul3A_894 = arith.constant 8 : i32
        %mul3A_895 = arith.muli %while3A_844, %mul3A_894 : i32
        %add3A_896 = arith.constant 3 : i32
        %add3A_897 = arith.addi %mul3A_895, %add3A_896 : i32
        %get3A_898 = arith.constant 2 : i32
        %get3A_899 = arith.index_cast %get3A_898 : i32 to index
        %get3A_900 = arith.index_cast %add3A_897 : i32 to index
        %get3A_901 = arith.constant 0 : index
        %get3A_902 = tpu.vector_load %arg7[%get3A_899, %get3A_900, %get3A_901] {strides = array<i32>} : memref<8x200x32xf32, #tpu.memory_space<vmem>>, vector<16xf32>,
        %max3A_903 = arith.maximumf %max3A_887, %get3A_902 : vector<16xf32>
        %get3A_904 = arith.constant 2 : i32
        %get3A_905 = arith.index_cast %get3A_904 : i32 to index
        %get3A_906 = arith.index_cast %add3A_897 : i32 to index
        %get3A_907 = arith.constant 16 : index
        %get3A_908 = tpu.vector_load %arg7[%get3A_905, %get3A_906, %get3A_907] {strides = array<i32>} : memref<8x200x32xf32, #tpu.memory_space<vmem>>, vector<16xf32>,
        %max3A_909 = arith.maximumf %max3A_893, %get3A_908 : vector<16xf32>
        %mul3A_910 = arith.constant 8 : i32
        %mul3A_911 = arith.muli %while3A_844, %mul3A_910 : i32
        %add3A_912 = arith.constant 4 : i32
        %add3A_913 = arith.addi %mul3A_911, %add3A_912 : i32
        %get3A_914 = arith.constant 2 : i32
        %get3A_915 = arith.index_cast %get3A_914 : i32 to index
        %get3A_916 = arith.index_cast %add3A_913 : i32 to index
        %get3A_917 = arith.constant 0 : index
        %get3A_918 = tpu.vector_load %arg7[%get3A_915, %get3A_916, %get3A_917] {strides = array<i32>} : memref<8x200x32xf32, #tpu.memory_space<vmem>>, vector<16xf32>,
        %max3A_919 = arith.maximumf %max3A_903, %get3A_918 : vector<16xf32>
        %get3A_920 = arith.constant 2 : i32
        %get3A_921 = arith.index_cast %get3A_920 : i32 to index
        %get3A_922 = arith.index_cast %add3A_913 : i32 to index
        %get3A_923 = arith.constant 16 : index
        %get3A_924 = tpu.vector_load %arg7[%get3A_921, %get3A_922, %get3A_923] {strides = array<i32>} : memref<8x200x32xf32, #tpu.memory_space<vmem>>, vector<16xf32>,
        %max3A_925 = arith.maximumf %max3A_909, %get3A_924 : vector<16xf32>
        %mul3A_926 = arith.constant 8 : i32
        %mul3A_927 = arith.muli %while3A_844, %mul3A_926 : i32
        %add3A_928 = arith.constant 5 : i32
        %add3A_929 = arith.addi %mul3A_927, %add3A_928 : i32
        %get3A_930 = arith.constant 2 : i32
        %get3A_931 = arith.index_cast %get3A_930 : i32 to index
        %get3A_932 = arith.index_cast %add3A_929 : i32 to index
        %get3A_933 = arith.constant 0 : index
        %get3A_934 = tpu.vector_load %arg7[%get3A_931, %get3A_932, %get3A_933] {strides = array<i32>} : memref<8x200x32xf32, #tpu.memory_space<vmem>>, vector<16xf32>,
        %max3A_935 = arith.maximumf %max3A_919, %get3A_934 : vector<16xf32>
        %get3A_936 = arith.constant 2 : i32
        %get3A_937 = arith.index_cast %get3A_936 : i32 to index
        %get3A_938 = arith.index_cast %add3A_929 : i32 to index
        %get3A_939 = arith.constant 16 : index
        %get3A_940 = tpu.vector_load %arg7[%get3A_937, %get3A_938, %get3A_939] {strides = array<i32>} : memref<8x200x32xf32, #tpu.memory_space<vmem>>, vector<16xf32>,
        %max3A_941 = arith.maximumf %max3A_925, %get3A_940 : vector<16xf32>
        %mul3A_942 = arith.constant 8 : i32
        %mul3A_943 = arith.muli %while3A_844, %mul3A_942 : i32
        %add3A_944 = arith.constant 6 : i32
        %add3A_945 = arith.addi %mul3A_943, %add3A_944 : i32
        %get3A_946 = arith.constant 2 : i32
        %get3A_947 = arith.index_cast %get3A_946 : i32 to index
        %get3A_948 = arith.index_cast %add3A_945 : i32 to index
        %get3A_949 = arith.constant 0 : index
        %get3A_950 = tpu.vector_load %arg7[%get3A_947, %get3A_948, %get3A_949] {strides = array<i32>} : memref<8x200x32xf32, #tpu.memory_space<vmem>>, vector<16xf32>,
        %max3A_951 = arith.maximumf %max3A_935, %get3A_950 : vector<16xf32>
        %get3A_952 = arith.constant 2 : i32
        %get3A_953 = arith.index_cast %get3A_952 : i32 to index
        %get3A_954 = arith.index_cast %add3A_945 : i32 to index
        %get3A_955 = arith.constant 16 : index
        %get3A_956 = tpu.vector_load %arg7[%get3A_953, %get3A_954, %get3A_955] {strides = array<i32>} : memref<8x200x32xf32, #tpu.memory_space<vmem>>, vector<16xf32>,
        %max3A_957 = arith.maximumf %max3A_941, %get3A_956 : vector<16xf32>
        %mul3A_958 = arith.constant 8 : i32
        %mul3A_959 = arith.muli %while3A_844, %mul3A_958 : i32
        %add3A_960 = arith.constant 7 : i32
        %add3A_961 = arith.addi %mul3A_959, %add3A_960 : i32
        %get3A_962 = arith.constant 2 : i32
        %get3A_963 = arith.index_cast %get3A_962 : i32 to index
        %get3A_964 = arith.index_cast %add3A_961 : i32 to index
        %get3A_965 = arith.constant 0 : index
        %get3A_966 = tpu.vector_load %arg7[%get3A_963, %get3A_964, %get3A_965] {strides = array<i32>} : memref<8x200x32xf32, #tpu.memory_space<vmem>>, vector<16xf32>,
        %max3A_967 = arith.maximumf %max3A_951, %get3A_966 : vector<16xf32>
        %get3A_968 = arith.constant 2 : i32
        %get3A_969 = arith.index_cast %get3A_968 : i32 to index
        %get3A_970 = arith.index_cast %add3A_961 : i32 to index
        %get3A_971 = arith.constant 16 : index
        %get3A_972 = tpu.vector_load %arg7[%get3A_969, %get3A_970, %get3A_971] {strides = array<i32>} : memref<8x200x32xf32, #tpu.memory_space<vmem>>, vector<16xf32>,
        %max3A_973 = arith.maximumf %max3A_957, %get3A_972 : vector<16xf32>
        scf.yield %max3A_967, %max3A_973 : vector<16xf32>, vector<16xf32>
      }
      %mul3A_414 = arith.constant 8 : i32
      %mul3A_415 = arith.muli %select_n3A_402, %mul3A_414 : i32
      %while3A_416 = arith.subi %get3A_376, %mul3A_415 : i32
      %while3A_417 = arith.addi %mul3A_415, %while3A_416 : i32
      %while3A_418 = arith.constant 1 : i32
      %while3A_419 = arith.divsi %while3A_416, %while3A_418 : i32
      %while3A_420 = arith.muli %while3A_419, %while3A_418 : i32
      %while3A_421 = arith.addi %mul3A_415, %while3A_420 : i32
      %while3A_422 = arith.constant 1 : i32
      %while3A_423:2 = scf.for %while3A_844 = %mul3A_415 to %while3A_421 step %while3A_422 iter_args(%while3A_845 = %while3A_413#0, %while3A_846 = %while3A_413#1) -> (vector<16xf32>, vector<16xf32>)  : i32 {
        %get3A_847 = arith.constant 2 : i32
        %get3A_848 = arith.index_cast %get3A_847 : i32 to index
        %get3A_849 = arith.index_cast %while3A_844 : i32 to index
        %get3A_850 = arith.constant 0 : index
        %get3A_851 = tpu.vector_load %arg7[%get3A_848, %get3A_849, %get3A_850] {strides = array<i32>} : memref<8x200x32xf32, #tpu.memory_space<vmem>>, vector<16xf32>,
        %max3A = arith.maximumf %while3A_845, %get3A_851 : vector<16xf32>
        %get3A_852 = arith.constant 2 : i32
        %get3A_853 = arith.index_cast %get3A_852 : i32 to index
        %get3A_854 = arith.index_cast %while3A_844 : i32 to index
        %get3A_855 = arith.constant 16 : index
        %get3A_856 = tpu.vector_load %arg7[%get3A_853, %get3A_854, %get3A_855] {strides = array<i32>} : memref<8x200x32xf32, #tpu.memory_space<vmem>>, vector<16xf32>,
        %max3A_857 = arith.maximumf %while3A_846, %get3A_856 : vector<16xf32>
        scf.yield %max3A, %max3A_857 : vector<16xf32>, vector<16xf32>
      }
      %while3A_424 = arith.constant 1 : i32
      %while3A_425:2 = scf.for %while3A_844 = %while3A_421 to %while3A_417 step %while3A_424 iter_args(%while3A_845 = %while3A_423#0, %while3A_846 = %while3A_423#1) -> (vector<16xf32>, vector<16xf32>)  : i32 {
        %get3A_847 = arith.constant 2 : i32
        %get3A_848 = arith.index_cast %get3A_847 : i32 to index
        %get3A_849 = arith.index_cast %while3A_844 : i32 to index
        %get3A_850 = arith.constant 0 : index
        %get3A_851 = tpu.vector_load %arg7[%get3A_848, %get3A_849, %get3A_850] {strides = array<i32>} : memref<8x200x32xf32, #tpu.memory_space<vmem>>, vector<16xf32>,
        %max3A = arith.maximumf %while3A_845, %get3A_851 : vector<16xf32>
        %get3A_852 = arith.constant 2 : i32
        %get3A_853 = arith.index_cast %get3A_852 : i32 to index
        %get3A_854 = arith.index_cast %while3A_844 : i32 to index
        %get3A_855 = arith.constant 16 : index
        %get3A_856 = tpu.vector_load %arg7[%get3A_853, %get3A_854, %get3A_855] {strides = array<i32>} : memref<8x200x32xf32, #tpu.memory_space<vmem>>, vector<16xf32>,
        %max3A_857 = arith.maximumf %while3A_846, %get3A_856 : vector<16xf32>
        scf.yield %max3A, %max3A_857 : vector<16xf32>, vector<16xf32>
      }
      %swap3A_426 = arith.index_cast %add3A_359 : i32 to index
      %swap3A_427 = arith.constant 0 : index
      %swap3A_428 = tpu.vector_load %arg8[%swap3A_426, %swap3A_427] {strides = array<i32>} : memref<128x32xf32, #tpu.memory_space<vmem>>, vector<16xf32>,
      tpu.vector_store %arg8[%swap3A_426, %swap3A_427], %while3A_425#0 {strides = array<i32>} : memref<128x32xf32, #tpu.memory_space<vmem>>, vector<16xf32>,
      %swap3A_429 = arith.index_cast %add3A_359 : i32 to index
      %swap3A_430 = arith.constant 16 : index
      %swap3A_431 = tpu.vector_load %arg8[%swap3A_429, %swap3A_430] {strides = array<i32>} : memref<128x32xf32, #tpu.memory_space<vmem>>, vector<16xf32>,
      tpu.vector_store %arg8[%swap3A_429, %swap3A_430], %while3A_425#1 {strides = array<i32>} : memref<128x32xf32, #tpu.memory_space<vmem>>, vector<16xf32>,
      %add3A_432 = arith.constant 8 : i32
      %add3A_433 = arith.addi %add3A_359, %add3A_432 : i32
      %lt3A_434 = arith.constant 128 : i32
      %lt3A_435 = arith.cmpi slt, %add3A_433, %lt3A_434 : i32
      %convert_element_type3A_436 = arith.extui %lt3A_435 : i1 to i32
      %cond3A_437 = arith.constant 0 : i32
      %cond3A_438 = arith.cmpi ne, %convert_element_type3A_436, %cond3A_437 : i32
      scf.if %cond3A_438 {
        %add3A_844 = arith.constant 8 : i32
        %add3A_845 = arith.addi %add3A_359, %add3A_844 : i32
        %dma_start3A_846 = arith.constant 2 : i32
        %dma_start3A_847 = arith.constant 0 : i32
        %dma_start3A_848 = arith.constant 0 : i32
        %dma_start3A_849 = tpu.memref_slice %arg7[%dma_start3A_846, %dma_start3A_847, %dma_start3A_848] : memref<8x200x32xf32, #tpu.memory_space<vmem>> -> memref<1x128x32xf32, #tpu.memory_space<vmem>>
        %dma_start3A_850 = tpu.memref_squeeze %dma_start3A_849 : memref<1x128x32xf32, #tpu.memory_space<vmem>> -> memref<128x32xf32, #tpu.memory_space<vmem>>
        %dma_start3A_851 = arith.constant 0 : i32
        %dma_start3A_852 = tpu.memref_slice %arg6[%add3A_845, %dma_start3A_851] : memref<128x208xi32, #tpu.memory_space<vmem>> -> memref<1x128xi32, #tpu.memory_space<vmem>>
        %dma_start3A_853 = tpu.memref_squeeze %dma_start3A_852 : memref<1x128xi32, #tpu.memory_space<vmem>> -> memref<128xi32, #tpu.memory_space<vmem>>
        %dma_start3A_854 = arith.constant 0 : i32
        %dma_start3A_855 = arith.constant 0 : i32
        %dma_start3A_856 = tpu.memref_slice %arg3[%dma_start3A_854, %dma_start3A_855] : memref<1048576x32xf32, #tpu.memory_space<hbm>> -> memref<1048576x32xf32, #tpu.memory_space<hbm>>
        tpu.enqueue_indirect_dma source(%dma_start3A_856 : memref<1048576x32xf32, #tpu.memory_space<hbm>>) target(%dma_start3A_850 : memref<128x32xf32, #tpu.memory_space<vmem>>) offsets(%dma_start3A_853 : memref<128xi32, #tpu.memory_space<vmem>>) semaphore(%arg12 : memref<!tpu.dma_semaphore, #tpu.memory_space<semaphore_mem>>)
        %dma_start3A_857 = arith.constant 2 : i32
        %dma_start3A_858 = arith.constant 128 : i32
        %dma_start3A_859 = arith.constant 0 : i32
        %dma_start3A_860 = tpu.memref_slice %arg7[%dma_start3A_857, %dma_start3A_858, %dma_start3A_859] : memref<8x200x32xf32, #tpu.memory_space<vmem>> -> memref<1x72x32xf32, #tpu.memory_space<vmem>>
        %dma_start3A_861 = tpu.memref_squeeze %dma_start3A_860 : memref<1x72x32xf32, #tpu.memory_space<vmem>> -> memref<72x32xf32, #tpu.memory_space<vmem>>
        %dma_start3A_862 = arith.constant 128 : i32
        %dma_start3A_863 = tpu.memref_slice %arg6[%add3A_845, %dma_start3A_862] : memref<128x208xi32, #tpu.memory_space<vmem>> -> memref<1x72xi32, #tpu.memory_space<vmem>>
        %dma_start3A_864 = tpu.memref_squeeze %dma_start3A_863 : memref<1x72xi32, #tpu.memory_space<vmem>> -> memref<72xi32, #tpu.memory_space<vmem>>
        %dma_start3A_865 = arith.constant 0 : i32
        %dma_start3A_866 = arith.constant 0 : i32
        %dma_start3A_867 = tpu.memref_slice %arg3[%dma_start3A_865, %dma_start3A_866] : memref<1048576x32xf32, #tpu.memory_space<hbm>> -> memref<1048576x32xf32, #tpu.memory_space<hbm>>
        tpu.enqueue_indirect_dma source(%dma_start3A_867 : memref<1048576x32xf32, #tpu.memory_space<hbm>>) target(%dma_start3A_861 : memref<72x32xf32, #tpu.memory_space<vmem>>) offsets(%dma_start3A_864 : memref<72xi32, #tpu.memory_space<vmem>>) semaphore(%arg12 : memref<!tpu.dma_semaphore, #tpu.memory_space<semaphore_mem>>)
      } else {
      }
      %add3A_439 = arith.constant 3 : i32
      %add3A_440 = arith.addi %add3A_210, %add3A_439 : i32
      %dma_wait3A_441 = arith.constant 3 : i32
      %dma_wait3A_442 = arith.constant 0 : i32
      %dma_wait3A_443 = arith.constant 0 : i32
      %dma_wait3A_444 = tpu.memref_slice %arg7[%dma_wait3A_441, %dma_wait3A_442, %dma_wait3A_443] : memref<8x200x32xf32, #tpu.memory_space<vmem>> -> memref<1x200x32xf32, #tpu.memory_space<vmem>>
      %dma_wait3A_445 = tpu.memref_squeeze %dma_wait3A_444 : memref<1x200x32xf32, #tpu.memory_space<vmem>> -> memref<200x32xf32, #tpu.memory_space<vmem>>
      %dma_wait3A_446 = arith.constant 0 : i32
      %dma_wait3A_447 = arith.constant 0 : i32
      %dma_wait3A_448 = tpu.memref_slice %arg3[%dma_wait3A_446, %dma_wait3A_447] : memref<1048576x32xf32, #tpu.memory_space<hbm>> -> memref<200x32xf32, #tpu.memory_space<hbm>>
      %dma_wait3A_449 = arith.constant 0 : i32
      %dma_wait3A_450 = arith.constant 0 : i32
      %dma_wait3A_451 = tpu.memref_slice %arg7[%dma_wait3A_441, %dma_wait3A_449, %dma_wait3A_450] : memref<8x200x32xf32, #tpu.memory_space<vmem>> -> memref<1x200x32xf32, #tpu.memory_space<vmem>>
      %dma_wait3A_452 = tpu.memref_squeeze %dma_wait3A_451 : memref<1x200x32xf32, #tpu.memory_space<vmem>> -> memref<200x32xf32, #tpu.memory_space<vmem>>
      %dma_wait3A_453 = arith.constant 0 : i32
      %dma_wait3A_454 = arith.constant 0 : i32
      %dma_wait3A_455 = tpu.memref_slice %arg3[%dma_wait3A_453, %dma_wait3A_454] : memref<1048576x32xf32, #tpu.memory_space<hbm>> -> memref<200x32xf32, #tpu.memory_space<hbm>>
      tpu.wait_dma2 semaphore(%arg13 : memref<!tpu.dma_semaphore, #tpu.memory_space<semaphore_mem>>) src(%dma_wait3A_455 : memref<200x32xf32, #tpu.memory_space<hbm>>) dst(%dma_wait3A_452 : memref<200x32xf32, #tpu.memory_space<vmem>>)
      %get3A_456 = arith.index_cast %add3A_440 : i32 to index
      %get3A_457 = memref.load %arg9[%get3A_456] : memref<128xi32, #tpu.memory_space<smem>>
      %broadcast_in_dim3A_458 = arith.constant -1.000000e+09 : f32
      %broadcast_in_dim3A_459 = vector.broadcast %broadcast_in_dim3A_458 : f32 to vector<16xf32>
      %jit3A_460 = arith.constant 8 : i32
      %div3A_461 = arith.divsi %get3A_457, %jit3A_460 : i32
      %sign3A_462 = arith.constant 0 : i32
      %sign3A_463 = arith.cmpi sgt, %get3A_457, %sign3A_462 : i32
      %sign3A_464 = arith.extui %sign3A_463 : i1 to i32
      %sign3A_465 = arith.constant 0 : i32
      %sign3A_466 = arith.cmpi slt, %get3A_457, %sign3A_465 : i32
      %sign3A_467 = arith.extui %sign3A_466 : i1 to i32
      %sign3A_468 = arith.subi %sign3A_464, %sign3A_467 : i32
      %sign3A_469 = arith.constant 0 : i32
      %sign3A_470 = arith.cmpi sgt, %jit3A_460, %sign3A_469 : i32
      %sign3A_471 = arith.extui %sign3A_470 : i1 to i32
      %sign3A_472 = arith.constant 0 : i32
      %sign3A_473 = arith.cmpi slt, %jit3A_460, %sign3A_472 : i32
      %sign3A_474 = arith.extui %sign3A_473 : i1 to i32
      %sign3A_475 = arith.subi %sign3A_471, %sign3A_474 : i32
      %ne3A_476 = arith.cmpi ne, %sign3A_468, %sign3A_475 : i32
      %rem3A_477 = arith.remsi %get3A_457, %jit3A_460 : i32
      %ne3A_478 = arith.constant 0 : i32
      %ne3A_479 = arith.cmpi ne, %rem3A_477, %ne3A_478 : i32
      %and3A_480 = arith.andi %ne3A_476, %ne3A_479 : i1
      %sub3A_481 = arith.constant 1 : i32
      %sub3A_482 = arith.subi %div3A_461, %sub3A_481 : i32
      %select_n3A_483 = arith.select %and3A_480, %sub3A_482, %div3A_461 : i32
      %while3A_484 = arith.constant 0 : i32
      %while3A_485 = arith.subi %select_n3A_483, %while3A_484 : i32
      %while3A_486 = arith.addi %while3A_484, %while3A_485 : i32
      %while3A_487 = arith.constant 1 : i32
      %while3A_488 = arith.divsi %while3A_485, %while3A_487 : i32
      %while3A_489 = arith.muli %while3A_488, %while3A_487 : i32
      %while3A_490 = arith.addi %while3A_484, %while3A_489 : i32
      %while3A_491 = arith.constant 1 : i32
      %while3A_492:2 = scf.for %while3A_844 = %while3A_484 to %while3A_490 step %while3A_491 iter_args(%while3A_845 = %broadcast_in_dim3A_459, %while3A_846 = %broadcast_in_dim3A_459) -> (vector<16xf32>, vector<16xf32>)  : i32 {
        %mul3A_847 = arith.constant 8 : i32
        %mul3A_848 = arith.muli %while3A_844, %mul3A_847 : i32
        %add3A_849 = arith.constant 0 : i32
        %add3A_850 = arith.addi %mul3A_848, %add3A_849 : i32
        %get3A_851 = arith.constant 3 : i32
        %get3A_852 = arith.index_cast %get3A_851 : i32 to index
        %get3A_853 = arith.index_cast %add3A_850 : i32 to index
        %get3A_854 = arith.constant 0 : index
        %get3A_855 = tpu.vector_load %arg7[%get3A_852, %get3A_853, %get3A_854] {strides = array<i32>} : memref<8x200x32xf32, #tpu.memory_space<vmem>>, vector<16xf32>,
        %max3A = arith.maximumf %while3A_845, %get3A_855 : vector<16xf32>
        %get3A_856 = arith.constant 3 : i32
        %get3A_857 = arith.index_cast %get3A_856 : i32 to index
        %get3A_858 = arith.index_cast %add3A_850 : i32 to index
        %get3A_859 = arith.constant 16 : index
        %get3A_860 = tpu.vector_load %arg7[%get3A_857, %get3A_858, %get3A_859] {strides = array<i32>} : memref<8x200x32xf32, #tpu.memory_space<vmem>>, vector<16xf32>,
        %max3A_861 = arith.maximumf %while3A_846, %get3A_860 : vector<16xf32>
        %mul3A_862 = arith.constant 8 : i32
        %mul3A_863 = arith.muli %while3A_844, %mul3A_862 : i32
        %add3A_864 = arith.constant 1 : i32
        %add3A_865 = arith.addi %mul3A_863, %add3A_864 : i32
        %get3A_866 = arith.constant 3 : i32
        %get3A_867 = arith.index_cast %get3A_866 : i32 to index
        %get3A_868 = arith.index_cast %add3A_865 : i32 to index
        %get3A_869 = arith.constant 0 : index
        %get3A_870 = tpu.vector_load %arg7[%get3A_867, %get3A_868, %get3A_869] {strides = array<i32>} : memref<8x200x32xf32, #tpu.memory_space<vmem>>, vector<16xf32>,
        %max3A_871 = arith.maximumf %max3A, %get3A_870 : vector<16xf32>
        %get3A_872 = arith.constant 3 : i32
        %get3A_873 = arith.index_cast %get3A_872 : i32 to index
        %get3A_874 = arith.index_cast %add3A_865 : i32 to index
        %get3A_875 = arith.constant 16 : index
        %get3A_876 = tpu.vector_load %arg7[%get3A_873, %get3A_874, %get3A_875] {strides = array<i32>} : memref<8x200x32xf32, #tpu.memory_space<vmem>>, vector<16xf32>,
        %max3A_877 = arith.maximumf %max3A_861, %get3A_876 : vector<16xf32>
        %mul3A_878 = arith.constant 8 : i32
        %mul3A_879 = arith.muli %while3A_844, %mul3A_878 : i32
        %add3A_880 = arith.constant 2 : i32
        %add3A_881 = arith.addi %mul3A_879, %add3A_880 : i32
        %get3A_882 = arith.constant 3 : i32
        %get3A_883 = arith.index_cast %get3A_882 : i32 to index
        %get3A_884 = arith.index_cast %add3A_881 : i32 to index
        %get3A_885 = arith.constant 0 : index
        %get3A_886 = tpu.vector_load %arg7[%get3A_883, %get3A_884, %get3A_885] {strides = array<i32>} : memref<8x200x32xf32, #tpu.memory_space<vmem>>, vector<16xf32>,
        %max3A_887 = arith.maximumf %max3A_871, %get3A_886 : vector<16xf32>
        %get3A_888 = arith.constant 3 : i32
        %get3A_889 = arith.index_cast %get3A_888 : i32 to index
        %get3A_890 = arith.index_cast %add3A_881 : i32 to index
        %get3A_891 = arith.constant 16 : index
        %get3A_892 = tpu.vector_load %arg7[%get3A_889, %get3A_890, %get3A_891] {strides = array<i32>} : memref<8x200x32xf32, #tpu.memory_space<vmem>>, vector<16xf32>,
        %max3A_893 = arith.maximumf %max3A_877, %get3A_892 : vector<16xf32>
        %mul3A_894 = arith.constant 8 : i32
        %mul3A_895 = arith.muli %while3A_844, %mul3A_894 : i32
        %add3A_896 = arith.constant 3 : i32
        %add3A_897 = arith.addi %mul3A_895, %add3A_896 : i32
        %get3A_898 = arith.constant 3 : i32
        %get3A_899 = arith.index_cast %get3A_898 : i32 to index
        %get3A_900 = arith.index_cast %add3A_897 : i32 to index
        %get3A_901 = arith.constant 0 : index
        %get3A_902 = tpu.vector_load %arg7[%get3A_899, %get3A_900, %get3A_901] {strides = array<i32>} : memref<8x200x32xf32, #tpu.memory_space<vmem>>, vector<16xf32>,
        %max3A_903 = arith.maximumf %max3A_887, %get3A_902 : vector<16xf32>
        %get3A_904 = arith.constant 3 : i32
        %get3A_905 = arith.index_cast %get3A_904 : i32 to index
        %get3A_906 = arith.index_cast %add3A_897 : i32 to index
        %get3A_907 = arith.constant 16 : index
        %get3A_908 = tpu.vector_load %arg7[%get3A_905, %get3A_906, %get3A_907] {strides = array<i32>} : memref<8x200x32xf32, #tpu.memory_space<vmem>>, vector<16xf32>,
        %max3A_909 = arith.maximumf %max3A_893, %get3A_908 : vector<16xf32>
        %mul3A_910 = arith.constant 8 : i32
        %mul3A_911 = arith.muli %while3A_844, %mul3A_910 : i32
        %add3A_912 = arith.constant 4 : i32
        %add3A_913 = arith.addi %mul3A_911, %add3A_912 : i32
        %get3A_914 = arith.constant 3 : i32
        %get3A_915 = arith.index_cast %get3A_914 : i32 to index
        %get3A_916 = arith.index_cast %add3A_913 : i32 to index
        %get3A_917 = arith.constant 0 : index
        %get3A_918 = tpu.vector_load %arg7[%get3A_915, %get3A_916, %get3A_917] {strides = array<i32>} : memref<8x200x32xf32, #tpu.memory_space<vmem>>, vector<16xf32>,
        %max3A_919 = arith.maximumf %max3A_903, %get3A_918 : vector<16xf32>
        %get3A_920 = arith.constant 3 : i32
        %get3A_921 = arith.index_cast %get3A_920 : i32 to index
        %get3A_922 = arith.index_cast %add3A_913 : i32 to index
        %get3A_923 = arith.constant 16 : index
        %get3A_924 = tpu.vector_load %arg7[%get3A_921, %get3A_922, %get3A_923] {strides = array<i32>} : memref<8x200x32xf32, #tpu.memory_space<vmem>>, vector<16xf32>,
        %max3A_925 = arith.maximumf %max3A_909, %get3A_924 : vector<16xf32>
        %mul3A_926 = arith.constant 8 : i32
        %mul3A_927 = arith.muli %while3A_844, %mul3A_926 : i32
        %add3A_928 = arith.constant 5 : i32
        %add3A_929 = arith.addi %mul3A_927, %add3A_928 : i32
        %get3A_930 = arith.constant 3 : i32
        %get3A_931 = arith.index_cast %get3A_930 : i32 to index
        %get3A_932 = arith.index_cast %add3A_929 : i32 to index
        %get3A_933 = arith.constant 0 : index
        %get3A_934 = tpu.vector_load %arg7[%get3A_931, %get3A_932, %get3A_933] {strides = array<i32>} : memref<8x200x32xf32, #tpu.memory_space<vmem>>, vector<16xf32>,
        %max3A_935 = arith.maximumf %max3A_919, %get3A_934 : vector<16xf32>
        %get3A_936 = arith.constant 3 : i32
        %get3A_937 = arith.index_cast %get3A_936 : i32 to index
        %get3A_938 = arith.index_cast %add3A_929 : i32 to index
        %get3A_939 = arith.constant 16 : index
        %get3A_940 = tpu.vector_load %arg7[%get3A_937, %get3A_938, %get3A_939] {strides = array<i32>} : memref<8x200x32xf32, #tpu.memory_space<vmem>>, vector<16xf32>,
        %max3A_941 = arith.maximumf %max3A_925, %get3A_940 : vector<16xf32>
        %mul3A_942 = arith.constant 8 : i32
        %mul3A_943 = arith.muli %while3A_844, %mul3A_942 : i32
        %add3A_944 = arith.constant 6 : i32
        %add3A_945 = arith.addi %mul3A_943, %add3A_944 : i32
        %get3A_946 = arith.constant 3 : i32
        %get3A_947 = arith.index_cast %get3A_946 : i32 to index
        %get3A_948 = arith.index_cast %add3A_945 : i32 to index
        %get3A_949 = arith.constant 0 : index
        %get3A_950 = tpu.vector_load %arg7[%get3A_947, %get3A_948, %get3A_949] {strides = array<i32>} : memref<8x200x32xf32, #tpu.memory_space<vmem>>, vector<16xf32>,
        %max3A_951 = arith.maximumf %max3A_935, %get3A_950 : vector<16xf32>
        %get3A_952 = arith.constant 3 : i32
        %get3A_953 = arith.index_cast %get3A_952 : i32 to index
        %get3A_954 = arith.index_cast %add3A_945 : i32 to index
        %get3A_955 = arith.constant 16 : index
        %get3A_956 = tpu.vector_load %arg7[%get3A_953, %get3A_954, %get3A_955] {strides = array<i32>} : memref<8x200x32xf32, #tpu.memory_space<vmem>>, vector<16xf32>,
        %max3A_957 = arith.maximumf %max3A_941, %get3A_956 : vector<16xf32>
        %mul3A_958 = arith.constant 8 : i32
        %mul3A_959 = arith.muli %while3A_844, %mul3A_958 : i32
        %add3A_960 = arith.constant 7 : i32
        %add3A_961 = arith.addi %mul3A_959, %add3A_960 : i32
        %get3A_962 = arith.constant 3 : i32
        %get3A_963 = arith.index_cast %get3A_962 : i32 to index
        %get3A_964 = arith.index_cast %add3A_961 : i32 to index
        %get3A_965 = arith.constant 0 : index
        %get3A_966 = tpu.vector_load %arg7[%get3A_963, %get3A_964, %get3A_965] {strides = array<i32>} : memref<8x200x32xf32, #tpu.memory_space<vmem>>, vector<16xf32>,
        %max3A_967 = arith.maximumf %max3A_951, %get3A_966 : vector<16xf32>
        %get3A_968 = arith.constant 3 : i32
        %get3A_969 = arith.index_cast %get3A_968 : i32 to index
        %get3A_970 = arith.index_cast %add3A_961 : i32 to index
        %get3A_971 = arith.constant 16 : index
        %get3A_972 = tpu.vector_load %arg7[%get3A_969, %get3A_970, %get3A_971] {strides = array<i32>} : memref<8x200x32xf32, #tpu.memory_space<vmem>>, vector<16xf32>,
        %max3A_973 = arith.maximumf %max3A_957, %get3A_972 : vector<16xf32>
        scf.yield %max3A_967, %max3A_973 : vector<16xf32>, vector<16xf32>
      }
      %while3A_493 = arith.constant 1 : i32
      %while3A_494:2 = scf.for %while3A_844 = %while3A_490 to %while3A_486 step %while3A_493 iter_args(%while3A_845 = %while3A_492#0, %while3A_846 = %while3A_492#1) -> (vector<16xf32>, vector<16xf32>)  : i32 {
        %mul3A_847 = arith.constant 8 : i32
        %mul3A_848 = arith.muli %while3A_844, %mul3A_847 : i32
        %add3A_849 = arith.constant 0 : i32
        %add3A_850 = arith.addi %mul3A_848, %add3A_849 : i32
        %get3A_851 = arith.constant 3 : i32
        %get3A_852 = arith.index_cast %get3A_851 : i32 to index
        %get3A_853 = arith.index_cast %add3A_850 : i32 to index
        %get3A_854 = arith.constant 0 : index
        %get3A_855 = tpu.vector_load %arg7[%get3A_852, %get3A_853, %get3A_854] {strides = array<i32>} : memref<8x200x32xf32, #tpu.memory_space<vmem>>, vector<16xf32>,
        %max3A = arith.maximumf %while3A_845, %get3A_855 : vector<16xf32>
        %get3A_856 = arith.constant 3 : i32
        %get3A_857 = arith.index_cast %get3A_856 : i32 to index
        %get3A_858 = arith.index_cast %add3A_850 : i32 to index
        %get3A_859 = arith.constant 16 : index
        %get3A_860 = tpu.vector_load %arg7[%get3A_857, %get3A_858, %get3A_859] {strides = array<i32>} : memref<8x200x32xf32, #tpu.memory_space<vmem>>, vector<16xf32>,
        %max3A_861 = arith.maximumf %while3A_846, %get3A_860 : vector<16xf32>
        %mul3A_862 = arith.constant 8 : i32
        %mul3A_863 = arith.muli %while3A_844, %mul3A_862 : i32
        %add3A_864 = arith.constant 1 : i32
        %add3A_865 = arith.addi %mul3A_863, %add3A_864 : i32
        %get3A_866 = arith.constant 3 : i32
        %get3A_867 = arith.index_cast %get3A_866 : i32 to index
        %get3A_868 = arith.index_cast %add3A_865 : i32 to index
        %get3A_869 = arith.constant 0 : index
        %get3A_870 = tpu.vector_load %arg7[%get3A_867, %get3A_868, %get3A_869] {strides = array<i32>} : memref<8x200x32xf32, #tpu.memory_space<vmem>>, vector<16xf32>,
        %max3A_871 = arith.maximumf %max3A, %get3A_870 : vector<16xf32>
        %get3A_872 = arith.constant 3 : i32
        %get3A_873 = arith.index_cast %get3A_872 : i32 to index
        %get3A_874 = arith.index_cast %add3A_865 : i32 to index
        %get3A_875 = arith.constant 16 : index
        %get3A_876 = tpu.vector_load %arg7[%get3A_873, %get3A_874, %get3A_875] {strides = array<i32>} : memref<8x200x32xf32, #tpu.memory_space<vmem>>, vector<16xf32>,
        %max3A_877 = arith.maximumf %max3A_861, %get3A_876 : vector<16xf32>
        %mul3A_878 = arith.constant 8 : i32
        %mul3A_879 = arith.muli %while3A_844, %mul3A_878 : i32
        %add3A_880 = arith.constant 2 : i32
        %add3A_881 = arith.addi %mul3A_879, %add3A_880 : i32
        %get3A_882 = arith.constant 3 : i32
        %get3A_883 = arith.index_cast %get3A_882 : i32 to index
        %get3A_884 = arith.index_cast %add3A_881 : i32 to index
        %get3A_885 = arith.constant 0 : index
        %get3A_886 = tpu.vector_load %arg7[%get3A_883, %get3A_884, %get3A_885] {strides = array<i32>} : memref<8x200x32xf32, #tpu.memory_space<vmem>>, vector<16xf32>,
        %max3A_887 = arith.maximumf %max3A_871, %get3A_886 : vector<16xf32>
        %get3A_888 = arith.constant 3 : i32
        %get3A_889 = arith.index_cast %get3A_888 : i32 to index
        %get3A_890 = arith.index_cast %add3A_881 : i32 to index
        %get3A_891 = arith.constant 16 : index
        %get3A_892 = tpu.vector_load %arg7[%get3A_889, %get3A_890, %get3A_891] {strides = array<i32>} : memref<8x200x32xf32, #tpu.memory_space<vmem>>, vector<16xf32>,
        %max3A_893 = arith.maximumf %max3A_877, %get3A_892 : vector<16xf32>
        %mul3A_894 = arith.constant 8 : i32
        %mul3A_895 = arith.muli %while3A_844, %mul3A_894 : i32
        %add3A_896 = arith.constant 3 : i32
        %add3A_897 = arith.addi %mul3A_895, %add3A_896 : i32
        %get3A_898 = arith.constant 3 : i32
        %get3A_899 = arith.index_cast %get3A_898 : i32 to index
        %get3A_900 = arith.index_cast %add3A_897 : i32 to index
        %get3A_901 = arith.constant 0 : index
        %get3A_902 = tpu.vector_load %arg7[%get3A_899, %get3A_900, %get3A_901] {strides = array<i32>} : memref<8x200x32xf32, #tpu.memory_space<vmem>>, vector<16xf32>,
        %max3A_903 = arith.maximumf %max3A_887, %get3A_902 : vector<16xf32>
        %get3A_904 = arith.constant 3 : i32
        %get3A_905 = arith.index_cast %get3A_904 : i32 to index
        %get3A_906 = arith.index_cast %add3A_897 : i32 to index
        %get3A_907 = arith.constant 16 : index
        %get3A_908 = tpu.vector_load %arg7[%get3A_905, %get3A_906, %get3A_907] {strides = array<i32>} : memref<8x200x32xf32, #tpu.memory_space<vmem>>, vector<16xf32>,
        %max3A_909 = arith.maximumf %max3A_893, %get3A_908 : vector<16xf32>
        %mul3A_910 = arith.constant 8 : i32
        %mul3A_911 = arith.muli %while3A_844, %mul3A_910 : i32
        %add3A_912 = arith.constant 4 : i32
        %add3A_913 = arith.addi %mul3A_911, %add3A_912 : i32
        %get3A_914 = arith.constant 3 : i32
        %get3A_915 = arith.index_cast %get3A_914 : i32 to index
        %get3A_916 = arith.index_cast %add3A_913 : i32 to index
        %get3A_917 = arith.constant 0 : index
        %get3A_918 = tpu.vector_load %arg7[%get3A_915, %get3A_916, %get3A_917] {strides = array<i32>} : memref<8x200x32xf32, #tpu.memory_space<vmem>>, vector<16xf32>,
        %max3A_919 = arith.maximumf %max3A_903, %get3A_918 : vector<16xf32>
        %get3A_920 = arith.constant 3 : i32
        %get3A_921 = arith.index_cast %get3A_920 : i32 to index
        %get3A_922 = arith.index_cast %add3A_913 : i32 to index
        %get3A_923 = arith.constant 16 : index
        %get3A_924 = tpu.vector_load %arg7[%get3A_921, %get3A_922, %get3A_923] {strides = array<i32>} : memref<8x200x32xf32, #tpu.memory_space<vmem>>, vector<16xf32>,
        %max3A_925 = arith.maximumf %max3A_909, %get3A_924 : vector<16xf32>
        %mul3A_926 = arith.constant 8 : i32
        %mul3A_927 = arith.muli %while3A_844, %mul3A_926 : i32
        %add3A_928 = arith.constant 5 : i32
        %add3A_929 = arith.addi %mul3A_927, %add3A_928 : i32
        %get3A_930 = arith.constant 3 : i32
        %get3A_931 = arith.index_cast %get3A_930 : i32 to index
        %get3A_932 = arith.index_cast %add3A_929 : i32 to index
        %get3A_933 = arith.constant 0 : index
        %get3A_934 = tpu.vector_load %arg7[%get3A_931, %get3A_932, %get3A_933] {strides = array<i32>} : memref<8x200x32xf32, #tpu.memory_space<vmem>>, vector<16xf32>,
        %max3A_935 = arith.maximumf %max3A_919, %get3A_934 : vector<16xf32>
        %get3A_936 = arith.constant 3 : i32
        %get3A_937 = arith.index_cast %get3A_936 : i32 to index
        %get3A_938 = arith.index_cast %add3A_929 : i32 to index
        %get3A_939 = arith.constant 16 : index
        %get3A_940 = tpu.vector_load %arg7[%get3A_937, %get3A_938, %get3A_939] {strides = array<i32>} : memref<8x200x32xf32, #tpu.memory_space<vmem>>, vector<16xf32>,
        %max3A_941 = arith.maximumf %max3A_925, %get3A_940 : vector<16xf32>
        %mul3A_942 = arith.constant 8 : i32
        %mul3A_943 = arith.muli %while3A_844, %mul3A_942 : i32
        %add3A_944 = arith.constant 6 : i32
        %add3A_945 = arith.addi %mul3A_943, %add3A_944 : i32
        %get3A_946 = arith.constant 3 : i32
        %get3A_947 = arith.index_cast %get3A_946 : i32 to index
        %get3A_948 = arith.index_cast %add3A_945 : i32 to index
        %get3A_949 = arith.constant 0 : index
        %get3A_950 = tpu.vector_load %arg7[%get3A_947, %get3A_948, %get3A_949] {strides = array<i32>} : memref<8x200x32xf32, #tpu.memory_space<vmem>>, vector<16xf32>,
        %max3A_951 = arith.maximumf %max3A_935, %get3A_950 : vector<16xf32>
        %get3A_952 = arith.constant 3 : i32
        %get3A_953 = arith.index_cast %get3A_952 : i32 to index
        %get3A_954 = arith.index_cast %add3A_945 : i32 to index
        %get3A_955 = arith.constant 16 : index
        %get3A_956 = tpu.vector_load %arg7[%get3A_953, %get3A_954, %get3A_955] {strides = array<i32>} : memref<8x200x32xf32, #tpu.memory_space<vmem>>, vector<16xf32>,
        %max3A_957 = arith.maximumf %max3A_941, %get3A_956 : vector<16xf32>
        %mul3A_958 = arith.constant 8 : i32
        %mul3A_959 = arith.muli %while3A_844, %mul3A_958 : i32
        %add3A_960 = arith.constant 7 : i32
        %add3A_961 = arith.addi %mul3A_959, %add3A_960 : i32
        %get3A_962 = arith.constant 3 : i32
        %get3A_963 = arith.index_cast %get3A_962 : i32 to index
        %get3A_964 = arith.index_cast %add3A_961 : i32 to index
        %get3A_965 = arith.constant 0 : index
        %get3A_966 = tpu.vector_load %arg7[%get3A_963, %get3A_964, %get3A_965] {strides = array<i32>} : memref<8x200x32xf32, #tpu.memory_space<vmem>>, vector<16xf32>,
        %max3A_967 = arith.maximumf %max3A_951, %get3A_966 : vector<16xf32>
        %get3A_968 = arith.constant 3 : i32
        %get3A_969 = arith.index_cast %get3A_968 : i32 to index
        %get3A_970 = arith.index_cast %add3A_961 : i32 to index
        %get3A_971 = arith.constant 16 : index
        %get3A_972 = tpu.vector_load %arg7[%get3A_969, %get3A_970, %get3A_971] {strides = array<i32>} : memref<8x200x32xf32, #tpu.memory_space<vmem>>, vector<16xf32>,
        %max3A_973 = arith.maximumf %max3A_957, %get3A_972 : vector<16xf32>
        scf.yield %max3A_967, %max3A_973 : vector<16xf32>, vector<16xf32>
      }
      %mul3A_495 = arith.constant 8 : i32
      %mul3A_496 = arith.muli %select_n3A_483, %mul3A_495 : i32
      %while3A_497 = arith.subi %get3A_457, %mul3A_496 : i32
      %while3A_498 = arith.addi %mul3A_496, %while3A_497 : i32
      %while3A_499 = arith.constant 1 : i32
      %while3A_500 = arith.divsi %while3A_497, %while3A_499 : i32
      %while3A_501 = arith.muli %while3A_500, %while3A_499 : i32
      %while3A_502 = arith.addi %mul3A_496, %while3A_501 : i32
      %while3A_503 = arith.constant 1 : i32
      %while3A_504:2 = scf.for %while3A_844 = %mul3A_496 to %while3A_502 step %while3A_503 iter_args(%while3A_845 = %while3A_494#0, %while3A_846 = %while3A_494#1) -> (vector<16xf32>, vector<16xf32>)  : i32 {
        %get3A_847 = arith.constant 3 : i32
        %get3A_848 = arith.index_cast %get3A_847 : i32 to index
        %get3A_849 = arith.index_cast %while3A_844 : i32 to index
        %get3A_850 = arith.constant 0 : index
        %get3A_851 = tpu.vector_load %arg7[%get3A_848, %get3A_849, %get3A_850] {strides = array<i32>} : memref<8x200x32xf32, #tpu.memory_space<vmem>>, vector<16xf32>,
        %max3A = arith.maximumf %while3A_845, %get3A_851 : vector<16xf32>
        %get3A_852 = arith.constant 3 : i32
        %get3A_853 = arith.index_cast %get3A_852 : i32 to index
        %get3A_854 = arith.index_cast %while3A_844 : i32 to index
        %get3A_855 = arith.constant 16 : index
        %get3A_856 = tpu.vector_load %arg7[%get3A_853, %get3A_854, %get3A_855] {strides = array<i32>} : memref<8x200x32xf32, #tpu.memory_space<vmem>>, vector<16xf32>,
        %max3A_857 = arith.maximumf %while3A_846, %get3A_856 : vector<16xf32>
        scf.yield %max3A, %max3A_857 : vector<16xf32>, vector<16xf32>
      }
      %while3A_505 = arith.constant 1 : i32
      %while3A_506:2 = scf.for %while3A_844 = %while3A_502 to %while3A_498 step %while3A_505 iter_args(%while3A_845 = %while3A_504#0, %while3A_846 = %while3A_504#1) -> (vector<16xf32>, vector<16xf32>)  : i32 {
        %get3A_847 = arith.constant 3 : i32
        %get3A_848 = arith.index_cast %get3A_847 : i32 to index
        %get3A_849 = arith.index_cast %while3A_844 : i32 to index
        %get3A_850 = arith.constant 0 : index
        %get3A_851 = tpu.vector_load %arg7[%get3A_848, %get3A_849, %get3A_850] {strides = array<i32>} : memref<8x200x32xf32, #tpu.memory_space<vmem>>, vector<16xf32>,
        %max3A = arith.maximumf %while3A_845, %get3A_851 : vector<16xf32>
        %get3A_852 = arith.constant 3 : i32
        %get3A_853 = arith.index_cast %get3A_852 : i32 to index
        %get3A_854 = arith.index_cast %while3A_844 : i32 to index
        %get3A_855 = arith.constant 16 : index
        %get3A_856 = tpu.vector_load %arg7[%get3A_853, %get3A_854, %get3A_855] {strides = array<i32>} : memref<8x200x32xf32, #tpu.memory_space<vmem>>, vector<16xf32>,
        %max3A_857 = arith.maximumf %while3A_846, %get3A_856 : vector<16xf32>
        scf.yield %max3A, %max3A_857 : vector<16xf32>, vector<16xf32>
      }
      %swap3A_507 = arith.index_cast %add3A_440 : i32 to index
      %swap3A_508 = arith.constant 0 : index
      %swap3A_509 = tpu.vector_load %arg8[%swap3A_507, %swap3A_508] {strides = array<i32>} : memref<128x32xf32, #tpu.memory_space<vmem>>, vector<16xf32>,
      tpu.vector_store %arg8[%swap3A_507, %swap3A_508], %while3A_506#0 {strides = array<i32>} : memref<128x32xf32, #tpu.memory_space<vmem>>, vector<16xf32>,
      %swap3A_510 = arith.index_cast %add3A_440 : i32 to index
      %swap3A_511 = arith.constant 16 : index
      %swap3A_512 = tpu.vector_load %arg8[%swap3A_510, %swap3A_511] {strides = array<i32>} : memref<128x32xf32, #tpu.memory_space<vmem>>, vector<16xf32>,
      tpu.vector_store %arg8[%swap3A_510, %swap3A_511], %while3A_506#1 {strides = array<i32>} : memref<128x32xf32, #tpu.memory_space<vmem>>, vector<16xf32>,
      %add3A_513 = arith.constant 8 : i32
      %add3A_514 = arith.addi %add3A_440, %add3A_513 : i32
      %lt3A_515 = arith.constant 128 : i32
      %lt3A_516 = arith.cmpi slt, %add3A_514, %lt3A_515 : i32
      %convert_element_type3A_517 = arith.extui %lt3A_516 : i1 to i32
      %cond3A_518 = arith.constant 0 : i32
      %cond3A_519 = arith.cmpi ne, %convert_element_type3A_517, %cond3A_518 : i32
      scf.if %cond3A_519 {
        %add3A_844 = arith.constant 8 : i32
        %add3A_845 = arith.addi %add3A_440, %add3A_844 : i32
        %dma_start3A_846 = arith.constant 3 : i32
        %dma_start3A_847 = arith.constant 0 : i32
        %dma_start3A_848 = arith.constant 0 : i32
        %dma_start3A_849 = tpu.memref_slice %arg7[%dma_start3A_846, %dma_start3A_847, %dma_start3A_848] : memref<8x200x32xf32, #tpu.memory_space<vmem>> -> memref<1x128x32xf32, #tpu.memory_space<vmem>>
        %dma_start3A_850 = tpu.memref_squeeze %dma_start3A_849 : memref<1x128x32xf32, #tpu.memory_space<vmem>> -> memref<128x32xf32, #tpu.memory_space<vmem>>
        %dma_start3A_851 = arith.constant 0 : i32
        %dma_start3A_852 = tpu.memref_slice %arg6[%add3A_845, %dma_start3A_851] : memref<128x208xi32, #tpu.memory_space<vmem>> -> memref<1x128xi32, #tpu.memory_space<vmem>>
        %dma_start3A_853 = tpu.memref_squeeze %dma_start3A_852 : memref<1x128xi32, #tpu.memory_space<vmem>> -> memref<128xi32, #tpu.memory_space<vmem>>
        %dma_start3A_854 = arith.constant 0 : i32
        %dma_start3A_855 = arith.constant 0 : i32
        %dma_start3A_856 = tpu.memref_slice %arg3[%dma_start3A_854, %dma_start3A_855] : memref<1048576x32xf32, #tpu.memory_space<hbm>> -> memref<1048576x32xf32, #tpu.memory_space<hbm>>
        tpu.enqueue_indirect_dma source(%dma_start3A_856 : memref<1048576x32xf32, #tpu.memory_space<hbm>>) target(%dma_start3A_850 : memref<128x32xf32, #tpu.memory_space<vmem>>) offsets(%dma_start3A_853 : memref<128xi32, #tpu.memory_space<vmem>>) semaphore(%arg13 : memref<!tpu.dma_semaphore, #tpu.memory_space<semaphore_mem>>)
        %dma_start3A_857 = arith.constant 3 : i32
        %dma_start3A_858 = arith.constant 128 : i32
        %dma_start3A_859 = arith.constant 0 : i32
        %dma_start3A_860 = tpu.memref_slice %arg7[%dma_start3A_857, %dma_start3A_858, %dma_start3A_859] : memref<8x200x32xf32, #tpu.memory_space<vmem>> -> memref<1x72x32xf32, #tpu.memory_space<vmem>>
        %dma_start3A_861 = tpu.memref_squeeze %dma_start3A_860 : memref<1x72x32xf32, #tpu.memory_space<vmem>> -> memref<72x32xf32, #tpu.memory_space<vmem>>
        %dma_start3A_862 = arith.constant 128 : i32
        %dma_start3A_863 = tpu.memref_slice %arg6[%add3A_845, %dma_start3A_862] : memref<128x208xi32, #tpu.memory_space<vmem>> -> memref<1x72xi32, #tpu.memory_space<vmem>>
        %dma_start3A_864 = tpu.memref_squeeze %dma_start3A_863 : memref<1x72xi32, #tpu.memory_space<vmem>> -> memref<72xi32, #tpu.memory_space<vmem>>
        %dma_start3A_865 = arith.constant 0 : i32
        %dma_start3A_866 = arith.constant 0 : i32
        %dma_start3A_867 = tpu.memref_slice %arg3[%dma_start3A_865, %dma_start3A_866] : memref<1048576x32xf32, #tpu.memory_space<hbm>> -> memref<1048576x32xf32, #tpu.memory_space<hbm>>
        tpu.enqueue_indirect_dma source(%dma_start3A_867 : memref<1048576x32xf32, #tpu.memory_space<hbm>>) target(%dma_start3A_861 : memref<72x32xf32, #tpu.memory_space<vmem>>) offsets(%dma_start3A_864 : memref<72xi32, #tpu.memory_space<vmem>>) semaphore(%arg13 : memref<!tpu.dma_semaphore, #tpu.memory_space<semaphore_mem>>)
      } else {
      }
      %add3A_520 = arith.constant 4 : i32
      %add3A_521 = arith.addi %add3A_210, %add3A_520 : i32
      %dma_wait3A_522 = arith.constant 4 : i32
      %dma_wait3A_523 = arith.constant 0 : i32
      %dma_wait3A_524 = arith.constant 0 : i32
      %dma_wait3A_525 = tpu.memref_slice %arg7[%dma_wait3A_522, %dma_wait3A_523, %dma_wait3A_524] : memref<8x200x32xf32, #tpu.memory_space<vmem>> -> memref<1x200x32xf32, #tpu.memory_space<vmem>>
      %dma_wait3A_526 = tpu.memref_squeeze %dma_wait3A_525 : memref<1x200x32xf32, #tpu.memory_space<vmem>> -> memref<200x32xf32, #tpu.memory_space<vmem>>
      %dma_wait3A_527 = arith.constant 0 : i32
      %dma_wait3A_528 = arith.constant 0 : i32
      %dma_wait3A_529 = tpu.memref_slice %arg3[%dma_wait3A_527, %dma_wait3A_528] : memref<1048576x32xf32, #tpu.memory_space<hbm>> -> memref<200x32xf32, #tpu.memory_space<hbm>>
      %dma_wait3A_530 = arith.constant 0 : i32
      %dma_wait3A_531 = arith.constant 0 : i32
      %dma_wait3A_532 = tpu.memref_slice %arg7[%dma_wait3A_522, %dma_wait3A_530, %dma_wait3A_531] : memref<8x200x32xf32, #tpu.memory_space<vmem>> -> memref<1x200x32xf32, #tpu.memory_space<vmem>>
      %dma_wait3A_533 = tpu.memref_squeeze %dma_wait3A_532 : memref<1x200x32xf32, #tpu.memory_space<vmem>> -> memref<200x32xf32, #tpu.memory_space<vmem>>
      %dma_wait3A_534 = arith.constant 0 : i32
      %dma_wait3A_535 = arith.constant 0 : i32
      %dma_wait3A_536 = tpu.memref_slice %arg3[%dma_wait3A_534, %dma_wait3A_535] : memref<1048576x32xf32, #tpu.memory_space<hbm>> -> memref<200x32xf32, #tpu.memory_space<hbm>>
      tpu.wait_dma2 semaphore(%arg14 : memref<!tpu.dma_semaphore, #tpu.memory_space<semaphore_mem>>) src(%dma_wait3A_536 : memref<200x32xf32, #tpu.memory_space<hbm>>) dst(%dma_wait3A_533 : memref<200x32xf32, #tpu.memory_space<vmem>>)
      %get3A_537 = arith.index_cast %add3A_521 : i32 to index
      %get3A_538 = memref.load %arg9[%get3A_537] : memref<128xi32, #tpu.memory_space<smem>>
      %broadcast_in_dim3A_539 = arith.constant -1.000000e+09 : f32
      %broadcast_in_dim3A_540 = vector.broadcast %broadcast_in_dim3A_539 : f32 to vector<16xf32>
      %jit3A_541 = arith.constant 8 : i32
      %div3A_542 = arith.divsi %get3A_538, %jit3A_541 : i32
      %sign3A_543 = arith.constant 0 : i32
      %sign3A_544 = arith.cmpi sgt, %get3A_538, %sign3A_543 : i32
      %sign3A_545 = arith.extui %sign3A_544 : i1 to i32
      %sign3A_546 = arith.constant 0 : i32
      %sign3A_547 = arith.cmpi slt, %get3A_538, %sign3A_546 : i32
      %sign3A_548 = arith.extui %sign3A_547 : i1 to i32
      %sign3A_549 = arith.subi %sign3A_545, %sign3A_548 : i32
      %sign3A_550 = arith.constant 0 : i32
      %sign3A_551 = arith.cmpi sgt, %jit3A_541, %sign3A_550 : i32
      %sign3A_552 = arith.extui %sign3A_551 : i1 to i32
      %sign3A_553 = arith.constant 0 : i32
      %sign3A_554 = arith.cmpi slt, %jit3A_541, %sign3A_553 : i32
      %sign3A_555 = arith.extui %sign3A_554 : i1 to i32
      %sign3A_556 = arith.subi %sign3A_552, %sign3A_555 : i32
      %ne3A_557 = arith.cmpi ne, %sign3A_549, %sign3A_556 : i32
      %rem3A_558 = arith.remsi %get3A_538, %jit3A_541 : i32
      %ne3A_559 = arith.constant 0 : i32
      %ne3A_560 = arith.cmpi ne, %rem3A_558, %ne3A_559 : i32
      %and3A_561 = arith.andi %ne3A_557, %ne3A_560 : i1
      %sub3A_562 = arith.constant 1 : i32
      %sub3A_563 = arith.subi %div3A_542, %sub3A_562 : i32
      %select_n3A_564 = arith.select %and3A_561, %sub3A_563, %div3A_542 : i32
      %while3A_565 = arith.constant 0 : i32
      %while3A_566 = arith.subi %select_n3A_564, %while3A_565 : i32
      %while3A_567 = arith.addi %while3A_565, %while3A_566 : i32
      %while3A_568 = arith.constant 1 : i32
      %while3A_569 = arith.divsi %while3A_566, %while3A_568 : i32
      %while3A_570 = arith.muli %while3A_569, %while3A_568 : i32
      %while3A_571 = arith.addi %while3A_565, %while3A_570 : i32
      %while3A_572 = arith.constant 1 : i32
      %while3A_573:2 = scf.for %while3A_844 = %while3A_565 to %while3A_571 step %while3A_572 iter_args(%while3A_845 = %broadcast_in_dim3A_540, %while3A_846 = %broadcast_in_dim3A_540) -> (vector<16xf32>, vector<16xf32>)  : i32 {
        %mul3A_847 = arith.constant 8 : i32
        %mul3A_848 = arith.muli %while3A_844, %mul3A_847 : i32
        %add3A_849 = arith.constant 0 : i32
        %add3A_850 = arith.addi %mul3A_848, %add3A_849 : i32
        %get3A_851 = arith.constant 4 : i32
        %get3A_852 = arith.index_cast %get3A_851 : i32 to index
        %get3A_853 = arith.index_cast %add3A_850 : i32 to index
        %get3A_854 = arith.constant 0 : index
        %get3A_855 = tpu.vector_load %arg7[%get3A_852, %get3A_853, %get3A_854] {strides = array<i32>} : memref<8x200x32xf32, #tpu.memory_space<vmem>>, vector<16xf32>,
        %max3A = arith.maximumf %while3A_845, %get3A_855 : vector<16xf32>
        %get3A_856 = arith.constant 4 : i32
        %get3A_857 = arith.index_cast %get3A_856 : i32 to index
        %get3A_858 = arith.index_cast %add3A_850 : i32 to index
        %get3A_859 = arith.constant 16 : index
        %get3A_860 = tpu.vector_load %arg7[%get3A_857, %get3A_858, %get3A_859] {strides = array<i32>} : memref<8x200x32xf32, #tpu.memory_space<vmem>>, vector<16xf32>,
        %max3A_861 = arith.maximumf %while3A_846, %get3A_860 : vector<16xf32>
        %mul3A_862 = arith.constant 8 : i32
        %mul3A_863 = arith.muli %while3A_844, %mul3A_862 : i32
        %add3A_864 = arith.constant 1 : i32
        %add3A_865 = arith.addi %mul3A_863, %add3A_864 : i32
        %get3A_866 = arith.constant 4 : i32
        %get3A_867 = arith.index_cast %get3A_866 : i32 to index
        %get3A_868 = arith.index_cast %add3A_865 : i32 to index
        %get3A_869 = arith.constant 0 : index
        %get3A_870 = tpu.vector_load %arg7[%get3A_867, %get3A_868, %get3A_869] {strides = array<i32>} : memref<8x200x32xf32, #tpu.memory_space<vmem>>, vector<16xf32>,
        %max3A_871 = arith.maximumf %max3A, %get3A_870 : vector<16xf32>
        %get3A_872 = arith.constant 4 : i32
        %get3A_873 = arith.index_cast %get3A_872 : i32 to index
        %get3A_874 = arith.index_cast %add3A_865 : i32 to index
        %get3A_875 = arith.constant 16 : index
        %get3A_876 = tpu.vector_load %arg7[%get3A_873, %get3A_874, %get3A_875] {strides = array<i32>} : memref<8x200x32xf32, #tpu.memory_space<vmem>>, vector<16xf32>,
        %max3A_877 = arith.maximumf %max3A_861, %get3A_876 : vector<16xf32>
        %mul3A_878 = arith.constant 8 : i32
        %mul3A_879 = arith.muli %while3A_844, %mul3A_878 : i32
        %add3A_880 = arith.constant 2 : i32
        %add3A_881 = arith.addi %mul3A_879, %add3A_880 : i32
        %get3A_882 = arith.constant 4 : i32
        %get3A_883 = arith.index_cast %get3A_882 : i32 to index
        %get3A_884 = arith.index_cast %add3A_881 : i32 to index
        %get3A_885 = arith.constant 0 : index
        %get3A_886 = tpu.vector_load %arg7[%get3A_883, %get3A_884, %get3A_885] {strides = array<i32>} : memref<8x200x32xf32, #tpu.memory_space<vmem>>, vector<16xf32>,
        %max3A_887 = arith.maximumf %max3A_871, %get3A_886 : vector<16xf32>
        %get3A_888 = arith.constant 4 : i32
        %get3A_889 = arith.index_cast %get3A_888 : i32 to index
        %get3A_890 = arith.index_cast %add3A_881 : i32 to index
        %get3A_891 = arith.constant 16 : index
        %get3A_892 = tpu.vector_load %arg7[%get3A_889, %get3A_890, %get3A_891] {strides = array<i32>} : memref<8x200x32xf32, #tpu.memory_space<vmem>>, vector<16xf32>,
        %max3A_893 = arith.maximumf %max3A_877, %get3A_892 : vector<16xf32>
        %mul3A_894 = arith.constant 8 : i32
        %mul3A_895 = arith.muli %while3A_844, %mul3A_894 : i32
        %add3A_896 = arith.constant 3 : i32
        %add3A_897 = arith.addi %mul3A_895, %add3A_896 : i32
        %get3A_898 = arith.constant 4 : i32
        %get3A_899 = arith.index_cast %get3A_898 : i32 to index
        %get3A_900 = arith.index_cast %add3A_897 : i32 to index
        %get3A_901 = arith.constant 0 : index
        %get3A_902 = tpu.vector_load %arg7[%get3A_899, %get3A_900, %get3A_901] {strides = array<i32>} : memref<8x200x32xf32, #tpu.memory_space<vmem>>, vector<16xf32>,
        %max3A_903 = arith.maximumf %max3A_887, %get3A_902 : vector<16xf32>
        %get3A_904 = arith.constant 4 : i32
        %get3A_905 = arith.index_cast %get3A_904 : i32 to index
        %get3A_906 = arith.index_cast %add3A_897 : i32 to index
        %get3A_907 = arith.constant 16 : index
        %get3A_908 = tpu.vector_load %arg7[%get3A_905, %get3A_906, %get3A_907] {strides = array<i32>} : memref<8x200x32xf32, #tpu.memory_space<vmem>>, vector<16xf32>,
        %max3A_909 = arith.maximumf %max3A_893, %get3A_908 : vector<16xf32>
        %mul3A_910 = arith.constant 8 : i32
        %mul3A_911 = arith.muli %while3A_844, %mul3A_910 : i32
        %add3A_912 = arith.constant 4 : i32
        %add3A_913 = arith.addi %mul3A_911, %add3A_912 : i32
        %get3A_914 = arith.constant 4 : i32
        %get3A_915 = arith.index_cast %get3A_914 : i32 to index
        %get3A_916 = arith.index_cast %add3A_913 : i32 to index
        %get3A_917 = arith.constant 0 : index
        %get3A_918 = tpu.vector_load %arg7[%get3A_915, %get3A_916, %get3A_917] {strides = array<i32>} : memref<8x200x32xf32, #tpu.memory_space<vmem>>, vector<16xf32>,
        %max3A_919 = arith.maximumf %max3A_903, %get3A_918 : vector<16xf32>
        %get3A_920 = arith.constant 4 : i32
        %get3A_921 = arith.index_cast %get3A_920 : i32 to index
        %get3A_922 = arith.index_cast %add3A_913 : i32 to index
        %get3A_923 = arith.constant 16 : index
        %get3A_924 = tpu.vector_load %arg7[%get3A_921, %get3A_922, %get3A_923] {strides = array<i32>} : memref<8x200x32xf32, #tpu.memory_space<vmem>>, vector<16xf32>,
        %max3A_925 = arith.maximumf %max3A_909, %get3A_924 : vector<16xf32>
        %mul3A_926 = arith.constant 8 : i32
        %mul3A_927 = arith.muli %while3A_844, %mul3A_926 : i32
        %add3A_928 = arith.constant 5 : i32
        %add3A_929 = arith.addi %mul3A_927, %add3A_928 : i32
        %get3A_930 = arith.constant 4 : i32
        %get3A_931 = arith.index_cast %get3A_930 : i32 to index
        %get3A_932 = arith.index_cast %add3A_929 : i32 to index
        %get3A_933 = arith.constant 0 : index
        %get3A_934 = tpu.vector_load %arg7[%get3A_931, %get3A_932, %get3A_933] {strides = array<i32>} : memref<8x200x32xf32, #tpu.memory_space<vmem>>, vector<16xf32>,
        %max3A_935 = arith.maximumf %max3A_919, %get3A_934 : vector<16xf32>
        %get3A_936 = arith.constant 4 : i32
        %get3A_937 = arith.index_cast %get3A_936 : i32 to index
        %get3A_938 = arith.index_cast %add3A_929 : i32 to index
        %get3A_939 = arith.constant 16 : index
        %get3A_940 = tpu.vector_load %arg7[%get3A_937, %get3A_938, %get3A_939] {strides = array<i32>} : memref<8x200x32xf32, #tpu.memory_space<vmem>>, vector<16xf32>,
        %max3A_941 = arith.maximumf %max3A_925, %get3A_940 : vector<16xf32>
        %mul3A_942 = arith.constant 8 : i32
        %mul3A_943 = arith.muli %while3A_844, %mul3A_942 : i32
        %add3A_944 = arith.constant 6 : i32
        %add3A_945 = arith.addi %mul3A_943, %add3A_944 : i32
        %get3A_946 = arith.constant 4 : i32
        %get3A_947 = arith.index_cast %get3A_946 : i32 to index
        %get3A_948 = arith.index_cast %add3A_945 : i32 to index
        %get3A_949 = arith.constant 0 : index
        %get3A_950 = tpu.vector_load %arg7[%get3A_947, %get3A_948, %get3A_949] {strides = array<i32>} : memref<8x200x32xf32, #tpu.memory_space<vmem>>, vector<16xf32>,
        %max3A_951 = arith.maximumf %max3A_935, %get3A_950 : vector<16xf32>
        %get3A_952 = arith.constant 4 : i32
        %get3A_953 = arith.index_cast %get3A_952 : i32 to index
        %get3A_954 = arith.index_cast %add3A_945 : i32 to index
        %get3A_955 = arith.constant 16 : index
        %get3A_956 = tpu.vector_load %arg7[%get3A_953, %get3A_954, %get3A_955] {strides = array<i32>} : memref<8x200x32xf32, #tpu.memory_space<vmem>>, vector<16xf32>,
        %max3A_957 = arith.maximumf %max3A_941, %get3A_956 : vector<16xf32>
        %mul3A_958 = arith.constant 8 : i32
        %mul3A_959 = arith.muli %while3A_844, %mul3A_958 : i32
        %add3A_960 = arith.constant 7 : i32
        %add3A_961 = arith.addi %mul3A_959, %add3A_960 : i32
        %get3A_962 = arith.constant 4 : i32
        %get3A_963 = arith.index_cast %get3A_962 : i32 to index
        %get3A_964 = arith.index_cast %add3A_961 : i32 to index
        %get3A_965 = arith.constant 0 : index
        %get3A_966 = tpu.vector_load %arg7[%get3A_963, %get3A_964, %get3A_965] {strides = array<i32>} : memref<8x200x32xf32, #tpu.memory_space<vmem>>, vector<16xf32>,
        %max3A_967 = arith.maximumf %max3A_951, %get3A_966 : vector<16xf32>
        %get3A_968 = arith.constant 4 : i32
        %get3A_969 = arith.index_cast %get3A_968 : i32 to index
        %get3A_970 = arith.index_cast %add3A_961 : i32 to index
        %get3A_971 = arith.constant 16 : index
        %get3A_972 = tpu.vector_load %arg7[%get3A_969, %get3A_970, %get3A_971] {strides = array<i32>} : memref<8x200x32xf32, #tpu.memory_space<vmem>>, vector<16xf32>,
        %max3A_973 = arith.maximumf %max3A_957, %get3A_972 : vector<16xf32>
        scf.yield %max3A_967, %max3A_973 : vector<16xf32>, vector<16xf32>
      }
      %while3A_574 = arith.constant 1 : i32
      %while3A_575:2 = scf.for %while3A_844 = %while3A_571 to %while3A_567 step %while3A_574 iter_args(%while3A_845 = %while3A_573#0, %while3A_846 = %while3A_573#1) -> (vector<16xf32>, vector<16xf32>)  : i32 {
        %mul3A_847 = arith.constant 8 : i32
        %mul3A_848 = arith.muli %while3A_844, %mul3A_847 : i32
        %add3A_849 = arith.constant 0 : i32
        %add3A_850 = arith.addi %mul3A_848, %add3A_849 : i32
        %get3A_851 = arith.constant 4 : i32
        %get3A_852 = arith.index_cast %get3A_851 : i32 to index
        %get3A_853 = arith.index_cast %add3A_850 : i32 to index
        %get3A_854 = arith.constant 0 : index
        %get3A_855 = tpu.vector_load %arg7[%get3A_852, %get3A_853, %get3A_854] {strides = array<i32>} : memref<8x200x32xf32, #tpu.memory_space<vmem>>, vector<16xf32>,
        %max3A = arith.maximumf %while3A_845, %get3A_855 : vector<16xf32>
        %get3A_856 = arith.constant 4 : i32
        %get3A_857 = arith.index_cast %get3A_856 : i32 to index
        %get3A_858 = arith.index_cast %add3A_850 : i32 to index
        %get3A_859 = arith.constant 16 : index
        %get3A_860 = tpu.vector_load %arg7[%get3A_857, %get3A_858, %get3A_859] {strides = array<i32>} : memref<8x200x32xf32, #tpu.memory_space<vmem>>, vector<16xf32>,
        %max3A_861 = arith.maximumf %while3A_846, %get3A_860 : vector<16xf32>
        %mul3A_862 = arith.constant 8 : i32
        %mul3A_863 = arith.muli %while3A_844, %mul3A_862 : i32
        %add3A_864 = arith.constant 1 : i32
        %add3A_865 = arith.addi %mul3A_863, %add3A_864 : i32
        %get3A_866 = arith.constant 4 : i32
        %get3A_867 = arith.index_cast %get3A_866 : i32 to index
        %get3A_868 = arith.index_cast %add3A_865 : i32 to index
        %get3A_869 = arith.constant 0 : index
        %get3A_870 = tpu.vector_load %arg7[%get3A_867, %get3A_868, %get3A_869] {strides = array<i32>} : memref<8x200x32xf32, #tpu.memory_space<vmem>>, vector<16xf32>,
        %max3A_871 = arith.maximumf %max3A, %get3A_870 : vector<16xf32>
        %get3A_872 = arith.constant 4 : i32
        %get3A_873 = arith.index_cast %get3A_872 : i32 to index
        %get3A_874 = arith.index_cast %add3A_865 : i32 to index
        %get3A_875 = arith.constant 16 : index
        %get3A_876 = tpu.vector_load %arg7[%get3A_873, %get3A_874, %get3A_875] {strides = array<i32>} : memref<8x200x32xf32, #tpu.memory_space<vmem>>, vector<16xf32>,
        %max3A_877 = arith.maximumf %max3A_861, %get3A_876 : vector<16xf32>
        %mul3A_878 = arith.constant 8 : i32
        %mul3A_879 = arith.muli %while3A_844, %mul3A_878 : i32
        %add3A_880 = arith.constant 2 : i32
        %add3A_881 = arith.addi %mul3A_879, %add3A_880 : i32
        %get3A_882 = arith.constant 4 : i32
        %get3A_883 = arith.index_cast %get3A_882 : i32 to index
        %get3A_884 = arith.index_cast %add3A_881 : i32 to index
        %get3A_885 = arith.constant 0 : index
        %get3A_886 = tpu.vector_load %arg7[%get3A_883, %get3A_884, %get3A_885] {strides = array<i32>} : memref<8x200x32xf32, #tpu.memory_space<vmem>>, vector<16xf32>,
        %max3A_887 = arith.maximumf %max3A_871, %get3A_886 : vector<16xf32>
        %get3A_888 = arith.constant 4 : i32
        %get3A_889 = arith.index_cast %get3A_888 : i32 to index
        %get3A_890 = arith.index_cast %add3A_881 : i32 to index
        %get3A_891 = arith.constant 16 : index
        %get3A_892 = tpu.vector_load %arg7[%get3A_889, %get3A_890, %get3A_891] {strides = array<i32>} : memref<8x200x32xf32, #tpu.memory_space<vmem>>, vector<16xf32>,
        %max3A_893 = arith.maximumf %max3A_877, %get3A_892 : vector<16xf32>
        %mul3A_894 = arith.constant 8 : i32
        %mul3A_895 = arith.muli %while3A_844, %mul3A_894 : i32
        %add3A_896 = arith.constant 3 : i32
        %add3A_897 = arith.addi %mul3A_895, %add3A_896 : i32
        %get3A_898 = arith.constant 4 : i32
        %get3A_899 = arith.index_cast %get3A_898 : i32 to index
        %get3A_900 = arith.index_cast %add3A_897 : i32 to index
        %get3A_901 = arith.constant 0 : index
        %get3A_902 = tpu.vector_load %arg7[%get3A_899, %get3A_900, %get3A_901] {strides = array<i32>} : memref<8x200x32xf32, #tpu.memory_space<vmem>>, vector<16xf32>,
        %max3A_903 = arith.maximumf %max3A_887, %get3A_902 : vector<16xf32>
        %get3A_904 = arith.constant 4 : i32
        %get3A_905 = arith.index_cast %get3A_904 : i32 to index
        %get3A_906 = arith.index_cast %add3A_897 : i32 to index
        %get3A_907 = arith.constant 16 : index
        %get3A_908 = tpu.vector_load %arg7[%get3A_905, %get3A_906, %get3A_907] {strides = array<i32>} : memref<8x200x32xf32, #tpu.memory_space<vmem>>, vector<16xf32>,
        %max3A_909 = arith.maximumf %max3A_893, %get3A_908 : vector<16xf32>
        %mul3A_910 = arith.constant 8 : i32
        %mul3A_911 = arith.muli %while3A_844, %mul3A_910 : i32
        %add3A_912 = arith.constant 4 : i32
        %add3A_913 = arith.addi %mul3A_911, %add3A_912 : i32
        %get3A_914 = arith.constant 4 : i32
        %get3A_915 = arith.index_cast %get3A_914 : i32 to index
        %get3A_916 = arith.index_cast %add3A_913 : i32 to index
        %get3A_917 = arith.constant 0 : index
        %get3A_918 = tpu.vector_load %arg7[%get3A_915, %get3A_916, %get3A_917] {strides = array<i32>} : memref<8x200x32xf32, #tpu.memory_space<vmem>>, vector<16xf32>,
        %max3A_919 = arith.maximumf %max3A_903, %get3A_918 : vector<16xf32>
        %get3A_920 = arith.constant 4 : i32
        %get3A_921 = arith.index_cast %get3A_920 : i32 to index
        %get3A_922 = arith.index_cast %add3A_913 : i32 to index
        %get3A_923 = arith.constant 16 : index
        %get3A_924 = tpu.vector_load %arg7[%get3A_921, %get3A_922, %get3A_923] {strides = array<i32>} : memref<8x200x32xf32, #tpu.memory_space<vmem>>, vector<16xf32>,
        %max3A_925 = arith.maximumf %max3A_909, %get3A_924 : vector<16xf32>
        %mul3A_926 = arith.constant 8 : i32
        %mul3A_927 = arith.muli %while3A_844, %mul3A_926 : i32
        %add3A_928 = arith.constant 5 : i32
        %add3A_929 = arith.addi %mul3A_927, %add3A_928 : i32
        %get3A_930 = arith.constant 4 : i32
        %get3A_931 = arith.index_cast %get3A_930 : i32 to index
        %get3A_932 = arith.index_cast %add3A_929 : i32 to index
        %get3A_933 = arith.constant 0 : index
        %get3A_934 = tpu.vector_load %arg7[%get3A_931, %get3A_932, %get3A_933] {strides = array<i32>} : memref<8x200x32xf32, #tpu.memory_space<vmem>>, vector<16xf32>,
        %max3A_935 = arith.maximumf %max3A_919, %get3A_934 : vector<16xf32>
        %get3A_936 = arith.constant 4 : i32
        %get3A_937 = arith.index_cast %get3A_936 : i32 to index
        %get3A_938 = arith.index_cast %add3A_929 : i32 to index
        %get3A_939 = arith.constant 16 : index
        %get3A_940 = tpu.vector_load %arg7[%get3A_937, %get3A_938, %get3A_939] {strides = array<i32>} : memref<8x200x32xf32, #tpu.memory_space<vmem>>, vector<16xf32>,
        %max3A_941 = arith.maximumf %max3A_925, %get3A_940 : vector<16xf32>
        %mul3A_942 = arith.constant 8 : i32
        %mul3A_943 = arith.muli %while3A_844, %mul3A_942 : i32
        %add3A_944 = arith.constant 6 : i32
        %add3A_945 = arith.addi %mul3A_943, %add3A_944 : i32
        %get3A_946 = arith.constant 4 : i32
        %get3A_947 = arith.index_cast %get3A_946 : i32 to index
        %get3A_948 = arith.index_cast %add3A_945 : i32 to index
        %get3A_949 = arith.constant 0 : index
        %get3A_950 = tpu.vector_load %arg7[%get3A_947, %get3A_948, %get3A_949] {strides = array<i32>} : memref<8x200x32xf32, #tpu.memory_space<vmem>>, vector<16xf32>,
        %max3A_951 = arith.maximumf %max3A_935, %get3A_950 : vector<16xf32>
        %get3A_952 = arith.constant 4 : i32
        %get3A_953 = arith.index_cast %get3A_952 : i32 to index
        %get3A_954 = arith.index_cast %add3A_945 : i32 to index
        %get3A_955 = arith.constant 16 : index
        %get3A_956 = tpu.vector_load %arg7[%get3A_953, %get3A_954, %get3A_955] {strides = array<i32>} : memref<8x200x32xf32, #tpu.memory_space<vmem>>, vector<16xf32>,
        %max3A_957 = arith.maximumf %max3A_941, %get3A_956 : vector<16xf32>
        %mul3A_958 = arith.constant 8 : i32
        %mul3A_959 = arith.muli %while3A_844, %mul3A_958 : i32
        %add3A_960 = arith.constant 7 : i32
        %add3A_961 = arith.addi %mul3A_959, %add3A_960 : i32
        %get3A_962 = arith.constant 4 : i32
        %get3A_963 = arith.index_cast %get3A_962 : i32 to index
        %get3A_964 = arith.index_cast %add3A_961 : i32 to index
        %get3A_965 = arith.constant 0 : index
        %get3A_966 = tpu.vector_load %arg7[%get3A_963, %get3A_964, %get3A_965] {strides = array<i32>} : memref<8x200x32xf32, #tpu.memory_space<vmem>>, vector<16xf32>,
        %max3A_967 = arith.maximumf %max3A_951, %get3A_966 : vector<16xf32>
        %get3A_968 = arith.constant 4 : i32
        %get3A_969 = arith.index_cast %get3A_968 : i32 to index
        %get3A_970 = arith.index_cast %add3A_961 : i32 to index
        %get3A_971 = arith.constant 16 : index
        %get3A_972 = tpu.vector_load %arg7[%get3A_969, %get3A_970, %get3A_971] {strides = array<i32>} : memref<8x200x32xf32, #tpu.memory_space<vmem>>, vector<16xf32>,
        %max3A_973 = arith.maximumf %max3A_957, %get3A_972 : vector<16xf32>
        scf.yield %max3A_967, %max3A_973 : vector<16xf32>, vector<16xf32>
      }
      %mul3A_576 = arith.constant 8 : i32
      %mul3A_577 = arith.muli %select_n3A_564, %mul3A_576 : i32
      %while3A_578 = arith.subi %get3A_538, %mul3A_577 : i32
      %while3A_579 = arith.addi %mul3A_577, %while3A_578 : i32
      %while3A_580 = arith.constant 1 : i32
      %while3A_581 = arith.divsi %while3A_578, %while3A_580 : i32
      %while3A_582 = arith.muli %while3A_581, %while3A_580 : i32
      %while3A_583 = arith.addi %mul3A_577, %while3A_582 : i32
      %while3A_584 = arith.constant 1 : i32
      %while3A_585:2 = scf.for %while3A_844 = %mul3A_577 to %while3A_583 step %while3A_584 iter_args(%while3A_845 = %while3A_575#0, %while3A_846 = %while3A_575#1) -> (vector<16xf32>, vector<16xf32>)  : i32 {
        %get3A_847 = arith.constant 4 : i32
        %get3A_848 = arith.index_cast %get3A_847 : i32 to index
        %get3A_849 = arith.index_cast %while3A_844 : i32 to index
        %get3A_850 = arith.constant 0 : index
        %get3A_851 = tpu.vector_load %arg7[%get3A_848, %get3A_849, %get3A_850] {strides = array<i32>} : memref<8x200x32xf32, #tpu.memory_space<vmem>>, vector<16xf32>,
        %max3A = arith.maximumf %while3A_845, %get3A_851 : vector<16xf32>
        %get3A_852 = arith.constant 4 : i32
        %get3A_853 = arith.index_cast %get3A_852 : i32 to index
        %get3A_854 = arith.index_cast %while3A_844 : i32 to index
        %get3A_855 = arith.constant 16 : index
        %get3A_856 = tpu.vector_load %arg7[%get3A_853, %get3A_854, %get3A_855] {strides = array<i32>} : memref<8x200x32xf32, #tpu.memory_space<vmem>>, vector<16xf32>,
        %max3A_857 = arith.maximumf %while3A_846, %get3A_856 : vector<16xf32>
        scf.yield %max3A, %max3A_857 : vector<16xf32>, vector<16xf32>
      }
      %while3A_586 = arith.constant 1 : i32
      %while3A_587:2 = scf.for %while3A_844 = %while3A_583 to %while3A_579 step %while3A_586 iter_args(%while3A_845 = %while3A_585#0, %while3A_846 = %while3A_585#1) -> (vector<16xf32>, vector<16xf32>)  : i32 {
        %get3A_847 = arith.constant 4 : i32
        %get3A_848 = arith.index_cast %get3A_847 : i32 to index
        %get3A_849 = arith.index_cast %while3A_844 : i32 to index
        %get3A_850 = arith.constant 0 : index
        %get3A_851 = tpu.vector_load %arg7[%get3A_848, %get3A_849, %get3A_850] {strides = array<i32>} : memref<8x200x32xf32, #tpu.memory_space<vmem>>, vector<16xf32>,
        %max3A = arith.maximumf %while3A_845, %get3A_851 : vector<16xf32>
        %get3A_852 = arith.constant 4 : i32
        %get3A_853 = arith.index_cast %get3A_852 : i32 to index
        %get3A_854 = arith.index_cast %while3A_844 : i32 to index
        %get3A_855 = arith.constant 16 : index
        %get3A_856 = tpu.vector_load %arg7[%get3A_853, %get3A_854, %get3A_855] {strides = array<i32>} : memref<8x200x32xf32, #tpu.memory_space<vmem>>, vector<16xf32>,
        %max3A_857 = arith.maximumf %while3A_846, %get3A_856 : vector<16xf32>
        scf.yield %max3A, %max3A_857 : vector<16xf32>, vector<16xf32>
      }
      %swap3A_588 = arith.index_cast %add3A_521 : i32 to index
      %swap3A_589 = arith.constant 0 : index
      %swap3A_590 = tpu.vector_load %arg8[%swap3A_588, %swap3A_589] {strides = array<i32>} : memref<128x32xf32, #tpu.memory_space<vmem>>, vector<16xf32>,
      tpu.vector_store %arg8[%swap3A_588, %swap3A_589], %while3A_587#0 {strides = array<i32>} : memref<128x32xf32, #tpu.memory_space<vmem>>, vector<16xf32>,
      %swap3A_591 = arith.index_cast %add3A_521 : i32 to index
      %swap3A_592 = arith.constant 16 : index
      %swap3A_593 = tpu.vector_load %arg8[%swap3A_591, %swap3A_592] {strides = array<i32>} : memref<128x32xf32, #tpu.memory_space<vmem>>, vector<16xf32>,
      tpu.vector_store %arg8[%swap3A_591, %swap3A_592], %while3A_587#1 {strides = array<i32>} : memref<128x32xf32, #tpu.memory_space<vmem>>, vector<16xf32>,
      %add3A_594 = arith.constant 8 : i32
      %add3A_595 = arith.addi %add3A_521, %add3A_594 : i32
      %lt3A_596 = arith.constant 128 : i32
      %lt3A_597 = arith.cmpi slt, %add3A_595, %lt3A_596 : i32
      %convert_element_type3A_598 = arith.extui %lt3A_597 : i1 to i32
      %cond3A_599 = arith.constant 0 : i32
      %cond3A_600 = arith.cmpi ne, %convert_element_type3A_598, %cond3A_599 : i32
      scf.if %cond3A_600 {
        %add3A_844 = arith.constant 8 : i32
        %add3A_845 = arith.addi %add3A_521, %add3A_844 : i32
        %dma_start3A_846 = arith.constant 4 : i32
        %dma_start3A_847 = arith.constant 0 : i32
        %dma_start3A_848 = arith.constant 0 : i32
        %dma_start3A_849 = tpu.memref_slice %arg7[%dma_start3A_846, %dma_start3A_847, %dma_start3A_848] : memref<8x200x32xf32, #tpu.memory_space<vmem>> -> memref<1x128x32xf32, #tpu.memory_space<vmem>>
        %dma_start3A_850 = tpu.memref_squeeze %dma_start3A_849 : memref<1x128x32xf32, #tpu.memory_space<vmem>> -> memref<128x32xf32, #tpu.memory_space<vmem>>
        %dma_start3A_851 = arith.constant 0 : i32
        %dma_start3A_852 = tpu.memref_slice %arg6[%add3A_845, %dma_start3A_851] : memref<128x208xi32, #tpu.memory_space<vmem>> -> memref<1x128xi32, #tpu.memory_space<vmem>>
        %dma_start3A_853 = tpu.memref_squeeze %dma_start3A_852 : memref<1x128xi32, #tpu.memory_space<vmem>> -> memref<128xi32, #tpu.memory_space<vmem>>
        %dma_start3A_854 = arith.constant 0 : i32
        %dma_start3A_855 = arith.constant 0 : i32
        %dma_start3A_856 = tpu.memref_slice %arg3[%dma_start3A_854, %dma_start3A_855] : memref<1048576x32xf32, #tpu.memory_space<hbm>> -> memref<1048576x32xf32, #tpu.memory_space<hbm>>
        tpu.enqueue_indirect_dma source(%dma_start3A_856 : memref<1048576x32xf32, #tpu.memory_space<hbm>>) target(%dma_start3A_850 : memref<128x32xf32, #tpu.memory_space<vmem>>) offsets(%dma_start3A_853 : memref<128xi32, #tpu.memory_space<vmem>>) semaphore(%arg14 : memref<!tpu.dma_semaphore, #tpu.memory_space<semaphore_mem>>)
        %dma_start3A_857 = arith.constant 4 : i32
        %dma_start3A_858 = arith.constant 128 : i32
        %dma_start3A_859 = arith.constant 0 : i32
        %dma_start3A_860 = tpu.memref_slice %arg7[%dma_start3A_857, %dma_start3A_858, %dma_start3A_859] : memref<8x200x32xf32, #tpu.memory_space<vmem>> -> memref<1x72x32xf32, #tpu.memory_space<vmem>>
        %dma_start3A_861 = tpu.memref_squeeze %dma_start3A_860 : memref<1x72x32xf32, #tpu.memory_space<vmem>> -> memref<72x32xf32, #tpu.memory_space<vmem>>
        %dma_start3A_862 = arith.constant 128 : i32
        %dma_start3A_863 = tpu.memref_slice %arg6[%add3A_845, %dma_start3A_862] : memref<128x208xi32, #tpu.memory_space<vmem>> -> memref<1x72xi32, #tpu.memory_space<vmem>>
        %dma_start3A_864 = tpu.memref_squeeze %dma_start3A_863 : memref<1x72xi32, #tpu.memory_space<vmem>> -> memref<72xi32, #tpu.memory_space<vmem>>
        %dma_start3A_865 = arith.constant 0 : i32
        %dma_start3A_866 = arith.constant 0 : i32
        %dma_start3A_867 = tpu.memref_slice %arg3[%dma_start3A_865, %dma_start3A_866] : memref<1048576x32xf32, #tpu.memory_space<hbm>> -> memref<1048576x32xf32, #tpu.memory_space<hbm>>
        tpu.enqueue_indirect_dma source(%dma_start3A_867 : memref<1048576x32xf32, #tpu.memory_space<hbm>>) target(%dma_start3A_861 : memref<72x32xf32, #tpu.memory_space<vmem>>) offsets(%dma_start3A_864 : memref<72xi32, #tpu.memory_space<vmem>>) semaphore(%arg14 : memref<!tpu.dma_semaphore, #tpu.memory_space<semaphore_mem>>)
      } else {
      }
      %add3A_601 = arith.constant 5 : i32
      %add3A_602 = arith.addi %add3A_210, %add3A_601 : i32
      %dma_wait3A_603 = arith.constant 5 : i32
      %dma_wait3A_604 = arith.constant 0 : i32
      %dma_wait3A_605 = arith.constant 0 : i32
      %dma_wait3A_606 = tpu.memref_slice %arg7[%dma_wait3A_603, %dma_wait3A_604, %dma_wait3A_605] : memref<8x200x32xf32, #tpu.memory_space<vmem>> -> memref<1x200x32xf32, #tpu.memory_space<vmem>>
      %dma_wait3A_607 = tpu.memref_squeeze %dma_wait3A_606 : memref<1x200x32xf32, #tpu.memory_space<vmem>> -> memref<200x32xf32, #tpu.memory_space<vmem>>
      %dma_wait3A_608 = arith.constant 0 : i32
      %dma_wait3A_609 = arith.constant 0 : i32
      %dma_wait3A_610 = tpu.memref_slice %arg3[%dma_wait3A_608, %dma_wait3A_609] : memref<1048576x32xf32, #tpu.memory_space<hbm>> -> memref<200x32xf32, #tpu.memory_space<hbm>>
      %dma_wait3A_611 = arith.constant 0 : i32
      %dma_wait3A_612 = arith.constant 0 : i32
      %dma_wait3A_613 = tpu.memref_slice %arg7[%dma_wait3A_603, %dma_wait3A_611, %dma_wait3A_612] : memref<8x200x32xf32, #tpu.memory_space<vmem>> -> memref<1x200x32xf32, #tpu.memory_space<vmem>>
      %dma_wait3A_614 = tpu.memref_squeeze %dma_wait3A_613 : memref<1x200x32xf32, #tpu.memory_space<vmem>> -> memref<200x32xf32, #tpu.memory_space<vmem>>
      %dma_wait3A_615 = arith.constant 0 : i32
      %dma_wait3A_616 = arith.constant 0 : i32
      %dma_wait3A_617 = tpu.memref_slice %arg3[%dma_wait3A_615, %dma_wait3A_616] : memref<1048576x32xf32, #tpu.memory_space<hbm>> -> memref<200x32xf32, #tpu.memory_space<hbm>>
      tpu.wait_dma2 semaphore(%arg15 : memref<!tpu.dma_semaphore, #tpu.memory_space<semaphore_mem>>) src(%dma_wait3A_617 : memref<200x32xf32, #tpu.memory_space<hbm>>) dst(%dma_wait3A_614 : memref<200x32xf32, #tpu.memory_space<vmem>>)
      %get3A_618 = arith.index_cast %add3A_602 : i32 to index
      %get3A_619 = memref.load %arg9[%get3A_618] : memref<128xi32, #tpu.memory_space<smem>>
      %broadcast_in_dim3A_620 = arith.constant -1.000000e+09 : f32
      %broadcast_in_dim3A_621 = vector.broadcast %broadcast_in_dim3A_620 : f32 to vector<16xf32>
      %jit3A_622 = arith.constant 8 : i32
      %div3A_623 = arith.divsi %get3A_619, %jit3A_622 : i32
      %sign3A_624 = arith.constant 0 : i32
      %sign3A_625 = arith.cmpi sgt, %get3A_619, %sign3A_624 : i32
      %sign3A_626 = arith.extui %sign3A_625 : i1 to i32
      %sign3A_627 = arith.constant 0 : i32
      %sign3A_628 = arith.cmpi slt, %get3A_619, %sign3A_627 : i32
      %sign3A_629 = arith.extui %sign3A_628 : i1 to i32
      %sign3A_630 = arith.subi %sign3A_626, %sign3A_629 : i32
      %sign3A_631 = arith.constant 0 : i32
      %sign3A_632 = arith.cmpi sgt, %jit3A_622, %sign3A_631 : i32
      %sign3A_633 = arith.extui %sign3A_632 : i1 to i32
      %sign3A_634 = arith.constant 0 : i32
      %sign3A_635 = arith.cmpi slt, %jit3A_622, %sign3A_634 : i32
      %sign3A_636 = arith.extui %sign3A_635 : i1 to i32
      %sign3A_637 = arith.subi %sign3A_633, %sign3A_636 : i32
      %ne3A_638 = arith.cmpi ne, %sign3A_630, %sign3A_637 : i32
      %rem3A_639 = arith.remsi %get3A_619, %jit3A_622 : i32
      %ne3A_640 = arith.constant 0 : i32
      %ne3A_641 = arith.cmpi ne, %rem3A_639, %ne3A_640 : i32
      %and3A_642 = arith.andi %ne3A_638, %ne3A_641 : i1
      %sub3A_643 = arith.constant 1 : i32
      %sub3A_644 = arith.subi %div3A_623, %sub3A_643 : i32
      %select_n3A_645 = arith.select %and3A_642, %sub3A_644, %div3A_623 : i32
      %while3A_646 = arith.constant 0 : i32
      %while3A_647 = arith.subi %select_n3A_645, %while3A_646 : i32
      %while3A_648 = arith.addi %while3A_646, %while3A_647 : i32
      %while3A_649 = arith.constant 1 : i32
      %while3A_650 = arith.divsi %while3A_647, %while3A_649 : i32
      %while3A_651 = arith.muli %while3A_650, %while3A_649 : i32
      %while3A_652 = arith.addi %while3A_646, %while3A_651 : i32
      %while3A_653 = arith.constant 1 : i32
      %while3A_654:2 = scf.for %while3A_844 = %while3A_646 to %while3A_652 step %while3A_653 iter_args(%while3A_845 = %broadcast_in_dim3A_621, %while3A_846 = %broadcast_in_dim3A_621) -> (vector<16xf32>, vector<16xf32>)  : i32 {
        %mul3A_847 = arith.constant 8 : i32
        %mul3A_848 = arith.muli %while3A_844, %mul3A_847 : i32
        %add3A_849 = arith.constant 0 : i32
        %add3A_850 = arith.addi %mul3A_848, %add3A_849 : i32
        %get3A_851 = arith.constant 5 : i32
        %get3A_852 = arith.index_cast %get3A_851 : i32 to index
        %get3A_853 = arith.index_cast %add3A_850 : i32 to index
        %get3A_854 = arith.constant 0 : index
        %get3A_855 = tpu.vector_load %arg7[%get3A_852, %get3A_853, %get3A_854] {strides = array<i32>} : memref<8x200x32xf32, #tpu.memory_space<vmem>>, vector<16xf32>,
        %max3A = arith.maximumf %while3A_845, %get3A_855 : vector<16xf32>
        %get3A_856 = arith.constant 5 : i32
        %get3A_857 = arith.index_cast %get3A_856 : i32 to index
        %get3A_858 = arith.index_cast %add3A_850 : i32 to index
        %get3A_859 = arith.constant 16 : index
        %get3A_860 = tpu.vector_load %arg7[%get3A_857, %get3A_858, %get3A_859] {strides = array<i32>} : memref<8x200x32xf32, #tpu.memory_space<vmem>>, vector<16xf32>,
        %max3A_861 = arith.maximumf %while3A_846, %get3A_860 : vector<16xf32>
        %mul3A_862 = arith.constant 8 : i32
        %mul3A_863 = arith.muli %while3A_844, %mul3A_862 : i32
        %add3A_864 = arith.constant 1 : i32
        %add3A_865 = arith.addi %mul3A_863, %add3A_864 : i32
        %get3A_866 = arith.constant 5 : i32
        %get3A_867 = arith.index_cast %get3A_866 : i32 to index
        %get3A_868 = arith.index_cast %add3A_865 : i32 to index
        %get3A_869 = arith.constant 0 : index
        %get3A_870 = tpu.vector_load %arg7[%get3A_867, %get3A_868, %get3A_869] {strides = array<i32>} : memref<8x200x32xf32, #tpu.memory_space<vmem>>, vector<16xf32>,
        %max3A_871 = arith.maximumf %max3A, %get3A_870 : vector<16xf32>
        %get3A_872 = arith.constant 5 : i32
        %get3A_873 = arith.index_cast %get3A_872 : i32 to index
        %get3A_874 = arith.index_cast %add3A_865 : i32 to index
        %get3A_875 = arith.constant 16 : index
        %get3A_876 = tpu.vector_load %arg7[%get3A_873, %get3A_874, %get3A_875] {strides = array<i32>} : memref<8x200x32xf32, #tpu.memory_space<vmem>>, vector<16xf32>,
        %max3A_877 = arith.maximumf %max3A_861, %get3A_876 : vector<16xf32>
        %mul3A_878 = arith.constant 8 : i32
        %mul3A_879 = arith.muli %while3A_844, %mul3A_878 : i32
        %add3A_880 = arith.constant 2 : i32
        %add3A_881 = arith.addi %mul3A_879, %add3A_880 : i32
        %get3A_882 = arith.constant 5 : i32
        %get3A_883 = arith.index_cast %get3A_882 : i32 to index
        %get3A_884 = arith.index_cast %add3A_881 : i32 to index
        %get3A_885 = arith.constant 0 : index
        %get3A_886 = tpu.vector_load %arg7[%get3A_883, %get3A_884, %get3A_885] {strides = array<i32>} : memref<8x200x32xf32, #tpu.memory_space<vmem>>, vector<16xf32>,
        %max3A_887 = arith.maximumf %max3A_871, %get3A_886 : vector<16xf32>
        %get3A_888 = arith.constant 5 : i32
        %get3A_889 = arith.index_cast %get3A_888 : i32 to index
        %get3A_890 = arith.index_cast %add3A_881 : i32 to index
        %get3A_891 = arith.constant 16 : index
        %get3A_892 = tpu.vector_load %arg7[%get3A_889, %get3A_890, %get3A_891] {strides = array<i32>} : memref<8x200x32xf32, #tpu.memory_space<vmem>>, vector<16xf32>,
        %max3A_893 = arith.maximumf %max3A_877, %get3A_892 : vector<16xf32>
        %mul3A_894 = arith.constant 8 : i32
        %mul3A_895 = arith.muli %while3A_844, %mul3A_894 : i32
        %add3A_896 = arith.constant 3 : i32
        %add3A_897 = arith.addi %mul3A_895, %add3A_896 : i32
        %get3A_898 = arith.constant 5 : i32
        %get3A_899 = arith.index_cast %get3A_898 : i32 to index
        %get3A_900 = arith.index_cast %add3A_897 : i32 to index
        %get3A_901 = arith.constant 0 : index
        %get3A_902 = tpu.vector_load %arg7[%get3A_899, %get3A_900, %get3A_901] {strides = array<i32>} : memref<8x200x32xf32, #tpu.memory_space<vmem>>, vector<16xf32>,
        %max3A_903 = arith.maximumf %max3A_887, %get3A_902 : vector<16xf32>
        %get3A_904 = arith.constant 5 : i32
        %get3A_905 = arith.index_cast %get3A_904 : i32 to index
        %get3A_906 = arith.index_cast %add3A_897 : i32 to index
        %get3A_907 = arith.constant 16 : index
        %get3A_908 = tpu.vector_load %arg7[%get3A_905, %get3A_906, %get3A_907] {strides = array<i32>} : memref<8x200x32xf32, #tpu.memory_space<vmem>>, vector<16xf32>,
        %max3A_909 = arith.maximumf %max3A_893, %get3A_908 : vector<16xf32>
        %mul3A_910 = arith.constant 8 : i32
        %mul3A_911 = arith.muli %while3A_844, %mul3A_910 : i32
        %add3A_912 = arith.constant 4 : i32
        %add3A_913 = arith.addi %mul3A_911, %add3A_912 : i32
        %get3A_914 = arith.constant 5 : i32
        %get3A_915 = arith.index_cast %get3A_914 : i32 to index
        %get3A_916 = arith.index_cast %add3A_913 : i32 to index
        %get3A_917 = arith.constant 0 : index
        %get3A_918 = tpu.vector_load %arg7[%get3A_915, %get3A_916, %get3A_917] {strides = array<i32>} : memref<8x200x32xf32, #tpu.memory_space<vmem>>, vector<16xf32>,
        %max3A_919 = arith.maximumf %max3A_903, %get3A_918 : vector<16xf32>
        %get3A_920 = arith.constant 5 : i32
        %get3A_921 = arith.index_cast %get3A_920 : i32 to index
        %get3A_922 = arith.index_cast %add3A_913 : i32 to index
        %get3A_923 = arith.constant 16 : index
        %get3A_924 = tpu.vector_load %arg7[%get3A_921, %get3A_922, %get3A_923] {strides = array<i32>} : memref<8x200x32xf32, #tpu.memory_space<vmem>>, vector<16xf32>,
        %max3A_925 = arith.maximumf %max3A_909, %get3A_924 : vector<16xf32>
        %mul3A_926 = arith.constant 8 : i32
        %mul3A_927 = arith.muli %while3A_844, %mul3A_926 : i32
        %add3A_928 = arith.constant 5 : i32
        %add3A_929 = arith.addi %mul3A_927, %add3A_928 : i32
        %get3A_930 = arith.constant 5 : i32
        %get3A_931 = arith.index_cast %get3A_930 : i32 to index
        %get3A_932 = arith.index_cast %add3A_929 : i32 to index
        %get3A_933 = arith.constant 0 : index
        %get3A_934 = tpu.vector_load %arg7[%get3A_931, %get3A_932, %get3A_933] {strides = array<i32>} : memref<8x200x32xf32, #tpu.memory_space<vmem>>, vector<16xf32>,
        %max3A_935 = arith.maximumf %max3A_919, %get3A_934 : vector<16xf32>
        %get3A_936 = arith.constant 5 : i32
        %get3A_937 = arith.index_cast %get3A_936 : i32 to index
        %get3A_938 = arith.index_cast %add3A_929 : i32 to index
        %get3A_939 = arith.constant 16 : index
        %get3A_940 = tpu.vector_load %arg7[%get3A_937, %get3A_938, %get3A_939] {strides = array<i32>} : memref<8x200x32xf32, #tpu.memory_space<vmem>>, vector<16xf32>,
        %max3A_941 = arith.maximumf %max3A_925, %get3A_940 : vector<16xf32>
        %mul3A_942 = arith.constant 8 : i32
        %mul3A_943 = arith.muli %while3A_844, %mul3A_942 : i32
        %add3A_944 = arith.constant 6 : i32
        %add3A_945 = arith.addi %mul3A_943, %add3A_944 : i32
        %get3A_946 = arith.constant 5 : i32
        %get3A_947 = arith.index_cast %get3A_946 : i32 to index
        %get3A_948 = arith.index_cast %add3A_945 : i32 to index
        %get3A_949 = arith.constant 0 : index
        %get3A_950 = tpu.vector_load %arg7[%get3A_947, %get3A_948, %get3A_949] {strides = array<i32>} : memref<8x200x32xf32, #tpu.memory_space<vmem>>, vector<16xf32>,
        %max3A_951 = arith.maximumf %max3A_935, %get3A_950 : vector<16xf32>
        %get3A_952 = arith.constant 5 : i32
        %get3A_953 = arith.index_cast %get3A_952 : i32 to index
        %get3A_954 = arith.index_cast %add3A_945 : i32 to index
        %get3A_955 = arith.constant 16 : index
        %get3A_956 = tpu.vector_load %arg7[%get3A_953, %get3A_954, %get3A_955] {strides = array<i32>} : memref<8x200x32xf32, #tpu.memory_space<vmem>>, vector<16xf32>,
        %max3A_957 = arith.maximumf %max3A_941, %get3A_956 : vector<16xf32>
        %mul3A_958 = arith.constant 8 : i32
        %mul3A_959 = arith.muli %while3A_844, %mul3A_958 : i32
        %add3A_960 = arith.constant 7 : i32
        %add3A_961 = arith.addi %mul3A_959, %add3A_960 : i32
        %get3A_962 = arith.constant 5 : i32
        %get3A_963 = arith.index_cast %get3A_962 : i32 to index
        %get3A_964 = arith.index_cast %add3A_961 : i32 to index
        %get3A_965 = arith.constant 0 : index
        %get3A_966 = tpu.vector_load %arg7[%get3A_963, %get3A_964, %get3A_965] {strides = array<i32>} : memref<8x200x32xf32, #tpu.memory_space<vmem>>, vector<16xf32>,
        %max3A_967 = arith.maximumf %max3A_951, %get3A_966 : vector<16xf32>
        %get3A_968 = arith.constant 5 : i32
        %get3A_969 = arith.index_cast %get3A_968 : i32 to index
        %get3A_970 = arith.index_cast %add3A_961 : i32 to index
        %get3A_971 = arith.constant 16 : index
        %get3A_972 = tpu.vector_load %arg7[%get3A_969, %get3A_970, %get3A_971] {strides = array<i32>} : memref<8x200x32xf32, #tpu.memory_space<vmem>>, vector<16xf32>,
        %max3A_973 = arith.maximumf %max3A_957, %get3A_972 : vector<16xf32>
        scf.yield %max3A_967, %max3A_973 : vector<16xf32>, vector<16xf32>
      }
      %while3A_655 = arith.constant 1 : i32
      %while3A_656:2 = scf.for %while3A_844 = %while3A_652 to %while3A_648 step %while3A_655 iter_args(%while3A_845 = %while3A_654#0, %while3A_846 = %while3A_654#1) -> (vector<16xf32>, vector<16xf32>)  : i32 {
        %mul3A_847 = arith.constant 8 : i32
        %mul3A_848 = arith.muli %while3A_844, %mul3A_847 : i32
        %add3A_849 = arith.constant 0 : i32
        %add3A_850 = arith.addi %mul3A_848, %add3A_849 : i32
        %get3A_851 = arith.constant 5 : i32
        %get3A_852 = arith.index_cast %get3A_851 : i32 to index
        %get3A_853 = arith.index_cast %add3A_850 : i32 to index
        %get3A_854 = arith.constant 0 : index
        %get3A_855 = tpu.vector_load %arg7[%get3A_852, %get3A_853, %get3A_854] {strides = array<i32>} : memref<8x200x32xf32, #tpu.memory_space<vmem>>, vector<16xf32>,
        %max3A = arith.maximumf %while3A_845, %get3A_855 : vector<16xf32>
        %get3A_856 = arith.constant 5 : i32
        %get3A_857 = arith.index_cast %get3A_856 : i32 to index
        %get3A_858 = arith.index_cast %add3A_850 : i32 to index
        %get3A_859 = arith.constant 16 : index
        %get3A_860 = tpu.vector_load %arg7[%get3A_857, %get3A_858, %get3A_859] {strides = array<i32>} : memref<8x200x32xf32, #tpu.memory_space<vmem>>, vector<16xf32>,
        %max3A_861 = arith.maximumf %while3A_846, %get3A_860 : vector<16xf32>
        %mul3A_862 = arith.constant 8 : i32
        %mul3A_863 = arith.muli %while3A_844, %mul3A_862 : i32
        %add3A_864 = arith.constant 1 : i32
        %add3A_865 = arith.addi %mul3A_863, %add3A_864 : i32
        %get3A_866 = arith.constant 5 : i32
        %get3A_867 = arith.index_cast %get3A_866 : i32 to index
        %get3A_868 = arith.index_cast %add3A_865 : i32 to index
        %get3A_869 = arith.constant 0 : index
        %get3A_870 = tpu.vector_load %arg7[%get3A_867, %get3A_868, %get3A_869] {strides = array<i32>} : memref<8x200x32xf32, #tpu.memory_space<vmem>>, vector<16xf32>,
        %max3A_871 = arith.maximumf %max3A, %get3A_870 : vector<16xf32>
        %get3A_872 = arith.constant 5 : i32
        %get3A_873 = arith.index_cast %get3A_872 : i32 to index
        %get3A_874 = arith.index_cast %add3A_865 : i32 to index
        %get3A_875 = arith.constant 16 : index
        %get3A_876 = tpu.vector_load %arg7[%get3A_873, %get3A_874, %get3A_875] {strides = array<i32>} : memref<8x200x32xf32, #tpu.memory_space<vmem>>, vector<16xf32>,
        %max3A_877 = arith.maximumf %max3A_861, %get3A_876 : vector<16xf32>
        %mul3A_878 = arith.constant 8 : i32
        %mul3A_879 = arith.muli %while3A_844, %mul3A_878 : i32
        %add3A_880 = arith.constant 2 : i32
        %add3A_881 = arith.addi %mul3A_879, %add3A_880 : i32
        %get3A_882 = arith.constant 5 : i32
        %get3A_883 = arith.index_cast %get3A_882 : i32 to index
        %get3A_884 = arith.index_cast %add3A_881 : i32 to index
        %get3A_885 = arith.constant 0 : index
        %get3A_886 = tpu.vector_load %arg7[%get3A_883, %get3A_884, %get3A_885] {strides = array<i32>} : memref<8x200x32xf32, #tpu.memory_space<vmem>>, vector<16xf32>,
        %max3A_887 = arith.maximumf %max3A_871, %get3A_886 : vector<16xf32>
        %get3A_888 = arith.constant 5 : i32
        %get3A_889 = arith.index_cast %get3A_888 : i32 to index
        %get3A_890 = arith.index_cast %add3A_881 : i32 to index
        %get3A_891 = arith.constant 16 : index
        %get3A_892 = tpu.vector_load %arg7[%get3A_889, %get3A_890, %get3A_891] {strides = array<i32>} : memref<8x200x32xf32, #tpu.memory_space<vmem>>, vector<16xf32>,
        %max3A_893 = arith.maximumf %max3A_877, %get3A_892 : vector<16xf32>
        %mul3A_894 = arith.constant 8 : i32
        %mul3A_895 = arith.muli %while3A_844, %mul3A_894 : i32
        %add3A_896 = arith.constant 3 : i32
        %add3A_897 = arith.addi %mul3A_895, %add3A_896 : i32
        %get3A_898 = arith.constant 5 : i32
        %get3A_899 = arith.index_cast %get3A_898 : i32 to index
        %get3A_900 = arith.index_cast %add3A_897 : i32 to index
        %get3A_901 = arith.constant 0 : index
        %get3A_902 = tpu.vector_load %arg7[%get3A_899, %get3A_900, %get3A_901] {strides = array<i32>} : memref<8x200x32xf32, #tpu.memory_space<vmem>>, vector<16xf32>,
        %max3A_903 = arith.maximumf %max3A_887, %get3A_902 : vector<16xf32>
        %get3A_904 = arith.constant 5 : i32
        %get3A_905 = arith.index_cast %get3A_904 : i32 to index
        %get3A_906 = arith.index_cast %add3A_897 : i32 to index
        %get3A_907 = arith.constant 16 : index
        %get3A_908 = tpu.vector_load %arg7[%get3A_905, %get3A_906, %get3A_907] {strides = array<i32>} : memref<8x200x32xf32, #tpu.memory_space<vmem>>, vector<16xf32>,
        %max3A_909 = arith.maximumf %max3A_893, %get3A_908 : vector<16xf32>
        %mul3A_910 = arith.constant 8 : i32
        %mul3A_911 = arith.muli %while3A_844, %mul3A_910 : i32
        %add3A_912 = arith.constant 4 : i32
        %add3A_913 = arith.addi %mul3A_911, %add3A_912 : i32
        %get3A_914 = arith.constant 5 : i32
        %get3A_915 = arith.index_cast %get3A_914 : i32 to index
        %get3A_916 = arith.index_cast %add3A_913 : i32 to index
        %get3A_917 = arith.constant 0 : index
        %get3A_918 = tpu.vector_load %arg7[%get3A_915, %get3A_916, %get3A_917] {strides = array<i32>} : memref<8x200x32xf32, #tpu.memory_space<vmem>>, vector<16xf32>,
        %max3A_919 = arith.maximumf %max3A_903, %get3A_918 : vector<16xf32>
        %get3A_920 = arith.constant 5 : i32
        %get3A_921 = arith.index_cast %get3A_920 : i32 to index
        %get3A_922 = arith.index_cast %add3A_913 : i32 to index
        %get3A_923 = arith.constant 16 : index
        %get3A_924 = tpu.vector_load %arg7[%get3A_921, %get3A_922, %get3A_923] {strides = array<i32>} : memref<8x200x32xf32, #tpu.memory_space<vmem>>, vector<16xf32>,
        %max3A_925 = arith.maximumf %max3A_909, %get3A_924 : vector<16xf32>
        %mul3A_926 = arith.constant 8 : i32
        %mul3A_927 = arith.muli %while3A_844, %mul3A_926 : i32
        %add3A_928 = arith.constant 5 : i32
        %add3A_929 = arith.addi %mul3A_927, %add3A_928 : i32
        %get3A_930 = arith.constant 5 : i32
        %get3A_931 = arith.index_cast %get3A_930 : i32 to index
        %get3A_932 = arith.index_cast %add3A_929 : i32 to index
        %get3A_933 = arith.constant 0 : index
        %get3A_934 = tpu.vector_load %arg7[%get3A_931, %get3A_932, %get3A_933] {strides = array<i32>} : memref<8x200x32xf32, #tpu.memory_space<vmem>>, vector<16xf32>,
        %max3A_935 = arith.maximumf %max3A_919, %get3A_934 : vector<16xf32>
        %get3A_936 = arith.constant 5 : i32
        %get3A_937 = arith.index_cast %get3A_936 : i32 to index
        %get3A_938 = arith.index_cast %add3A_929 : i32 to index
        %get3A_939 = arith.constant 16 : index
        %get3A_940 = tpu.vector_load %arg7[%get3A_937, %get3A_938, %get3A_939] {strides = array<i32>} : memref<8x200x32xf32, #tpu.memory_space<vmem>>, vector<16xf32>,
        %max3A_941 = arith.maximumf %max3A_925, %get3A_940 : vector<16xf32>
        %mul3A_942 = arith.constant 8 : i32
        %mul3A_943 = arith.muli %while3A_844, %mul3A_942 : i32
        %add3A_944 = arith.constant 6 : i32
        %add3A_945 = arith.addi %mul3A_943, %add3A_944 : i32
        %get3A_946 = arith.constant 5 : i32
        %get3A_947 = arith.index_cast %get3A_946 : i32 to index
        %get3A_948 = arith.index_cast %add3A_945 : i32 to index
        %get3A_949 = arith.constant 0 : index
        %get3A_950 = tpu.vector_load %arg7[%get3A_947, %get3A_948, %get3A_949] {strides = array<i32>} : memref<8x200x32xf32, #tpu.memory_space<vmem>>, vector<16xf32>,
        %max3A_951 = arith.maximumf %max3A_935, %get3A_950 : vector<16xf32>
        %get3A_952 = arith.constant 5 : i32
        %get3A_953 = arith.index_cast %get3A_952 : i32 to index
        %get3A_954 = arith.index_cast %add3A_945 : i32 to index
        %get3A_955 = arith.constant 16 : index
        %get3A_956 = tpu.vector_load %arg7[%get3A_953, %get3A_954, %get3A_955] {strides = array<i32>} : memref<8x200x32xf32, #tpu.memory_space<vmem>>, vector<16xf32>,
        %max3A_957 = arith.maximumf %max3A_941, %get3A_956 : vector<16xf32>
        %mul3A_958 = arith.constant 8 : i32
        %mul3A_959 = arith.muli %while3A_844, %mul3A_958 : i32
        %add3A_960 = arith.constant 7 : i32
        %add3A_961 = arith.addi %mul3A_959, %add3A_960 : i32
        %get3A_962 = arith.constant 5 : i32
        %get3A_963 = arith.index_cast %get3A_962 : i32 to index
        %get3A_964 = arith.index_cast %add3A_961 : i32 to index
        %get3A_965 = arith.constant 0 : index
        %get3A_966 = tpu.vector_load %arg7[%get3A_963, %get3A_964, %get3A_965] {strides = array<i32>} : memref<8x200x32xf32, #tpu.memory_space<vmem>>, vector<16xf32>,
        %max3A_967 = arith.maximumf %max3A_951, %get3A_966 : vector<16xf32>
        %get3A_968 = arith.constant 5 : i32
        %get3A_969 = arith.index_cast %get3A_968 : i32 to index
        %get3A_970 = arith.index_cast %add3A_961 : i32 to index
        %get3A_971 = arith.constant 16 : index
        %get3A_972 = tpu.vector_load %arg7[%get3A_969, %get3A_970, %get3A_971] {strides = array<i32>} : memref<8x200x32xf32, #tpu.memory_space<vmem>>, vector<16xf32>,
        %max3A_973 = arith.maximumf %max3A_957, %get3A_972 : vector<16xf32>
        scf.yield %max3A_967, %max3A_973 : vector<16xf32>, vector<16xf32>
      }
      %mul3A_657 = arith.constant 8 : i32
      %mul3A_658 = arith.muli %select_n3A_645, %mul3A_657 : i32
      %while3A_659 = arith.subi %get3A_619, %mul3A_658 : i32
      %while3A_660 = arith.addi %mul3A_658, %while3A_659 : i32
      %while3A_661 = arith.constant 1 : i32
      %while3A_662 = arith.divsi %while3A_659, %while3A_661 : i32
      %while3A_663 = arith.muli %while3A_662, %while3A_661 : i32
      %while3A_664 = arith.addi %mul3A_658, %while3A_663 : i32
      %while3A_665 = arith.constant 1 : i32
      %while3A_666:2 = scf.for %while3A_844 = %mul3A_658 to %while3A_664 step %while3A_665 iter_args(%while3A_845 = %while3A_656#0, %while3A_846 = %while3A_656#1) -> (vector<16xf32>, vector<16xf32>)  : i32 {
        %get3A_847 = arith.constant 5 : i32
        %get3A_848 = arith.index_cast %get3A_847 : i32 to index
        %get3A_849 = arith.index_cast %while3A_844 : i32 to index
        %get3A_850 = arith.constant 0 : index
        %get3A_851 = tpu.vector_load %arg7[%get3A_848, %get3A_849, %get3A_850] {strides = array<i32>} : memref<8x200x32xf32, #tpu.memory_space<vmem>>, vector<16xf32>,
        %max3A = arith.maximumf %while3A_845, %get3A_851 : vector<16xf32>
        %get3A_852 = arith.constant 5 : i32
        %get3A_853 = arith.index_cast %get3A_852 : i32 to index
        %get3A_854 = arith.index_cast %while3A_844 : i32 to index
        %get3A_855 = arith.constant 16 : index
        %get3A_856 = tpu.vector_load %arg7[%get3A_853, %get3A_854, %get3A_855] {strides = array<i32>} : memref<8x200x32xf32, #tpu.memory_space<vmem>>, vector<16xf32>,
        %max3A_857 = arith.maximumf %while3A_846, %get3A_856 : vector<16xf32>
        scf.yield %max3A, %max3A_857 : vector<16xf32>, vector<16xf32>
      }
      %while3A_667 = arith.constant 1 : i32
      %while3A_668:2 = scf.for %while3A_844 = %while3A_664 to %while3A_660 step %while3A_667 iter_args(%while3A_845 = %while3A_666#0, %while3A_846 = %while3A_666#1) -> (vector<16xf32>, vector<16xf32>)  : i32 {
        %get3A_847 = arith.constant 5 : i32
        %get3A_848 = arith.index_cast %get3A_847 : i32 to index
        %get3A_849 = arith.index_cast %while3A_844 : i32 to index
        %get3A_850 = arith.constant 0 : index
        %get3A_851 = tpu.vector_load %arg7[%get3A_848, %get3A_849, %get3A_850] {strides = array<i32>} : memref<8x200x32xf32, #tpu.memory_space<vmem>>, vector<16xf32>,
        %max3A = arith.maximumf %while3A_845, %get3A_851 : vector<16xf32>
        %get3A_852 = arith.constant 5 : i32
        %get3A_853 = arith.index_cast %get3A_852 : i32 to index
        %get3A_854 = arith.index_cast %while3A_844 : i32 to index
        %get3A_855 = arith.constant 16 : index
        %get3A_856 = tpu.vector_load %arg7[%get3A_853, %get3A_854, %get3A_855] {strides = array<i32>} : memref<8x200x32xf32, #tpu.memory_space<vmem>>, vector<16xf32>,
        %max3A_857 = arith.maximumf %while3A_846, %get3A_856 : vector<16xf32>
        scf.yield %max3A, %max3A_857 : vector<16xf32>, vector<16xf32>
      }
      %swap3A_669 = arith.index_cast %add3A_602 : i32 to index
      %swap3A_670 = arith.constant 0 : index
      %swap3A_671 = tpu.vector_load %arg8[%swap3A_669, %swap3A_670] {strides = array<i32>} : memref<128x32xf32, #tpu.memory_space<vmem>>, vector<16xf32>,
      tpu.vector_store %arg8[%swap3A_669, %swap3A_670], %while3A_668#0 {strides = array<i32>} : memref<128x32xf32, #tpu.memory_space<vmem>>, vector<16xf32>,
      %swap3A_672 = arith.index_cast %add3A_602 : i32 to index
      %swap3A_673 = arith.constant 16 : index
      %swap3A_674 = tpu.vector_load %arg8[%swap3A_672, %swap3A_673] {strides = array<i32>} : memref<128x32xf32, #tpu.memory_space<vmem>>, vector<16xf32>,
      tpu.vector_store %arg8[%swap3A_672, %swap3A_673], %while3A_668#1 {strides = array<i32>} : memref<128x32xf32, #tpu.memory_space<vmem>>, vector<16xf32>,
      %add3A_675 = arith.constant 8 : i32
      %add3A_676 = arith.addi %add3A_602, %add3A_675 : i32
      %lt3A_677 = arith.constant 128 : i32
      %lt3A_678 = arith.cmpi slt, %add3A_676, %lt3A_677 : i32
      %convert_element_type3A_679 = arith.extui %lt3A_678 : i1 to i32
      %cond3A_680 = arith.constant 0 : i32
      %cond3A_681 = arith.cmpi ne, %convert_element_type3A_679, %cond3A_680 : i32
      scf.if %cond3A_681 {
        %add3A_844 = arith.constant 8 : i32
        %add3A_845 = arith.addi %add3A_602, %add3A_844 : i32
        %dma_start3A_846 = arith.constant 5 : i32
        %dma_start3A_847 = arith.constant 0 : i32
        %dma_start3A_848 = arith.constant 0 : i32
        %dma_start3A_849 = tpu.memref_slice %arg7[%dma_start3A_846, %dma_start3A_847, %dma_start3A_848] : memref<8x200x32xf32, #tpu.memory_space<vmem>> -> memref<1x128x32xf32, #tpu.memory_space<vmem>>
        %dma_start3A_850 = tpu.memref_squeeze %dma_start3A_849 : memref<1x128x32xf32, #tpu.memory_space<vmem>> -> memref<128x32xf32, #tpu.memory_space<vmem>>
        %dma_start3A_851 = arith.constant 0 : i32
        %dma_start3A_852 = tpu.memref_slice %arg6[%add3A_845, %dma_start3A_851] : memref<128x208xi32, #tpu.memory_space<vmem>> -> memref<1x128xi32, #tpu.memory_space<vmem>>
        %dma_start3A_853 = tpu.memref_squeeze %dma_start3A_852 : memref<1x128xi32, #tpu.memory_space<vmem>> -> memref<128xi32, #tpu.memory_space<vmem>>
        %dma_start3A_854 = arith.constant 0 : i32
        %dma_start3A_855 = arith.constant 0 : i32
        %dma_start3A_856 = tpu.memref_slice %arg3[%dma_start3A_854, %dma_start3A_855] : memref<1048576x32xf32, #tpu.memory_space<hbm>> -> memref<1048576x32xf32, #tpu.memory_space<hbm>>
        tpu.enqueue_indirect_dma source(%dma_start3A_856 : memref<1048576x32xf32, #tpu.memory_space<hbm>>) target(%dma_start3A_850 : memref<128x32xf32, #tpu.memory_space<vmem>>) offsets(%dma_start3A_853 : memref<128xi32, #tpu.memory_space<vmem>>) semaphore(%arg15 : memref<!tpu.dma_semaphore, #tpu.memory_space<semaphore_mem>>)
        %dma_start3A_857 = arith.constant 5 : i32
        %dma_start3A_858 = arith.constant 128 : i32
        %dma_start3A_859 = arith.constant 0 : i32
        %dma_start3A_860 = tpu.memref_slice %arg7[%dma_start3A_857, %dma_start3A_858, %dma_start3A_859] : memref<8x200x32xf32, #tpu.memory_space<vmem>> -> memref<1x72x32xf32, #tpu.memory_space<vmem>>
        %dma_start3A_861 = tpu.memref_squeeze %dma_start3A_860 : memref<1x72x32xf32, #tpu.memory_space<vmem>> -> memref<72x32xf32, #tpu.memory_space<vmem>>
        %dma_start3A_862 = arith.constant 128 : i32
        %dma_start3A_863 = tpu.memref_slice %arg6[%add3A_845, %dma_start3A_862] : memref<128x208xi32, #tpu.memory_space<vmem>> -> memref<1x72xi32, #tpu.memory_space<vmem>>
        %dma_start3A_864 = tpu.memref_squeeze %dma_start3A_863 : memref<1x72xi32, #tpu.memory_space<vmem>> -> memref<72xi32, #tpu.memory_space<vmem>>
        %dma_start3A_865 = arith.constant 0 : i32
        %dma_start3A_866 = arith.constant 0 : i32
        %dma_start3A_867 = tpu.memref_slice %arg3[%dma_start3A_865, %dma_start3A_866] : memref<1048576x32xf32, #tpu.memory_space<hbm>> -> memref<1048576x32xf32, #tpu.memory_space<hbm>>
        tpu.enqueue_indirect_dma source(%dma_start3A_867 : memref<1048576x32xf32, #tpu.memory_space<hbm>>) target(%dma_start3A_861 : memref<72x32xf32, #tpu.memory_space<vmem>>) offsets(%dma_start3A_864 : memref<72xi32, #tpu.memory_space<vmem>>) semaphore(%arg15 : memref<!tpu.dma_semaphore, #tpu.memory_space<semaphore_mem>>)
      } else {
      }
      %add3A_682 = arith.constant 6 : i32
      %add3A_683 = arith.addi %add3A_210, %add3A_682 : i32
      %dma_wait3A_684 = arith.constant 6 : i32
      %dma_wait3A_685 = arith.constant 0 : i32
      %dma_wait3A_686 = arith.constant 0 : i32
      %dma_wait3A_687 = tpu.memref_slice %arg7[%dma_wait3A_684, %dma_wait3A_685, %dma_wait3A_686] : memref<8x200x32xf32, #tpu.memory_space<vmem>> -> memref<1x200x32xf32, #tpu.memory_space<vmem>>
      %dma_wait3A_688 = tpu.memref_squeeze %dma_wait3A_687 : memref<1x200x32xf32, #tpu.memory_space<vmem>> -> memref<200x32xf32, #tpu.memory_space<vmem>>
      %dma_wait3A_689 = arith.constant 0 : i32
      %dma_wait3A_690 = arith.constant 0 : i32
      %dma_wait3A_691 = tpu.memref_slice %arg3[%dma_wait3A_689, %dma_wait3A_690] : memref<1048576x32xf32, #tpu.memory_space<hbm>> -> memref<200x32xf32, #tpu.memory_space<hbm>>
      %dma_wait3A_692 = arith.constant 0 : i32
      %dma_wait3A_693 = arith.constant 0 : i32
      %dma_wait3A_694 = tpu.memref_slice %arg7[%dma_wait3A_684, %dma_wait3A_692, %dma_wait3A_693] : memref<8x200x32xf32, #tpu.memory_space<vmem>> -> memref<1x200x32xf32, #tpu.memory_space<vmem>>
      %dma_wait3A_695 = tpu.memref_squeeze %dma_wait3A_694 : memref<1x200x32xf32, #tpu.memory_space<vmem>> -> memref<200x32xf32, #tpu.memory_space<vmem>>
      %dma_wait3A_696 = arith.constant 0 : i32
      %dma_wait3A_697 = arith.constant 0 : i32
      %dma_wait3A_698 = tpu.memref_slice %arg3[%dma_wait3A_696, %dma_wait3A_697] : memref<1048576x32xf32, #tpu.memory_space<hbm>> -> memref<200x32xf32, #tpu.memory_space<hbm>>
      tpu.wait_dma2 semaphore(%arg16 : memref<!tpu.dma_semaphore, #tpu.memory_space<semaphore_mem>>) src(%dma_wait3A_698 : memref<200x32xf32, #tpu.memory_space<hbm>>) dst(%dma_wait3A_695 : memref<200x32xf32, #tpu.memory_space<vmem>>)
      %get3A_699 = arith.index_cast %add3A_683 : i32 to index
      %get3A_700 = memref.load %arg9[%get3A_699] : memref<128xi32, #tpu.memory_space<smem>>
      %broadcast_in_dim3A_701 = arith.constant -1.000000e+09 : f32
      %broadcast_in_dim3A_702 = vector.broadcast %broadcast_in_dim3A_701 : f32 to vector<16xf32>
      %jit3A_703 = arith.constant 8 : i32
      %div3A_704 = arith.divsi %get3A_700, %jit3A_703 : i32
      %sign3A_705 = arith.constant 0 : i32
      %sign3A_706 = arith.cmpi sgt, %get3A_700, %sign3A_705 : i32
      %sign3A_707 = arith.extui %sign3A_706 : i1 to i32
      %sign3A_708 = arith.constant 0 : i32
      %sign3A_709 = arith.cmpi slt, %get3A_700, %sign3A_708 : i32
      %sign3A_710 = arith.extui %sign3A_709 : i1 to i32
      %sign3A_711 = arith.subi %sign3A_707, %sign3A_710 : i32
      %sign3A_712 = arith.constant 0 : i32
      %sign3A_713 = arith.cmpi sgt, %jit3A_703, %sign3A_712 : i32
      %sign3A_714 = arith.extui %sign3A_713 : i1 to i32
      %sign3A_715 = arith.constant 0 : i32
      %sign3A_716 = arith.cmpi slt, %jit3A_703, %sign3A_715 : i32
      %sign3A_717 = arith.extui %sign3A_716 : i1 to i32
      %sign3A_718 = arith.subi %sign3A_714, %sign3A_717 : i32
      %ne3A_719 = arith.cmpi ne, %sign3A_711, %sign3A_718 : i32
      %rem3A_720 = arith.remsi %get3A_700, %jit3A_703 : i32
      %ne3A_721 = arith.constant 0 : i32
      %ne3A_722 = arith.cmpi ne, %rem3A_720, %ne3A_721 : i32
      %and3A_723 = arith.andi %ne3A_719, %ne3A_722 : i1
      %sub3A_724 = arith.constant 1 : i32
      %sub3A_725 = arith.subi %div3A_704, %sub3A_724 : i32
      %select_n3A_726 = arith.select %and3A_723, %sub3A_725, %div3A_704 : i32
      %while3A_727 = arith.constant 0 : i32
      %while3A_728 = arith.subi %select_n3A_726, %while3A_727 : i32
      %while3A_729 = arith.addi %while3A_727, %while3A_728 : i32
      %while3A_730 = arith.constant 1 : i32
      %while3A_731 = arith.divsi %while3A_728, %while3A_730 : i32
      %while3A_732 = arith.muli %while3A_731, %while3A_730 : i32
      %while3A_733 = arith.addi %while3A_727, %while3A_732 : i32
      %while3A_734 = arith.constant 1 : i32
      %while3A_735:2 = scf.for %while3A_844 = %while3A_727 to %while3A_733 step %while3A_734 iter_args(%while3A_845 = %broadcast_in_dim3A_702, %while3A_846 = %broadcast_in_dim3A_702) -> (vector<16xf32>, vector<16xf32>)  : i32 {
        %mul3A_847 = arith.constant 8 : i32
        %mul3A_848 = arith.muli %while3A_844, %mul3A_847 : i32
        %add3A_849 = arith.constant 0 : i32
        %add3A_850 = arith.addi %mul3A_848, %add3A_849 : i32
        %get3A_851 = arith.constant 6 : i32
        %get3A_852 = arith.index_cast %get3A_851 : i32 to index
        %get3A_853 = arith.index_cast %add3A_850 : i32 to index
        %get3A_854 = arith.constant 0 : index
        %get3A_855 = tpu.vector_load %arg7[%get3A_852, %get3A_853, %get3A_854] {strides = array<i32>} : memref<8x200x32xf32, #tpu.memory_space<vmem>>, vector<16xf32>,
        %max3A = arith.maximumf %while3A_845, %get3A_855 : vector<16xf32>
        %get3A_856 = arith.constant 6 : i32
        %get3A_857 = arith.index_cast %get3A_856 : i32 to index
        %get3A_858 = arith.index_cast %add3A_850 : i32 to index
        %get3A_859 = arith.constant 16 : index
        %get3A_860 = tpu.vector_load %arg7[%get3A_857, %get3A_858, %get3A_859] {strides = array<i32>} : memref<8x200x32xf32, #tpu.memory_space<vmem>>, vector<16xf32>,
        %max3A_861 = arith.maximumf %while3A_846, %get3A_860 : vector<16xf32>
        %mul3A_862 = arith.constant 8 : i32
        %mul3A_863 = arith.muli %while3A_844, %mul3A_862 : i32
        %add3A_864 = arith.constant 1 : i32
        %add3A_865 = arith.addi %mul3A_863, %add3A_864 : i32
        %get3A_866 = arith.constant 6 : i32
        %get3A_867 = arith.index_cast %get3A_866 : i32 to index
        %get3A_868 = arith.index_cast %add3A_865 : i32 to index
        %get3A_869 = arith.constant 0 : index
        %get3A_870 = tpu.vector_load %arg7[%get3A_867, %get3A_868, %get3A_869] {strides = array<i32>} : memref<8x200x32xf32, #tpu.memory_space<vmem>>, vector<16xf32>,
        %max3A_871 = arith.maximumf %max3A, %get3A_870 : vector<16xf32>
        %get3A_872 = arith.constant 6 : i32
        %get3A_873 = arith.index_cast %get3A_872 : i32 to index
        %get3A_874 = arith.index_cast %add3A_865 : i32 to index
        %get3A_875 = arith.constant 16 : index
        %get3A_876 = tpu.vector_load %arg7[%get3A_873, %get3A_874, %get3A_875] {strides = array<i32>} : memref<8x200x32xf32, #tpu.memory_space<vmem>>, vector<16xf32>,
        %max3A_877 = arith.maximumf %max3A_861, %get3A_876 : vector<16xf32>
        %mul3A_878 = arith.constant 8 : i32
        %mul3A_879 = arith.muli %while3A_844, %mul3A_878 : i32
        %add3A_880 = arith.constant 2 : i32
        %add3A_881 = arith.addi %mul3A_879, %add3A_880 : i32
        %get3A_882 = arith.constant 6 : i32
        %get3A_883 = arith.index_cast %get3A_882 : i32 to index
        %get3A_884 = arith.index_cast %add3A_881 : i32 to index
        %get3A_885 = arith.constant 0 : index
        %get3A_886 = tpu.vector_load %arg7[%get3A_883, %get3A_884, %get3A_885] {strides = array<i32>} : memref<8x200x32xf32, #tpu.memory_space<vmem>>, vector<16xf32>,
        %max3A_887 = arith.maximumf %max3A_871, %get3A_886 : vector<16xf32>
        %get3A_888 = arith.constant 6 : i32
        %get3A_889 = arith.index_cast %get3A_888 : i32 to index
        %get3A_890 = arith.index_cast %add3A_881 : i32 to index
        %get3A_891 = arith.constant 16 : index
        %get3A_892 = tpu.vector_load %arg7[%get3A_889, %get3A_890, %get3A_891] {strides = array<i32>} : memref<8x200x32xf32, #tpu.memory_space<vmem>>, vector<16xf32>,
        %max3A_893 = arith.maximumf %max3A_877, %get3A_892 : vector<16xf32>
        %mul3A_894 = arith.constant 8 : i32
        %mul3A_895 = arith.muli %while3A_844, %mul3A_894 : i32
        %add3A_896 = arith.constant 3 : i32
        %add3A_897 = arith.addi %mul3A_895, %add3A_896 : i32
        %get3A_898 = arith.constant 6 : i32
        %get3A_899 = arith.index_cast %get3A_898 : i32 to index
        %get3A_900 = arith.index_cast %add3A_897 : i32 to index
        %get3A_901 = arith.constant 0 : index
        %get3A_902 = tpu.vector_load %arg7[%get3A_899, %get3A_900, %get3A_901] {strides = array<i32>} : memref<8x200x32xf32, #tpu.memory_space<vmem>>, vector<16xf32>,
        %max3A_903 = arith.maximumf %max3A_887, %get3A_902 : vector<16xf32>
        %get3A_904 = arith.constant 6 : i32
        %get3A_905 = arith.index_cast %get3A_904 : i32 to index
        %get3A_906 = arith.index_cast %add3A_897 : i32 to index
        %get3A_907 = arith.constant 16 : index
        %get3A_908 = tpu.vector_load %arg7[%get3A_905, %get3A_906, %get3A_907] {strides = array<i32>} : memref<8x200x32xf32, #tpu.memory_space<vmem>>, vector<16xf32>,
        %max3A_909 = arith.maximumf %max3A_893, %get3A_908 : vector<16xf32>
        %mul3A_910 = arith.constant 8 : i32
        %mul3A_911 = arith.muli %while3A_844, %mul3A_910 : i32
        %add3A_912 = arith.constant 4 : i32
        %add3A_913 = arith.addi %mul3A_911, %add3A_912 : i32
        %get3A_914 = arith.constant 6 : i32
        %get3A_915 = arith.index_cast %get3A_914 : i32 to index
        %get3A_916 = arith.index_cast %add3A_913 : i32 to index
        %get3A_917 = arith.constant 0 : index
        %get3A_918 = tpu.vector_load %arg7[%get3A_915, %get3A_916, %get3A_917] {strides = array<i32>} : memref<8x200x32xf32, #tpu.memory_space<vmem>>, vector<16xf32>,
        %max3A_919 = arith.maximumf %max3A_903, %get3A_918 : vector<16xf32>
        %get3A_920 = arith.constant 6 : i32
        %get3A_921 = arith.index_cast %get3A_920 : i32 to index
        %get3A_922 = arith.index_cast %add3A_913 : i32 to index
        %get3A_923 = arith.constant 16 : index
        %get3A_924 = tpu.vector_load %arg7[%get3A_921, %get3A_922, %get3A_923] {strides = array<i32>} : memref<8x200x32xf32, #tpu.memory_space<vmem>>, vector<16xf32>,
        %max3A_925 = arith.maximumf %max3A_909, %get3A_924 : vector<16xf32>
        %mul3A_926 = arith.constant 8 : i32
        %mul3A_927 = arith.muli %while3A_844, %mul3A_926 : i32
        %add3A_928 = arith.constant 5 : i32
        %add3A_929 = arith.addi %mul3A_927, %add3A_928 : i32
        %get3A_930 = arith.constant 6 : i32
        %get3A_931 = arith.index_cast %get3A_930 : i32 to index
        %get3A_932 = arith.index_cast %add3A_929 : i32 to index
        %get3A_933 = arith.constant 0 : index
        %get3A_934 = tpu.vector_load %arg7[%get3A_931, %get3A_932, %get3A_933] {strides = array<i32>} : memref<8x200x32xf32, #tpu.memory_space<vmem>>, vector<16xf32>,
        %max3A_935 = arith.maximumf %max3A_919, %get3A_934 : vector<16xf32>
        %get3A_936 = arith.constant 6 : i32
        %get3A_937 = arith.index_cast %get3A_936 : i32 to index
        %get3A_938 = arith.index_cast %add3A_929 : i32 to index
        %get3A_939 = arith.constant 16 : index
        %get3A_940 = tpu.vector_load %arg7[%get3A_937, %get3A_938, %get3A_939] {strides = array<i32>} : memref<8x200x32xf32, #tpu.memory_space<vmem>>, vector<16xf32>,
        %max3A_941 = arith.maximumf %max3A_925, %get3A_940 : vector<16xf32>
        %mul3A_942 = arith.constant 8 : i32
        %mul3A_943 = arith.muli %while3A_844, %mul3A_942 : i32
        %add3A_944 = arith.constant 6 : i32
        %add3A_945 = arith.addi %mul3A_943, %add3A_944 : i32
        %get3A_946 = arith.constant 6 : i32
        %get3A_947 = arith.index_cast %get3A_946 : i32 to index
        %get3A_948 = arith.index_cast %add3A_945 : i32 to index
        %get3A_949 = arith.constant 0 : index
        %get3A_950 = tpu.vector_load %arg7[%get3A_947, %get3A_948, %get3A_949] {strides = array<i32>} : memref<8x200x32xf32, #tpu.memory_space<vmem>>, vector<16xf32>,
        %max3A_951 = arith.maximumf %max3A_935, %get3A_950 : vector<16xf32>
        %get3A_952 = arith.constant 6 : i32
        %get3A_953 = arith.index_cast %get3A_952 : i32 to index
        %get3A_954 = arith.index_cast %add3A_945 : i32 to index
        %get3A_955 = arith.constant 16 : index
        %get3A_956 = tpu.vector_load %arg7[%get3A_953, %get3A_954, %get3A_955] {strides = array<i32>} : memref<8x200x32xf32, #tpu.memory_space<vmem>>, vector<16xf32>,
        %max3A_957 = arith.maximumf %max3A_941, %get3A_956 : vector<16xf32>
        %mul3A_958 = arith.constant 8 : i32
        %mul3A_959 = arith.muli %while3A_844, %mul3A_958 : i32
        %add3A_960 = arith.constant 7 : i32
        %add3A_961 = arith.addi %mul3A_959, %add3A_960 : i32
        %get3A_962 = arith.constant 6 : i32
        %get3A_963 = arith.index_cast %get3A_962 : i32 to index
        %get3A_964 = arith.index_cast %add3A_961 : i32 to index
        %get3A_965 = arith.constant 0 : index
        %get3A_966 = tpu.vector_load %arg7[%get3A_963, %get3A_964, %get3A_965] {strides = array<i32>} : memref<8x200x32xf32, #tpu.memory_space<vmem>>, vector<16xf32>,
        %max3A_967 = arith.maximumf %max3A_951, %get3A_966 : vector<16xf32>
        %get3A_968 = arith.constant 6 : i32
        %get3A_969 = arith.index_cast %get3A_968 : i32 to index
        %get3A_970 = arith.index_cast %add3A_961 : i32 to index
        %get3A_971 = arith.constant 16 : index
        %get3A_972 = tpu.vector_load %arg7[%get3A_969, %get3A_970, %get3A_971] {strides = array<i32>} : memref<8x200x32xf32, #tpu.memory_space<vmem>>, vector<16xf32>,
        %max3A_973 = arith.maximumf %max3A_957, %get3A_972 : vector<16xf32>
        scf.yield %max3A_967, %max3A_973 : vector<16xf32>, vector<16xf32>
      }
      %while3A_736 = arith.constant 1 : i32
      %while3A_737:2 = scf.for %while3A_844 = %while3A_733 to %while3A_729 step %while3A_736 iter_args(%while3A_845 = %while3A_735#0, %while3A_846 = %while3A_735#1) -> (vector<16xf32>, vector<16xf32>)  : i32 {
        %mul3A_847 = arith.constant 8 : i32
        %mul3A_848 = arith.muli %while3A_844, %mul3A_847 : i32
        %add3A_849 = arith.constant 0 : i32
        %add3A_850 = arith.addi %mul3A_848, %add3A_849 : i32
        %get3A_851 = arith.constant 6 : i32
        %get3A_852 = arith.index_cast %get3A_851 : i32 to index
        %get3A_853 = arith.index_cast %add3A_850 : i32 to index
        %get3A_854 = arith.constant 0 : index
        %get3A_855 = tpu.vector_load %arg7[%get3A_852, %get3A_853, %get3A_854] {strides = array<i32>} : memref<8x200x32xf32, #tpu.memory_space<vmem>>, vector<16xf32>,
        %max3A = arith.maximumf %while3A_845, %get3A_855 : vector<16xf32>
        %get3A_856 = arith.constant 6 : i32
        %get3A_857 = arith.index_cast %get3A_856 : i32 to index
        %get3A_858 = arith.index_cast %add3A_850 : i32 to index
        %get3A_859 = arith.constant 16 : index
        %get3A_860 = tpu.vector_load %arg7[%get3A_857, %get3A_858, %get3A_859] {strides = array<i32>} : memref<8x200x32xf32, #tpu.memory_space<vmem>>, vector<16xf32>,
        %max3A_861 = arith.maximumf %while3A_846, %get3A_860 : vector<16xf32>
        %mul3A_862 = arith.constant 8 : i32
        %mul3A_863 = arith.muli %while3A_844, %mul3A_862 : i32
        %add3A_864 = arith.constant 1 : i32
        %add3A_865 = arith.addi %mul3A_863, %add3A_864 : i32
        %get3A_866 = arith.constant 6 : i32
        %get3A_867 = arith.index_cast %get3A_866 : i32 to index
        %get3A_868 = arith.index_cast %add3A_865 : i32 to index
        %get3A_869 = arith.constant 0 : index
        %get3A_870 = tpu.vector_load %arg7[%get3A_867, %get3A_868, %get3A_869] {strides = array<i32>} : memref<8x200x32xf32, #tpu.memory_space<vmem>>, vector<16xf32>,
        %max3A_871 = arith.maximumf %max3A, %get3A_870 : vector<16xf32>
        %get3A_872 = arith.constant 6 : i32
        %get3A_873 = arith.index_cast %get3A_872 : i32 to index
        %get3A_874 = arith.index_cast %add3A_865 : i32 to index
        %get3A_875 = arith.constant 16 : index
        %get3A_876 = tpu.vector_load %arg7[%get3A_873, %get3A_874, %get3A_875] {strides = array<i32>} : memref<8x200x32xf32, #tpu.memory_space<vmem>>, vector<16xf32>,
        %max3A_877 = arith.maximumf %max3A_861, %get3A_876 : vector<16xf32>
        %mul3A_878 = arith.constant 8 : i32
        %mul3A_879 = arith.muli %while3A_844, %mul3A_878 : i32
        %add3A_880 = arith.constant 2 : i32
        %add3A_881 = arith.addi %mul3A_879, %add3A_880 : i32
        %get3A_882 = arith.constant 6 : i32
        %get3A_883 = arith.index_cast %get3A_882 : i32 to index
        %get3A_884 = arith.index_cast %add3A_881 : i32 to index
        %get3A_885 = arith.constant 0 : index
        %get3A_886 = tpu.vector_load %arg7[%get3A_883, %get3A_884, %get3A_885] {strides = array<i32>} : memref<8x200x32xf32, #tpu.memory_space<vmem>>, vector<16xf32>,
        %max3A_887 = arith.maximumf %max3A_871, %get3A_886 : vector<16xf32>
        %get3A_888 = arith.constant 6 : i32
        %get3A_889 = arith.index_cast %get3A_888 : i32 to index
        %get3A_890 = arith.index_cast %add3A_881 : i32 to index
        %get3A_891 = arith.constant 16 : index
        %get3A_892 = tpu.vector_load %arg7[%get3A_889, %get3A_890, %get3A_891] {strides = array<i32>} : memref<8x200x32xf32, #tpu.memory_space<vmem>>, vector<16xf32>,
        %max3A_893 = arith.maximumf %max3A_877, %get3A_892 : vector<16xf32>
        %mul3A_894 = arith.constant 8 : i32
        %mul3A_895 = arith.muli %while3A_844, %mul3A_894 : i32
        %add3A_896 = arith.constant 3 : i32
        %add3A_897 = arith.addi %mul3A_895, %add3A_896 : i32
        %get3A_898 = arith.constant 6 : i32
        %get3A_899 = arith.index_cast %get3A_898 : i32 to index
        %get3A_900 = arith.index_cast %add3A_897 : i32 to index
        %get3A_901 = arith.constant 0 : index
        %get3A_902 = tpu.vector_load %arg7[%get3A_899, %get3A_900, %get3A_901] {strides = array<i32>} : memref<8x200x32xf32, #tpu.memory_space<vmem>>, vector<16xf32>,
        %max3A_903 = arith.maximumf %max3A_887, %get3A_902 : vector<16xf32>
        %get3A_904 = arith.constant 6 : i32
        %get3A_905 = arith.index_cast %get3A_904 : i32 to index
        %get3A_906 = arith.index_cast %add3A_897 : i32 to index
        %get3A_907 = arith.constant 16 : index
        %get3A_908 = tpu.vector_load %arg7[%get3A_905, %get3A_906, %get3A_907] {strides = array<i32>} : memref<8x200x32xf32, #tpu.memory_space<vmem>>, vector<16xf32>,
        %max3A_909 = arith.maximumf %max3A_893, %get3A_908 : vector<16xf32>
        %mul3A_910 = arith.constant 8 : i32
        %mul3A_911 = arith.muli %while3A_844, %mul3A_910 : i32
        %add3A_912 = arith.constant 4 : i32
        %add3A_913 = arith.addi %mul3A_911, %add3A_912 : i32
        %get3A_914 = arith.constant 6 : i32
        %get3A_915 = arith.index_cast %get3A_914 : i32 to index
        %get3A_916 = arith.index_cast %add3A_913 : i32 to index
        %get3A_917 = arith.constant 0 : index
        %get3A_918 = tpu.vector_load %arg7[%get3A_915, %get3A_916, %get3A_917] {strides = array<i32>} : memref<8x200x32xf32, #tpu.memory_space<vmem>>, vector<16xf32>,
        %max3A_919 = arith.maximumf %max3A_903, %get3A_918 : vector<16xf32>
        %get3A_920 = arith.constant 6 : i32
        %get3A_921 = arith.index_cast %get3A_920 : i32 to index
        %get3A_922 = arith.index_cast %add3A_913 : i32 to index
        %get3A_923 = arith.constant 16 : index
        %get3A_924 = tpu.vector_load %arg7[%get3A_921, %get3A_922, %get3A_923] {strides = array<i32>} : memref<8x200x32xf32, #tpu.memory_space<vmem>>, vector<16xf32>,
        %max3A_925 = arith.maximumf %max3A_909, %get3A_924 : vector<16xf32>
        %mul3A_926 = arith.constant 8 : i32
        %mul3A_927 = arith.muli %while3A_844, %mul3A_926 : i32
        %add3A_928 = arith.constant 5 : i32
        %add3A_929 = arith.addi %mul3A_927, %add3A_928 : i32
        %get3A_930 = arith.constant 6 : i32
        %get3A_931 = arith.index_cast %get3A_930 : i32 to index
        %get3A_932 = arith.index_cast %add3A_929 : i32 to index
        %get3A_933 = arith.constant 0 : index
        %get3A_934 = tpu.vector_load %arg7[%get3A_931, %get3A_932, %get3A_933] {strides = array<i32>} : memref<8x200x32xf32, #tpu.memory_space<vmem>>, vector<16xf32>,
        %max3A_935 = arith.maximumf %max3A_919, %get3A_934 : vector<16xf32>
        %get3A_936 = arith.constant 6 : i32
        %get3A_937 = arith.index_cast %get3A_936 : i32 to index
        %get3A_938 = arith.index_cast %add3A_929 : i32 to index
        %get3A_939 = arith.constant 16 : index
        %get3A_940 = tpu.vector_load %arg7[%get3A_937, %get3A_938, %get3A_939] {strides = array<i32>} : memref<8x200x32xf32, #tpu.memory_space<vmem>>, vector<16xf32>,
        %max3A_941 = arith.maximumf %max3A_925, %get3A_940 : vector<16xf32>
        %mul3A_942 = arith.constant 8 : i32
        %mul3A_943 = arith.muli %while3A_844, %mul3A_942 : i32
        %add3A_944 = arith.constant 6 : i32
        %add3A_945 = arith.addi %mul3A_943, %add3A_944 : i32
        %get3A_946 = arith.constant 6 : i32
        %get3A_947 = arith.index_cast %get3A_946 : i32 to index
        %get3A_948 = arith.index_cast %add3A_945 : i32 to index
        %get3A_949 = arith.constant 0 : index
        %get3A_950 = tpu.vector_load %arg7[%get3A_947, %get3A_948, %get3A_949] {strides = array<i32>} : memref<8x200x32xf32, #tpu.memory_space<vmem>>, vector<16xf32>,
        %max3A_951 = arith.maximumf %max3A_935, %get3A_950 : vector<16xf32>
        %get3A_952 = arith.constant 6 : i32
        %get3A_953 = arith.index_cast %get3A_952 : i32 to index
        %get3A_954 = arith.index_cast %add3A_945 : i32 to index
        %get3A_955 = arith.constant 16 : index
        %get3A_956 = tpu.vector_load %arg7[%get3A_953, %get3A_954, %get3A_955] {strides = array<i32>} : memref<8x200x32xf32, #tpu.memory_space<vmem>>, vector<16xf32>,
        %max3A_957 = arith.maximumf %max3A_941, %get3A_956 : vector<16xf32>
        %mul3A_958 = arith.constant 8 : i32
        %mul3A_959 = arith.muli %while3A_844, %mul3A_958 : i32
        %add3A_960 = arith.constant 7 : i32
        %add3A_961 = arith.addi %mul3A_959, %add3A_960 : i32
        %get3A_962 = arith.constant 6 : i32
        %get3A_963 = arith.index_cast %get3A_962 : i32 to index
        %get3A_964 = arith.index_cast %add3A_961 : i32 to index
        %get3A_965 = arith.constant 0 : index
        %get3A_966 = tpu.vector_load %arg7[%get3A_963, %get3A_964, %get3A_965] {strides = array<i32>} : memref<8x200x32xf32, #tpu.memory_space<vmem>>, vector<16xf32>,
        %max3A_967 = arith.maximumf %max3A_951, %get3A_966 : vector<16xf32>
        %get3A_968 = arith.constant 6 : i32
        %get3A_969 = arith.index_cast %get3A_968 : i32 to index
        %get3A_970 = arith.index_cast %add3A_961 : i32 to index
        %get3A_971 = arith.constant 16 : index
        %get3A_972 = tpu.vector_load %arg7[%get3A_969, %get3A_970, %get3A_971] {strides = array<i32>} : memref<8x200x32xf32, #tpu.memory_space<vmem>>, vector<16xf32>,
        %max3A_973 = arith.maximumf %max3A_957, %get3A_972 : vector<16xf32>
        scf.yield %max3A_967, %max3A_973 : vector<16xf32>, vector<16xf32>
      }
      %mul3A_738 = arith.constant 8 : i32
      %mul3A_739 = arith.muli %select_n3A_726, %mul3A_738 : i32
      %while3A_740 = arith.subi %get3A_700, %mul3A_739 : i32
      %while3A_741 = arith.addi %mul3A_739, %while3A_740 : i32
      %while3A_742 = arith.constant 1 : i32
      %while3A_743 = arith.divsi %while3A_740, %while3A_742 : i32
      %while3A_744 = arith.muli %while3A_743, %while3A_742 : i32
      %while3A_745 = arith.addi %mul3A_739, %while3A_744 : i32
      %while3A_746 = arith.constant 1 : i32
      %while3A_747:2 = scf.for %while3A_844 = %mul3A_739 to %while3A_745 step %while3A_746 iter_args(%while3A_845 = %while3A_737#0, %while3A_846 = %while3A_737#1) -> (vector<16xf32>, vector<16xf32>)  : i32 {
        %get3A_847 = arith.constant 6 : i32
        %get3A_848 = arith.index_cast %get3A_847 : i32 to index
        %get3A_849 = arith.index_cast %while3A_844 : i32 to index
        %get3A_850 = arith.constant 0 : index
        %get3A_851 = tpu.vector_load %arg7[%get3A_848, %get3A_849, %get3A_850] {strides = array<i32>} : memref<8x200x32xf32, #tpu.memory_space<vmem>>, vector<16xf32>,
        %max3A = arith.maximumf %while3A_845, %get3A_851 : vector<16xf32>
        %get3A_852 = arith.constant 6 : i32
        %get3A_853 = arith.index_cast %get3A_852 : i32 to index
        %get3A_854 = arith.index_cast %while3A_844 : i32 to index
        %get3A_855 = arith.constant 16 : index
        %get3A_856 = tpu.vector_load %arg7[%get3A_853, %get3A_854, %get3A_855] {strides = array<i32>} : memref<8x200x32xf32, #tpu.memory_space<vmem>>, vector<16xf32>,
        %max3A_857 = arith.maximumf %while3A_846, %get3A_856 : vector<16xf32>
        scf.yield %max3A, %max3A_857 : vector<16xf32>, vector<16xf32>
      }
      %while3A_748 = arith.constant 1 : i32
      %while3A_749:2 = scf.for %while3A_844 = %while3A_745 to %while3A_741 step %while3A_748 iter_args(%while3A_845 = %while3A_747#0, %while3A_846 = %while3A_747#1) -> (vector<16xf32>, vector<16xf32>)  : i32 {
        %get3A_847 = arith.constant 6 : i32
        %get3A_848 = arith.index_cast %get3A_847 : i32 to index
        %get3A_849 = arith.index_cast %while3A_844 : i32 to index
        %get3A_850 = arith.constant 0 : index
        %get3A_851 = tpu.vector_load %arg7[%get3A_848, %get3A_849, %get3A_850] {strides = array<i32>} : memref<8x200x32xf32, #tpu.memory_space<vmem>>, vector<16xf32>,
        %max3A = arith.maximumf %while3A_845, %get3A_851 : vector<16xf32>
        %get3A_852 = arith.constant 6 : i32
        %get3A_853 = arith.index_cast %get3A_852 : i32 to index
        %get3A_854 = arith.index_cast %while3A_844 : i32 to index
        %get3A_855 = arith.constant 16 : index
        %get3A_856 = tpu.vector_load %arg7[%get3A_853, %get3A_854, %get3A_855] {strides = array<i32>} : memref<8x200x32xf32, #tpu.memory_space<vmem>>, vector<16xf32>,
        %max3A_857 = arith.maximumf %while3A_846, %get3A_856 : vector<16xf32>
        scf.yield %max3A, %max3A_857 : vector<16xf32>, vector<16xf32>
      }
      %swap3A_750 = arith.index_cast %add3A_683 : i32 to index
      %swap3A_751 = arith.constant 0 : index
      %swap3A_752 = tpu.vector_load %arg8[%swap3A_750, %swap3A_751] {strides = array<i32>} : memref<128x32xf32, #tpu.memory_space<vmem>>, vector<16xf32>,
      tpu.vector_store %arg8[%swap3A_750, %swap3A_751], %while3A_749#0 {strides = array<i32>} : memref<128x32xf32, #tpu.memory_space<vmem>>, vector<16xf32>,
      %swap3A_753 = arith.index_cast %add3A_683 : i32 to index
      %swap3A_754 = arith.constant 16 : index
      %swap3A_755 = tpu.vector_load %arg8[%swap3A_753, %swap3A_754] {strides = array<i32>} : memref<128x32xf32, #tpu.memory_space<vmem>>, vector<16xf32>,
      tpu.vector_store %arg8[%swap3A_753, %swap3A_754], %while3A_749#1 {strides = array<i32>} : memref<128x32xf32, #tpu.memory_space<vmem>>, vector<16xf32>,
      %add3A_756 = arith.constant 8 : i32
      %add3A_757 = arith.addi %add3A_683, %add3A_756 : i32
      %lt3A_758 = arith.constant 128 : i32
      %lt3A_759 = arith.cmpi slt, %add3A_757, %lt3A_758 : i32
      %convert_element_type3A_760 = arith.extui %lt3A_759 : i1 to i32
      %cond3A_761 = arith.constant 0 : i32
      %cond3A_762 = arith.cmpi ne, %convert_element_type3A_760, %cond3A_761 : i32
      scf.if %cond3A_762 {
        %add3A_844 = arith.constant 8 : i32
        %add3A_845 = arith.addi %add3A_683, %add3A_844 : i32
        %dma_start3A_846 = arith.constant 6 : i32
        %dma_start3A_847 = arith.constant 0 : i32
        %dma_start3A_848 = arith.constant 0 : i32
        %dma_start3A_849 = tpu.memref_slice %arg7[%dma_start3A_846, %dma_start3A_847, %dma_start3A_848] : memref<8x200x32xf32, #tpu.memory_space<vmem>> -> memref<1x128x32xf32, #tpu.memory_space<vmem>>
        %dma_start3A_850 = tpu.memref_squeeze %dma_start3A_849 : memref<1x128x32xf32, #tpu.memory_space<vmem>> -> memref<128x32xf32, #tpu.memory_space<vmem>>
        %dma_start3A_851 = arith.constant 0 : i32
        %dma_start3A_852 = tpu.memref_slice %arg6[%add3A_845, %dma_start3A_851] : memref<128x208xi32, #tpu.memory_space<vmem>> -> memref<1x128xi32, #tpu.memory_space<vmem>>
        %dma_start3A_853 = tpu.memref_squeeze %dma_start3A_852 : memref<1x128xi32, #tpu.memory_space<vmem>> -> memref<128xi32, #tpu.memory_space<vmem>>
        %dma_start3A_854 = arith.constant 0 : i32
        %dma_start3A_855 = arith.constant 0 : i32
        %dma_start3A_856 = tpu.memref_slice %arg3[%dma_start3A_854, %dma_start3A_855] : memref<1048576x32xf32, #tpu.memory_space<hbm>> -> memref<1048576x32xf32, #tpu.memory_space<hbm>>
        tpu.enqueue_indirect_dma source(%dma_start3A_856 : memref<1048576x32xf32, #tpu.memory_space<hbm>>) target(%dma_start3A_850 : memref<128x32xf32, #tpu.memory_space<vmem>>) offsets(%dma_start3A_853 : memref<128xi32, #tpu.memory_space<vmem>>) semaphore(%arg16 : memref<!tpu.dma_semaphore, #tpu.memory_space<semaphore_mem>>)
        %dma_start3A_857 = arith.constant 6 : i32
        %dma_start3A_858 = arith.constant 128 : i32
        %dma_start3A_859 = arith.constant 0 : i32
        %dma_start3A_860 = tpu.memref_slice %arg7[%dma_start3A_857, %dma_start3A_858, %dma_start3A_859] : memref<8x200x32xf32, #tpu.memory_space<vmem>> -> memref<1x72x32xf32, #tpu.memory_space<vmem>>
        %dma_start3A_861 = tpu.memref_squeeze %dma_start3A_860 : memref<1x72x32xf32, #tpu.memory_space<vmem>> -> memref<72x32xf32, #tpu.memory_space<vmem>>
        %dma_start3A_862 = arith.constant 128 : i32
        %dma_start3A_863 = tpu.memref_slice %arg6[%add3A_845, %dma_start3A_862] : memref<128x208xi32, #tpu.memory_space<vmem>> -> memref<1x72xi32, #tpu.memory_space<vmem>>
        %dma_start3A_864 = tpu.memref_squeeze %dma_start3A_863 : memref<1x72xi32, #tpu.memory_space<vmem>> -> memref<72xi32, #tpu.memory_space<vmem>>
        %dma_start3A_865 = arith.constant 0 : i32
        %dma_start3A_866 = arith.constant 0 : i32
        %dma_start3A_867 = tpu.memref_slice %arg3[%dma_start3A_865, %dma_start3A_866] : memref<1048576x32xf32, #tpu.memory_space<hbm>> -> memref<1048576x32xf32, #tpu.memory_space<hbm>>
        tpu.enqueue_indirect_dma source(%dma_start3A_867 : memref<1048576x32xf32, #tpu.memory_space<hbm>>) target(%dma_start3A_861 : memref<72x32xf32, #tpu.memory_space<vmem>>) offsets(%dma_start3A_864 : memref<72xi32, #tpu.memory_space<vmem>>) semaphore(%arg16 : memref<!tpu.dma_semaphore, #tpu.memory_space<semaphore_mem>>)
      } else {
      }
      %add3A_763 = arith.constant 7 : i32
      %add3A_764 = arith.addi %add3A_210, %add3A_763 : i32
      %dma_wait3A_765 = arith.constant 7 : i32
      %dma_wait3A_766 = arith.constant 0 : i32
      %dma_wait3A_767 = arith.constant 0 : i32
      %dma_wait3A_768 = tpu.memref_slice %arg7[%dma_wait3A_765, %dma_wait3A_766, %dma_wait3A_767] : memref<8x200x32xf32, #tpu.memory_space<vmem>> -> memref<1x200x32xf32, #tpu.memory_space<vmem>>
      %dma_wait3A_769 = tpu.memref_squeeze %dma_wait3A_768 : memref<1x200x32xf32, #tpu.memory_space<vmem>> -> memref<200x32xf32, #tpu.memory_space<vmem>>
      %dma_wait3A_770 = arith.constant 0 : i32
      %dma_wait3A_771 = arith.constant 0 : i32
      %dma_wait3A_772 = tpu.memref_slice %arg3[%dma_wait3A_770, %dma_wait3A_771] : memref<1048576x32xf32, #tpu.memory_space<hbm>> -> memref<200x32xf32, #tpu.memory_space<hbm>>
      %dma_wait3A_773 = arith.constant 0 : i32
      %dma_wait3A_774 = arith.constant 0 : i32
      %dma_wait3A_775 = tpu.memref_slice %arg7[%dma_wait3A_765, %dma_wait3A_773, %dma_wait3A_774] : memref<8x200x32xf32, #tpu.memory_space<vmem>> -> memref<1x200x32xf32, #tpu.memory_space<vmem>>
      %dma_wait3A_776 = tpu.memref_squeeze %dma_wait3A_775 : memref<1x200x32xf32, #tpu.memory_space<vmem>> -> memref<200x32xf32, #tpu.memory_space<vmem>>
      %dma_wait3A_777 = arith.constant 0 : i32
      %dma_wait3A_778 = arith.constant 0 : i32
      %dma_wait3A_779 = tpu.memref_slice %arg3[%dma_wait3A_777, %dma_wait3A_778] : memref<1048576x32xf32, #tpu.memory_space<hbm>> -> memref<200x32xf32, #tpu.memory_space<hbm>>
      tpu.wait_dma2 semaphore(%arg17 : memref<!tpu.dma_semaphore, #tpu.memory_space<semaphore_mem>>) src(%dma_wait3A_779 : memref<200x32xf32, #tpu.memory_space<hbm>>) dst(%dma_wait3A_776 : memref<200x32xf32, #tpu.memory_space<vmem>>)
      %get3A_780 = arith.index_cast %add3A_764 : i32 to index
      %get3A_781 = memref.load %arg9[%get3A_780] : memref<128xi32, #tpu.memory_space<smem>>
      %broadcast_in_dim3A_782 = arith.constant -1.000000e+09 : f32
      %broadcast_in_dim3A_783 = vector.broadcast %broadcast_in_dim3A_782 : f32 to vector<16xf32>
      %jit3A_784 = arith.constant 8 : i32
      %div3A_785 = arith.divsi %get3A_781, %jit3A_784 : i32
      %sign3A_786 = arith.constant 0 : i32
      %sign3A_787 = arith.cmpi sgt, %get3A_781, %sign3A_786 : i32
      %sign3A_788 = arith.extui %sign3A_787 : i1 to i32
      %sign3A_789 = arith.constant 0 : i32
      %sign3A_790 = arith.cmpi slt, %get3A_781, %sign3A_789 : i32
      %sign3A_791 = arith.extui %sign3A_790 : i1 to i32
      %sign3A_792 = arith.subi %sign3A_788, %sign3A_791 : i32
      %sign3A_793 = arith.constant 0 : i32
      %sign3A_794 = arith.cmpi sgt, %jit3A_784, %sign3A_793 : i32
      %sign3A_795 = arith.extui %sign3A_794 : i1 to i32
      %sign3A_796 = arith.constant 0 : i32
      %sign3A_797 = arith.cmpi slt, %jit3A_784, %sign3A_796 : i32
      %sign3A_798 = arith.extui %sign3A_797 : i1 to i32
      %sign3A_799 = arith.subi %sign3A_795, %sign3A_798 : i32
      %ne3A_800 = arith.cmpi ne, %sign3A_792, %sign3A_799 : i32
      %rem3A_801 = arith.remsi %get3A_781, %jit3A_784 : i32
      %ne3A_802 = arith.constant 0 : i32
      %ne3A_803 = arith.cmpi ne, %rem3A_801, %ne3A_802 : i32
      %and3A_804 = arith.andi %ne3A_800, %ne3A_803 : i1
      %sub3A_805 = arith.constant 1 : i32
      %sub3A_806 = arith.subi %div3A_785, %sub3A_805 : i32
      %select_n3A_807 = arith.select %and3A_804, %sub3A_806, %div3A_785 : i32
      %while3A_808 = arith.constant 0 : i32
      %while3A_809 = arith.subi %select_n3A_807, %while3A_808 : i32
      %while3A_810 = arith.addi %while3A_808, %while3A_809 : i32
      %while3A_811 = arith.constant 1 : i32
      %while3A_812 = arith.divsi %while3A_809, %while3A_811 : i32
      %while3A_813 = arith.muli %while3A_812, %while3A_811 : i32
      %while3A_814 = arith.addi %while3A_808, %while3A_813 : i32
      %while3A_815 = arith.constant 1 : i32
      %while3A_816:2 = scf.for %while3A_844 = %while3A_808 to %while3A_814 step %while3A_815 iter_args(%while3A_845 = %broadcast_in_dim3A_783, %while3A_846 = %broadcast_in_dim3A_783) -> (vector<16xf32>, vector<16xf32>)  : i32 {
        %mul3A_847 = arith.constant 8 : i32
        %mul3A_848 = arith.muli %while3A_844, %mul3A_847 : i32
        %add3A_849 = arith.constant 0 : i32
        %add3A_850 = arith.addi %mul3A_848, %add3A_849 : i32
        %get3A_851 = arith.constant 7 : i32
        %get3A_852 = arith.index_cast %get3A_851 : i32 to index
        %get3A_853 = arith.index_cast %add3A_850 : i32 to index
        %get3A_854 = arith.constant 0 : index
        %get3A_855 = tpu.vector_load %arg7[%get3A_852, %get3A_853, %get3A_854] {strides = array<i32>} : memref<8x200x32xf32, #tpu.memory_space<vmem>>, vector<16xf32>,
        %max3A = arith.maximumf %while3A_845, %get3A_855 : vector<16xf32>
        %get3A_856 = arith.constant 7 : i32
        %get3A_857 = arith.index_cast %get3A_856 : i32 to index
        %get3A_858 = arith.index_cast %add3A_850 : i32 to index
        %get3A_859 = arith.constant 16 : index
        %get3A_860 = tpu.vector_load %arg7[%get3A_857, %get3A_858, %get3A_859] {strides = array<i32>} : memref<8x200x32xf32, #tpu.memory_space<vmem>>, vector<16xf32>,
        %max3A_861 = arith.maximumf %while3A_846, %get3A_860 : vector<16xf32>
        %mul3A_862 = arith.constant 8 : i32
        %mul3A_863 = arith.muli %while3A_844, %mul3A_862 : i32
        %add3A_864 = arith.constant 1 : i32
        %add3A_865 = arith.addi %mul3A_863, %add3A_864 : i32
        %get3A_866 = arith.constant 7 : i32
        %get3A_867 = arith.index_cast %get3A_866 : i32 to index
        %get3A_868 = arith.index_cast %add3A_865 : i32 to index
        %get3A_869 = arith.constant 0 : index
        %get3A_870 = tpu.vector_load %arg7[%get3A_867, %get3A_868, %get3A_869] {strides = array<i32>} : memref<8x200x32xf32, #tpu.memory_space<vmem>>, vector<16xf32>,
        %max3A_871 = arith.maximumf %max3A, %get3A_870 : vector<16xf32>
        %get3A_872 = arith.constant 7 : i32
        %get3A_873 = arith.index_cast %get3A_872 : i32 to index
        %get3A_874 = arith.index_cast %add3A_865 : i32 to index
        %get3A_875 = arith.constant 16 : index
        %get3A_876 = tpu.vector_load %arg7[%get3A_873, %get3A_874, %get3A_875] {strides = array<i32>} : memref<8x200x32xf32, #tpu.memory_space<vmem>>, vector<16xf32>,
        %max3A_877 = arith.maximumf %max3A_861, %get3A_876 : vector<16xf32>
        %mul3A_878 = arith.constant 8 : i32
        %mul3A_879 = arith.muli %while3A_844, %mul3A_878 : i32
        %add3A_880 = arith.constant 2 : i32
        %add3A_881 = arith.addi %mul3A_879, %add3A_880 : i32
        %get3A_882 = arith.constant 7 : i32
        %get3A_883 = arith.index_cast %get3A_882 : i32 to index
        %get3A_884 = arith.index_cast %add3A_881 : i32 to index
        %get3A_885 = arith.constant 0 : index
        %get3A_886 = tpu.vector_load %arg7[%get3A_883, %get3A_884, %get3A_885] {strides = array<i32>} : memref<8x200x32xf32, #tpu.memory_space<vmem>>, vector<16xf32>,
        %max3A_887 = arith.maximumf %max3A_871, %get3A_886 : vector<16xf32>
        %get3A_888 = arith.constant 7 : i32
        %get3A_889 = arith.index_cast %get3A_888 : i32 to index
        %get3A_890 = arith.index_cast %add3A_881 : i32 to index
        %get3A_891 = arith.constant 16 : index
        %get3A_892 = tpu.vector_load %arg7[%get3A_889, %get3A_890, %get3A_891] {strides = array<i32>} : memref<8x200x32xf32, #tpu.memory_space<vmem>>, vector<16xf32>,
        %max3A_893 = arith.maximumf %max3A_877, %get3A_892 : vector<16xf32>
        %mul3A_894 = arith.constant 8 : i32
        %mul3A_895 = arith.muli %while3A_844, %mul3A_894 : i32
        %add3A_896 = arith.constant 3 : i32
        %add3A_897 = arith.addi %mul3A_895, %add3A_896 : i32
        %get3A_898 = arith.constant 7 : i32
        %get3A_899 = arith.index_cast %get3A_898 : i32 to index
        %get3A_900 = arith.index_cast %add3A_897 : i32 to index
        %get3A_901 = arith.constant 0 : index
        %get3A_902 = tpu.vector_load %arg7[%get3A_899, %get3A_900, %get3A_901] {strides = array<i32>} : memref<8x200x32xf32, #tpu.memory_space<vmem>>, vector<16xf32>,
        %max3A_903 = arith.maximumf %max3A_887, %get3A_902 : vector<16xf32>
        %get3A_904 = arith.constant 7 : i32
        %get3A_905 = arith.index_cast %get3A_904 : i32 to index
        %get3A_906 = arith.index_cast %add3A_897 : i32 to index
        %get3A_907 = arith.constant 16 : index
        %get3A_908 = tpu.vector_load %arg7[%get3A_905, %get3A_906, %get3A_907] {strides = array<i32>} : memref<8x200x32xf32, #tpu.memory_space<vmem>>, vector<16xf32>,
        %max3A_909 = arith.maximumf %max3A_893, %get3A_908 : vector<16xf32>
        %mul3A_910 = arith.constant 8 : i32
        %mul3A_911 = arith.muli %while3A_844, %mul3A_910 : i32
        %add3A_912 = arith.constant 4 : i32
        %add3A_913 = arith.addi %mul3A_911, %add3A_912 : i32
        %get3A_914 = arith.constant 7 : i32
        %get3A_915 = arith.index_cast %get3A_914 : i32 to index
        %get3A_916 = arith.index_cast %add3A_913 : i32 to index
        %get3A_917 = arith.constant 0 : index
        %get3A_918 = tpu.vector_load %arg7[%get3A_915, %get3A_916, %get3A_917] {strides = array<i32>} : memref<8x200x32xf32, #tpu.memory_space<vmem>>, vector<16xf32>,
        %max3A_919 = arith.maximumf %max3A_903, %get3A_918 : vector<16xf32>
        %get3A_920 = arith.constant 7 : i32
        %get3A_921 = arith.index_cast %get3A_920 : i32 to index
        %get3A_922 = arith.index_cast %add3A_913 : i32 to index
        %get3A_923 = arith.constant 16 : index
        %get3A_924 = tpu.vector_load %arg7[%get3A_921, %get3A_922, %get3A_923] {strides = array<i32>} : memref<8x200x32xf32, #tpu.memory_space<vmem>>, vector<16xf32>,
        %max3A_925 = arith.maximumf %max3A_909, %get3A_924 : vector<16xf32>
        %mul3A_926 = arith.constant 8 : i32
        %mul3A_927 = arith.muli %while3A_844, %mul3A_926 : i32
        %add3A_928 = arith.constant 5 : i32
        %add3A_929 = arith.addi %mul3A_927, %add3A_928 : i32
        %get3A_930 = arith.constant 7 : i32
        %get3A_931 = arith.index_cast %get3A_930 : i32 to index
        %get3A_932 = arith.index_cast %add3A_929 : i32 to index
        %get3A_933 = arith.constant 0 : index
        %get3A_934 = tpu.vector_load %arg7[%get3A_931, %get3A_932, %get3A_933] {strides = array<i32>} : memref<8x200x32xf32, #tpu.memory_space<vmem>>, vector<16xf32>,
        %max3A_935 = arith.maximumf %max3A_919, %get3A_934 : vector<16xf32>
        %get3A_936 = arith.constant 7 : i32
        %get3A_937 = arith.index_cast %get3A_936 : i32 to index
        %get3A_938 = arith.index_cast %add3A_929 : i32 to index
        %get3A_939 = arith.constant 16 : index
        %get3A_940 = tpu.vector_load %arg7[%get3A_937, %get3A_938, %get3A_939] {strides = array<i32>} : memref<8x200x32xf32, #tpu.memory_space<vmem>>, vector<16xf32>,
        %max3A_941 = arith.maximumf %max3A_925, %get3A_940 : vector<16xf32>
        %mul3A_942 = arith.constant 8 : i32
        %mul3A_943 = arith.muli %while3A_844, %mul3A_942 : i32
        %add3A_944 = arith.constant 6 : i32
        %add3A_945 = arith.addi %mul3A_943, %add3A_944 : i32
        %get3A_946 = arith.constant 7 : i32
        %get3A_947 = arith.index_cast %get3A_946 : i32 to index
        %get3A_948 = arith.index_cast %add3A_945 : i32 to index
        %get3A_949 = arith.constant 0 : index
        %get3A_950 = tpu.vector_load %arg7[%get3A_947, %get3A_948, %get3A_949] {strides = array<i32>} : memref<8x200x32xf32, #tpu.memory_space<vmem>>, vector<16xf32>,
        %max3A_951 = arith.maximumf %max3A_935, %get3A_950 : vector<16xf32>
        %get3A_952 = arith.constant 7 : i32
        %get3A_953 = arith.index_cast %get3A_952 : i32 to index
        %get3A_954 = arith.index_cast %add3A_945 : i32 to index
        %get3A_955 = arith.constant 16 : index
        %get3A_956 = tpu.vector_load %arg7[%get3A_953, %get3A_954, %get3A_955] {strides = array<i32>} : memref<8x200x32xf32, #tpu.memory_space<vmem>>, vector<16xf32>,
        %max3A_957 = arith.maximumf %max3A_941, %get3A_956 : vector<16xf32>
        %mul3A_958 = arith.constant 8 : i32
        %mul3A_959 = arith.muli %while3A_844, %mul3A_958 : i32
        %add3A_960 = arith.constant 7 : i32
        %add3A_961 = arith.addi %mul3A_959, %add3A_960 : i32
        %get3A_962 = arith.constant 7 : i32
        %get3A_963 = arith.index_cast %get3A_962 : i32 to index
        %get3A_964 = arith.index_cast %add3A_961 : i32 to index
        %get3A_965 = arith.constant 0 : index
        %get3A_966 = tpu.vector_load %arg7[%get3A_963, %get3A_964, %get3A_965] {strides = array<i32>} : memref<8x200x32xf32, #tpu.memory_space<vmem>>, vector<16xf32>,
        %max3A_967 = arith.maximumf %max3A_951, %get3A_966 : vector<16xf32>
        %get3A_968 = arith.constant 7 : i32
        %get3A_969 = arith.index_cast %get3A_968 : i32 to index
        %get3A_970 = arith.index_cast %add3A_961 : i32 to index
        %get3A_971 = arith.constant 16 : index
        %get3A_972 = tpu.vector_load %arg7[%get3A_969, %get3A_970, %get3A_971] {strides = array<i32>} : memref<8x200x32xf32, #tpu.memory_space<vmem>>, vector<16xf32>,
        %max3A_973 = arith.maximumf %max3A_957, %get3A_972 : vector<16xf32>
        scf.yield %max3A_967, %max3A_973 : vector<16xf32>, vector<16xf32>
      }
      %while3A_817 = arith.constant 1 : i32
      %while3A_818:2 = scf.for %while3A_844 = %while3A_814 to %while3A_810 step %while3A_817 iter_args(%while3A_845 = %while3A_816#0, %while3A_846 = %while3A_816#1) -> (vector<16xf32>, vector<16xf32>)  : i32 {
        %mul3A_847 = arith.constant 8 : i32
        %mul3A_848 = arith.muli %while3A_844, %mul3A_847 : i32
        %add3A_849 = arith.constant 0 : i32
        %add3A_850 = arith.addi %mul3A_848, %add3A_849 : i32
        %get3A_851 = arith.constant 7 : i32
        %get3A_852 = arith.index_cast %get3A_851 : i32 to index
        %get3A_853 = arith.index_cast %add3A_850 : i32 to index
        %get3A_854 = arith.constant 0 : index
        %get3A_855 = tpu.vector_load %arg7[%get3A_852, %get3A_853, %get3A_854] {strides = array<i32>} : memref<8x200x32xf32, #tpu.memory_space<vmem>>, vector<16xf32>,
        %max3A = arith.maximumf %while3A_845, %get3A_855 : vector<16xf32>
        %get3A_856 = arith.constant 7 : i32
        %get3A_857 = arith.index_cast %get3A_856 : i32 to index
        %get3A_858 = arith.index_cast %add3A_850 : i32 to index
        %get3A_859 = arith.constant 16 : index
        %get3A_860 = tpu.vector_load %arg7[%get3A_857, %get3A_858, %get3A_859] {strides = array<i32>} : memref<8x200x32xf32, #tpu.memory_space<vmem>>, vector<16xf32>,
        %max3A_861 = arith.maximumf %while3A_846, %get3A_860 : vector<16xf32>
        %mul3A_862 = arith.constant 8 : i32
        %mul3A_863 = arith.muli %while3A_844, %mul3A_862 : i32
        %add3A_864 = arith.constant 1 : i32
        %add3A_865 = arith.addi %mul3A_863, %add3A_864 : i32
        %get3A_866 = arith.constant 7 : i32
        %get3A_867 = arith.index_cast %get3A_866 : i32 to index
        %get3A_868 = arith.index_cast %add3A_865 : i32 to index
        %get3A_869 = arith.constant 0 : index
        %get3A_870 = tpu.vector_load %arg7[%get3A_867, %get3A_868, %get3A_869] {strides = array<i32>} : memref<8x200x32xf32, #tpu.memory_space<vmem>>, vector<16xf32>,
        %max3A_871 = arith.maximumf %max3A, %get3A_870 : vector<16xf32>
        %get3A_872 = arith.constant 7 : i32
        %get3A_873 = arith.index_cast %get3A_872 : i32 to index
        %get3A_874 = arith.index_cast %add3A_865 : i32 to index
        %get3A_875 = arith.constant 16 : index
        %get3A_876 = tpu.vector_load %arg7[%get3A_873, %get3A_874, %get3A_875] {strides = array<i32>} : memref<8x200x32xf32, #tpu.memory_space<vmem>>, vector<16xf32>,
        %max3A_877 = arith.maximumf %max3A_861, %get3A_876 : vector<16xf32>
        %mul3A_878 = arith.constant 8 : i32
        %mul3A_879 = arith.muli %while3A_844, %mul3A_878 : i32
        %add3A_880 = arith.constant 2 : i32
        %add3A_881 = arith.addi %mul3A_879, %add3A_880 : i32
        %get3A_882 = arith.constant 7 : i32
        %get3A_883 = arith.index_cast %get3A_882 : i32 to index
        %get3A_884 = arith.index_cast %add3A_881 : i32 to index
        %get3A_885 = arith.constant 0 : index
        %get3A_886 = tpu.vector_load %arg7[%get3A_883, %get3A_884, %get3A_885] {strides = array<i32>} : memref<8x200x32xf32, #tpu.memory_space<vmem>>, vector<16xf32>,
        %max3A_887 = arith.maximumf %max3A_871, %get3A_886 : vector<16xf32>
        %get3A_888 = arith.constant 7 : i32
        %get3A_889 = arith.index_cast %get3A_888 : i32 to index
        %get3A_890 = arith.index_cast %add3A_881 : i32 to index
        %get3A_891 = arith.constant 16 : index
        %get3A_892 = tpu.vector_load %arg7[%get3A_889, %get3A_890, %get3A_891] {strides = array<i32>} : memref<8x200x32xf32, #tpu.memory_space<vmem>>, vector<16xf32>,
        %max3A_893 = arith.maximumf %max3A_877, %get3A_892 : vector<16xf32>
        %mul3A_894 = arith.constant 8 : i32
        %mul3A_895 = arith.muli %while3A_844, %mul3A_894 : i32
        %add3A_896 = arith.constant 3 : i32
        %add3A_897 = arith.addi %mul3A_895, %add3A_896 : i32
        %get3A_898 = arith.constant 7 : i32
        %get3A_899 = arith.index_cast %get3A_898 : i32 to index
        %get3A_900 = arith.index_cast %add3A_897 : i32 to index
        %get3A_901 = arith.constant 0 : index
        %get3A_902 = tpu.vector_load %arg7[%get3A_899, %get3A_900, %get3A_901] {strides = array<i32>} : memref<8x200x32xf32, #tpu.memory_space<vmem>>, vector<16xf32>,
        %max3A_903 = arith.maximumf %max3A_887, %get3A_902 : vector<16xf32>
        %get3A_904 = arith.constant 7 : i32
        %get3A_905 = arith.index_cast %get3A_904 : i32 to index
        %get3A_906 = arith.index_cast %add3A_897 : i32 to index
        %get3A_907 = arith.constant 16 : index
        %get3A_908 = tpu.vector_load %arg7[%get3A_905, %get3A_906, %get3A_907] {strides = array<i32>} : memref<8x200x32xf32, #tpu.memory_space<vmem>>, vector<16xf32>,
        %max3A_909 = arith.maximumf %max3A_893, %get3A_908 : vector<16xf32>
        %mul3A_910 = arith.constant 8 : i32
        %mul3A_911 = arith.muli %while3A_844, %mul3A_910 : i32
        %add3A_912 = arith.constant 4 : i32
        %add3A_913 = arith.addi %mul3A_911, %add3A_912 : i32
        %get3A_914 = arith.constant 7 : i32
        %get3A_915 = arith.index_cast %get3A_914 : i32 to index
        %get3A_916 = arith.index_cast %add3A_913 : i32 to index
        %get3A_917 = arith.constant 0 : index
        %get3A_918 = tpu.vector_load %arg7[%get3A_915, %get3A_916, %get3A_917] {strides = array<i32>} : memref<8x200x32xf32, #tpu.memory_space<vmem>>, vector<16xf32>,
        %max3A_919 = arith.maximumf %max3A_903, %get3A_918 : vector<16xf32>
        %get3A_920 = arith.constant 7 : i32
        %get3A_921 = arith.index_cast %get3A_920 : i32 to index
        %get3A_922 = arith.index_cast %add3A_913 : i32 to index
        %get3A_923 = arith.constant 16 : index
        %get3A_924 = tpu.vector_load %arg7[%get3A_921, %get3A_922, %get3A_923] {strides = array<i32>} : memref<8x200x32xf32, #tpu.memory_space<vmem>>, vector<16xf32>,
        %max3A_925 = arith.maximumf %max3A_909, %get3A_924 : vector<16xf32>
        %mul3A_926 = arith.constant 8 : i32
        %mul3A_927 = arith.muli %while3A_844, %mul3A_926 : i32
        %add3A_928 = arith.constant 5 : i32
        %add3A_929 = arith.addi %mul3A_927, %add3A_928 : i32
        %get3A_930 = arith.constant 7 : i32
        %get3A_931 = arith.index_cast %get3A_930 : i32 to index
        %get3A_932 = arith.index_cast %add3A_929 : i32 to index
        %get3A_933 = arith.constant 0 : index
        %get3A_934 = tpu.vector_load %arg7[%get3A_931, %get3A_932, %get3A_933] {strides = array<i32>} : memref<8x200x32xf32, #tpu.memory_space<vmem>>, vector<16xf32>,
        %max3A_935 = arith.maximumf %max3A_919, %get3A_934 : vector<16xf32>
        %get3A_936 = arith.constant 7 : i32
        %get3A_937 = arith.index_cast %get3A_936 : i32 to index
        %get3A_938 = arith.index_cast %add3A_929 : i32 to index
        %get3A_939 = arith.constant 16 : index
        %get3A_940 = tpu.vector_load %arg7[%get3A_937, %get3A_938, %get3A_939] {strides = array<i32>} : memref<8x200x32xf32, #tpu.memory_space<vmem>>, vector<16xf32>,
        %max3A_941 = arith.maximumf %max3A_925, %get3A_940 : vector<16xf32>
        %mul3A_942 = arith.constant 8 : i32
        %mul3A_943 = arith.muli %while3A_844, %mul3A_942 : i32
        %add3A_944 = arith.constant 6 : i32
        %add3A_945 = arith.addi %mul3A_943, %add3A_944 : i32
        %get3A_946 = arith.constant 7 : i32
        %get3A_947 = arith.index_cast %get3A_946 : i32 to index
        %get3A_948 = arith.index_cast %add3A_945 : i32 to index
        %get3A_949 = arith.constant 0 : index
        %get3A_950 = tpu.vector_load %arg7[%get3A_947, %get3A_948, %get3A_949] {strides = array<i32>} : memref<8x200x32xf32, #tpu.memory_space<vmem>>, vector<16xf32>,
        %max3A_951 = arith.maximumf %max3A_935, %get3A_950 : vector<16xf32>
        %get3A_952 = arith.constant 7 : i32
        %get3A_953 = arith.index_cast %get3A_952 : i32 to index
        %get3A_954 = arith.index_cast %add3A_945 : i32 to index
        %get3A_955 = arith.constant 16 : index
        %get3A_956 = tpu.vector_load %arg7[%get3A_953, %get3A_954, %get3A_955] {strides = array<i32>} : memref<8x200x32xf32, #tpu.memory_space<vmem>>, vector<16xf32>,
        %max3A_957 = arith.maximumf %max3A_941, %get3A_956 : vector<16xf32>
        %mul3A_958 = arith.constant 8 : i32
        %mul3A_959 = arith.muli %while3A_844, %mul3A_958 : i32
        %add3A_960 = arith.constant 7 : i32
        %add3A_961 = arith.addi %mul3A_959, %add3A_960 : i32
        %get3A_962 = arith.constant 7 : i32
        %get3A_963 = arith.index_cast %get3A_962 : i32 to index
        %get3A_964 = arith.index_cast %add3A_961 : i32 to index
        %get3A_965 = arith.constant 0 : index
        %get3A_966 = tpu.vector_load %arg7[%get3A_963, %get3A_964, %get3A_965] {strides = array<i32>} : memref<8x200x32xf32, #tpu.memory_space<vmem>>, vector<16xf32>,
        %max3A_967 = arith.maximumf %max3A_951, %get3A_966 : vector<16xf32>
        %get3A_968 = arith.constant 7 : i32
        %get3A_969 = arith.index_cast %get3A_968 : i32 to index
        %get3A_970 = arith.index_cast %add3A_961 : i32 to index
        %get3A_971 = arith.constant 16 : index
        %get3A_972 = tpu.vector_load %arg7[%get3A_969, %get3A_970, %get3A_971] {strides = array<i32>} : memref<8x200x32xf32, #tpu.memory_space<vmem>>, vector<16xf32>,
        %max3A_973 = arith.maximumf %max3A_957, %get3A_972 : vector<16xf32>
        scf.yield %max3A_967, %max3A_973 : vector<16xf32>, vector<16xf32>
      }
      %mul3A_819 = arith.constant 8 : i32
      %mul3A_820 = arith.muli %select_n3A_807, %mul3A_819 : i32
      %while3A_821 = arith.subi %get3A_781, %mul3A_820 : i32
      %while3A_822 = arith.addi %mul3A_820, %while3A_821 : i32
      %while3A_823 = arith.constant 1 : i32
      %while3A_824 = arith.divsi %while3A_821, %while3A_823 : i32
      %while3A_825 = arith.muli %while3A_824, %while3A_823 : i32
      %while3A_826 = arith.addi %mul3A_820, %while3A_825 : i32
      %while3A_827 = arith.constant 1 : i32
      %while3A_828:2 = scf.for %while3A_844 = %mul3A_820 to %while3A_826 step %while3A_827 iter_args(%while3A_845 = %while3A_818#0, %while3A_846 = %while3A_818#1) -> (vector<16xf32>, vector<16xf32>)  : i32 {
        %get3A_847 = arith.constant 7 : i32
        %get3A_848 = arith.index_cast %get3A_847 : i32 to index
        %get3A_849 = arith.index_cast %while3A_844 : i32 to index
        %get3A_850 = arith.constant 0 : index
        %get3A_851 = tpu.vector_load %arg7[%get3A_848, %get3A_849, %get3A_850] {strides = array<i32>} : memref<8x200x32xf32, #tpu.memory_space<vmem>>, vector<16xf32>,
        %max3A = arith.maximumf %while3A_845, %get3A_851 : vector<16xf32>
        %get3A_852 = arith.constant 7 : i32
        %get3A_853 = arith.index_cast %get3A_852 : i32 to index
        %get3A_854 = arith.index_cast %while3A_844 : i32 to index
        %get3A_855 = arith.constant 16 : index
        %get3A_856 = tpu.vector_load %arg7[%get3A_853, %get3A_854, %get3A_855] {strides = array<i32>} : memref<8x200x32xf32, #tpu.memory_space<vmem>>, vector<16xf32>,
        %max3A_857 = arith.maximumf %while3A_846, %get3A_856 : vector<16xf32>
        scf.yield %max3A, %max3A_857 : vector<16xf32>, vector<16xf32>
      }
      %while3A_829 = arith.constant 1 : i32
      %while3A_830:2 = scf.for %while3A_844 = %while3A_826 to %while3A_822 step %while3A_829 iter_args(%while3A_845 = %while3A_828#0, %while3A_846 = %while3A_828#1) -> (vector<16xf32>, vector<16xf32>)  : i32 {
        %get3A_847 = arith.constant 7 : i32
        %get3A_848 = arith.index_cast %get3A_847 : i32 to index
        %get3A_849 = arith.index_cast %while3A_844 : i32 to index
        %get3A_850 = arith.constant 0 : index
        %get3A_851 = tpu.vector_load %arg7[%get3A_848, %get3A_849, %get3A_850] {strides = array<i32>} : memref<8x200x32xf32, #tpu.memory_space<vmem>>, vector<16xf32>,
        %max3A = arith.maximumf %while3A_845, %get3A_851 : vector<16xf32>
        %get3A_852 = arith.constant 7 : i32
        %get3A_853 = arith.index_cast %get3A_852 : i32 to index
        %get3A_854 = arith.index_cast %while3A_844 : i32 to index
        %get3A_855 = arith.constant 16 : index
        %get3A_856 = tpu.vector_load %arg7[%get3A_853, %get3A_854, %get3A_855] {strides = array<i32>} : memref<8x200x32xf32, #tpu.memory_space<vmem>>, vector<16xf32>,
        %max3A_857 = arith.maximumf %while3A_846, %get3A_856 : vector<16xf32>
        scf.yield %max3A, %max3A_857 : vector<16xf32>, vector<16xf32>
      }
      %swap3A_831 = arith.index_cast %add3A_764 : i32 to index
      %swap3A_832 = arith.constant 0 : index
      %swap3A_833 = tpu.vector_load %arg8[%swap3A_831, %swap3A_832] {strides = array<i32>} : memref<128x32xf32, #tpu.memory_space<vmem>>, vector<16xf32>,
      tpu.vector_store %arg8[%swap3A_831, %swap3A_832], %while3A_830#0 {strides = array<i32>} : memref<128x32xf32, #tpu.memory_space<vmem>>, vector<16xf32>,
      %swap3A_834 = arith.index_cast %add3A_764 : i32 to index
      %swap3A_835 = arith.constant 16 : index
      %swap3A_836 = tpu.vector_load %arg8[%swap3A_834, %swap3A_835] {strides = array<i32>} : memref<128x32xf32, #tpu.memory_space<vmem>>, vector<16xf32>,
      tpu.vector_store %arg8[%swap3A_834, %swap3A_835], %while3A_830#1 {strides = array<i32>} : memref<128x32xf32, #tpu.memory_space<vmem>>, vector<16xf32>,
      %add3A_837 = arith.constant 8 : i32
      %add3A_838 = arith.addi %add3A_764, %add3A_837 : i32
      %lt3A_839 = arith.constant 128 : i32
      %lt3A_840 = arith.cmpi slt, %add3A_838, %lt3A_839 : i32
      %convert_element_type3A_841 = arith.extui %lt3A_840 : i1 to i32
      %cond3A_842 = arith.constant 0 : i32
      %cond3A_843 = arith.cmpi ne, %convert_element_type3A_841, %cond3A_842 : i32
      scf.if %cond3A_843 {
        %add3A_844 = arith.constant 8 : i32
        %add3A_845 = arith.addi %add3A_764, %add3A_844 : i32
        %dma_start3A_846 = arith.constant 7 : i32
        %dma_start3A_847 = arith.constant 0 : i32
        %dma_start3A_848 = arith.constant 0 : i32
        %dma_start3A_849 = tpu.memref_slice %arg7[%dma_start3A_846, %dma_start3A_847, %dma_start3A_848] : memref<8x200x32xf32, #tpu.memory_space<vmem>> -> memref<1x128x32xf32, #tpu.memory_space<vmem>>
        %dma_start3A_850 = tpu.memref_squeeze %dma_start3A_849 : memref<1x128x32xf32, #tpu.memory_space<vmem>> -> memref<128x32xf32, #tpu.memory_space<vmem>>
        %dma_start3A_851 = arith.constant 0 : i32
        %dma_start3A_852 = tpu.memref_slice %arg6[%add3A_845, %dma_start3A_851] : memref<128x208xi32, #tpu.memory_space<vmem>> -> memref<1x128xi32, #tpu.memory_space<vmem>>
        %dma_start3A_853 = tpu.memref_squeeze %dma_start3A_852 : memref<1x128xi32, #tpu.memory_space<vmem>> -> memref<128xi32, #tpu.memory_space<vmem>>
        %dma_start3A_854 = arith.constant 0 : i32
        %dma_start3A_855 = arith.constant 0 : i32
        %dma_start3A_856 = tpu.memref_slice %arg3[%dma_start3A_854, %dma_start3A_855] : memref<1048576x32xf32, #tpu.memory_space<hbm>> -> memref<1048576x32xf32, #tpu.memory_space<hbm>>
        tpu.enqueue_indirect_dma source(%dma_start3A_856 : memref<1048576x32xf32, #tpu.memory_space<hbm>>) target(%dma_start3A_850 : memref<128x32xf32, #tpu.memory_space<vmem>>) offsets(%dma_start3A_853 : memref<128xi32, #tpu.memory_space<vmem>>) semaphore(%arg17 : memref<!tpu.dma_semaphore, #tpu.memory_space<semaphore_mem>>)
        %dma_start3A_857 = arith.constant 7 : i32
        %dma_start3A_858 = arith.constant 128 : i32
        %dma_start3A_859 = arith.constant 0 : i32
        %dma_start3A_860 = tpu.memref_slice %arg7[%dma_start3A_857, %dma_start3A_858, %dma_start3A_859] : memref<8x200x32xf32, #tpu.memory_space<vmem>> -> memref<1x72x32xf32, #tpu.memory_space<vmem>>
        %dma_start3A_861 = tpu.memref_squeeze %dma_start3A_860 : memref<1x72x32xf32, #tpu.memory_space<vmem>> -> memref<72x32xf32, #tpu.memory_space<vmem>>
        %dma_start3A_862 = arith.constant 128 : i32
        %dma_start3A_863 = tpu.memref_slice %arg6[%add3A_845, %dma_start3A_862] : memref<128x208xi32, #tpu.memory_space<vmem>> -> memref<1x72xi32, #tpu.memory_space<vmem>>
        %dma_start3A_864 = tpu.memref_squeeze %dma_start3A_863 : memref<1x72xi32, #tpu.memory_space<vmem>> -> memref<72xi32, #tpu.memory_space<vmem>>
        %dma_start3A_865 = arith.constant 0 : i32
        %dma_start3A_866 = arith.constant 0 : i32
        %dma_start3A_867 = tpu.memref_slice %arg3[%dma_start3A_865, %dma_start3A_866] : memref<1048576x32xf32, #tpu.memory_space<hbm>> -> memref<1048576x32xf32, #tpu.memory_space<hbm>>
        tpu.enqueue_indirect_dma source(%dma_start3A_867 : memref<1048576x32xf32, #tpu.memory_space<hbm>>) target(%dma_start3A_861 : memref<72x32xf32, #tpu.memory_space<vmem>>) offsets(%dma_start3A_864 : memref<72xi32, #tpu.memory_space<vmem>>) semaphore(%arg17 : memref<!tpu.dma_semaphore, #tpu.memory_space<semaphore_mem>>)
      } else {
      }
    }
    %scan3A_205 = arith.constant 16 : i32
    "tpu.region"() ({
      %run_scoped3A = tpu.sem_alloc : memref<!tpu.dma_semaphore, #tpu.memory_space<semaphore_mem>>
      %dma_start3A_206 = arith.constant 0 : i32
      %dma_start3A_207 = tpu.memref_slice %arg4[%mul3A_2, %dma_start3A_206] : memref<4096x32xf32, #tpu.memory_space<hbm>> -> memref<128x32xf32, #tpu.memory_space<hbm>>
      %dma_start3A_208 = arith.constant 0 : i32
      %dma_start3A_209 = tpu.memref_slice %arg4[%mul3A_2, %dma_start3A_208] : memref<4096x32xf32, #tpu.memory_space<hbm>> -> memref<128x32xf32, #tpu.memory_space<hbm>>
      tpu.enqueue_dma source(%arg8 : memref<128x32xf32, #tpu.memory_space<vmem>>) target(%dma_start3A_209 : memref<128x32xf32, #tpu.memory_space<hbm>>) target_semaphore(%run_scoped3A : memref<!tpu.dma_semaphore, #tpu.memory_space<semaphore_mem>>)
      %dma_wait3A = arith.constant 0 : i32
      %dma_wait3A_210 = tpu.memref_slice %arg4[%mul3A_2, %dma_wait3A] : memref<4096x32xf32, #tpu.memory_space<hbm>> -> memref<128x32xf32, #tpu.memory_space<hbm>>
      %dma_wait3A_211 = arith.constant 0 : i32
      %dma_wait3A_212 = tpu.memref_slice %arg4[%mul3A_2, %dma_wait3A_211] : memref<4096x32xf32, #tpu.memory_space<hbm>> -> memref<128x32xf32, #tpu.memory_space<hbm>>
      tpu.wait_dma2 semaphore(%run_scoped3A : memref<!tpu.dma_semaphore, #tpu.memory_space<semaphore_mem>>) src(%arg8 : memref<128x32xf32, #tpu.memory_space<vmem>>) dst(%dma_wait3A_212 : memref<128x32xf32, #tpu.memory_space<hbm>>)
      tpu.yield
    }) : () -> ()
    return
  }
}

module attributes {stable_mosaic.version = 14 : i64} {
  func.func @tr(%arg0: i32, %arg1: memref<32x16384xf32, #tpu.memory_space<vmem>>, %arg2: memref<32x16384xf32, #tpu.memory_space<vmem>>, %arg3: memref<32x16384xf32, #tpu.memory_space<vmem>>, %arg4: memref<32x16384xf32, #tpu.memory_space<vmem>>, %arg5: memref<16384x128xf32, #tpu.memory_space<vmem>>) attributes {dimension_semantics = [#tpu.dimension_semantics<arbitrary>], iteration_bounds = array<i64: 16>, scalar_prefetch = 0 : i64, scratch_operands = 0 : i64, tpu.core_type = #tpu.core_type<tc>, window_params = [{transform_indices = @transform_0, window_bounds = array<i64: 32, 16384>}, {transform_indices = @transform_1, window_bounds = array<i64: 32, 16384>}, {transform_indices = @transform_2, window_bounds = array<i64: 32, 16384>}, {transform_indices = @transform_3, window_bounds = array<i64: 32, 16384>}, {transform_indices = @transform_4, window_bounds = array<i64: 16384, 128>}]} {
    %get3A = arith.constant 0 : index
    %get3A_0 = arith.constant 0 : index
    %get3A_1 = vector.load %arg1[%get3A, %get3A_0] : memref<32x16384xf32, #tpu.memory_space<vmem>>, vector<32x16384xf32>
    %get3A_2 = arith.constant 0 : index
    %get3A_3 = arith.constant 0 : index
    %get3A_4 = vector.load %arg2[%get3A_2, %get3A_3] : memref<32x16384xf32, #tpu.memory_space<vmem>>, vector<32x16384xf32>
    %get3A_5 = arith.constant 0 : index
    %get3A_6 = arith.constant 0 : index
    %get3A_7 = vector.load %arg3[%get3A_5, %get3A_6] : memref<32x16384xf32, #tpu.memory_space<vmem>>, vector<32x16384xf32>
    %get3A_8 = arith.constant 0 : index
    %get3A_9 = arith.constant 0 : index
    %get3A_10 = vector.load %arg4[%get3A_8, %get3A_9] : memref<32x16384xf32, #tpu.memory_space<vmem>>, vector<32x16384xf32>
    %concatenate3A = tpu.concatenate %get3A_1, %get3A_4, %get3A_7, %get3A_10 in 0 : vector<32x16384xf32>, vector<32x16384xf32>, vector<32x16384xf32>, vector<32x16384xf32> -> vector<128x16384xf32>
    %transpose3A = tpu.transpose %concatenate3A, [1, 0] : vector<128x16384xf32> -> vector<16384x128xf32>
    %swap3A = arith.constant 0 : index
    %swap3A_11 = arith.constant 0 : index
    %swap3A_12 = vector.load %arg5[%swap3A, %swap3A_11] : memref<16384x128xf32, #tpu.memory_space<vmem>>, vector<16384x128xf32>
    tpu.vector_store %arg5[%swap3A, %swap3A_11], %transpose3A {strides = array<i32>} : memref<16384x128xf32, #tpu.memory_space<vmem>>, vector<16384x128xf32>,
    return
  }
  func.func @transform_0(%arg0: i32) -> (i32, i32) {
    %add3A = arith.constant 0 : i32
    %add3A_0 = arith.addi %add3A, %arg0 : i32
    %min3A = arith.constant 61 : i32
    %min3A_1 = arith.minsi %add3A_0, %min3A : i32
    %c0_i32 = arith.constant 0 : i32
    %c0_i32_2 = arith.constant 0 : i32
    return %c0_i32, %min3A_1 : i32, i32
  }
  func.func @transform_1(%arg0: i32) -> (i32, i32) {
    %add3A = arith.constant 16 : i32
    %add3A_0 = arith.addi %add3A, %arg0 : i32
    %min3A = arith.constant 61 : i32
    %min3A_1 = arith.minsi %add3A_0, %min3A : i32
    %c0_i32 = arith.constant 0 : i32
    %c0_i32_2 = arith.constant 0 : i32
    return %c0_i32, %min3A_1 : i32, i32
  }
  func.func @transform_2(%arg0: i32) -> (i32, i32) {
    %add3A = arith.constant 32 : i32
    %add3A_0 = arith.addi %add3A, %arg0 : i32
    %min3A = arith.constant 61 : i32
    %min3A_1 = arith.minsi %add3A_0, %min3A : i32
    %c0_i32 = arith.constant 0 : i32
    %c0_i32_2 = arith.constant 0 : i32
    return %c0_i32, %min3A_1 : i32, i32
  }
  func.func @transform_3(%arg0: i32) -> (i32, i32) {
    %add3A = arith.constant 48 : i32
    %add3A_0 = arith.addi %add3A, %arg0 : i32
    %min3A = arith.constant 61 : i32
    %min3A_1 = arith.minsi %add3A_0, %min3A : i32
    %c0_i32 = arith.constant 0 : i32
    %c0_i32_2 = arith.constant 0 : i32
    return %c0_i32, %min3A_1 : i32, i32
  }
  func.func @transform_4(%arg0: i32) -> (i32, i32) {
    %c0_i32 = arith.constant 0 : i32
    %c0_i32_0 = arith.constant 0 : i32
    return %arg0, %c0_i32 : i32, i32
  }
}

module attributes {stable_mosaic.version = 14 : i64} {
  func.func @mm(%arg0: memref<4096x32xf32, #tpu.memory_space<vmem>>, %arg1: memref<32x6xf32, #tpu.memory_space<vmem>>, %arg2: memref<1x6xf32, #tpu.memory_space<vmem>>, %arg3: memref<4096x6xf32, #tpu.memory_space<vmem>>) attributes {dimension_semantics = [], scalar_prefetch = 0 : i64, scratch_operands = 0 : i64, tpu.core_type = #tpu.core_type<tc>} {
    %get3A = arith.constant 0 : index
    %get3A_0 = arith.constant 0 : index
    %get3A_1 = vector.load %arg0[%get3A, %get3A_0] : memref<4096x32xf32, #tpu.memory_space<vmem>>, vector<4096x32xf32>
    %get3A_2 = arith.constant 0 : index
    %get3A_3 = arith.constant 0 : index
    %get3A_4 = vector.load %arg1[%get3A_2, %get3A_3] : memref<32x6xf32, #tpu.memory_space<vmem>>, vector<32x6xf32>
    %dot_general3A = arith.constant dense<0.000000e+00> : vector<4096x6xf32>
    %dot_general3A_5 = tpu.matmul %get3A_1, %get3A_4, %dot_general3A {dimension_numbers = #tpu.dot_dimension_numbers<[1], [0], [0], [1], [0, 0, 1, 1], [], []>, transpose_lhs_hint = false} : vector<4096x32xf32>, vector<32x6xf32>, vector<4096x6xf32> -> vector<4096x6xf32>
    %get3A_6 = arith.constant 0 : index
    %get3A_7 = arith.constant 0 : index
    %get3A_8 = vector.load %arg2[%get3A_6, %get3A_7] : memref<1x6xf32, #tpu.memory_space<vmem>>, vector<1x6xf32>
    %add3A = vector.broadcast %get3A_8 : vector<1x6xf32> to vector<4096x6xf32>
    %add3A_9 = arith.addf %dot_general3A_5, %add3A : vector<4096x6xf32>
    %swap3A = arith.constant 0 : index
    %swap3A_10 = arith.constant 0 : index
    %swap3A_11 = vector.load %arg3[%swap3A, %swap3A_10] : memref<4096x6xf32, #tpu.memory_space<vmem>>, vector<4096x6xf32>
    tpu.vector_store %arg3[%swap3A, %swap3A_10], %add3A_9 {strides = array<i32>} : memref<4096x6xf32, #tpu.memory_space<vmem>>, vector<4096x6xf32>,
    return
  }
}

</mosaic_0001>

<sc_bundles>
// kernel: kernel.5.cloned.1.call-start
scs
__scs_entry_jumppad:
0x0: {  	(pc) =	sbr.rel $0x88, $3  }
0x1: {  	(tag) =	ssettag $0x0;
	lr =	simm.s32 $0x1  }
0x2: {  	[smem:$0x3F9D] =	sst lr;
	_ =	strace $0xD0000000  }
0x3: {  	_ = 	snop  }
0x4: {  	_ = 	snop  }
0x5: {  	_ = 	snop  }
0x6: {  	_ = 	snop  }
0x7: {  	_ = 	snop  }
__scs_overlays_trampoline_lowered:
0x8: {  	[smem:$0x3FAC] =	sst s0  }
0x9: {  	[smem:$0x3FAD] =	sst s1  }
0xa: {  	[smem:$0x3FAE] =	sst s2  }
0xb: {  	[smem:$0x3FAF] =	sst s3  }
0xc: {  	[smem:$0x3FB0] =	sst s4  }
0xd: {  	[smem:$0x3FB1] =	sst s5  }
0xe: {  	[smem:$0x3FB2] =	sst s6  }
0xf: {  	[smem:$0x3FB3] =	sst s7  }
0x10: {  	[smem:$0x3FB4] =	sst s8  }
0x11: {  	[smem:$0x3FB5] =	sst s9;
	s0 =	simm.s32 @!p0 $0x0  }
0x12: {  	s1 =	sld [smem:$0x3F9B];
	s0 =	simm.s32 @p0 $0x1  }
0x13: {  	[smem:$0x3FB6] =	sst s0;
	s0 =	simm.s32 @!p1 $0x0  }
0x14: {  	s2 =	sld [smem:$0x3F9A];
	s0 =	simm.s32 @p1 $0x1  }
0x15: {  	[smem:$0x3FB7] =	sst s0;
	s0 =	simm.s32 @!p2 $0x0  }
0x16: {  	s3 =	sld [smem:$0x3FDB];
	s0 =	simm.s32 @p2 $0x1  }
0x17: {  	s4 =	simm.s32 $0x1BF5;
	[smem:$0x3FB9] =	sst s0  }
0x18: {  	s0 =	sld [smem:$0x3F9C];
	_ =	swait.ge [sflag:s4], $0x0  }
0x19: {  	s7 =	sld [smem:$0x3F9D]  }
0x1a: {  	s8 =	sadd.s32 $0xFFFFE003, lr  }
0x1b: {  	s9 =	sadd.s32 $0xFFFFFEF7, lr;
	s5 =	simm.s32 $0xFFFFFFFF;
	p2 =	slt.u32 s8, $0xFFFFF086  }
0x1c: {  	p1 =	slt.u32 s9, $0xF7A;
	s5 =	simm.s32 @!p2 $0x0  }
0x1d: {  	s5 =	simm.s32 @p1 $0x1;
	p0 =	seq.s32 s7, s2  }
0x1e: {  	s7 =	smul.u32 @!p0 $0xF7A, s2;
	p2 =	seq.s32 @!p0 s5, $0x0  }
0x1f: {  	s9 =	smul.u32 $0xF7A, s1;
	s8 =	simm.s32 @!p0 $0x1BF5;
	p2 =	por !p2, p0  }
0x20: {  	[sflag:s8] =	ssyncset.s32 @!p0 $0xFFFFF086;
	s6 =	sadd.s32 @!p0 s3, s7;
	s7 =	simm.s32 @!p0 $0x108  }
0x21: {  	s3 =	sadd.s32 s3, s9;
	s6 =	sadd.s32 @!p0 $0x88, s6;
	s7 =	simm.s32 @p2 $0x1082  }
0x22: {  	[simem:s7], [sflag:s8] =	dma.local @!p0 [hbm:s6], $0xF7A  }
0x23: {  	s9 =	sor.u32 $0xD0000000, s2;
	s6 =	simm.s32 $0x108;
	_ =	swait.ge @!p0 [sflag:s8], $0x0  }
0x24: {  	s3 =	sadd.s32 $0x88, s3;
	s6 =	simm.s32 @!p1 $0x1082;
	[sflag:s4] =	ssyncset.s32 $0xFFFFF086  }
0x25: {  	[simem:s6], [sflag:s4] =	dma.local [hbm:s3], $0xF7A  }
0x26: {  	[smem:$0x3F9D] =	sst s1;
	(tag) =	ssettag s2;
	_ =	strace s9  }
0x27: {  	s1 =	sld [smem:$0x3FAD]  }
0x28: {  	s2 =	sld [smem:$0x3FAE]  }
0x29: {  	s4 =	sld [smem:$0x3FB0]  }
0x2a: {  	p0 =	seq.s32 s5, $0x0;
	s5 =	sld [smem:$0x3FB1]  }
0x2b: {  	s6 =	sld [smem:$0x3FB2]  }
0x2c: {  	s7 =	sld [smem:$0x3FB3]  }
0x2d: {  	s3 =	simm.s32 $0x108;
	s8 =	sld [smem:$0x3FB4]  }
0x2e: {  	s3 =	simm.s32 @!p0 $0x1082;
	s9 =	sld [smem:$0x3FB5]  }
0x2f: {  	lr =	sadd.s32 s0, s3;
	s0 =	sld [smem:$0x3FAC]  }
0x30: {  	s3 =	sld [smem:$0x3FAF]  }
0x31: {  	[smem:$0x3FB8] =	sst s10  }
0x32: {  	s10 =	sld [smem:$0x3FB6];
	_ =	sdelay $0x3  }
0x33: {  	p0 =	seq.s32 s10, $0x1;
	s10 =	sld [smem:$0x3FB8];
	_ =	sdelay $0x3  }
0x34: {  	[smem:$0x3FB8] =	sst s10  }
0x35: {  	s10 =	sld [smem:$0x3FB7];
	_ =	sdelay $0x3  }
0x36: {  	p1 =	seq.s32 s10, $0x1;
	s10 =	sld [smem:$0x3FB8];
	_ =	sdelay $0x3  }
0x37: {  	[smem:$0x3FB8] =	sst s10  }
0x38: {  	s10 =	sld [smem:$0x3FB9]  }
0x39: {  	_ = 	snop;
	(pc) =	sbr.ind lr, $3  }
0x3a: {  	_ = 	snop  }
0x3b: {  	_ = 	snop  }
0x3c: {  	p2 =	seq.s32 s10, $0x1;
	s10 =	sld [smem:$0x3FB8]  }
0x3d: {  	_ =	shalt  }
0x3e: {  	_ =	shalt  }
0x3f: {  	_ =	shalt  }
0x40: {  	_ =	shalt  }
0x41: {  	_ =	shalt  }
0x42: {  	_ =	shalt  }
0x43: {  	_ =	shalt  }
0x44: {  	_ =	shalt  }
0x45: {  	_ =	shalt  }
0x46: {  	_ =	shalt  }
0x47: {  	_ =	shalt  }
0x48: {  	_ =	shalt  }
0x49: {  	_ =	shalt  }
0x4a: {  	_ =	shalt  }
0x4b: {  	_ =	shalt  }
0x4c: {  	_ =	shalt  }
0x4d: {  	_ =	shalt  }
0x4e: {  	_ =	shalt  }
0x4f: {  	_ =	shalt  }
0x50: {  	_ =	shalt  }
0x51: {  	_ =	shalt  }
0x52: {  	_ =	shalt  }
0x53: {  	_ =	shalt  }
0x54: {  	_ =	shalt  }
0x55: {  	_ =	shalt  }
0x56: {  	_ =	shalt  }
0x57: {  	_ =	shalt  }
0x58: {  	_ =	shalt  }
0x59: {  	_ =	shalt  }
0x5a: {  	_ =	shalt  }
0x5b: {  	_ =	shalt  }
0x5c: {  	_ =	shalt  }
0x5d: {  	_ =	shalt  }
0x5e: {  	_ =	shalt  }
0x5f: {  	_ =	shalt  }
0x60: {  	_ =	shalt  }
0x61: {  	_ =	shalt  }
0x62: {  	_ =	shalt  }
0x63: {  	_ =	shalt  }
0x64: {  	_ =	shalt  }
0x65: {  	_ =	shalt  }
0x66: {  	_ =	shalt  }
0x67: {  	_ =	shalt  }
0x68: {  	_ =	shalt  }
0x69: {  	_ =	shalt  }
0x6a: {  	_ =	shalt  }
0x6b: {  	_ =	shalt  }
0x6c: {  	_ =	shalt  }
0x6d: {  	_ =	shalt  }
0x6e: {  	_ =	shalt  }
0x6f: {  	_ =	shalt  }
0x70: {  	_ =	shalt  }
0x71: {  	_ =	shalt  }
0x72: {  	_ =	shalt  }
0x73: {  	_ =	shalt  }
0x74: {  	_ =	shalt  }
0x75: {  	_ =	shalt  }
0x76: {  	_ =	shalt  }
0x77: {  	_ =	shalt  }
0x78: {  	_ =	shalt  }
0x79: {  	_ =	shalt  }
0x7a: {  	_ =	shalt  }
0x7b: {  	_ =	shalt  }
0x7c: {  	_ =	shalt  }
0x7d: {  	_ =	shalt  }
0x7e: {  	_ =	shalt  }
0x7f: {  	_ =	shalt  }
0x80: {  	_ =	shalt  }
0x81: {  	_ =	shalt  }
0x82: {  	_ =	shalt  }
0x83: {  	_ =	shalt  }
0x84: {  	_ =	shalt  }
0x85: {  	_ =	shalt  }
0x86: {  	_ =	shalt  }
0x87: {  	_ =	shalt  }
.Lfunc_end0:
.L_simem_size_0:
called_computation_lowered:
.L_overlay_start_0:
0x88: {  	s2 =	sld [smem:$0x3FD9]  }
0x89: {  	s3 =	sld [smem:$0x3FFE];
	_ =	sdelay $0x1  }
0x8a: {  	s1 =	srdreg.scid  }
0x8b: {  	s0 =	sand.u32 $0x1, s1  }
0x8c: {  	s16 =	sshll.u32 s0, $0xA;
	s2 =	sadd.s32 s3, s2  }
0x8d: {  	s2 =	sadd.s32 s2, s16  }
0x8e: {  	[smem:$0x3FC4] =	sst s2  }
0x8f: {  	_ = 	snop  }
0x90: {  	(tm) =	ssettm $0x1  }
0x91: {  	s17 =	sld [smem:$0x3FFB];
	_ =	sdelay $0x3  }
0x92: {  	_ =	strace s17  }
0x93: {  	s2 =	sld [smem:$0x3FFC];
	_ =	sdelay $0x3  }
0x94: {  	_ =	strace s2  }
0x95: {  	s2 =	sld [smem:$0x3FFD];
	_ =	sdelay $0x3  }
0x96: {  	_ =	strace s2  }
0x97: {  	_ =	strace $0x8FFFFFFF  }
0x98: {  	s18 =	sld [smem:$0x3FDB];
	_ =	sdelay $0x1  }
0x99: {  	s19 =	simm.s32 $_scs_section_size  }
0x9a: {  	s4 =	simm.s32 $_size__tile_overlayer_lowered;
	s5 =	simm.s32 $_tile_overlayer_lowered  }
0x9b: {  	s22 =	simm.s32 $0x1BFF;
	s21 =	sshll.u32 s5, $0x1;
	s2 =	sadd.s32 s19, s18  }
0x9c: {  	s6 =	simm.s32 $0x0;
	s20 =	sshll.u32 s4, $0x1;
	s4 =	sadd.s32 s21, s2  }
0x9d: {  	[timem:s6], [sflag:s22] =	dma.local [hbm:s4], s20  }
0x9e: {  	_ =	swait.ge [sflag:s22], s20  }
0x9f: {  	s3 =	ssub.s32 $0x0, s20;
	[sflag:s22] =	ssyncset.done $0x0  }
0xa0: {  	[sflag:s22] =	ssyncadd.s32 s3;
	_ =	sdelay $0x1  }
0xa1: {  	s23 =	simm.s32 $0x1B8B  }
0xa2: {  	_ =	swait.ge [sflag:s23], $0x1  }
0xa3: {  	[sflag:s23] =	ssyncset.done $0x0  }
0xa4: {  	s25 =	simm.s32 $0x1B8E;
	s24 =	sld [smem:$0x3FFE];
	[sflag:s23] =	ssyncadd.s32 $0xFFFFFFFF  }
0xa5: {  	s26 =	simm.s32 $execute0_lowered;
	[smem:$0x3FD2] =	sst s25  }
0xa6: {  	s4 =	sshll.u32 s26, $0x1;
	_ =	strace $0x80000046;
	[dreg:$0x1] =	wrdreg $0xFFFFFFFF  }
0xa7: {  	s28 =	simm.s32 $_size_execute0_lowered;
	s2 =	sadd.s32 s2, s4;
	[dreg:$0x0] =	wrdreg $0x0  }
0xa8: {  	s4 =	sshll.u32 s28, $0x1;
	[dreg:$0x2] =	wrdreg s2  }
0xa9: {  	[dreg:$0x3] =	wrdreg s4  }
0xaa: {  	[dreg:$0x4] =	wrdreg $0xC0  }
0xab: {  	_ =	task [dreg:s6], $0x5FFFF  }
0xac: {  	[dreg:$0x1] =	wrdreg $0xFFFFFFFF  }
0xad: {  	[dreg:$0x0] =	wrdreg $0x60  }
0xae: {  	[dreg:$0x2] =	wrdreg s24  }
0xaf: {  	[dreg:$0x3] =	wrdreg $0x9  }
0xb0: {  	_ =	task.clear_ibuf [dreg:s6], $0x4FFFF;
	_ =	strace $0x90000046  }
0xb1: {  	s29 =	simm.s32 $0x9;
	_ =	strace $0x80000048  }
0xb2: {  	_ =	swait.ge [sflag:s29], $0x1  }
0xb3: {  	[sflag:s29] =	ssyncadd.s32 $0xFFFFFFFF  }
0xb4: {  	_ =	strace $0x90000048  }
0xb5: {  	_ =	sfence  }
0xb6: {  	s30 =	sld [smem:$0x0];
	_ =	sdelay $0x2  }
0xb7: {  	s31 =	sshll.u32 s1, $0xD;
	s1 =	sshrl.u32 s1, $0x2  }
0xb8: {  	s3 =	sand.u32 $0x4000, s31;
	s1 =	sadd.s32 s1, s30  }
0xb9: {  	s0 =	sor.u32 s3, s0;
	s1 =	sshll.u32 s1, $0x11  }
0xba: {  	s0 =	sor.u32 s1, s0  }
0xbb: {  	s0 =	sadd.s32 $0x8F2B, s0  }
0xbc: {  	[sflag:s0] =	ssyncadd.remote.s32 $0x1  }
0xbd: {  	_ =	sfence.sel $0xFFFF  }
0xbe: {  	[dreg:$0x0] =	wrdreg $0xFFFFFFFF;
	(pc) =	sbr.abs _section_cstart, $3  }
0xbf: {  	[dreg:$0x1] =	wrdreg $0xFFFFFFFF  }
0xc0: {  	_ =	task.clear_ibuf [dreg:s6], $0x2FFFF;
	_ =	strace $0x9FFFFFFF  }
0xc1: {  	(tm) =	ssettm $0x7FFFFFFF  }
tec
execute0_lowered:
.L_overlay_start_1:
0x0: {  	(tag) =	ssettag $0x1  }
0x1: {  	s0 =	srdreg.scid  }
0x2: {  	s2 =	stileid.u32;
	s1 =	rddreg [dreg:$0x0];
	s7 =	simm.s32 $0x9  }
0x3: {  	s8 =	simm.s32 $0x80;
	s11 =	simm.s32 $0x48;
	s14 =	simm.s32 $0x17600  }
0x4: {  	s15 =	simm.s32 $0x6DB0;
	s16 =	simm.s32 $0x17F00;
	s17 =	simm.s32 $0x6E30  }
0x5: {  	s18 =	simm.s32 $0x18F00;
	s19 =	simm.s32 $0x1;
	s20 =	simm.s32 $0x2  }
0x6: {  	s21 =	simm.s32 $0x3;
	s22 =	simm.s32 $0x4;
	s23 =	simm.s32 $0x5  }
0x7: {  	s24 =	simm.s32 $0x6;
	s25 =	simm.s32 $0x7;
	s26 =	simm.s32 $0x8  }
0x8: {  	s28 =	simm.s32 $0x19800;
	s29 =	simm.s32 $0x0;
	s0 =	sand.u32 $0x1, s0  }
0x9: {  	s3 =	sshll.u32 s2, $0x8;
	s2 =	simm.s32 $0x0;
	s4 =	sshll.u32 s0, $0x7  }
.Ltmp0:
0xa: {  	[smem:$0x7FF] =	sst s2;
	s3 =	sor.u32 s4, s3;
	(pc) =	sbr.rel .LBB2_1-.Ltmp0, $4  }
0xb: {  	s0 =	ssub.s32 $0x2, s0;
	_ =	strace $0x80000047;
	s4 =	smul.u32 $0x1A, s3  }
0xc: {  	s6 =	sshrl.u32 s0, $0x1;
	s5 =	sshll.u32 s3, $0x2;
	s3 =	sadd.s32 $0x1A800, s1  }
0xd: {  	s0 =	ssub.s32 s0, s6;
	s4 =	sadd.s32 s4, s1;
	s1 =	sadd.s32 s5, s1  }
0xe: {  	v0 =	vimm.s32 $0x0;
	s6 =	smax.u32 s0, $0x1;
	s4 =	sadd.s32 $0x800, s4;
	s5 =	sadd.s32 $0x41A800, s1  }
.LBB2_78:
0xf: {  	s29 =	sadd.s32 $0x1, s29  }
0x10: {  	p0 =	sne.s32 s29, s6  }
.Ltmp1:
0x11: {  	_ = 	snop;
	(pc) =	sbr.rel @!p0 .LBB2_79-.Ltmp1, $4  }
0x12: {  	[hbm4b:s5+s2] =	stream.linear.scatter [tilespmem:s28], [sflag:$0x9], $0x1000, $0x38;
	[tilespmem:$0x1A800] =	vst v63  }
0x13: {  	_ =	swait.ge [sflag:s7], $0x1000  }
0x14: {  	[sflag:s7] =	ssyncset.done $0x0  }
0x15: {  	[sflag:s7] =	ssyncadd.s32 $0xFFFFF000  }
.LBB2_1:
0x16: {  	[tilespmem:s2], [sflag:$0x9] =	stream.linear.gather [hbm4b:s4+s2], $0x6800, $0x38;
	[tilespmem:$0x1A800] =	vst v63  }
0x17: {  	_ =	swait.ge [sflag:s7], $0x6800  }
0x18: {  	[sflag:s7] =	ssyncset.done $0x0  }
0x19: {  	s1 =	simm.s32 $0x0;
	[sflag:s7] =	ssyncadd.s32 $0xFFFF9800  }
0x1a: {  	v1 =	vld [tilespmem:s1+$0x0]  }
0x1b: {  	v2 =	vld [tilespmem:s1+$0x10]  }
0x1c: {  	v4 =	vld [tilespmem:s1+$0x20]  }
0x1d: {  	v5 =	vld [tilespmem:s1+$0x30]  }
0x1e: {  	v6 =	vld [tilespmem:s1+$0x40]  }
0x1f: {  	v7 =	vld [tilespmem:s1+$0x50]  }
0x20: {  	v9 =	vld [tilespmem:s1+$0x60]  }
0x21: {  	v11 =	vld [tilespmem:s1+$0x70]  }
0x22: {  	v12 =	vld [tilespmem:s1+$0x80]  }
0x23: {  	v13 =	vld [tilespmem:s1+$0x90]  }
0x24: {  	v14 =	vld [tilespmem:s1+$0xA0];
	v8 =	vshll.u32 v1, $0x2;
	vm0 =	vne.s32 v1, $0x0;
	vm1 =	vne.s32 v2, $0x0  }
0x25: {  	vm4 =	vne.s32 v4, $0x0;
	vm5 =	vne.s32 v5, $0x0;
	vm6 =	vne.s32 v6, $0x0  }
0x26: {  	vm7 =	vne.s32 v7, $0x0;
	vm8 =	vne.s32 v9, $0x0;
	vm9 =	vne.s32 v11, $0x0  }
0x27: {  	vm10 =	vne.s32 v12, $0x0;
	v1 =	vshra.s32 v1, $0x12;
	v16 =	vshll.u32 v2, $0x2  }
0x28: {  	v17 =	vld [tilespmem:s1+$0xC0];
	vm11 =	vne.s32 v13, $0x0;
	v3 =	vsel vm0, $0x1, v0;
	v10 =	vsel vm1, $0x1, v0  }
0x29: {  	s0 =	simm.s32 $0xD0;
	vm12 =	vne.s32 v14, $0x0;
	v3 =	vadd.s32 v3, v10;
	v10 =	vsel vm4, $0x1, v0  }
0x2a: {  	v18 =	vld [tilespmem:s0+$0x0];
	v2 =	vshra.s32 v2, $0x12;
	v3 =	vadd.s32 v10, v3;
	v10 =	vsel vm5, $0x1, v0  }
0x2b: {  	v8 =	vand.u32 $0xFFFFC, v8;
	v3 =	vadd.s32 v10, v3;
	v10 =	vsel vm6, $0x1, v0  }
0x2c: {  	v8 =	vor.u32 v1, v8;
	v1 =	vld [tilespmem:s0+$0x10];
	v3 =	vadd.s32 v10, v3;
	v10 =	vsel vm7, $0x1, v0  }
0x2d: {  	vm14 =	vne.s32 v17, $0x0;
	v15 =	vsel vm8, $0x1, v0;
	v10 =	vadd.s32 v10, v3;
	v3 =	vld [tilespmem:s1+$0xB0]  }
0x2e: {  	v20 =	vshll.u32 v13, $0x2;
	v10 =	vadd.s32 v15, v10;
	v15 =	vsel vm9, $0x1, v0  }
0x2f: {  	vm15 =	vne.s32 v18, $0x0;
	v10 =	vadd.s32 v15, v10;
	v15 =	vsel vm10, $0x1, v0  }
0x30: {  	v31 =	vshra.s32 v18, $0x12;
	v10 =	vadd.s32 v15, v10;
	v15 =	vsel vm11, $0x1, v0  }
0x31: {  	v16 =	vand.u32 $0xFFFFC, v16;
	v10 =	vadd.s32 v15, v10;
	v15 =	vsel vm12, $0x1, v0  }
0x32: {  	[tilespmem:s1+$0x6800] =	vst v8;
	vm4 =	vne.s32 v1, $0x0;
	vm13 =	vne.s32 v3, $0x0;
	v8 =	vadd.s32 v15, v10  }
0x33: {  	v10 =	vshll.u32 v4, $0x2;
	v15 =	vor.u32 v2, v16;
	v4 =	vshra.s32 v4, $0x12  }
0x34: {  	v2 =	vld [tilespmem:s0+$0x20];
	v16 =	vsel vm13, $0x1, v0;
	v10 =	vand.u32 $0xFFFFC, v10;
	[tilespmem:s1+$0x6810] =	vst v15;
	v15 =	vshll.u32 v5, $0x2  }
0x35: {  	v5 =	vshra.s32 v5, $0x12;
	v10 =	vor.u32 v4, v10;
	v8 =	vadd.s32 v16, v8  }
0x36: {  	v4 =	vld [tilespmem:s0+$0x30];
	v15 =	vand.u32 $0xFFFFC, v15;
	v16 =	vshll.u32 v6, $0x2;
	[tilespmem:s1+$0x6820] =	vst v10;
	v10 =	vsel vm14, $0x1, v0  }
0x37: {  	v6 =	vshra.s32 v6, $0x12;
	v5 =	vor.u32 v5, v15;
	v8 =	vadd.s32 v10, v8  }
0x38: {  	v15 =	vld [tilespmem:s0+$0x40];
	v10 =	vand.u32 $0xFFFFC, v16;
	[tilespmem:s1+$0x6830] =	vst v5;
	v5 =	vshll.u32 v7, $0x2;
	v16 =	vshll.u32 v9, $0x2  }
0x39: {  	v7 =	vshra.s32 v7, $0x12;
	v9 =	vshra.s32 v9, $0x12;
	v6 =	vor.u32 v6, v10  }
0x3a: {  	v10 =	vshll.u32 v11, $0x2;
	v5 =	vand.u32 $0xFFFFC, v5;
	v16 =	vand.u32 $0xFFFFC, v16  }
0x3b: {  	v19 =	vld [tilespmem:s0+$0x50];
	v11 =	vshra.s32 v11, $0x12;
	vm5 =	vne.s32 v2, $0x0;
	[tilespmem:s1+$0x6840] =	vst v6;
	v6 =	vshll.u32 v12, $0x2  }
0x3c: {  	(xrf0) =	vadd.scan.msk.s32 $0xffff, v8;
	v5 =	vor.u32 v7, v5;
	v7 =	vshll.u32 v14, $0x2;
	v9 =	vor.u32 v9, v16  }
0x3d: {  	v21 =	vld [tilespmem:s0+$0x60];
	[tilespmem:s1+$0x6850] =	vst v5;
	v5 =	vand.u32 $0xFFFFC, v10;
	v6 =	vand.u32 $0xFFFFC, v6;
	v10 =	vand.u32 $0xFFFFC, v20  }
0x3e: {  	v7 =	vand.u32 $0xFFFFC, v7;
	vm6 =	vne.s32 v4, $0x0;
	v16 =	vld [tilespmem:s0+$0x70];
	[tilespmem:s1+$0x6860] =	vst v9;
	v9 =	vshra.s32 v12, $0x12  }
0x3f: {  	v12 =	vshra.s32 v13, $0x12;
	v5 =	vor.u32 v11, v5;
	v11 =	vshra.s32 v14, $0x12  }
0x40: {  	v25 =	vld [tilespmem:s0+$0x80];
	v6 =	vor.u32 v9, v6;
	v9 =	vor.u32 v12, v10;
	[tilespmem:s1+$0x6870] =	vst v5;
	v5 =	vor.u32 v11, v7  }
0x41: {  	v7 =	vsel vm15, $0x1, v0;
	v10 =	vsel vm4, $0x1, v0;
	vm7 =	vne.s32 v15, $0x0  }
0x42: {  	v26 =	vld [tilespmem:s0+$0x90];
	[tilespmem:s1+$0x6880] =	vst v6;
	v6 =	vadd.s32 v7, v10;
	v7 =	vsel vm5, $0x1, v0;
	vm8 =	vne.s32 v19, $0x0  }
0x43: {  	v27 =	vld [tilespmem:s0+$0xA0];
	v6 =	vadd.s32 v7, v6;
	v7 =	vsel vm6, $0x1, v0;
	[tilespmem:s1+$0x6890] =	vst v9;
	v9 =	vshll.u32 v19, $0x2  }
0x44: {  	v8, _, _ =	vpop (xrf0);
	v19 =	vshra.s32 v19, $0x12;
	v6 =	vadd.s32 v7, v6;
	v7 =	vsel vm7, $0x1, v0  }
0x45: {  	vm9 =	vne.s32 v21, $0x0;
	(v2sf) =	vpush v8, $0xF;
	v8 =	vshll.u32 v15, $0x2  }
0x46: {  	v10 =	vshll.u32 v21, $0x2;
	v6 =	vadd.s32 v7, v6;
	v7 =	vsel vm8, $0x1, v0  }
0x47: {  	vm10 =	vne.s32 v16, $0x0;
	v12 =	vand.u32 $0xFFFFC, v8;
	v10 =	vand.u32 $0xFFFFC, v10  }
0x48: {  	v28 =	vld [tilespmem:s0+$0xB0];
	[tilespmem:s1+$0x68A0] =	vst v5;
	v5 =	vadd.s32 v7, v6;
	v6 =	vsel vm9, $0x1, v0;
	vm11 =	vne.s32 v25, $0x0  }
0x49: {  	v29 =	vld [tilespmem:s0+$0xC0];
	v7 =	vshll.u32 v3, $0x2;
	v3 =	vshra.s32 v3, $0x12;
	v20 =	vshll.u32 v25, $0x2  }
0x4a: {  	v5 =	vadd.s32 v6, v5;
	v6 =	vsel vm10, $0x1, v0;
	vm12 =	vne.s32 v26, $0x0  }
0x4b: {  	v7 =	vand.u32 $0xFFFFC, v7;
	v5 =	vadd.s32 v6, v5;
	v6 =	vsel vm11, $0x1, v0  }
0x4c: {  	vm13 =	vne.s32 v27, $0x0;
	v5 =	vadd.s32 v6, v5;
	v6 =	vsel vm12, $0x1, v0  }
0x4d: {  	vm14 =	vne.s32 v28, $0x0;
	v5 =	vadd.s32 v6, v5;
	v6 =	vsel vm13, $0x1, v0  }
0x4e: {  	vm15 =	vne.s32 v29, $0x0;
	v5 =	vadd.s32 v6, v5;
	v6 =	vsel vm14, $0x1, v0  }
0x4f: {  	v22 =	vshll.u32 v26, $0x2;
	v5 =	vadd.s32 v6, v5;
	v6 =	vsel vm15, $0x1, v0  }
0x50: {  	v8 =	vand.u32 $0xFFFFC, v20;
	v20 =	vshra.s32 v21, $0x12;
	v5 =	vadd.s32 v6, v5  }
0x51: {  	v23 =	vshll.u32 v27, $0x2;
	v24 =	vshll.u32 v29, $0x2;
	v6 =	vshll.u32 v17, $0x2;
	(xrf0) =	vadd.scan.msk.s32 $0xffff, v5  }
0x52: {  	v21 =	vshra.s32 v29, $0x12;
	v5 =	vand.u32 $0xFFFFC, v6;
	v6 =	vshra.s32 v17, $0x12  }
0x53: {  	v17 =	vor.u32 v3, v7;
	v3 =	vshll.u32 v18, $0x2;
	v7 =	vshll.u32 v4, $0x2  }
0x54: {  	v18 =	vshll.u32 v16, $0x2;
	v30 =	vor.u32 v6, v5;
	v5 =	vshll.u32 v1, $0x2  }
0x55: {  	v6 =	vshll.u32 v2, $0x2;
	v32 =	vand.u32 $0xFFFFC, v3;
	v3 =	vshll.u32 v28, $0x2  }
0x56: {  	v13 =	vand.u32 $0xFFFFC, v7;
	v7 =	vand.u32 $0xFFFFC, v23;
	v1 =	vshra.s32 v1, $0x12  }
0x57: {  	v23 =	vshra.s32 v2, $0x12;
	[tilespmem:s1+$0x68B0] =	vst v17;
	v17 =	vshra.s32 v26, $0x12;
	v33 =	vand.u32 $0xFFFFC, v5;
	v11, _, _ =	vpop (xrf0)  }
0x58: {  	v14 =	vand.u32 $0xFFFFC, v6;
	v6 =	vand.u32 $0xFFFFC, v22;
	(v2sf) =	vpush v11, $0xF  }
0x59: {  	v3 =	vand.u32 $0xFFFFC, v3;
	v5 =	vand.u32 $0xFFFFC, v24;
	v24 =	vshra.s32 v4, $0x12  }
0x5a: {  	v22 =	vshra.s32 v15, $0x12;
	v4 =	vshra.s32 v25, $0x12;
	v15 =	vshra.s32 v28, $0x12  }
0x5b: {  	s30 =	simm.s32 $0x1A0;
	[tilespmem:s1+$0x68C0] =	vst v30;
	v26 =	vor.u32 v31, v32;
	v25 =	vor.u32 v1, v33;
	s9 =	spop (v2sf);
	v11 =	vand.u32 $0xFFFFC, v9  }
0x5c: {  	s31 =	simm.s32 $0x9C0;
	s1 =	simm.s32 $0x0;
	v2 =	vld [tilespmem:s30+$0x0];
	[smem:s2] =	sst s9;
	v9 =	vand.u32 $0xFFFFC, v18;
	v18 =	vshra.s32 v16, $0x12;
	v16 =	vshra.s32 v27, $0x12  }
.LBB2_2:
0x5d: {  	p0 =	sne.s32 s31, $0x19CC0;
	v1 =	vld [tilespmem:s30+$0x10];
	[tilespmem:s0+$0x6800] =	vst v26;
	v14 =	vor.u32 v23, v14;
	v13 =	vor.u32 v24, v13;
	v12 =	vor.u32 v22, v12  }
0x5e: {  	v11 =	vor.u32 v19, v11;
	v10 =	vor.u32 v20, v10;
	v9 =	vor.u32 v18, v9;
	v22 =	vld [tilespmem:s30+$0x20];
	[tilespmem:s0+$0x6810] =	vst v25  }
0x5f: {  	v4 =	vor.u32 v4, v8;
	v6 =	vor.u32 v17, v6;
	v7 =	vor.u32 v16, v7;
	v18 =	vld [tilespmem:s30+$0x30];
	[tilespmem:s0+$0x6820] =	vst v14  }
0x60: {  	v3 =	vor.u32 v15, v3;
	v5 =	vor.u32 v21, v5;
	v16 =	vld [tilespmem:s30+$0x40];
	[tilespmem:s0+$0x6830] =	vst v13  }
0x61: {  	v8 =	vshll.u32 v2, $0x2;
	v21 =	vshra.s32 v2, $0x12;
	v15 =	vld [tilespmem:s30+$0x50];
	[tilespmem:s0+$0x6840] =	vst v12  }
0x62: {  	vm0 =	vne.s32 v2, $0x0;
	vm1 =	vne.s32 v1, $0x0;
	v2 =	vshll.u32 v1, $0x2;
	v17 =	vld [tilespmem:s30+$0x60];
	[tilespmem:s0+$0x6850] =	vst v11  }
0x63: {  	v11 =	vsel vm0, $0x1, v0;
	v12 =	vsel vm1, $0x1, v0;
	vm0 =	vne.s32 v22, $0x0;
	v25 =	vld [tilespmem:s30+$0x70];
	[tilespmem:s0+$0x6860] =	vst v10  }
0x64: {  	v10 =	vadd.s32 v11, v12;
	v11 =	vsel vm0, $0x1, v0;
	vm0 =	vne.s32 v18, $0x0;
	v26 =	vld [tilespmem:s30+$0x80];
	[tilespmem:s0+$0x6870] =	vst v9  }
0x65: {  	v9 =	vadd.s32 v11, v10;
	v10 =	vsel vm0, $0x1, v0;
	vm0 =	vne.s32 v16, $0x0;
	v27 =	vld [tilespmem:s30+$0x90];
	[tilespmem:s0+$0x6880] =	vst v4  }
0x66: {  	v4 =	vadd.s32 v10, v9;
	v9 =	vsel vm0, $0x1, v0;
	vm0 =	vne.s32 v15, $0x0;
	v28 =	vld [tilespmem:s30+$0xA0];
	[tilespmem:s0+$0x6890] =	vst v6  }
0x67: {  	s1 =	sadd.s32 $0x1, s1;
	v4 =	vadd.s32 v9, v4;
	v6 =	vsel vm0, $0x1, v0;
	vm0 =	vne.s32 v17, $0x0;
	v29 =	vld [tilespmem:s30+$0xB0];
	[tilespmem:s0+$0x68A0] =	vst v7;
	s9 =	spop (v2sf)  }
0x68: {  	v4 =	vadd.s32 v6, v4;
	v6 =	vsel vm0, $0x1, v0;
	vm0 =	vne.s32 v25, $0x0;
	v30 =	vld [tilespmem:s30+$0xC0];
	[tilespmem:s0+$0x68B0] =	vst v3;
	[smem:s1] =	sst s9  }
0x69: {  	v3 =	vadd.s32 v6, v4;
	v4 =	vsel vm0, $0x1, v0;
	vm0 =	vne.s32 v26, $0x0;
	[tilespmem:s0+$0x68C0] =	vst v5;
	s0 =	smov.u32 s30  }
0x6a: {  	v3 =	vadd.s32 v4, v3;
	v4 =	vsel vm0, $0x1, v0;
	vm0 =	vne.s32 v27, $0x0  }
0x6b: {  	v3 =	vadd.s32 v4, v3;
	v4 =	vsel vm0, $0x1, v0;
	vm0 =	vne.s32 v28, $0x0  }
0x6c: {  	v3 =	vadd.s32 v4, v3;
	v4 =	vsel vm0, $0x1, v0;
	vm0 =	vne.s32 v29, $0x0  }
0x6d: {  	v3 =	vadd.s32 v4, v3;
	v4 =	vsel vm0, $0x1, v0;
	vm0 =	vne.s32 v30, $0x0  }
0x6e: {  	v5 =	vshll.u32 v22, $0x2;
	v3 =	vadd.s32 v4, v3;
	v4 =	vsel vm0, $0x1, v0  }
0x6f: {  	v7 =	vshll.u32 v16, $0x2;
	v6 =	vshll.u32 v18, $0x2;
	v3 =	vadd.s32 v4, v3  }
0x70: {  	v9 =	vshll.u32 v17, $0x2;
	v19 =	vshll.u32 v25, $0x2;
	v4 =	vshll.u32 v15, $0x2;
	(xrf0) =	vadd.scan.msk.s32 $0xffff, v3  }
0x71: {  	v20 =	vshll.u32 v27, $0x2;
	v23 =	vshll.u32 v28, $0x2;
	v3 =	vshll.u32 v26, $0x2  }
0x72: {  	v31 =	vand.u32 $0xFFFFC, v8;
	v24 =	vshll.u32 v29, $0x2;
	v32 =	vshll.u32 v30, $0x2  }
0x73: {  	v33 =	vand.u32 $0xFFFFC, v2;
	v14 =	vand.u32 $0xFFFFC, v5;
	v13 =	vand.u32 $0xFFFFC, v6  }
0x74: {  	v12 =	vand.u32 $0xFFFFC, v7;
	v10 =	vand.u32 $0xFFFFC, v9;
	v11 =	vand.u32 $0xFFFFC, v4  }
0x75: {  	v9 =	vand.u32 $0xFFFFC, v19;
	v6 =	vand.u32 $0xFFFFC, v20;
	v8 =	vand.u32 $0xFFFFC, v3  }
0x76: {  	v7 =	vand.u32 $0xFFFFC, v23;
	v5 =	vand.u32 $0xFFFFC, v32;
	v3 =	vand.u32 $0xFFFFC, v24;
	v2, _, _ =	vpop (xrf0)  }
.Ltmp2:
0x77: {  	v1 =	vshra.s32 v1, $0x12;
	v23 =	vshra.s32 v22, $0x12;
	(v2sf) =	vpush v2, $0xF;
	(pc) =	sbr.rel @p0 .LBB2_2-.Ltmp2, $4  }
0x78: {  	v19 =	vshra.s32 v15, $0x12;
	v22 =	vshra.s32 v16, $0x12;
	v24 =	vshra.s32 v18, $0x12  }
0x79: {  	v20 =	vshra.s32 v17, $0x12;
	v4 =	vshra.s32 v26, $0x12;
	v18 =	vshra.s32 v25, $0x12  }
0x7a: {  	s30 =	sshra.s32 s31, $0x2;
	v17 =	vshra.s32 v27, $0x12;
	v16 =	vshra.s32 v28, $0x12;
	v15 =	vshra.s32 v29, $0x12  }
0x7b: {  	s31 =	sadd.s32 $0x340, s31;
	v26 =	vor.u32 v21, v31;
	v21 =	vshra.s32 v30, $0x12;
	v25 =	vor.u32 v1, v33;
	v2 =	vld [tilespmem:s30+$0x0]  }
0x7c: {  	v1 =	vld [tilespmem:s30+$0x10];
	[tilespmem:s0+$0x6800] =	vst v26;
	v14 =	vor.u32 v23, v14;
	v13 =	vor.u32 v24, v13  }
0x7d: {  	v12 =	vor.u32 v22, v12;
	v11 =	vor.u32 v19, v11;
	v10 =	vor.u32 v20, v10;
	v26 =	vld [tilespmem:s30+$0x20];
	[tilespmem:s0+$0x6810] =	vst v25  }
0x7e: {  	v9 =	vor.u32 v18, v9;
	v4 =	vor.u32 v4, v8;
	v6 =	vor.u32 v17, v6;
	v32 =	vld [tilespmem:s30+$0x30];
	[tilespmem:s0+$0x6820] =	vst v14  }
0x7f: {  	v34 =	vor.u32 v16, v7;
	v3 =	vor.u32 v15, v3;
	v5 =	vor.u32 v21, v5;
	v14 =	vld [tilespmem:s30+$0x40];
	[tilespmem:s0+$0x6830] =	vst v13  }
0x80: {  	v13 =	vld [tilespmem:s30+$0x50];
	[tilespmem:s0+$0x6840] =	vst v12;
	v36 =	vshll.u32 v2, $0x2;
	vm0 =	vne.s32 v2, $0x0;
	v2 =	vshra.s32 v2, $0x12  }
0x81: {  	v12 =	vld [tilespmem:s30+$0x60];
	[tilespmem:s0+$0x6850] =	vst v11;
	vm1 =	vne.s32 v1, $0x0;
	v37 =	vsel vm0, $0x1, v0;
	v41 =	vshll.u32 v1, $0x2  }
0x82: {  	v1 =	vshra.s32 v1, $0x12;
	v11 =	vld [tilespmem:s30+$0x70];
	[tilespmem:s0+$0x6860] =	vst v10;
	v38 =	vsel vm1, $0x1, v0;
	vm5 =	vne.s32 v26, $0x0  }
0x83: {  	v43 =	vshll.u32 v26, $0x2;
	v26 =	vshra.s32 v26, $0x12;
	v10 =	vld [tilespmem:s30+$0x80];
	[tilespmem:s0+$0x6870] =	vst v9;
	v40 =	vsel vm5, $0x1, v0  }
0x84: {  	vm6 =	vne.s32 v32, $0x0;
	v44 =	vshll.u32 v32, $0x2;
	v9 =	vand.u32 $0xFFFFC, v36;
	v33 =	vld [tilespmem:s30+$0x90];
	[tilespmem:s0+$0x6880] =	vst v4  }
0x85: {  	v17 =	vand.u32 $0xFFFFC, v43;
	v53 =	vshra.s32 v32, $0x12;
	v45 =	vshll.u32 v14, $0x2;
	v35 =	vld [tilespmem:s30+$0xA0];
	[tilespmem:s0+$0x6890] =	vst v6  }
0x86: {  	v2 =	vor.u32 v2, v9;
	v4 =	vand.u32 $0xFFFFC, v41;
	v17 =	vor.u32 v26, v17;
	v39 =	vld [tilespmem:s30+$0xB0];
	[tilespmem:s0+$0x68A0] =	vst v34  }
0x87: {  	v54 =	vshra.s32 v14, $0x12;
	vm7 =	vne.s32 v14, $0x0;
	v6 =	vadd.s32 v37, v38;
	v42 =	vld [tilespmem:s30+$0xC0];
	[tilespmem:s0+$0x68B0] =	vst v3  }
0x88: {  	v46 =	vshll.u32 v13, $0x2;
	v1 =	vor.u32 v1, v4;
	v56 =	vshra.s32 v13, $0x12;
	[tilespmem:s0+$0x68C0] =	vst v5  }
0x89: {  	v47 =	vshll.u32 v12, $0x2;
	v55 =	vand.u32 $0xFFFFC, v46;
	v57 =	vshra.s32 v12, $0x12;
	[tilespmem:s30+$0x6800] =	vst v2  }
0x8a: {  	v48 =	vshll.u32 v11, $0x2;
	v4 =	vor.u32 v56, v55;
	v58 =	vshra.s32 v11, $0x12;
	[tilespmem:s30+$0x6810] =	vst v1  }
0x8b: {  	v49 =	vshll.u32 v10, $0x2;
	v2 =	vand.u32 $0xFFFFC, v44;
	v1 =	vand.u32 $0xFFFFC, v45;
	[tilespmem:s30+$0x6820] =	vst v17  }
0x8c: {  	[tilespmem:s30+$0x6850] =	vst v4;
	v60 =	vshra.s32 v10, $0x12;
	v50 =	vshll.u32 v33, $0x2;
	v2 =	vor.u32 v53, v2  }
0x8d: {  	v1 =	vor.u32 v54, v1;
	v59 =	vand.u32 $0xFFFFC, v49;
	v61 =	vshra.s32 v33, $0x12;
	[tilespmem:s30+$0x6830] =	vst v2  }
0x8e: {  	v3 =	vshll.u32 v35, $0x2;
	v2 =	vand.u32 $0xFFFFC, v47;
	[tilespmem:s30+$0x6840] =	vst v1;
	v4 =	vor.u32 v60, v59  }
0x8f: {  	v1 =	vand.u32 $0xFFFFC, v48;
	v51 =	vshll.u32 v39, $0x2;
	v2 =	vor.u32 v57, v2;
	[tilespmem:s30+$0x6880] =	vst v4  }
0x90: {  	v1 =	vor.u32 v58, v1;
	v63 =	vshra.s32 v39, $0x12;
	[tilespmem:s30+$0x6860] =	vst v2;
	v2 =	vand.u32 $0xFFFFC, v50  }
0x91: {  	[tilespmem:s30+$0x6870] =	vst v1;
	v1 =	vand.u32 $0xFFFFC, v3;
	v3 =	vshra.s32 v35, $0x12;
	v2 =	vor.u32 v61, v2  }
0x92: {  	v52 =	vshll.u32 v42, $0x2;
	v62 =	vand.u32 $0xFFFFC, v51;
	v1 =	vor.u32 v3, v1;
	[tilespmem:s30+$0x6890] =	vst v2  }
0x93: {  	v3 =	vshra.s32 v42, $0x12;
	v4 =	vor.u32 v63, v62;
	v2 =	vand.u32 $0xFFFFC, v52;
	[tilespmem:s30+$0x68A0] =	vst v1  }
0x94: {  	v6 =	vadd.s32 v40, v6;
	v1 =	vsel vm6, $0x1, v0;
	[tilespmem:s30+$0x68B0] =	vst v4;
	v2 =	vor.u32 v3, v2  }
0x95: {  	s12 =	simm.s32 $0x6800;
	s9 =	simm.s32 $0xD000;
	vm8 =	vne.s32 v13, $0x0;
	v1 =	vadd.s32 v1, v6;
	v3 =	vsel vm7, $0x1, v0;
	[tilespmem:s30+$0x68C0] =	vst v2  }
0x96: {  	vm9 =	vne.s32 v12, $0x0;
	v1 =	vadd.s32 v3, v1;
	v2 =	vsel vm8, $0x1, v0;
	[tilespmem:s9], [sflag:$0x1] =	stream.indirect.gather [hbm4b:s3+s8], $0x20, s12, s8, $0xb8;
	[tilespmem:$0x1A800] =	vst v63  }
0x97: {  	s13 =	simm.s32 $0x6880;
	s31 =	simm.s32 $0xE000;
	vm10 =	vne.s32 v11, $0x0;
	v1 =	vadd.s32 v2, v1;
	v2 =	vsel vm9, $0x1, v0  }
0x98: {  	vm11 =	vne.s32 v10, $0x0;
	v1 =	vadd.s32 v2, v1;
	v2 =	vsel vm10, $0x1, v0;
	[tilespmem:s31], [sflag:$0x1] =	stream.indirect.gather [hbm4b:s3+s11], $0x20, s13, s11, $0xb8;
	[tilespmem:$0x1A800] =	vst v63  }
0x99: {  	s10 =	simm.s32 $0x68D0;
	vm12 =	vne.s32 v33, $0x0;
	s12 =	simm.s32 $0xE900;
	v1 =	vadd.s32 v2, v1;
	v2 =	vsel vm11, $0x1, v0  }
0x9a: {  	vm13 =	vne.s32 v35, $0x0;
	v1 =	vadd.s32 v2, v1;
	v2 =	vsel vm12, $0x1, v0;
	[tilespmem:s12], [sflag:$0x2] =	stream.indirect.gather [hbm4b:s3+s8], $0x20, s10, s8, $0xb8;
	[tilespmem:$0x1A800] =	vst v63  }
0x9b: {  	vm14 =	vne.s32 v39, $0x0;
	s13 =	simm.s32 $0x6950;
	s31 =	simm.s32 $0xF900;
	v1 =	vadd.s32 v2, v1;
	v2 =	vsel vm13, $0x1, v0  }
0x9c: {  	vm15 =	vne.s32 v42, $0x0;
	v1 =	vadd.s32 v2, v1;
	v2 =	vsel vm14, $0x1, v0;
	[tilespmem:s31], [sflag:$0x2] =	stream.indirect.gather [hbm4b:s3+s11], $0x20, s13, s11, $0xb8;
	[tilespmem:$0x1A800] =	vst v63  }
0x9d: {  	s10 =	simm.s32 $0x69A0;
	s12 =	simm.s32 $0x10200;
	v1 =	vadd.s32 v2, v1;
	v2 =	vsel vm15, $0x1, v0  }
0x9e: {  	v1 =	vadd.s32 v2, v1;
	[tilespmem:s12], [sflag:$0x3] =	stream.indirect.gather [hbm4b:s3+s8], $0x20, s10, s8, $0xb8;
	[tilespmem:$0x1A800] =	vst v63  }
0x9f: {  	s13 =	simm.s32 $0x6A20;
	s31 =	simm.s32 $0x11200;
	(xrf0) =	vadd.scan.msk.s32 $0xffff, v1  }
0xa0: {  	[tilespmem:s31], [sflag:$0x3] =	stream.indirect.gather [hbm4b:s3+s11], $0x20, s13, s11, $0xb8;
	[tilespmem:$0x1A800] =	vst v63  }
0xa1: {  	s10 =	simm.s32 $0x6A70;
	s12 =	simm.s32 $0x11B00  }
0xa2: {  	[tilespmem:s12], [sflag:$0x4] =	stream.indirect.gather [hbm4b:s3+s8], $0x20, s10, s8, $0xb8;
	[tilespmem:$0x1A800] =	vst v63  }
0xa3: {  	s13 =	simm.s32 $0x6AF0;
	s31 =	simm.s32 $0x12B00  }
0xa4: {  	[tilespmem:s31], [sflag:$0x4] =	stream.indirect.gather [hbm4b:s3+s11], $0x20, s13, s11, $0xb8;
	[tilespmem:$0x1A800] =	vst v63  }
0xa5: {  	s10 =	simm.s32 $0x6B40;
	s12 =	simm.s32 $0x13400;
	v1, _, _ =	vpop (xrf0)  }
0xa6: {  	(v2sf) =	vpush v1, $0xF;
	[tilespmem:s12], [sflag:$0x5] =	stream.indirect.gather [hbm4b:s3+s8], $0x20, s10, s8, $0xb8;
	[tilespmem:$0x1A800] =	vst v63  }
0xa7: {  	s13 =	simm.s32 $0x6BC0;
	s31 =	simm.s32 $0x14400  }
0xa8: {  	[tilespmem:s31], [sflag:$0x5] =	stream.indirect.gather [hbm4b:s3+s11], $0x20, s13, s11, $0xb8;
	[tilespmem:$0x1A800] =	vst v63  }
0xa9: {  	s10 =	simm.s32 $0x6C10;
	s12 =	simm.s32 $0x14D00  }
0xaa: {  	[tilespmem:s12], [sflag:$0x6] =	stream.indirect.gather [hbm4b:s3+s8], $0x20, s10, s8, $0xb8;
	[tilespmem:$0x1A800] =	vst v63  }
0xab: {  	s13 =	simm.s32 $0x6C90;
	s31 =	simm.s32 $0x15D00  }
0xac: {  	[tilespmem:s31], [sflag:$0x6] =	stream.indirect.gather [hbm4b:s3+s11], $0x20, s13, s11, $0xb8;
	[tilespmem:$0x1A800] =	vst v63  }
0xad: {  	s9 =	simm.s32 $0x6CE0;
	s10 =	simm.s32 $0x16600  }
0xae: {  	[tilespmem:s10], [sflag:$0x7] =	stream.indirect.gather [hbm4b:s3+s8], $0x20, s9, s8, $0xb8;
	[tilespmem:$0x1A800] =	vst v63  }
0xaf: {  	s12 =	simm.s32 $0x6D60  }
0xb0: {  	[tilespmem:s14], [sflag:$0x7] =	stream.indirect.gather [hbm4b:s3+s11], $0x20, s12, s11, $0xb8;
	[tilespmem:$0x1A800] =	vst v63  }
0xb1: {  	_ = 	snop  }
0xb2: {  	[tilespmem:s16], [sflag:$0x8] =	stream.indirect.gather [hbm4b:s3+s8], $0x20, s15, s8, $0xb8;
	[tilespmem:$0x1A800] =	vst v63  }
0xb3: {  	s1 =	sadd.s32 $0x1, s1;
	s13 =	spop (v2sf)  }
0xb4: {  	[tilespmem:s18], [sflag:$0x8] =	stream.indirect.gather [hbm4b:s3+s11], $0x20, s17, s11, $0xb8;
	[tilespmem:$0x1A800] =	vst v63  }
0xb5: {  	[smem:s1] =	sst s13;
	s1 =	sadd.s32 $0x1, s1;
	s31 =	spop (v2sf)  }
0xb6: {  	s30 =	simm.s32 $0x0;
	[smem:s1] =	sst s31  }
.LBB2_4:
0xb7: {  	_ =	swait.ge [sflag:s19], $0x1900  }
0xb8: {  	s0 =	sshll.u32 s30, $0x3;
	[sflag:s19] =	ssyncset.done $0x0  }
0xb9: {  	s31 =	sand.u32 $0x3FFFFFF8, s0;
	[sflag:s19] =	ssyncadd.s32 $0xFFFFE700  }
0xba: {  	s0 =	sld [smem:s31+$0x0];
	_ =	sdelay $0x2  }
0xbb: {  	s1 =	sand.u32 $0x7, s0  }
0xbc: {  	s9 =	sshra.s32 s0, $0x1F;
	p0 =	slt.s32 s0, $0x1;
	p1 =	sne.s32 s1, $0x0  }
0xbd: {  	s13 =	sshrl.u32 s9, $0x1D;
	p0 =	por !p0, !p1  }
0xbe: {  	s9 =	simm.s32 $0x1;
	s1 =	sadd.s32 s13, s0;
	p0 =	por !p0, !p0  }
0xbf: {  	s1 =	sshra.s32 s1, $0x3;
	s9 =	simm.s32 @!p0 $0x0  }
0xc0: {  	s1 =	ssub.s32 s1, s9  }
0xc1: {  	p0 =	slt.s32 s1, $0x1  }
.Ltmp3:
0xc2: {  	_ = 	snop;
	(pc) =	sbr.rel @p0 .LBB2_5-.Ltmp3, $2  }
0xc3: {  	_ =	sdelay $0x2  }
0xc4: {  	v1 =	vimm.f32 $-1.000000000e+09;
	s9 =	simm.s32 $0xD080  }
0xc5: {  	v2 =	vld [tilespmem:s9+$0x60]  }
0xc6: {  	v4 =	vld [tilespmem:s9+$0x40]  }
0xc7: {  	v3 =	vld [tilespmem:s9+$0x20]  }
0xc8: {  	v5 =	vld [tilespmem:s9+$0x0];
	p0 =	sne.s32 s1, $0x1  }
.Ltmp4:
0xc9: {  	v6 =	vld [tilespmem:s9+$0xFFFFFFE0];
	(pc) =	sbr.rel @!p0 .LBB2_8-.Ltmp4, $4  }
0xca: {  	v7 =	vld [tilespmem:s9+$0xFFFFFFC0]  }
0xcb: {  	v8 =	vld [tilespmem:s9+$0xFFFFFFA0]  }
0xcc: {  	v10 =	vld [tilespmem:s9+$0xFFFFFF80]  }
0xcd: {  	v11 =	vld [tilespmem:s9+$0xFFFFFF90];
	s10 =	sadd.s32 $0xFFFFFFFF, s1;
	v9 =	vimm.f32 $-1.000000000e+09  }
.LBB2_7:
0xce: {  	p0 =	sne.s32 s10, $0x1;
	v12 =	vld [tilespmem:s9+$0xFFFFFFB0]  }
0xcf: {  	v13 =	vld [tilespmem:s9+$0xFFFFFFD0]  }
0xd0: {  	v14 =	vld [tilespmem:s9+$0xFFFFFFF0]  }
0xd1: {  	v15 =	vld [tilespmem:s9+$0x10]  }
0xd2: {  	v1 =	vmax.f32 v1, v10;
	v9 =	vmax.f32 v9, v11;
	v10 =	vld [tilespmem:s9+$0x30]  }
0xd3: {  	v1 =	vmax.f32 v1, v8;
	v8 =	vmax.f32 v9, v12;
	v9 =	vld [tilespmem:s9+$0x50]  }
0xd4: {  	v1 =	vmax.f32 v1, v7;
	v7 =	vmax.f32 v8, v13;
	v8 =	vld [tilespmem:s9+$0x70];
	s9 =	sadd.s32 $0x100, s9  }
0xd5: {  	v1 =	vmax.f32 v1, v6;
	v11 =	vld [tilespmem:s9+$0x60];
	v6 =	vmax.f32 v7, v14  }
0xd6: {  	v1 =	vmax.f32 v1, v5;
	v12 =	vld [tilespmem:s9+$0x40];
	v5 =	vmax.f32 v6, v15  }
0xd7: {  	v1 =	vmax.f32 v1, v3;
	v3 =	vld [tilespmem:s9+$0x20];
	v6 =	vmax.f32 v5, v10  }
0xd8: {  	v1 =	vmax.f32 v1, v4;
	v5 =	vld [tilespmem:s9+$0x0];
	v4 =	vmax.f32 v6, v9  }
.Ltmp5:
0xd9: {  	v1 =	vmax.f32 v1, v2;
	v6 =	vld [tilespmem:s9+$0xFFFFFFE0];
	v9 =	vmax.f32 v4, v8;
	(pc) =	sbr.rel @p0 .LBB2_7-.Ltmp5, $4  }
0xda: {  	v7 =	vld [tilespmem:s9+$0xFFFFFFC0];
	v2 =	vmov v11  }
0xdb: {  	v8 =	vld [tilespmem:s9+$0xFFFFFFA0];
	v4 =	vmov v12  }
0xdc: {  	v10 =	vld [tilespmem:s9+$0xFFFFFF80]  }
0xdd: {  	s10 =	sadd.s32 $0xFFFFFFFF, s10;
	v11 =	vld [tilespmem:s9+$0xFFFFFF90]  }
.LBB2_8:
0xde: {  	v12 =	vld [tilespmem:s9+$0xFFFFFFB0]  }
0xdf: {  	v13 =	vld [tilespmem:s9+$0xFFFFFFD0]  }
0xe0: {  	v14 =	vld [tilespmem:s9+$0xFFFFFFF0]  }
0xe1: {  	v15 =	vld [tilespmem:s9+$0x10]  }
0xe2: {  	v57 =	vld [tilespmem:s9+$0x30];
	v1 =	vmax.f32 v1, v10;
	v9 =	vmax.f32 v9, v11  }
0xe3: {  	v59 =	vld [tilespmem:s9+$0x50];
	v1 =	vmax.f32 v1, v8;
	v58 =	vmax.f32 v9, v12  }
0xe4: {  	v61 =	vld [tilespmem:s9+$0x70];
	v1 =	vmax.f32 v1, v7;
	v60 =	vmax.f32 v58, v13  }
.Ltmp6:
0xe5: {  	v1 =	vmax.f32 v1, v6;
	v62 =	vmax.f32 v60, v14;
	(pc) =	sbr.rel .LBB2_9-.Ltmp6, $4  }
0xe6: {  	v1 =	vmax.f32 v1, v5;
	v63 =	vmax.f32 v62, v15  }
0xe7: {  	v1 =	vmax.f32 v1, v3;
	v3 =	vmax.f32 v63, v57  }
0xe8: {  	v1 =	vmax.f32 v1, v4;
	v3 =	vmax.f32 v3, v59  }
0xe9: {  	v1 =	vmax.f32 v1, v2;
	v2 =	vmax.f32 v3, v61  }
.LBB2_5:
0xea: {  	v2 =	vimm.f32 $-1.000000000e+09  }
.LBB2_9:
0xeb: {  	s9 =	sshll.u32 s1, $0x3  }
0xec: {  	p0 =	sle.s32 s0, s9  }
.Ltmp7:
0xed: {  	_ = 	snop;
	(pc) =	sbr.rel @p0 .LBB2_13-.Ltmp7, $1  }
0xee: {  	_ =	sdelay $0x3  }
0xef: {  	s1 =	sshll.u32 s1, $0xA  }
0xf0: {  	s1 =	sshra.s32 s1, $0x2  }
0xf1: {  	s0 =	ssub.s32 s0, s9;
	s1 =	sadd.s32 $0xD010, s1  }
0xf2: {  	p0 =	sne.s32 s0, $0x1;
	v4 =	vld [tilespmem:s1+$0x0]  }
.Ltmp8:
0xf3: {  	v3 =	vld [tilespmem:s1+$0xFFFFFFF0];
	(pc) =	sbr.rel @!p0 .LBB2_12-.Ltmp8, $2  }
0xf4: {  	_ =	sdelay $0x2  }
0xf5: {  	s0 =	sadd.s32 $0xFFFFFFFF, s0;
	s1 =	sadd.s32 $0x20, s1;
	v2 =	vmax.f32 v2, v4  }
.LBB2_11:
0xf6: {  	v4 =	vld [tilespmem:s1+$0x0];
	p0 =	sne.s32 s0, $0x1;
	s0 =	sadd.s32 $0xFFFFFFFF, s0;
	v1 =	vmax.f32 v1, v3  }
.Ltmp9:
0xf7: {  	v3 =	vld [tilespmem:s1+$0xFFFFFFF0];
	(pc) =	sbr.rel @p0 .LBB2_11-.Ltmp9, $2  }
0xf8: {  	_ =	sdelay $0x2  }
0xf9: {  	s1 =	sadd.s32 $0x20, s1;
	v2 =	vmax.f32 v2, v4  }
.LBB2_12:
0xfa: {  	v1 =	vmax.f32 v1, v3  }
.LBB2_13:
0xfb: {  	p0 =	seq.s32 s30, $0xF  }
0xfc: {  	s0 =	sshll.u32 s30, $0x8;
	s9 =	smul.u32 @!p0 $0x1A00, s30  }
0xfd: {  	s1 =	sand.u32 $0x3FFFFF00, s0  }
0xfe: {  	[tilespmem:s1+$0x19800] =	vst v1;
	s0 =	sshra.s32 @!p0 s9, $0x2  }
0xff: {  	s10 =	simm.s32 @!p0 $0x80;
	s12 =	simm.s32 @!p0 $0xD000;
	[tilespmem:s1+$0x19810] =	vst v2;
	s9 =	sadd.s32 @!p0 $0x6E80, s0  }
0x100: {  	[tilespmem:s12], [sflag:$0x1] =	stream.indirect.gather @!p0 [hbm4b:s3+s10], $0x20, s9, s10, $0xb8;
	[tilespmem:$0x1A800] =	vst v63  }
0x101: {  	s9 =	sadd.s32 @!p0 $0x6F00, s0;
	s10 =	simm.s32 @!p0 $0x48;
	s12 =	simm.s32 @!p0 $0xE000  }
0x102: {  	[tilespmem:s12], [sflag:$0x1] =	stream.indirect.gather @!p0 [hbm4b:s3+s10], $0x20, s9, s10, $0xb8;
	[tilespmem:$0x1A800] =	vst v63  }
0x103: {  	_ =	swait.ge [sflag:s20], $0x1900  }
0x104: {  	[sflag:s20] =	ssyncset.done $0x0  }
0x105: {  	[sflag:s20] =	ssyncadd.s32 $0xFFFFE700  }
0x106: {  	s9 =	sld [smem:s31+$0x1];
	_ =	sdelay $0x2  }
0x107: {  	s12 =	sand.u32 $0x7, s9  }
0x108: {  	s13 =	sshra.s32 s9, $0x1F;
	p1 =	slt.s32 s9, $0x1;
	p2 =	sne.s32 s12, $0x0  }
0x109: {  	s13 =	sshrl.u32 s13, $0x1D;
	p1 =	por !p1, !p2  }
0x10a: {  	s12 =	simm.s32 $0x1;
	s10 =	sadd.s32 s13, s9;
	p1 =	por !p1, !p1  }
0x10b: {  	s10 =	sshra.s32 s10, $0x3;
	s12 =	simm.s32 @!p1 $0x0  }
0x10c: {  	s10 =	ssub.s32 s10, s12  }
0x10d: {  	p1 =	slt.s32 s10, $0x1  }
.Ltmp10:
0x10e: {  	_ = 	snop;
	(pc) =	sbr.rel @p1 .LBB2_14-.Ltmp10, $2  }
0x10f: {  	_ =	sdelay $0x2  }
0x110: {  	v1 =	vimm.f32 $-1.000000000e+09;
	s12 =	simm.s32 $0xE9F0  }
0x111: {  	v2 =	vld [tilespmem:s12+$0xFFFFFFF0]  }
0x112: {  	v4 =	vld [tilespmem:s12+$0xFFFFFFD0]  }
0x113: {  	v3 =	vld [tilespmem:s12+$0xFFFFFFB0]  }
0x114: {  	v5 =	vld [tilespmem:s12+$0xFFFFFF90];
	p1 =	sne.s32 s10, $0x1  }
.Ltmp11:
0x115: {  	v6 =	vld [tilespmem:s12+$0xFFFFFF70];
	(pc) =	sbr.rel @!p1 .LBB2_17-.Ltmp11, $4  }
0x116: {  	v7 =	vld [tilespmem:s12+$0xFFFFFF50]  }
0x117: {  	v8 =	vld [tilespmem:s12+$0xFFFFFF30]  }
0x118: {  	v10 =	vld [tilespmem:s12+$0xFFFFFF10]  }
0x119: {  	v11 =	vld [tilespmem:s12+$0xFFFFFF20];
	s13 =	sadd.s32 $0xFFFFFFFF, s10;
	v9 =	vimm.f32 $-1.000000000e+09  }
.LBB2_16:
0x11a: {  	p1 =	sne.s32 s13, $0x1;
	v12 =	vld [tilespmem:s12+$0xFFFFFF40]  }
0x11b: {  	v13 =	vld [tilespmem:s12+$0xFFFFFF60]  }
0x11c: {  	v14 =	vld [tilespmem:s12+$0xFFFFFF80]  }
0x11d: {  	v15 =	vld [tilespmem:s12+$0xFFFFFFA0]  }
0x11e: {  	v1 =	vmax.f32 v1, v10;
	v9 =	vmax.f32 v9, v11;
	v10 =	vld [tilespmem:s12+$0xFFFFFFC0]  }
0x11f: {  	v1 =	vmax.f32 v1, v8;
	v8 =	vmax.f32 v9, v12;
	v9 =	vld [tilespmem:s12+$0xFFFFFFE0]  }
0x120: {  	v1 =	vmax.f32 v1, v7;
	v7 =	vmax.f32 v8, v13;
	v8 =	vld [tilespmem:s12+$0x0];
	s12 =	sadd.s32 $0x100, s12  }
0x121: {  	v1 =	vmax.f32 v1, v6;
	v11 =	vld [tilespmem:s12+$0xFFFFFFF0];
	v6 =	vmax.f32 v7, v14  }
0x122: {  	v1 =	vmax.f32 v1, v5;
	v12 =	vld [tilespmem:s12+$0xFFFFFFD0];
	v5 =	vmax.f32 v6, v15  }
0x123: {  	v1 =	vmax.f32 v1, v3;
	v3 =	vld [tilespmem:s12+$0xFFFFFFB0];
	v6 =	vmax.f32 v5, v10  }
0x124: {  	v1 =	vmax.f32 v1, v4;
	v5 =	vld [tilespmem:s12+$0xFFFFFF90];
	v4 =	vmax.f32 v6, v9  }
.Ltmp12:
0x125: {  	v1 =	vmax.f32 v1, v2;
	v6 =	vld [tilespmem:s12+$0xFFFFFF70];
	v9 =	vmax.f32 v4, v8;
	(pc) =	sbr.rel @p1 .LBB2_16-.Ltmp12, $4  }
0x126: {  	v7 =	vld [tilespmem:s12+$0xFFFFFF50];
	v2 =	vmov v11  }
0x127: {  	v8 =	vld [tilespmem:s12+$0xFFFFFF30];
	v4 =	vmov v12  }
0x128: {  	v10 =	vld [tilespmem:s12+$0xFFFFFF10]  }
0x129: {  	s13 =	sadd.s32 $0xFFFFFFFF, s13;
	v11 =	vld [tilespmem:s12+$0xFFFFFF20]  }
.LBB2_17:
0x12a: {  	v12 =	vld [tilespmem:s12+$0xFFFFFF40]  }
0x12b: {  	v13 =	vld [tilespmem:s12+$0xFFFFFF60]  }
0x12c: {  	v14 =	vld [tilespmem:s12+$0xFFFFFF80]  }
0x12d: {  	v15 =	vld [tilespmem:s12+$0xFFFFFFA0]  }
0x12e: {  	v57 =	vld [tilespmem:s12+$0xFFFFFFC0];
	v1 =	vmax.f32 v1, v10;
	v9 =	vmax.f32 v9, v11  }
0x12f: {  	v59 =	vld [tilespmem:s12+$0xFFFFFFE0];
	v1 =	vmax.f32 v1, v8;
	v58 =	vmax.f32 v9, v12  }
0x130: {  	v61 =	vld [tilespmem:s12+$0x0];
	v1 =	vmax.f32 v1, v7;
	v60 =	vmax.f32 v58, v13  }
.Ltmp13:
0x131: {  	v1 =	vmax.f32 v1, v6;
	v62 =	vmax.f32 v60, v14;
	(pc) =	sbr.rel .LBB2_18-.Ltmp13, $4  }
0x132: {  	v1 =	vmax.f32 v1, v5;
	v63 =	vmax.f32 v62, v15  }
0x133: {  	v1 =	vmax.f32 v1, v3;
	v3 =	vmax.f32 v63, v57  }
0x134: {  	v1 =	vmax.f32 v1, v4;
	v3 =	vmax.f32 v3, v59  }
0x135: {  	v1 =	vmax.f32 v1, v2;
	v2 =	vmax.f32 v3, v61  }
.LBB2_14:
0x136: {  	v2 =	vimm.f32 $-1.000000000e+09  }
.LBB2_18:
0x137: {  	s12 =	sshll.u32 s10, $0x3  }
0x138: {  	p1 =	sle.s32 s9, s12  }
.Ltmp14:
0x139: {  	_ = 	snop;
	(pc) =	sbr.rel @p1 .LBB2_22-.Ltmp14, $1  }
0x13a: {  	_ =	sdelay $0x3  }
0x13b: {  	s10 =	sshll.u32 s10, $0xA  }
0x13c: {  	s10 =	sshra.s32 s10, $0x2  }
0x13d: {  	s9 =	ssub.s32 s9, s12;
	s10 =	sadd.s32 $0xE910, s10  }
0x13e: {  	p1 =	sne.s32 s9, $0x1;
	v4 =	vld [tilespmem:s10+$0x0]  }
.Ltmp15:
0x13f: {  	v3 =	vld [tilespmem:s10+$0xFFFFFFF0];
	(pc) =	sbr.rel @!p1 .LBB2_21-.Ltmp15, $2  }
0x140: {  	_ =	sdelay $0x2  }
0x141: {  	s9 =	sadd.s32 $0xFFFFFFFF, s9;
	s10 =	sadd.s32 $0x20, s10;
	v2 =	vmax.f32 v2, v4  }
.LBB2_20:
0x142: {  	v4 =	vld [tilespmem:s10+$0x0];
	p1 =	sne.s32 s9, $0x1;
	s9 =	sadd.s32 $0xFFFFFFFF, s9;
	v1 =	vmax.f32 v1, v3  }
.Ltmp16:
0x143: {  	v3 =	vld [tilespmem:s10+$0xFFFFFFF0];
	(pc) =	sbr.rel @p1 .LBB2_20-.Ltmp16, $2  }
0x144: {  	_ =	sdelay $0x2  }
0x145: {  	s10 =	sadd.s32 $0x20, s10;
	v2 =	vmax.f32 v2, v4  }
.LBB2_21:
0x146: {  	v1 =	vmax.f32 v1, v3  }
.LBB2_22:
0x147: {  	[tilespmem:s1+$0x19820] =	vst v1  }
0x148: {  	[tilespmem:s1+$0x19830] =	vst v2;
	s9 =	sadd.s32 @!p0 $0x6F50, s0;
	s10 =	simm.s32 @!p0 $0x80;
	s12 =	simm.s32 @!p0 $0xE900  }
0x149: {  	[tilespmem:s12], [sflag:$0x2] =	stream.indirect.gather @!p0 [hbm4b:s3+s10], $0x20, s9, s10, $0xb8;
	[tilespmem:$0x1A800] =	vst v63  }
0x14a: {  	s9 =	sadd.s32 @!p0 $0x6FD0, s0;
	s10 =	simm.s32 @!p0 $0x48;
	s12 =	simm.s32 @!p0 $0xF900  }
0x14b: {  	[tilespmem:s12], [sflag:$0x2] =	stream.indirect.gather @!p0 [hbm4b:s3+s10], $0x20, s9, s10, $0xb8;
	[tilespmem:$0x1A800] =	vst v63  }
0x14c: {  	_ =	swait.ge [sflag:s21], $0x1900  }
0x14d: {  	[sflag:s21] =	ssyncset.done $0x0  }
0x14e: {  	[sflag:s21] =	ssyncadd.s32 $0xFFFFE700  }
0x14f: {  	s9 =	sld [smem:s31+$0x2];
	_ =	sdelay $0x2  }
0x150: {  	s12 =	sand.u32 $0x7, s9  }
0x151: {  	s13 =	sshra.s32 s9, $0x1F;
	p1 =	slt.s32 s9, $0x1;
	p2 =	sne.s32 s12, $0x0  }
0x152: {  	s13 =	sshrl.u32 s13, $0x1D;
	p1 =	por !p1, !p2  }
0x153: {  	s12 =	simm.s32 $0x1;
	s10 =	sadd.s32 s13, s9;
	p1 =	por !p1, !p1  }
0x154: {  	s10 =	sshra.s32 s10, $0x3;
	s12 =	simm.s32 @!p1 $0x0  }
0x155: {  	s10 =	ssub.s32 s10, s12  }
0x156: {  	p1 =	slt.s32 s10, $0x1  }
.Ltmp17:
0x157: {  	_ = 	snop;
	(pc) =	sbr.rel @p1 .LBB2_23-.Ltmp17, $2  }
0x158: {  	_ =	sdelay $0x2  }
0x159: {  	v1 =	vimm.f32 $-1.000000000e+09;
	s12 =	simm.s32 $0x102F0  }
0x15a: {  	v2 =	vld [tilespmem:s12+$0xFFFFFFF0]  }
0x15b: {  	v4 =	vld [tilespmem:s12+$0xFFFFFFD0]  }
0x15c: {  	v3 =	vld [tilespmem:s12+$0xFFFFFFB0]  }
0x15d: {  	v5 =	vld [tilespmem:s12+$0xFFFFFF90];
	p1 =	sne.s32 s10, $0x1  }
.Ltmp18:
0x15e: {  	v6 =	vld [tilespmem:s12+$0xFFFFFF70];
	(pc) =	sbr.rel @!p1 .LBB2_26-.Ltmp18, $4  }
0x15f: {  	v7 =	vld [tilespmem:s12+$0xFFFFFF50]  }
0x160: {  	v8 =	vld [tilespmem:s12+$0xFFFFFF30]  }
0x161: {  	v10 =	vld [tilespmem:s12+$0xFFFFFF10]  }
0x162: {  	v11 =	vld [tilespmem:s12+$0xFFFFFF20];
	s13 =	sadd.s32 $0xFFFFFFFF, s10;
	v9 =	vimm.f32 $-1.000000000e+09  }
.LBB2_25:
0x163: {  	p1 =	sne.s32 s13, $0x1;
	v12 =	vld [tilespmem:s12+$0xFFFFFF40]  }
0x164: {  	v13 =	vld [tilespmem:s12+$0xFFFFFF60]  }
0x165: {  	v14 =	vld [tilespmem:s12+$0xFFFFFF80]  }
0x166: {  	v15 =	vld [tilespmem:s12+$0xFFFFFFA0]  }
0x167: {  	v1 =	vmax.f32 v1, v10;
	v9 =	vmax.f32 v9, v11;
	v10 =	vld [tilespmem:s12+$0xFFFFFFC0]  }
0x168: {  	v1 =	vmax.f32 v1, v8;
	v8 =	vmax.f32 v9, v12;
	v9 =	vld [tilespmem:s12+$0xFFFFFFE0]  }
0x169: {  	v1 =	vmax.f32 v1, v7;
	v7 =	vmax.f32 v8, v13;
	v8 =	vld [tilespmem:s12+$0x0];
	s12 =	sadd.s32 $0x100, s12  }
0x16a: {  	v1 =	vmax.f32 v1, v6;
	v11 =	vld [tilespmem:s12+$0xFFFFFFF0];
	v6 =	vmax.f32 v7, v14  }
0x16b: {  	v1 =	vmax.f32 v1, v5;
	v12 =	vld [tilespmem:s12+$0xFFFFFFD0];
	v5 =	vmax.f32 v6, v15  }
0x16c: {  	v1 =	vmax.f32 v1, v3;
	v3 =	vld [tilespmem:s12+$0xFFFFFFB0];
	v6 =	vmax.f32 v5, v10  }
0x16d: {  	v1 =	vmax.f32 v1, v4;
	v5 =	vld [tilespmem:s12+$0xFFFFFF90];
	v4 =	vmax.f32 v6, v9  }
.Ltmp19:
0x16e: {  	v1 =	vmax.f32 v1, v2;
	v6 =	vld [tilespmem:s12+$0xFFFFFF70];
	v9 =	vmax.f32 v4, v8;
	(pc) =	sbr.rel @p1 .LBB2_25-.Ltmp19, $4  }
0x16f: {  	v7 =	vld [tilespmem:s12+$0xFFFFFF50];
	v2 =	vmov v11  }
0x170: {  	v8 =	vld [tilespmem:s12+$0xFFFFFF30];
	v4 =	vmov v12  }
0x171: {  	v10 =	vld [tilespmem:s12+$0xFFFFFF10]  }
0x172: {  	s13 =	sadd.s32 $0xFFFFFFFF, s13;
	v11 =	vld [tilespmem:s12+$0xFFFFFF20]  }
.LBB2_26:
0x173: {  	v12 =	vld [tilespmem:s12+$0xFFFFFF40]  }
0x174: {  	v13 =	vld [tilespmem:s12+$0xFFFFFF60]  }
0x175: {  	v14 =	vld [tilespmem:s12+$0xFFFFFF80]  }
0x176: {  	v15 =	vld [tilespmem:s12+$0xFFFFFFA0]  }
0x177: {  	v57 =	vld [tilespmem:s12+$0xFFFFFFC0];
	v1 =	vmax.f32 v1, v10;
	v9 =	vmax.f32 v9, v11  }
0x178: {  	v59 =	vld [tilespmem:s12+$0xFFFFFFE0];
	v1 =	vmax.f32 v1, v8;
	v58 =	vmax.f32 v9, v12  }
0x179: {  	v61 =	vld [tilespmem:s12+$0x0];
	v1 =	vmax.f32 v1, v7;
	v60 =	vmax.f32 v58, v13  }
.Ltmp20:
0x17a: {  	v1 =	vmax.f32 v1, v6;
	v62 =	vmax.f32 v60, v14;
	(pc) =	sbr.rel .LBB2_27-.Ltmp20, $4  }
0x17b: {  	v1 =	vmax.f32 v1, v5;
	v63 =	vmax.f32 v62, v15  }
0x17c: {  	v1 =	vmax.f32 v1, v3;
	v3 =	vmax.f32 v63, v57  }
0x17d: {  	v1 =	vmax.f32 v1, v4;
	v3 =	vmax.f32 v3, v59  }
0x17e: {  	v1 =	vmax.f32 v1, v2;
	v2 =	vmax.f32 v3, v61  }
.LBB2_23:
0x17f: {  	v2 =	vimm.f32 $-1.000000000e+09  }
.LBB2_27:
0x180: {  	s12 =	sshll.u32 s10, $0x3  }
0x181: {  	p1 =	sle.s32 s9, s12  }
.Ltmp21:
0x182: {  	_ = 	snop;
	(pc) =	sbr.rel @p1 .LBB2_31-.Ltmp21, $1  }
0x183: {  	_ =	sdelay $0x3  }
0x184: {  	s10 =	sshll.u32 s10, $0xA  }
0x185: {  	s10 =	sshra.s32 s10, $0x2  }
0x186: {  	s9 =	ssub.s32 s9, s12;
	s10 =	sadd.s32 $0x10210, s10  }
0x187: {  	p1 =	sne.s32 s9, $0x1;
	v4 =	vld [tilespmem:s10+$0x0]  }
.Ltmp22:
0x188: {  	v3 =	vld [tilespmem:s10+$0xFFFFFFF0];
	(pc) =	sbr.rel @!p1 .LBB2_30-.Ltmp22, $2  }
0x189: {  	_ =	sdelay $0x2  }
0x18a: {  	s9 =	sadd.s32 $0xFFFFFFFF, s9;
	s10 =	sadd.s32 $0x20, s10;
	v2 =	vmax.f32 v2, v4  }
.LBB2_29:
0x18b: {  	v4 =	vld [tilespmem:s10+$0x0];
	p1 =	sne.s32 s9, $0x1;
	s9 =	sadd.s32 $0xFFFFFFFF, s9;
	v1 =	vmax.f32 v1, v3  }
.Ltmp23:
0x18c: {  	v3 =	vld [tilespmem:s10+$0xFFFFFFF0];
	(pc) =	sbr.rel @p1 .LBB2_29-.Ltmp23, $2  }
0x18d: {  	_ =	sdelay $0x2  }
0x18e: {  	s10 =	sadd.s32 $0x20, s10;
	v2 =	vmax.f32 v2, v4  }
.LBB2_30:
0x18f: {  	v1 =	vmax.f32 v1, v3  }
.LBB2_31:
0x190: {  	[tilespmem:s1+$0x19840] =	vst v1  }
0x191: {  	[tilespmem:s1+$0x19850] =	vst v2;
	s9 =	sadd.s32 @!p0 $0x7020, s0;
	s10 =	simm.s32 @!p0 $0x80;
	s12 =	simm.s32 @!p0 $0x10200  }
0x192: {  	[tilespmem:s12], [sflag:$0x3] =	stream.indirect.gather @!p0 [hbm4b:s3+s10], $0x20, s9, s10, $0xb8;
	[tilespmem:$0x1A800] =	vst v63  }
0x193: {  	s9 =	sadd.s32 @!p0 $0x70A0, s0;
	s10 =	simm.s32 @!p0 $0x48;
	s12 =	simm.s32 @!p0 $0x11200  }
0x194: {  	[tilespmem:s12], [sflag:$0x3] =	stream.indirect.gather @!p0 [hbm4b:s3+s10], $0x20, s9, s10, $0xb8;
	[tilespmem:$0x1A800] =	vst v63  }
0x195: {  	_ =	swait.ge [sflag:s22], $0x1900  }
0x196: {  	[sflag:s22] =	ssyncset.done $0x0  }
0x197: {  	[sflag:s22] =	ssyncadd.s32 $0xFFFFE700  }
0x198: {  	s9 =	sld [smem:s31+$0x3];
	_ =	sdelay $0x2  }
0x199: {  	s12 =	sand.u32 $0x7, s9  }
0x19a: {  	s13 =	sshra.s32 s9, $0x1F;
	p1 =	slt.s32 s9, $0x1;
	p2 =	sne.s32 s12, $0x0  }
0x19b: {  	s13 =	sshrl.u32 s13, $0x1D;
	p1 =	por !p1, !p2  }
0x19c: {  	s12 =	simm.s32 $0x1;
	s10 =	sadd.s32 s13, s9;
	p1 =	por !p1, !p1  }
0x19d: {  	s10 =	sshra.s32 s10, $0x3;
	s12 =	simm.s32 @!p1 $0x0  }
0x19e: {  	s10 =	ssub.s32 s10, s12  }
0x19f: {  	p1 =	slt.s32 s10, $0x1  }
.Ltmp24:
0x1a0: {  	_ = 	snop;
	(pc) =	sbr.rel @p1 .LBB2_32-.Ltmp24, $2  }
0x1a1: {  	_ =	sdelay $0x2  }
0x1a2: {  	v1 =	vimm.f32 $-1.000000000e+09;
	s12 =	simm.s32 $0x11B00  }
0x1a3: {  	v2 =	vld [tilespmem:s12+$0xE0]  }
0x1a4: {  	v4 =	vld [tilespmem:s12+$0xC0]  }
0x1a5: {  	v3 =	vld [tilespmem:s12+$0xA0]  }
0x1a6: {  	v5 =	vld [tilespmem:s12+$0x80];
	p1 =	sne.s32 s10, $0x1  }
.Ltmp25:
0x1a7: {  	v6 =	vld [tilespmem:s12+$0x60];
	(pc) =	sbr.rel @!p1 .LBB2_35-.Ltmp25, $4  }
0x1a8: {  	v7 =	vld [tilespmem:s12+$0x40]  }
0x1a9: {  	v8 =	vld [tilespmem:s12+$0x20]  }
0x1aa: {  	v10 =	vld [tilespmem:s12+$0x0]  }
0x1ab: {  	v11 =	vld [tilespmem:s12+$0x10];
	s13 =	sadd.s32 $0xFFFFFFFF, s10;
	v9 =	vimm.f32 $-1.000000000e+09  }
.LBB2_34:
0x1ac: {  	p1 =	sne.s32 s13, $0x1;
	v12 =	vld [tilespmem:s12+$0x30]  }
0x1ad: {  	v13 =	vld [tilespmem:s12+$0x50]  }
0x1ae: {  	v14 =	vld [tilespmem:s12+$0x70]  }
0x1af: {  	v15 =	vld [tilespmem:s12+$0x90]  }
0x1b0: {  	v1 =	vmax.f32 v1, v10;
	v9 =	vmax.f32 v9, v11;
	v10 =	vld [tilespmem:s12+$0xB0]  }
0x1b1: {  	v1 =	vmax.f32 v1, v8;
	v8 =	vmax.f32 v9, v12;
	v9 =	vld [tilespmem:s12+$0xD0]  }
0x1b2: {  	v1 =	vmax.f32 v1, v7;
	v7 =	vmax.f32 v8, v13;
	v8 =	vld [tilespmem:s12+$0xF0];
	s12 =	sadd.s32 $0x100, s12  }
0x1b3: {  	v1 =	vmax.f32 v1, v6;
	v11 =	vld [tilespmem:s12+$0xE0];
	v6 =	vmax.f32 v7, v14  }
0x1b4: {  	v1 =	vmax.f32 v1, v5;
	v12 =	vld [tilespmem:s12+$0xC0];
	v5 =	vmax.f32 v6, v15  }
0x1b5: {  	v1 =	vmax.f32 v1, v3;
	v3 =	vld [tilespmem:s12+$0xA0];
	v6 =	vmax.f32 v5, v10  }
0x1b6: {  	v1 =	vmax.f32 v1, v4;
	v5 =	vld [tilespmem:s12+$0x80];
	v4 =	vmax.f32 v6, v9  }
.Ltmp26:
0x1b7: {  	v1 =	vmax.f32 v1, v2;
	v6 =	vld [tilespmem:s12+$0x60];
	v9 =	vmax.f32 v4, v8;
	(pc) =	sbr.rel @p1 .LBB2_34-.Ltmp26, $4  }
0x1b8: {  	v7 =	vld [tilespmem:s12+$0x40];
	v2 =	vmov v11  }
0x1b9: {  	v8 =	vld [tilespmem:s12+$0x20];
	v4 =	vmov v12  }
0x1ba: {  	v10 =	vld [tilespmem:s12+$0x0]  }
0x1bb: {  	s13 =	sadd.s32 $0xFFFFFFFF, s13;
	v11 =	vld [tilespmem:s12+$0x10]  }
.LBB2_35:
0x1bc: {  	v12 =	vld [tilespmem:s12+$0x30]  }
0x1bd: {  	v13 =	vld [tilespmem:s12+$0x50]  }
0x1be: {  	v14 =	vld [tilespmem:s12+$0x70]  }
0x1bf: {  	v15 =	vld [tilespmem:s12+$0x90]  }
0x1c0: {  	v57 =	vld [tilespmem:s12+$0xB0];
	v1 =	vmax.f32 v1, v10;
	v9 =	vmax.f32 v9, v11  }
0x1c1: {  	v59 =	vld [tilespmem:s12+$0xD0];
	v1 =	vmax.f32 v1, v8;
	v58 =	vmax.f32 v9, v12  }
0x1c2: {  	v61 =	vld [tilespmem:s12+$0xF0];
	v1 =	vmax.f32 v1, v7;
	v60 =	vmax.f32 v58, v13  }
.Ltmp27:
0x1c3: {  	v1 =	vmax.f32 v1, v6;
	v62 =	vmax.f32 v60, v14;
	(pc) =	sbr.rel .LBB2_36-.Ltmp27, $4  }
0x1c4: {  	v1 =	vmax.f32 v1, v5;
	v63 =	vmax.f32 v62, v15  }
0x1c5: {  	v1 =	vmax.f32 v1, v3;
	v3 =	vmax.f32 v63, v57  }
0x1c6: {  	v1 =	vmax.f32 v1, v4;
	v3 =	vmax.f32 v3, v59  }
0x1c7: {  	v1 =	vmax.f32 v1, v2;
	v2 =	vmax.f32 v3, v61  }
.LBB2_32:
0x1c8: {  	v2 =	vimm.f32 $-1.000000000e+09  }
.LBB2_36:
0x1c9: {  	s12 =	sshll.u32 s10, $0x3  }
0x1ca: {  	p1 =	sle.s32 s9, s12  }
.Ltmp28:
0x1cb: {  	_ = 	snop;
	(pc) =	sbr.rel @p1 .LBB2_40-.Ltmp28, $1  }
0x1cc: {  	_ =	sdelay $0x3  }
0x1cd: {  	s10 =	sshll.u32 s10, $0xA  }
0x1ce: {  	s10 =	sshra.s32 s10, $0x2  }
0x1cf: {  	s9 =	ssub.s32 s9, s12;
	s10 =	sadd.s32 $0x11B00, s10  }
0x1d0: {  	p1 =	sne.s32 s9, $0x1;
	v4 =	vld [tilespmem:s10+$0x10]  }
.Ltmp29:
0x1d1: {  	v3 =	vld [tilespmem:s10+$0x0];
	(pc) =	sbr.rel @!p1 .LBB2_39-.Ltmp29, $2  }
0x1d2: {  	_ =	sdelay $0x2  }
0x1d3: {  	s9 =	sadd.s32 $0xFFFFFFFF, s9;
	s10 =	sadd.s32 $0x20, s10;
	v2 =	vmax.f32 v2, v4  }
.LBB2_38:
0x1d4: {  	v4 =	vld [tilespmem:s10+$0x10];
	p1 =	sne.s32 s9, $0x1;
	s9 =	sadd.s32 $0xFFFFFFFF, s9;
	v1 =	vmax.f32 v1, v3  }
.Ltmp30:
0x1d5: {  	v3 =	vld [tilespmem:s10+$0x0];
	(pc) =	sbr.rel @p1 .LBB2_38-.Ltmp30, $2  }
0x1d6: {  	_ =	sdelay $0x2  }
0x1d7: {  	s10 =	sadd.s32 $0x20, s10;
	v2 =	vmax.f32 v2, v4  }
.LBB2_39:
0x1d8: {  	v1 =	vmax.f32 v1, v3  }
.LBB2_40:
0x1d9: {  	[tilespmem:s1+$0x19860] =	vst v1  }
0x1da: {  	[tilespmem:s1+$0x19870] =	vst v2;
	s9 =	sadd.s32 @!p0 $0x70F0, s0;
	s10 =	simm.s32 @!p0 $0x80;
	s12 =	simm.s32 @!p0 $0x11B00  }
0x1db: {  	[tilespmem:s12], [sflag:$0x4] =	stream.indirect.gather @!p0 [hbm4b:s3+s10], $0x20, s9, s10, $0xb8;
	[tilespmem:$0x1A800] =	vst v63  }
0x1dc: {  	s9 =	sadd.s32 @!p0 $0x7170, s0;
	s10 =	simm.s32 @!p0 $0x48;
	s12 =	simm.s32 @!p0 $0x12B00  }
0x1dd: {  	[tilespmem:s12], [sflag:$0x4] =	stream.indirect.gather @!p0 [hbm4b:s3+s10], $0x20, s9, s10, $0xb8;
	[tilespmem:$0x1A800] =	vst v63  }
0x1de: {  	_ =	swait.ge [sflag:s23], $0x1900  }
0x1df: {  	[sflag:s23] =	ssyncset.done $0x0  }
0x1e0: {  	[sflag:s23] =	ssyncadd.s32 $0xFFFFE700  }
0x1e1: {  	s9 =	sld [smem:s31+$0x4];
	_ =	sdelay $0x2  }
0x1e2: {  	s12 =	sand.u32 $0x7, s9  }
0x1e3: {  	s13 =	sshra.s32 s9, $0x1F;
	p1 =	slt.s32 s9, $0x1;
	p2 =	sne.s32 s12, $0x0  }
0x1e4: {  	s13 =	sshrl.u32 s13, $0x1D;
	p1 =	por !p1, !p2  }
0x1e5: {  	s12 =	simm.s32 $0x1;
	s10 =	sadd.s32 s13, s9;
	p1 =	por !p1, !p1  }
0x1e6: {  	s10 =	sshra.s32 s10, $0x3;
	s12 =	simm.s32 @!p1 $0x0  }
0x1e7: {  	s10 =	ssub.s32 s10, s12  }
0x1e8: {  	p1 =	slt.s32 s10, $0x1  }
.Ltmp31:
0x1e9: {  	_ = 	snop;
	(pc) =	sbr.rel @p1 .LBB2_41-.Ltmp31, $2  }
0x1ea: {  	_ =	sdelay $0x2  }
0x1eb: {  	v1 =	vimm.f32 $-1.000000000e+09;
	s12 =	simm.s32 $0x13400  }
0x1ec: {  	v2 =	vld [tilespmem:s12+$0xE0]  }
0x1ed: {  	v4 =	vld [tilespmem:s12+$0xC0]  }
0x1ee: {  	v3 =	vld [tilespmem:s12+$0xA0]  }
0x1ef: {  	v5 =	vld [tilespmem:s12+$0x80];
	p1 =	sne.s32 s10, $0x1  }
.Ltmp32:
0x1f0: {  	v6 =	vld [tilespmem:s12+$0x60];
	(pc) =	sbr.rel @!p1 .LBB2_44-.Ltmp32, $4  }
0x1f1: {  	v7 =	vld [tilespmem:s12+$0x40]  }
0x1f2: {  	v8 =	vld [tilespmem:s12+$0x20]  }
0x1f3: {  	v10 =	vld [tilespmem:s12+$0x0]  }
0x1f4: {  	v11 =	vld [tilespmem:s12+$0x10];
	s13 =	sadd.s32 $0xFFFFFFFF, s10;
	v9 =	vimm.f32 $-1.000000000e+09  }
.LBB2_43:
0x1f5: {  	p1 =	sne.s32 s13, $0x1;
	v12 =	vld [tilespmem:s12+$0x30]  }
0x1f6: {  	v13 =	vld [tilespmem:s12+$0x50]  }
0x1f7: {  	v14 =	vld [tilespmem:s12+$0x70]  }
0x1f8: {  	v15 =	vld [tilespmem:s12+$0x90]  }
0x1f9: {  	v1 =	vmax.f32 v1, v10;
	v9 =	vmax.f32 v9, v11;
	v10 =	vld [tilespmem:s12+$0xB0]  }
0x1fa: {  	v1 =	vmax.f32 v1, v8;
	v8 =	vmax.f32 v9, v12;
	v9 =	vld [tilespmem:s12+$0xD0]  }
0x1fb: {  	v1 =	vmax.f32 v1, v7;
	v7 =	vmax.f32 v8, v13;
	v8 =	vld [tilespmem:s12+$0xF0];
	s12 =	sadd.s32 $0x100, s12  }
0x1fc: {  	v1 =	vmax.f32 v1, v6;
	v11 =	vld [tilespmem:s12+$0xE0];
	v6 =	vmax.f32 v7, v14  }
0x1fd: {  	v1 =	vmax.f32 v1, v5;
	v12 =	vld [tilespmem:s12+$0xC0];
	v5 =	vmax.f32 v6, v15  }
0x1fe: {  	v1 =	vmax.f32 v1, v3;
	v3 =	vld [tilespmem:s12+$0xA0];
	v6 =	vmax.f32 v5, v10  }
0x1ff: {  	v1 =	vmax.f32 v1, v4;
	v5 =	vld [tilespmem:s12+$0x80];
	v4 =	vmax.f32 v6, v9  }
.Ltmp33:
0x200: {  	v1 =	vmax.f32 v1, v2;
	v6 =	vld [tilespmem:s12+$0x60];
	v9 =	vmax.f32 v4, v8;
	(pc) =	sbr.rel @p1 .LBB2_43-.Ltmp33, $4  }
0x201: {  	v7 =	vld [tilespmem:s12+$0x40];
	v2 =	vmov v11  }
0x202: {  	v8 =	vld [tilespmem:s12+$0x20];
	v4 =	vmov v12  }
0x203: {  	v10 =	vld [tilespmem:s12+$0x0]  }
0x204: {  	s13 =	sadd.s32 $0xFFFFFFFF, s13;
	v11 =	vld [tilespmem:s12+$0x10]  }
.LBB2_44:
0x205: {  	v12 =	vld [tilespmem:s12+$0x30]  }
0x206: {  	v13 =	vld [tilespmem:s12+$0x50]  }
0x207: {  	v14 =	vld [tilespmem:s12+$0x70]  }
0x208: {  	v15 =	vld [tilespmem:s12+$0x90]  }
0x209: {  	v57 =	vld [tilespmem:s12+$0xB0];
	v1 =	vmax.f32 v1, v10;
	v9 =	vmax.f32 v9, v11  }
0x20a: {  	v59 =	vld [tilespmem:s12+$0xD0];
	v1 =	vmax.f32 v1, v8;
	v58 =	vmax.f32 v9, v12  }
0x20b: {  	v61 =	vld [tilespmem:s12+$0xF0];
	v1 =	vmax.f32 v1, v7;
	v60 =	vmax.f32 v58, v13  }
.Ltmp34:
0x20c: {  	v1 =	vmax.f32 v1, v6;
	v62 =	vmax.f32 v60, v14;
	(pc) =	sbr.rel .LBB2_45-.Ltmp34, $4  }
0x20d: {  	v1 =	vmax.f32 v1, v5;
	v63 =	vmax.f32 v62, v15  }
0x20e: {  	v1 =	vmax.f32 v1, v3;
	v3 =	vmax.f32 v63, v57  }
0x20f: {  	v1 =	vmax.f32 v1, v4;
	v3 =	vmax.f32 v3, v59  }
0x210: {  	v1 =	vmax.f32 v1, v2;
	v2 =	vmax.f32 v3, v61  }
.LBB2_41:
0x211: {  	v2 =	vimm.f32 $-1.000000000e+09  }
.LBB2_45:
0x212: {  	s12 =	sshll.u32 s10, $0x3  }
0x213: {  	p1 =	sle.s32 s9, s12  }
.Ltmp35:
0x214: {  	_ = 	snop;
	(pc) =	sbr.rel @p1 .LBB2_49-.Ltmp35, $1  }
0x215: {  	_ =	sdelay $0x3  }
0x216: {  	s10 =	sshll.u32 s10, $0xA  }
0x217: {  	s10 =	sshra.s32 s10, $0x2  }
0x218: {  	s9 =	ssub.s32 s9, s12;
	s10 =	sadd.s32 $0x13400, s10  }
0x219: {  	p1 =	sne.s32 s9, $0x1;
	v4 =	vld [tilespmem:s10+$0x10]  }
.Ltmp36:
0x21a: {  	v3 =	vld [tilespmem:s10+$0x0];
	(pc) =	sbr.rel @!p1 .LBB2_48-.Ltmp36, $2  }
0x21b: {  	_ =	sdelay $0x2  }
0x21c: {  	s9 =	sadd.s32 $0xFFFFFFFF, s9;
	s10 =	sadd.s32 $0x20, s10;
	v2 =	vmax.f32 v2, v4  }
.LBB2_47:
0x21d: {  	v4 =	vld [tilespmem:s10+$0x10];
	p1 =	sne.s32 s9, $0x1;
	s9 =	sadd.s32 $0xFFFFFFFF, s9;
	v1 =	vmax.f32 v1, v3  }
.Ltmp37:
0x21e: {  	v3 =	vld [tilespmem:s10+$0x0];
	(pc) =	sbr.rel @p1 .LBB2_47-.Ltmp37, $2  }
0x21f: {  	_ =	sdelay $0x2  }
0x220: {  	s10 =	sadd.s32 $0x20, s10;
	v2 =	vmax.f32 v2, v4  }
.LBB2_48:
0x221: {  	v1 =	vmax.f32 v1, v3  }
.LBB2_49:
0x222: {  	[tilespmem:s1+$0x19880] =	vst v1  }
0x223: {  	[tilespmem:s1+$0x19890] =	vst v2;
	s9 =	sadd.s32 @!p0 $0x71C0, s0;
	s10 =	simm.s32 @!p0 $0x80;
	s12 =	simm.s32 @!p0 $0x13400  }
0x224: {  	[tilespmem:s12], [sflag:$0x5] =	stream.indirect.gather @!p0 [hbm4b:s3+s10], $0x20, s9, s10, $0xb8;
	[tilespmem:$0x1A800] =	vst v63  }
0x225: {  	s9 =	sadd.s32 @!p0 $0x7240, s0;
	s10 =	simm.s32 @!p0 $0x48;
	s12 =	simm.s32 @!p0 $0x14400  }
0x226: {  	[tilespmem:s12], [sflag:$0x5] =	stream.indirect.gather @!p0 [hbm4b:s3+s10], $0x20, s9, s10, $0xb8;
	[tilespmem:$0x1A800] =	vst v63  }
0x227: {  	_ =	swait.ge [sflag:s24], $0x1900  }
0x228: {  	[sflag:s24] =	ssyncset.done $0x0  }
0x229: {  	[sflag:s24] =	ssyncadd.s32 $0xFFFFE700  }
0x22a: {  	s9 =	sld [smem:s31+$0x5];
	_ =	sdelay $0x2  }
0x22b: {  	s12 =	sand.u32 $0x7, s9  }
0x22c: {  	s13 =	sshra.s32 s9, $0x1F;
	p1 =	slt.s32 s9, $0x1;
	p2 =	sne.s32 s12, $0x0  }
0x22d: {  	s13 =	sshrl.u32 s13, $0x1D;
	p1 =	por !p1, !p2  }
0x22e: {  	s12 =	simm.s32 $0x1;
	s10 =	sadd.s32 s13, s9;
	p1 =	por !p1, !p1  }
0x22f: {  	s10 =	sshra.s32 s10, $0x3;
	s12 =	simm.s32 @!p1 $0x0  }
0x230: {  	s10 =	ssub.s32 s10, s12  }
0x231: {  	p1 =	slt.s32 s10, $0x1  }
.Ltmp38:
0x232: {  	_ = 	snop;
	(pc) =	sbr.rel @p1 .LBB2_50-.Ltmp38, $2  }
0x233: {  	_ =	sdelay $0x2  }
0x234: {  	v1 =	vimm.f32 $-1.000000000e+09;
	s12 =	simm.s32 $0x14D00  }
0x235: {  	v2 =	vld [tilespmem:s12+$0xE0]  }
0x236: {  	v4 =	vld [tilespmem:s12+$0xC0]  }
0x237: {  	v3 =	vld [tilespmem:s12+$0xA0]  }
0x238: {  	v5 =	vld [tilespmem:s12+$0x80];
	p1 =	sne.s32 s10, $0x1  }
.Ltmp39:
0x239: {  	v6 =	vld [tilespmem:s12+$0x60];
	(pc) =	sbr.rel @!p1 .LBB2_53-.Ltmp39, $4  }
0x23a: {  	v7 =	vld [tilespmem:s12+$0x40]  }
0x23b: {  	v8 =	vld [tilespmem:s12+$0x20]  }
0x23c: {  	v10 =	vld [tilespmem:s12+$0x0]  }
0x23d: {  	v11 =	vld [tilespmem:s12+$0x10];
	s13 =	sadd.s32 $0xFFFFFFFF, s10;
	v9 =	vimm.f32 $-1.000000000e+09  }
.LBB2_52:
0x23e: {  	p1 =	sne.s32 s13, $0x1;
	v12 =	vld [tilespmem:s12+$0x30]  }
0x23f: {  	v13 =	vld [tilespmem:s12+$0x50]  }
0x240: {  	v14 =	vld [tilespmem:s12+$0x70]  }
0x241: {  	v15 =	vld [tilespmem:s12+$0x90]  }
0x242: {  	v1 =	vmax.f32 v1, v10;
	v9 =	vmax.f32 v9, v11;
	v10 =	vld [tilespmem:s12+$0xB0]  }
0x243: {  	v1 =	vmax.f32 v1, v8;
	v8 =	vmax.f32 v9, v12;
	v9 =	vld [tilespmem:s12+$0xD0]  }
0x244: {  	v1 =	vmax.f32 v1, v7;
	v7 =	vmax.f32 v8, v13;
	v8 =	vld [tilespmem:s12+$0xF0];
	s12 =	sadd.s32 $0x100, s12  }
0x245: {  	v1 =	vmax.f32 v1, v6;
	v11 =	vld [tilespmem:s12+$0xE0];
	v6 =	vmax.f32 v7, v14  }
0x246: {  	v1 =	vmax.f32 v1, v5;
	v12 =	vld [tilespmem:s12+$0xC0];
	v5 =	vmax.f32 v6, v15  }
0x247: {  	v1 =	vmax.f32 v1, v3;
	v3 =	vld [tilespmem:s12+$0xA0];
	v6 =	vmax.f32 v5, v10  }
0x248: {  	v1 =	vmax.f32 v1, v4;
	v5 =	vld [tilespmem:s12+$0x80];
	v4 =	vmax.f32 v6, v9  }
.Ltmp40:
0x249: {  	v1 =	vmax.f32 v1, v2;
	v6 =	vld [tilespmem:s12+$0x60];
	v9 =	vmax.f32 v4, v8;
	(pc) =	sbr.rel @p1 .LBB2_52-.Ltmp40, $4  }
0x24a: {  	v7 =	vld [tilespmem:s12+$0x40];
	v2 =	vmov v11  }
0x24b: {  	v8 =	vld [tilespmem:s12+$0x20];
	v4 =	vmov v12  }
0x24c: {  	v10 =	vld [tilespmem:s12+$0x0]  }
0x24d: {  	s13 =	sadd.s32 $0xFFFFFFFF, s13;
	v11 =	vld [tilespmem:s12+$0x10]  }
.LBB2_53:
0x24e: {  	v12 =	vld [tilespmem:s12+$0x30]  }
0x24f: {  	v13 =	vld [tilespmem:s12+$0x50]  }
0x250: {  	v14 =	vld [tilespmem:s12+$0x70]  }
0x251: {  	v15 =	vld [tilespmem:s12+$0x90]  }
0x252: {  	v57 =	vld [tilespmem:s12+$0xB0];
	v1 =	vmax.f32 v1, v10;
	v9 =	vmax.f32 v9, v11  }
0x253: {  	v59 =	vld [tilespmem:s12+$0xD0];
	v1 =	vmax.f32 v1, v8;
	v58 =	vmax.f32 v9, v12  }
0x254: {  	v61 =	vld [tilespmem:s12+$0xF0];
	v1 =	vmax.f32 v1, v7;
	v60 =	vmax.f32 v58, v13  }
.Ltmp41:
0x255: {  	v1 =	vmax.f32 v1, v6;
	v62 =	vmax.f32 v60, v14;
	(pc) =	sbr.rel .LBB2_54-.Ltmp41, $4  }
0x256: {  	v1 =	vmax.f32 v1, v5;
	v63 =	vmax.f32 v62, v15  }
0x257: {  	v1 =	vmax.f32 v1, v3;
	v3 =	vmax.f32 v63, v57  }
0x258: {  	v1 =	vmax.f32 v1, v4;
	v3 =	vmax.f32 v3, v59  }
0x259: {  	v1 =	vmax.f32 v1, v2;
	v2 =	vmax.f32 v3, v61  }
.LBB2_50:
0x25a: {  	v2 =	vimm.f32 $-1.000000000e+09  }
.LBB2_54:
0x25b: {  	s12 =	sshll.u32 s10, $0x3  }
0x25c: {  	p1 =	sle.s32 s9, s12  }
.Ltmp42:
0x25d: {  	_ = 	snop;
	(pc) =	sbr.rel @p1 .LBB2_58-.Ltmp42, $1  }
0x25e: {  	_ =	sdelay $0x3  }
0x25f: {  	s10 =	sshll.u32 s10, $0xA  }
0x260: {  	s10 =	sshra.s32 s10, $0x2  }
0x261: {  	s9 =	ssub.s32 s9, s12;
	s10 =	sadd.s32 $0x14D00, s10  }
0x262: {  	p1 =	sne.s32 s9, $0x1;
	v4 =	vld [tilespmem:s10+$0x10]  }
.Ltmp43:
0x263: {  	v3 =	vld [tilespmem:s10+$0x0];
	(pc) =	sbr.rel @!p1 .LBB2_57-.Ltmp43, $2  }
0x264: {  	_ =	sdelay $0x2  }
0x265: {  	s9 =	sadd.s32 $0xFFFFFFFF, s9;
	s10 =	sadd.s32 $0x20, s10;
	v2 =	vmax.f32 v2, v4  }
.LBB2_56:
0x266: {  	v4 =	vld [tilespmem:s10+$0x10];
	p1 =	sne.s32 s9, $0x1;
	s9 =	sadd.s32 $0xFFFFFFFF, s9;
	v1 =	vmax.f32 v1, v3  }
.Ltmp44:
0x267: {  	v3 =	vld [tilespmem:s10+$0x0];
	(pc) =	sbr.rel @p1 .LBB2_56-.Ltmp44, $2  }
0x268: {  	_ =	sdelay $0x2  }
0x269: {  	s10 =	sadd.s32 $0x20, s10;
	v2 =	vmax.f32 v2, v4  }
.LBB2_57:
0x26a: {  	v1 =	vmax.f32 v1, v3  }
.LBB2_58:
0x26b: {  	[tilespmem:s1+$0x198A0] =	vst v1  }
0x26c: {  	[tilespmem:s1+$0x198B0] =	vst v2;
	s9 =	sadd.s32 @!p0 $0x7290, s0;
	s10 =	simm.s32 @!p0 $0x80;
	s12 =	simm.s32 @!p0 $0x14D00  }
0x26d: {  	[tilespmem:s12], [sflag:$0x6] =	stream.indirect.gather @!p0 [hbm4b:s3+s10], $0x20, s9, s10, $0xb8;
	[tilespmem:$0x1A800] =	vst v63  }
0x26e: {  	s9 =	sadd.s32 @!p0 $0x7310, s0;
	s10 =	simm.s32 @!p0 $0x48;
	s12 =	simm.s32 @!p0 $0x15D00  }
0x26f: {  	[tilespmem:s12], [sflag:$0x6] =	stream.indirect.gather @!p0 [hbm4b:s3+s10], $0x20, s9, s10, $0xb8;
	[tilespmem:$0x1A800] =	vst v63  }
0x270: {  	_ =	swait.ge [sflag:s25], $0x1900  }
0x271: {  	[sflag:s25] =	ssyncset.done $0x0  }
0x272: {  	[sflag:s25] =	ssyncadd.s32 $0xFFFFE700  }
0x273: {  	s9 =	sld [smem:s31+$0x6];
	_ =	sdelay $0x2  }
0x274: {  	s12 =	sand.u32 $0x7, s9  }
0x275: {  	s13 =	sshra.s32 s9, $0x1F;
	p1 =	slt.s32 s9, $0x1;
	p2 =	sne.s32 s12, $0x0  }
0x276: {  	s13 =	sshrl.u32 s13, $0x1D;
	p1 =	por !p1, !p2  }
0x277: {  	s12 =	simm.s32 $0x1;
	s10 =	sadd.s32 s13, s9;
	p1 =	por !p1, !p1  }
0x278: {  	s10 =	sshra.s32 s10, $0x3;
	s12 =	simm.s32 @!p1 $0x0  }
0x279: {  	s10 =	ssub.s32 s10, s12  }
0x27a: {  	p1 =	slt.s32 s10, $0x1  }
.Ltmp45:
0x27b: {  	_ = 	snop;
	(pc) =	sbr.rel @p1 .LBB2_59-.Ltmp45, $2  }
0x27c: {  	_ =	sdelay $0x2  }
0x27d: {  	v1 =	vimm.f32 $-1.000000000e+09;
	s12 =	simm.s32 $0x16600  }
0x27e: {  	v2 =	vld [tilespmem:s12+$0xE0]  }
0x27f: {  	v4 =	vld [tilespmem:s12+$0xC0]  }
0x280: {  	v3 =	vld [tilespmem:s12+$0xA0]  }
0x281: {  	v5 =	vld [tilespmem:s12+$0x80];
	p1 =	sne.s32 s10, $0x1  }
.Ltmp46:
0x282: {  	v6 =	vld [tilespmem:s12+$0x60];
	(pc) =	sbr.rel @!p1 .LBB2_62-.Ltmp46, $4  }
0x283: {  	v7 =	vld [tilespmem:s12+$0x40]  }
0x284: {  	v8 =	vld [tilespmem:s12+$0x20]  }
0x285: {  	v10 =	vld [tilespmem:s12+$0x0]  }
0x286: {  	v11 =	vld [tilespmem:s12+$0x10];
	s13 =	sadd.s32 $0xFFFFFFFF, s10;
	v9 =	vimm.f32 $-1.000000000e+09  }
.LBB2_61:
0x287: {  	p1 =	sne.s32 s13, $0x1;
	v12 =	vld [tilespmem:s12+$0x30]  }
0x288: {  	v13 =	vld [tilespmem:s12+$0x50]  }
0x289: {  	v14 =	vld [tilespmem:s12+$0x70]  }
0x28a: {  	v15 =	vld [tilespmem:s12+$0x90]  }
0x28b: {  	v1 =	vmax.f32 v1, v10;
	v9 =	vmax.f32 v9, v11;
	v10 =	vld [tilespmem:s12+$0xB0]  }
0x28c: {  	v1 =	vmax.f32 v1, v8;
	v8 =	vmax.f32 v9, v12;
	v9 =	vld [tilespmem:s12+$0xD0]  }
0x28d: {  	v1 =	vmax.f32 v1, v7;
	v7 =	vmax.f32 v8, v13;
	v8 =	vld [tilespmem:s12+$0xF0];
	s12 =	sadd.s32 $0x100, s12  }
0x28e: {  	v1 =	vmax.f32 v1, v6;
	v11 =	vld [tilespmem:s12+$0xE0];
	v6 =	vmax.f32 v7, v14  }
0x28f: {  	v1 =	vmax.f32 v1, v5;
	v12 =	vld [tilespmem:s12+$0xC0];
	v5 =	vmax.f32 v6, v15  }
0x290: {  	v1 =	vmax.f32 v1, v3;
	v3 =	vld [tilespmem:s12+$0xA0];
	v6 =	vmax.f32 v5, v10  }
0x291: {  	v1 =	vmax.f32 v1, v4;
	v5 =	vld [tilespmem:s12+$0x80];
	v4 =	vmax.f32 v6, v9  }
.Ltmp47:
0x292: {  	v1 =	vmax.f32 v1, v2;
	v6 =	vld [tilespmem:s12+$0x60];
	v9 =	vmax.f32 v4, v8;
	(pc) =	sbr.rel @p1 .LBB2_61-.Ltmp47, $4  }
0x293: {  	v7 =	vld [tilespmem:s12+$0x40];
	v2 =	vmov v11  }
0x294: {  	v8 =	vld [tilespmem:s12+$0x20];
	v4 =	vmov v12  }
0x295: {  	v10 =	vld [tilespmem:s12+$0x0]  }
0x296: {  	s13 =	sadd.s32 $0xFFFFFFFF, s13;
	v11 =	vld [tilespmem:s12+$0x10]  }
.LBB2_62:
0x297: {  	v12 =	vld [tilespmem:s12+$0x30]  }
0x298: {  	v13 =	vld [tilespmem:s12+$0x50]  }
0x299: {  	v14 =	vld [tilespmem:s12+$0x70]  }
0x29a: {  	v15 =	vld [tilespmem:s12+$0x90]  }
0x29b: {  	v57 =	vld [tilespmem:s12+$0xB0];
	v1 =	vmax.f32 v1, v10;
	v9 =	vmax.f32 v9, v11  }
0x29c: {  	v59 =	vld [tilespmem:s12+$0xD0];
	v1 =	vmax.f32 v1, v8;
	v58 =	vmax.f32 v9, v12  }
0x29d: {  	v61 =	vld [tilespmem:s12+$0xF0];
	v1 =	vmax.f32 v1, v7;
	v60 =	vmax.f32 v58, v13  }
.Ltmp48:
0x29e: {  	v1 =	vmax.f32 v1, v6;
	v62 =	vmax.f32 v60, v14;
	(pc) =	sbr.rel .LBB2_63-.Ltmp48, $4  }
0x29f: {  	v1 =	vmax.f32 v1, v5;
	v63 =	vmax.f32 v62, v15  }
0x2a0: {  	v1 =	vmax.f32 v1, v3;
	v3 =	vmax.f32 v63, v57  }
0x2a1: {  	v1 =	vmax.f32 v1, v4;
	v3 =	vmax.f32 v3, v59  }
0x2a2: {  	v1 =	vmax.f32 v1, v2;
	v2 =	vmax.f32 v3, v61  }
.LBB2_59:
0x2a3: {  	v2 =	vimm.f32 $-1.000000000e+09  }
.LBB2_63:
0x2a4: {  	s12 =	sshll.u32 s10, $0x3  }
0x2a5: {  	p1 =	sle.s32 s9, s12  }
.Ltmp49:
0x2a6: {  	_ = 	snop;
	(pc) =	sbr.rel @p1 .LBB2_67-.Ltmp49, $1  }
0x2a7: {  	_ =	sdelay $0x3  }
0x2a8: {  	s10 =	sshll.u32 s10, $0xA  }
0x2a9: {  	s10 =	sshra.s32 s10, $0x2  }
0x2aa: {  	s9 =	ssub.s32 s9, s12;
	s10 =	sadd.s32 $0x16600, s10  }
0x2ab: {  	p1 =	sne.s32 s9, $0x1;
	v4 =	vld [tilespmem:s10+$0x10]  }
.Ltmp50:
0x2ac: {  	v3 =	vld [tilespmem:s10+$0x0];
	(pc) =	sbr.rel @!p1 .LBB2_66-.Ltmp50, $2  }
0x2ad: {  	_ =	sdelay $0x2  }
0x2ae: {  	s9 =	sadd.s32 $0xFFFFFFFF, s9;
	s10 =	sadd.s32 $0x20, s10;
	v2 =	vmax.f32 v2, v4  }
.LBB2_65:
0x2af: {  	v4 =	vld [tilespmem:s10+$0x10];
	p1 =	sne.s32 s9, $0x1;
	s9 =	sadd.s32 $0xFFFFFFFF, s9;
	v1 =	vmax.f32 v1, v3  }
.Ltmp51:
0x2b0: {  	v3 =	vld [tilespmem:s10+$0x0];
	(pc) =	sbr.rel @p1 .LBB2_65-.Ltmp51, $2  }
0x2b1: {  	_ =	sdelay $0x2  }
0x2b2: {  	s10 =	sadd.s32 $0x20, s10;
	v2 =	vmax.f32 v2, v4  }
.LBB2_66:
0x2b3: {  	v1 =	vmax.f32 v1, v3  }
.LBB2_67:
0x2b4: {  	[tilespmem:s1+$0x198C0] =	vst v1  }
0x2b5: {  	[tilespmem:s1+$0x198D0] =	vst v2;
	s9 =	sadd.s32 @!p0 $0x7360, s0;
	s10 =	simm.s32 @!p0 $0x80;
	s12 =	simm.s32 @!p0 $0x16600  }
0x2b6: {  	[tilespmem:s12], [sflag:$0x7] =	stream.indirect.gather @!p0 [hbm4b:s3+s10], $0x20, s9, s10, $0xb8;
	[tilespmem:$0x1A800] =	vst v63  }
0x2b7: {  	s0 =	sadd.s32 @!p0 $0x73E0, s0;
	s9 =	simm.s32 @!p0 $0x48;
	s10 =	simm.s32 @!p0 $0x17600  }
0x2b8: {  	[tilespmem:s10], [sflag:$0x7] =	stream.indirect.gather @!p0 [hbm4b:s3+s9], $0x20, s0, s9, $0xb8;
	[tilespmem:$0x1A800] =	vst v63  }
0x2b9: {  	_ =	swait.ge [sflag:s26], $0x1900  }
0x2ba: {  	[sflag:s26] =	ssyncset.done $0x0  }
0x2bb: {  	[sflag:s26] =	ssyncadd.s32 $0xFFFFE700  }
0x2bc: {  	s0 =	sld [smem:s31+$0x7];
	_ =	sdelay $0x2  }
0x2bd: {  	s12 =	sand.u32 $0x7, s0  }
0x2be: {  	s13 =	sshra.s32 s0, $0x1F;
	p1 =	slt.s32 s0, $0x1;
	p2 =	sne.s32 s12, $0x0  }
0x2bf: {  	s31 =	sshrl.u32 s13, $0x1D;
	p1 =	por !p1, !p2  }
0x2c0: {  	s10 =	simm.s32 $0x1;
	s9 =	sadd.s32 s31, s0;
	p1 =	por !p1, !p1  }
0x2c1: {  	s9 =	sshra.s32 s9, $0x3;
	s10 =	simm.s32 @!p1 $0x0  }
0x2c2: {  	s9 =	ssub.s32 s9, s10  }
0x2c3: {  	p1 =	slt.s32 s9, $0x1  }
.Ltmp52:
0x2c4: {  	_ = 	snop;
	(pc) =	sbr.rel @p1 .LBB2_68-.Ltmp52, $2  }
0x2c5: {  	_ =	sdelay $0x2  }
0x2c6: {  	v1 =	vimm.f32 $-1.000000000e+09;
	s10 =	simm.s32 $0x17F00  }
0x2c7: {  	v2 =	vld [tilespmem:s10+$0xE0]  }
0x2c8: {  	v4 =	vld [tilespmem:s10+$0xC0]  }
0x2c9: {  	v3 =	vld [tilespmem:s10+$0xA0]  }
0x2ca: {  	v5 =	vld [tilespmem:s10+$0x80];
	p1 =	sne.s32 s9, $0x1  }
.Ltmp53:
0x2cb: {  	v6 =	vld [tilespmem:s10+$0x60];
	(pc) =	sbr.rel @!p1 .LBB2_71-.Ltmp53, $4  }
0x2cc: {  	v7 =	vld [tilespmem:s10+$0x40]  }
0x2cd: {  	v8 =	vld [tilespmem:s10+$0x20]  }
0x2ce: {  	v10 =	vld [tilespmem:s10+$0x0]  }
0x2cf: {  	v11 =	vld [tilespmem:s10+$0x10];
	s12 =	sadd.s32 $0xFFFFFFFF, s9;
	v9 =	vimm.f32 $-1.000000000e+09  }
.LBB2_70:
0x2d0: {  	p1 =	sne.s32 s12, $0x1;
	v12 =	vld [tilespmem:s10+$0x30]  }
0x2d1: {  	v13 =	vld [tilespmem:s10+$0x50]  }
0x2d2: {  	v14 =	vld [tilespmem:s10+$0x70]  }
0x2d3: {  	v15 =	vld [tilespmem:s10+$0x90]  }
0x2d4: {  	v1 =	vmax.f32 v1, v10;
	v9 =	vmax.f32 v9, v11;
	v10 =	vld [tilespmem:s10+$0xB0]  }
0x2d5: {  	v1 =	vmax.f32 v1, v8;
	v8 =	vmax.f32 v9, v12;
	v9 =	vld [tilespmem:s10+$0xD0]  }
0x2d6: {  	v1 =	vmax.f32 v1, v7;
	v7 =	vmax.f32 v8, v13;
	v8 =	vld [tilespmem:s10+$0xF0];
	s10 =	sadd.s32 $0x100, s10  }
0x2d7: {  	v1 =	vmax.f32 v1, v6;
	v11 =	vld [tilespmem:s10+$0xE0];
	v6 =	vmax.f32 v7, v14  }
0x2d8: {  	v1 =	vmax.f32 v1, v5;
	v12 =	vld [tilespmem:s10+$0xC0];
	v5 =	vmax.f32 v6, v15  }
0x2d9: {  	v1 =	vmax.f32 v1, v3;
	v3 =	vld [tilespmem:s10+$0xA0];
	v6 =	vmax.f32 v5, v10  }
0x2da: {  	v1 =	vmax.f32 v1, v4;
	v5 =	vld [tilespmem:s10+$0x80];
	v4 =	vmax.f32 v6, v9  }
.Ltmp54:
0x2db: {  	v1 =	vmax.f32 v1, v2;
	v6 =	vld [tilespmem:s10+$0x60];
	v9 =	vmax.f32 v4, v8;
	(pc) =	sbr.rel @p1 .LBB2_70-.Ltmp54, $4  }
0x2dc: {  	v7 =	vld [tilespmem:s10+$0x40];
	v2 =	vmov v11  }
0x2dd: {  	v8 =	vld [tilespmem:s10+$0x20];
	v4 =	vmov v12  }
0x2de: {  	v10 =	vld [tilespmem:s10+$0x0]  }
0x2df: {  	s12 =	sadd.s32 $0xFFFFFFFF, s12;
	v11 =	vld [tilespmem:s10+$0x10]  }
.LBB2_71:
0x2e0: {  	v12 =	vld [tilespmem:s10+$0x30]  }
0x2e1: {  	v13 =	vld [tilespmem:s10+$0x50]  }
0x2e2: {  	v14 =	vld [tilespmem:s10+$0x70]  }
0x2e3: {  	v15 =	vld [tilespmem:s10+$0x90]  }
0x2e4: {  	v57 =	vld [tilespmem:s10+$0xB0];
	v1 =	vmax.f32 v1, v10;
	v9 =	vmax.f32 v9, v11  }
0x2e5: {  	v59 =	vld [tilespmem:s10+$0xD0];
	v1 =	vmax.f32 v1, v8;
	v58 =	vmax.f32 v9, v12  }
0x2e6: {  	v61 =	vld [tilespmem:s10+$0xF0];
	v1 =	vmax.f32 v1, v7;
	v60 =	vmax.f32 v58, v13  }
.Ltmp55:
0x2e7: {  	v1 =	vmax.f32 v1, v6;
	v62 =	vmax.f32 v60, v14;
	(pc) =	sbr.rel .LBB2_72-.Ltmp55, $4  }
0x2e8: {  	v1 =	vmax.f32 v1, v5;
	v63 =	vmax.f32 v62, v15  }
0x2e9: {  	v1 =	vmax.f32 v1, v3;
	v3 =	vmax.f32 v63, v57  }
0x2ea: {  	v1 =	vmax.f32 v1, v4;
	v3 =	vmax.f32 v3, v59  }
0x2eb: {  	v1 =	vmax.f32 v1, v2;
	v2 =	vmax.f32 v3, v61  }
.LBB2_68:
0x2ec: {  	v2 =	vimm.f32 $-1.000000000e+09  }
.LBB2_72:
0x2ed: {  	s10 =	sshll.u32 s9, $0x3  }
0x2ee: {  	p1 =	sle.s32 s0, s10  }
.Ltmp56:
0x2ef: {  	_ = 	snop;
	(pc) =	sbr.rel @p1 .LBB2_76-.Ltmp56, $1  }
0x2f0: {  	_ =	sdelay $0x3  }
0x2f1: {  	s9 =	sshll.u32 s9, $0xA  }
0x2f2: {  	s9 =	sshra.s32 s9, $0x2  }
0x2f3: {  	s0 =	ssub.s32 s0, s10;
	s9 =	sadd.s32 $0x17F00, s9  }
0x2f4: {  	p1 =	sne.s32 s0, $0x1;
	v4 =	vld [tilespmem:s9+$0x10]  }
.Ltmp57:
0x2f5: {  	v3 =	vld [tilespmem:s9+$0x0];
	(pc) =	sbr.rel @!p1 .LBB2_75-.Ltmp57, $2  }
0x2f6: {  	_ =	sdelay $0x2  }
0x2f7: {  	s0 =	sadd.s32 $0xFFFFFFFF, s0;
	s9 =	sadd.s32 $0x20, s9;
	v2 =	vmax.f32 v2, v4  }
.LBB2_74:
0x2f8: {  	v4 =	vld [tilespmem:s9+$0x10];
	p1 =	sne.s32 s0, $0x1;
	s0 =	sadd.s32 $0xFFFFFFFF, s0;
	v1 =	vmax.f32 v1, v3  }
.Ltmp58:
0x2f9: {  	v3 =	vld [tilespmem:s9+$0x0];
	(pc) =	sbr.rel @p1 .LBB2_74-.Ltmp58, $2  }
0x2fa: {  	_ =	sdelay $0x2  }
0x2fb: {  	s9 =	sadd.s32 $0x20, s9;
	v2 =	vmax.f32 v2, v4  }
.LBB2_75:
0x2fc: {  	v1 =	vmax.f32 v1, v3  }
.LBB2_76:
.Ltmp59:
0x2fd: {  	(pc) =	sbr.rel @p0 .LBB2_78-.Ltmp59, $3  }
0x2fe: {  	_ =	sdelay $0x1  }
0x2ff: {  	[tilespmem:s1+$0x198E0] =	vst v1  }
0x300: {  	[tilespmem:s1+$0x198F0] =	vst v2  }
0x301: {  	s0 =	smul.u32 $0x1A00, s30;
	_ =	sdelay $0x1  }
.Ltmp60:
0x302: {  	s0 =	sshra.s32 s0, $0x2;
	(pc) =	sbr.rel .LBB2_4-.Ltmp60, $4  }
0x303: {  	s1 =	sadd.s32 $0x7430, s0  }
0x304: {  	[tilespmem:s16], [sflag:$0x8] =	stream.indirect.gather [hbm4b:s3+s8], $0x20, s1, s8, $0xb8;
	[tilespmem:$0x1A800] =	vst v63  }
0x305: {  	s30 =	sadd.s32 $0x1, s30;
	s0 =	sadd.s32 $0x74B0, s0  }
0x306: {  	[tilespmem:s18], [sflag:$0x8] =	stream.indirect.gather [hbm4b:s3+s11], $0x20, s0, s11, $0xb8;
	[tilespmem:$0x1A800] =	vst v63  }
.LBB2_79:
0x307: {  	_ =	sfence.sel $0x180000  }
0x308: {  	[bflag:$0x0] =	sbarrier.arrive $0xFFFF  }
0x309: {  	_ =	strace $0x90000047  }
0x30a: {  	s0 =	stileid.u32;
	[bflag:$0x2] =	sbarrier.arrive $0xFFFF  }
0x30b: {  	p0 =	sne.s32 s0, $0x0;
	s0 =	rddreg [dreg:$0x1]  }
0x30c: {  	s0 =	sadd.s32 @!p0 $0x100000, s0  }
0x30d: {  	[sflag:s0] =	ssyncadd.tile.s32 @!p0 $0x1;
	_ =	shalt  }
.Lfunc_end2:
_tile_overlayer_lowered:
.L_overlay_start_2:
0x30e: {  	(tag) =	ssettag $0x2  }
0x30f: {  	s0 =	rddreg [dreg:$0x0];
	s2 =	stileid.u32  }
0x310: {  	s1 =	rddreg [dreg:$0x1];
	p0 =	sne.s32 s2, $0x0  }
0x311: {  	s3 =	rddreg [dreg:$0x2];
	[bflag:$0x3] =	sbarrier.arrive $0xFFFF;
	s2 =	simm.s32 @!p0 $0x1C09  }
0x312: {  	[timem:s3], [sflag:s2] =	dma.local @!p0 [hbm:s0], s1  }
0x313: {  	s0 =	simm.s32 @!p0 $0x9  }
0x314: {  	_ =	swait.ge @!p0 [sflag:s0], s1  }
0x315: {  	s1 =	ssub.s32 @!p0 $0x0, s1;
	[sflag:s0] =	ssyncset.done @!p0 $0x0  }
0x316: {  	[sflag:s0] =	ssyncadd.s32 @!p0 s1  }
0x317: {  	[bflag:$0x3] =	sbarrier.arrive $0xFFFF  }
0x318: {  	_ =	shalt  }

</sc_bundles>
